<compile_context>
chip_gen: v7x
topology: tpu7x:2x2x1
jax: 0.10.2.dev20260603
libtpu: 0.0.44.dev20260713+nightly
codegen_flags: <defaults>
</compile_context>

<pallas_src>
import functools

import jax
import jax.numpy as jnp
from jax import lax
from jax.experimental import pallas as pl
from jax.experimental.pallas import tpu as pltpu
from jax.experimental.pallas import tpu_sc as plsc

_NC = 2
_NS = 16
_L = 16
_NW = _NC * _NS
_Q = 4
_TW = 128


@functools.partial(jax.jit, static_argnames=("batch", "embed"))
def _mf_call(row_id, col_id, row_emb_t, row_bias, col_emb_t, col_bias, gb16,
             batch, embed):
    bpw = batch // _NW
    n_grp = bpw // _L

    mesh = plsc.VectorSubcoreMesh(
        core_axis_name="c", subcore_axis_name="s",
        num_cores=_NC, num_subcores=_NS)

    @functools.partial(
        pl.kernel,
        out_type=jax.ShapeDtypeStruct((batch,), jnp.float32),
        mesh=mesh,
        compiler_params=pltpu.CompilerParams(
            needs_layout_passes=False, use_tc_tiling_on_sc=True),
        scratch_types=[
            pltpu.VMEM((bpw,), jnp.int32),
            pltpu.VMEM((bpw,), jnp.int32),
            pltpu.VMEM((_Q, embed, _TW), jnp.float32),
            pltpu.VMEM((_Q, embed, _TW), jnp.float32),
            pltpu.VMEM((_Q, embed, _TW), jnp.float32),
            pltpu.VMEM((_Q, embed, _TW), jnp.float32),
            pltpu.VMEM((_L * _L,), jnp.float32),
            pltpu.VMEM((bpw,), jnp.float32),
            pltpu.VMEM((bpw,), jnp.float32),
            pltpu.VMEM((_L,), jnp.float32),
            pltpu.VMEM((bpw,), jnp.float32),
            pltpu.SemaphoreType.DMA,
            pltpu.SemaphoreType.DMA,
            pltpu.SemaphoreType.DMA,
            pltpu.SemaphoreType.DMA,
            pltpu.SemaphoreType.DMA,
            pltpu.SemaphoreType.DMA,
        ],
    )
    def mf_kernel(row_id_hbm, col_id_hbm, row_emb_hbm, row_bias_hbm,
                  col_emb_hbm, col_bias_hbm, gb_hbm, out_hbm,
                  ridx_v, cidx_v, rbuf0, rbuf1, cbuf0, cbuf1, part_v,
                  rb_v, cb_v, gb_v, out_v,
                  semr0, semr1, semc0, semc1, semb0, semb1):
        rbuf = (rbuf0, rbuf1)
        cbuf = (cbuf0, cbuf1)
        rsem = (semr0, semr1)
        csem = (semc0, semc1)

        wid = lax.axis_index("s") * _NC + lax.axis_index("c")
        base = wid * bpw

        pltpu.sync_copy(row_id_hbm.at[pl.ds(base, bpw)], ridx_v)
        pltpu.sync_copy(col_id_hbm.at[pl.ds(base, bpw)], cidx_v)

        db = pltpu.async_copy(row_bias_hbm.at[ridx_v], rb_v, semb0)
        dc = pltpu.async_copy(col_bias_hbm.at[cidx_v], cb_v, semb1)
        pltpu.sync_copy(gb_hbm, gb_v)

        lane = lax.iota(jnp.int32, _L)
        lane16 = lane * _L
        flane_lo = lane
        flane_hi = lane + _L

        def quad_fire(ids_r, ids_c, q, slot):
            for j in range(_Q):
                idr = ids_r[q * _Q + j]
                idc = ids_c[q * _Q + j]
                sr = pl.multiple_of((idr >> 7) << 7, _TW)
                sc_ = pl.multiple_of((idc >> 7) << 7, _TW)
                pltpu.async_copy(row_emb_hbm.at[:, pl.ds(sr, _TW)],
                                 rbuf[slot].at[j], rsem[slot])
                pltpu.async_copy(col_emb_hbm.at[:, pl.ds(sc_, _TW)],
                                 cbuf[slot].at[j], csem[slot])

        def quad_drain(slot):
            for j in range(_Q):
                pltpu.make_async_copy(row_emb_hbm.at[:, pl.ds(0, _TW)],
                                      rbuf[slot].at[j], rsem[slot]).wait()
                pltpu.make_async_copy(col_emb_hbm.at[:, pl.ds(0, _TW)],
                                      cbuf[slot].at[j], csem[slot]).wait()

        def quad_compute(ids_r, ids_c, q, slot):
            for j in range(_Q):
                cr = jnp.broadcast_to(ids_r[q * _Q + j] & 127, (_L,))
                cc = jnp.broadcast_to(ids_c[q * _Q + j] & 127, (_L,))
                js = jnp.full((_L,), j, jnp.int32)
                r_lo = plsc.load_gather(rbuf[slot], [js, flane_lo, cr])
                r_hi = plsc.load_gather(rbuf[slot], [js, flane_hi, cr])
                c_lo = plsc.load_gather(cbuf[slot], [js, flane_lo, cc])
                c_hi = plsc.load_gather(cbuf[slot], [js, flane_hi, cc])
                part_v[pl.ds((q * _Q + j) * _L, _L)] = (r_lo * c_lo
                                                        + r_hi * c_hi)

        def do_group(g, gbv, fire_next):
            goff = pl.multiple_of(g * _L, _L)
            ids_r = ridx_v[pl.ds(goff, _L)]
            ids_c = cidx_v[pl.ds(goff, _L)]
            for q in range(_L // _Q):
                slot = q % 2
                nslot = (q + 1) % 2
                if q + 1 < _L // _Q:
                    quad_fire(ids_r, ids_c, q + 1, nslot)
                elif fire_next:
                    ngoff = pl.multiple_of((g + 1) * _L, _L)
                    nids_r = ridx_v[pl.ds(ngoff, _L)]
                    nids_c = cidx_v[pl.ds(ngoff, _L)]
                    quad_fire(nids_r, nids_c, 0, nslot)
                quad_drain(slot)
                quad_compute(ids_r, ids_c, q, slot)
            acc = rb_v[pl.ds(goff, _L)] + cb_v[pl.ds(goff, _L)] + gbv
            for i in range(_L):
                acc = acc + plsc.load_gather(part_v, [lane16 + i])
            out_v[pl.ds(goff, _L)] = acc

        ids_r0 = ridx_v[pl.ds(0, _L)]
        ids_c0 = cidx_v[pl.ds(0, _L)]
        quad_fire(ids_r0, ids_c0, 0, 0)
        db.wait()
        dc.wait()
        gbv = gb_v[...]

        def body(g, _):
            do_group(g, gbv, True)
            return 0

        lax.fori_loop(0, n_grp - 1, body, 0)
        do_group(n_grp - 1, gbv, False)

        pltpu.sync_copy(out_v, out_hbm.at[pl.ds(base, bpw)])

    return mf_kernel(row_id, col_id, row_emb_t, row_bias, col_emb_t,
                     col_bias, gb16)


def kernel(row_id, col_id, row_emb_table, row_bias_table, col_emb_table,
           col_bias_table, global_bias):
    batch = row_id.shape[0]
    embed = row_emb_table.shape[1]
    gb16 = jnp.broadcast_to(jnp.reshape(global_bias, (1,)), (16,))
    out = _mf_call(row_id, col_id,
                   row_emb_table.T, jnp.reshape(row_bias_table, (-1,)),
                   col_emb_table.T, jnp.reshape(col_bias_table, (-1,)),
                   gb16, batch=batch, embed=embed)
    return out[:, None]

# --- scband reference (transcript-rebuilt; emitter-appended) ---
"""Pipeline reference for scband-matrix-factorisation-7713761264085 (READ-ONLY COPY).

The authoritative reference and input builder live on the scoring server;
editing this copy changes nothing except your own understanding.
"""

import jax, jax.numpy as jnp
import numpy as np

VOCAB = 1000000
EMBED = 32
BATCH = 16384

def setup_inputs(seed: int = 0) -> dict:
    key = jax.random.key(seed)
    k1, k2, k3, k4, k5, k6 = jax.random.split(key, 6)
    row_id = jax.random.randint(k1, (BATCH,), 0, VOCAB, dtype=jnp.int64 if jax.config.jax_enable_x64 else jnp.int32).astype(jnp.int32)
    col_id = jax.random.randint(k2, (BATCH,), 0, VOCAB, dtype=jnp.int32)
    # learned parameters (keras Embedding default: uniform init)
    row_emb_table = jax.random.uniform(k3, (VOCAB, EMBED), minval=-0.05, maxval=0.05, dtype=jnp.float32)
    row_bias_table = jax.random.uniform(k4, (VOCAB, 1), minval=-0.05, maxval=0.05, dtype=jnp.float32)
    col_emb_table = jax.random.uniform(k5, (VOCAB, EMBED), minval=-0.05, maxval=0.05, dtype=jnp.float32)
    col_bias_table = jax.random.uniform(k6, (VOCAB, 1), minval=-0.05, maxval=0.05, dtype=jnp.float32)
    global_bias = jnp.zeros((), dtype=jnp.float32)
    return {
        "row_id": row_id,
        "col_id": col_id,
        "row_emb_table": row_emb_table,
        "row_bias_table": row_bias_table,
        "col_emb_table": col_emb_table,
        "col_bias_table": col_bias_table,
        "global_bias": global_bias,
    }

def reference(row_id, col_id, row_emb_table, row_bias_table, col_emb_table, col_bias_table, global_bias):
    # embedding gathers (SparseCore-friendly)
    row_embed = jnp.take(row_emb_table, row_id, axis=0)   # [B, E]
    row_bias = jnp.take(row_bias_table, row_id, axis=0)   # [B, 1]
    col_embed = jnp.take(col_emb_table, col_id, axis=0)   # [B, E]
    col_bias = jnp.take(col_bias_table, col_id, axis=0)   # [B, 1]
    # keras dot(axes=-1) over [B, E] -> [B, 1]
    embed_product = jnp.sum(row_embed * col_embed, axis=-1, keepdims=True)
    gb = jnp.ones_like(embed_product) * global_bias
    logits = embed_product + row_bias + col_bias + gb
    return logits

if __name__ == "__main__":
    import jax
    _d = setup_inputs()
    print(jax.jit(kernel)(*tuple(_d.values())))

</pallas_src>

<mosaic_0001>
#map = affine_map<(d0, d1) -> (0)>
#map1 = affine_map<(d0, d1) -> (0, 0)>
module attributes {stable_mosaic.version = 14 : i64} {
  func.func @mf_kernel(%arg0: i32, %arg1: i32, %arg2: memref<16384xi32, #tpu.memory_space<hbm>>, %arg3: memref<16384xi32, #tpu.memory_space<hbm>>, %arg4: memref<32x1000000xf32, #tpu.memory_space<hbm>>, %arg5: memref<1000000xf32, #tpu.memory_space<hbm>>, %arg6: memref<32x1000000xf32, #tpu.memory_space<hbm>>, %arg7: memref<1000000xf32, #tpu.memory_space<hbm>>, %arg8: memref<16xf32, #tpu.memory_space<hbm>>, %arg9: memref<16384xf32, #tpu.memory_space<hbm>>, %arg10: memref<512xi32, #tpu.memory_space<vmem>>, %arg11: memref<512xi32, #tpu.memory_space<vmem>>, %arg12: memref<4x32x128xf32, #tpu.memory_space<vmem>>, %arg13: memref<4x32x128xf32, #tpu.memory_space<vmem>>, %arg14: memref<4x32x128xf32, #tpu.memory_space<vmem>>, %arg15: memref<4x32x128xf32, #tpu.memory_space<vmem>>, %arg16: memref<256xf32, #tpu.memory_space<vmem>>, %arg17: memref<512xf32, #tpu.memory_space<vmem>>, %arg18: memref<512xf32, #tpu.memory_space<vmem>>, %arg19: memref<16xf32, #tpu.memory_space<vmem>>, %arg20: memref<512xf32, #tpu.memory_space<vmem>>, %arg21: memref<!tpu.dma_semaphore, #tpu.memory_space<semaphore_mem>>, %arg22: memref<!tpu.dma_semaphore, #tpu.memory_space<semaphore_mem>>, %arg23: memref<!tpu.dma_semaphore, #tpu.memory_space<semaphore_mem>>, %arg24: memref<!tpu.dma_semaphore, #tpu.memory_space<semaphore_mem>>, %arg25: memref<!tpu.dma_semaphore, #tpu.memory_space<semaphore_mem>>, %arg26: memref<!tpu.dma_semaphore, #tpu.memory_space<semaphore_mem>>) attributes {dimension_semantics = [#tpu.dimension_semantics<core_parallel>, #tpu.dimension_semantics<subcore_parallel>], iteration_bounds = array<i64: 2, 16>, scalar_prefetch = 0 : i64, scratch_operands = 17 : i64, tpu.core_type = #tpu.core_type<sc_vector_subcore>, window_params = [{transform_indices = #map}, {transform_indices = #map}, {transform_indices = #map1}, {transform_indices = #map}, {transform_indices = #map1}, {transform_indices = #map}, {transform_indices = #map}, {transform_indices = #map}]} {
    %mul3A = arith.constant 2 : i32
    %mul3A_0 = arith.muli %arg1, %mul3A : i32
    %add3A = arith.addi %mul3A_0, %arg0 : i32
    %mul3A_1 = arith.constant 512 : i32
    %mul3A_2 = arith.muli %add3A, %mul3A_1 : i32
    "tpu.region"() ({
      %run_scoped3A = tpu.sem_alloc : memref<!tpu.dma_semaphore, #tpu.memory_space<semaphore_mem>>
      %dma_start3A_1567 = tpu.memref_slice %arg2[%mul3A_2] : memref<16384xi32, #tpu.memory_space<hbm>> -> memref<512xi32, #tpu.memory_space<hbm>>
      %dma_start3A_1568 = tpu.memref_slice %arg2[%mul3A_2] : memref<16384xi32, #tpu.memory_space<hbm>> -> memref<512xi32, #tpu.memory_space<hbm>>
      tpu.enqueue_dma source(%dma_start3A_1568 : memref<512xi32, #tpu.memory_space<hbm>>) target(%arg10 : memref<512xi32, #tpu.memory_space<vmem>>) target_semaphore(%run_scoped3A : memref<!tpu.dma_semaphore, #tpu.memory_space<semaphore_mem>>)
      %dma_wait3A_1569 = tpu.memref_slice %arg2[%mul3A_2] : memref<16384xi32, #tpu.memory_space<hbm>> -> memref<512xi32, #tpu.memory_space<hbm>>
      %dma_wait3A_1570 = tpu.memref_slice %arg2[%mul3A_2] : memref<16384xi32, #tpu.memory_space<hbm>> -> memref<512xi32, #tpu.memory_space<hbm>>
      tpu.wait_dma2 semaphore(%run_scoped3A : memref<!tpu.dma_semaphore, #tpu.memory_space<semaphore_mem>>) src(%dma_wait3A_1570 : memref<512xi32, #tpu.memory_space<hbm>>) dst(%arg10 : memref<512xi32, #tpu.memory_space<vmem>>)
      tpu.yield
    }) : () -> ()
    "tpu.region"() ({
      %run_scoped3A = tpu.sem_alloc : memref<!tpu.dma_semaphore, #tpu.memory_space<semaphore_mem>>
      %dma_start3A_1567 = tpu.memref_slice %arg3[%mul3A_2] : memref<16384xi32, #tpu.memory_space<hbm>> -> memref<512xi32, #tpu.memory_space<hbm>>
      %dma_start3A_1568 = tpu.memref_slice %arg3[%mul3A_2] : memref<16384xi32, #tpu.memory_space<hbm>> -> memref<512xi32, #tpu.memory_space<hbm>>
      tpu.enqueue_dma source(%dma_start3A_1568 : memref<512xi32, #tpu.memory_space<hbm>>) target(%arg11 : memref<512xi32, #tpu.memory_space<vmem>>) target_semaphore(%run_scoped3A : memref<!tpu.dma_semaphore, #tpu.memory_space<semaphore_mem>>)
      %dma_wait3A_1569 = tpu.memref_slice %arg3[%mul3A_2] : memref<16384xi32, #tpu.memory_space<hbm>> -> memref<512xi32, #tpu.memory_space<hbm>>
      %dma_wait3A_1570 = tpu.memref_slice %arg3[%mul3A_2] : memref<16384xi32, #tpu.memory_space<hbm>> -> memref<512xi32, #tpu.memory_space<hbm>>
      tpu.wait_dma2 semaphore(%run_scoped3A : memref<!tpu.dma_semaphore, #tpu.memory_space<semaphore_mem>>) src(%dma_wait3A_1570 : memref<512xi32, #tpu.memory_space<hbm>>) dst(%arg11 : memref<512xi32, #tpu.memory_space<vmem>>)
      tpu.yield
    }) : () -> ()
    %dma_start3A = arith.constant 0 : i32
    %dma_start3A_3 = tpu.memref_slice %arg5[%dma_start3A] : memref<1000000xf32, #tpu.memory_space<hbm>> -> memref<1000000xf32, #tpu.memory_space<hbm>>
    tpu.enqueue_indirect_dma source(%dma_start3A_3 : memref<1000000xf32, #tpu.memory_space<hbm>>) target(%arg17 : memref<512xf32, #tpu.memory_space<vmem>>) offsets(%arg10 : memref<512xi32, #tpu.memory_space<vmem>>) semaphore(%arg25 : memref<!tpu.dma_semaphore, #tpu.memory_space<semaphore_mem>>)
    %dma_start3A_4 = arith.constant 0 : i32
    %dma_start3A_5 = tpu.memref_slice %arg7[%dma_start3A_4] : memref<1000000xf32, #tpu.memory_space<hbm>> -> memref<1000000xf32, #tpu.memory_space<hbm>>
    tpu.enqueue_indirect_dma source(%dma_start3A_5 : memref<1000000xf32, #tpu.memory_space<hbm>>) target(%arg18 : memref<512xf32, #tpu.memory_space<vmem>>) offsets(%arg11 : memref<512xi32, #tpu.memory_space<vmem>>) semaphore(%arg26 : memref<!tpu.dma_semaphore, #tpu.memory_space<semaphore_mem>>)
    "tpu.region"() ({
      %run_scoped3A = tpu.sem_alloc : memref<!tpu.dma_semaphore, #tpu.memory_space<semaphore_mem>>
      tpu.enqueue_dma source(%arg8 : memref<16xf32, #tpu.memory_space<hbm>>) target(%arg19 : memref<16xf32, #tpu.memory_space<vmem>>) target_semaphore(%run_scoped3A : memref<!tpu.dma_semaphore, #tpu.memory_space<semaphore_mem>>)
      tpu.wait_dma2 semaphore(%run_scoped3A : memref<!tpu.dma_semaphore, #tpu.memory_space<semaphore_mem>>) src(%arg8 : memref<16xf32, #tpu.memory_space<hbm>>) dst(%arg19 : memref<16xf32, #tpu.memory_space<vmem>>)
      tpu.yield
    }) : () -> ()
    %iota3A = tpu.iota {dimensions = array<i32: 0>} : vector<16xi32>
    %mul3A_6 = arith.constant 16 : i32
    %mul3A_7 = vector.broadcast %mul3A_6 : i32 to vector<16xi32>
    %mul3A_8 = arith.muli %iota3A, %mul3A_7 : vector<16xi32>
    %add3A_9 = arith.constant 16 : i32
    %add3A_10 = vector.broadcast %add3A_9 : i32 to vector<16xi32>
    %add3A_11 = arith.addi %iota3A, %add3A_10 : vector<16xi32>
    %get3A = arith.constant 0 : index
    %get3A_12 = tpu.vector_load %arg10[%get3A] {strides = array<i32>} : memref<512xi32, #tpu.memory_space<vmem>>, vector<16xi32>,
    %get3A_13 = arith.constant 0 : index
    %get3A_14 = tpu.vector_load %arg11[%get3A_13] {strides = array<i32>} : memref<512xi32, #tpu.memory_space<vmem>>, vector<16xi32>,
    %slice3A = vector.extract_strided_slice %get3A_12 {offsets = [0], sizes = [1], strides = [1]} : vector<16xi32> to vector<1xi32>
    %squeeze3A = vector.extract %slice3A[0] : i32 from vector<1xi32>
    %slice3A_15 = vector.extract_strided_slice %get3A_14 {offsets = [0], sizes = [1], strides = [1]} : vector<16xi32> to vector<1xi32>
    %squeeze3A_16 = vector.extract %slice3A_15[0] : i32 from vector<1xi32>
    %shift_right_arithmetic3A = arith.constant 7 : i32
    %shift_right_arithmetic3A_17 = arith.shrsi %squeeze3A, %shift_right_arithmetic3A : i32
    %shift_left3A = arith.constant 7 : i32
    %shift_left3A_18 = arith.shli %shift_right_arithmetic3A_17, %shift_left3A : i32
    %multiple_of3A = tpu.assume_multiple %shift_left3A_18, 128 : i32
    %shift_right_arithmetic3A_19 = arith.constant 7 : i32
    %shift_right_arithmetic3A_20 = arith.shrsi %squeeze3A_16, %shift_right_arithmetic3A_19 : i32
    %shift_left3A_21 = arith.constant 7 : i32
    %shift_left3A_22 = arith.shli %shift_right_arithmetic3A_20, %shift_left3A_21 : i32
    %multiple_of3A_23 = tpu.assume_multiple %shift_left3A_22, 128 : i32
    %dma_start3A_24 = arith.constant 0 : i32
    %dma_start3A_25 = arith.constant 0 : i32
    %dma_start3A_26 = arith.constant 0 : i32
    %dma_start3A_27 = tpu.memref_slice %arg12[%dma_start3A_24, %dma_start3A_25, %dma_start3A_26] : memref<4x32x128xf32, #tpu.memory_space<vmem>> -> memref<1x32x128xf32, #tpu.memory_space<vmem>>
    %dma_start3A_28 = tpu.memref_squeeze %dma_start3A_27 : memref<1x32x128xf32, #tpu.memory_space<vmem>> -> memref<32x128xf32, #tpu.memory_space<vmem>>
    %dma_start3A_29 = arith.constant 0 : i32
    %dma_start3A_30 = tpu.memref_slice %arg4[%dma_start3A_29, %multiple_of3A] : memref<32x1000000xf32, #tpu.memory_space<hbm>> -> memref<32x128xf32, #tpu.memory_space<hbm>>
    %dma_start3A_31 = arith.constant 0 : i32
    %dma_start3A_32 = arith.constant 0 : i32
    %dma_start3A_33 = tpu.memref_slice %arg12[%dma_start3A_24, %dma_start3A_31, %dma_start3A_32] : memref<4x32x128xf32, #tpu.memory_space<vmem>> -> memref<1x32x128xf32, #tpu.memory_space<vmem>>
    %dma_start3A_34 = tpu.memref_squeeze %dma_start3A_33 : memref<1x32x128xf32, #tpu.memory_space<vmem>> -> memref<32x128xf32, #tpu.memory_space<vmem>>
    %dma_start3A_35 = arith.constant 0 : i32
    %dma_start3A_36 = tpu.memref_slice %arg4[%dma_start3A_35, %multiple_of3A] : memref<32x1000000xf32, #tpu.memory_space<hbm>> -> memref<32x128xf32, #tpu.memory_space<hbm>>
    tpu.enqueue_dma source(%dma_start3A_36 : memref<32x128xf32, #tpu.memory_space<hbm>>) target(%dma_start3A_34 : memref<32x128xf32, #tpu.memory_space<vmem>>) target_semaphore(%arg21 : memref<!tpu.dma_semaphore, #tpu.memory_space<semaphore_mem>>)
    %dma_start3A_37 = arith.constant 0 : i32
    %dma_start3A_38 = arith.constant 0 : i32
    %dma_start3A_39 = arith.constant 0 : i32
    %dma_start3A_40 = tpu.memref_slice %arg14[%dma_start3A_37, %dma_start3A_38, %dma_start3A_39] : memref<4x32x128xf32, #tpu.memory_space<vmem>> -> memref<1x32x128xf32, #tpu.memory_space<vmem>>
    %dma_start3A_41 = tpu.memref_squeeze %dma_start3A_40 : memref<1x32x128xf32, #tpu.memory_space<vmem>> -> memref<32x128xf32, #tpu.memory_space<vmem>>
    %dma_start3A_42 = arith.constant 0 : i32
    %dma_start3A_43 = tpu.memref_slice %arg6[%dma_start3A_42, %multiple_of3A_23] : memref<32x1000000xf32, #tpu.memory_space<hbm>> -> memref<32x128xf32, #tpu.memory_space<hbm>>
    %dma_start3A_44 = arith.constant 0 : i32
    %dma_start3A_45 = arith.constant 0 : i32
    %dma_start3A_46 = tpu.memref_slice %arg14[%dma_start3A_37, %dma_start3A_44, %dma_start3A_45] : memref<4x32x128xf32, #tpu.memory_space<vmem>> -> memref<1x32x128xf32, #tpu.memory_space<vmem>>
    %dma_start3A_47 = tpu.memref_squeeze %dma_start3A_46 : memref<1x32x128xf32, #tpu.memory_space<vmem>> -> memref<32x128xf32, #tpu.memory_space<vmem>>
    %dma_start3A_48 = arith.constant 0 : i32
    %dma_start3A_49 = tpu.memref_slice %arg6[%dma_start3A_48, %multiple_of3A_23] : memref<32x1000000xf32, #tpu.memory_space<hbm>> -> memref<32x128xf32, #tpu.memory_space<hbm>>
    tpu.enqueue_dma source(%dma_start3A_49 : memref<32x128xf32, #tpu.memory_space<hbm>>) target(%dma_start3A_47 : memref<32x128xf32, #tpu.memory_space<vmem>>) target_semaphore(%arg23 : memref<!tpu.dma_semaphore, #tpu.memory_space<semaphore_mem>>)
    %slice3A_50 = vector.extract_strided_slice %get3A_12 {offsets = [1], sizes = [1], strides = [1]} : vector<16xi32> to vector<1xi32>
    %squeeze3A_51 = vector.extract %slice3A_50[0] : i32 from vector<1xi32>
    %slice3A_52 = vector.extract_strided_slice %get3A_14 {offsets = [1], sizes = [1], strides = [1]} : vector<16xi32> to vector<1xi32>
    %squeeze3A_53 = vector.extract %slice3A_52[0] : i32 from vector<1xi32>
    %shift_right_arithmetic3A_54 = arith.constant 7 : i32
    %shift_right_arithmetic3A_55 = arith.shrsi %squeeze3A_51, %shift_right_arithmetic3A_54 : i32
    %shift_left3A_56 = arith.constant 7 : i32
    %shift_left3A_57 = arith.shli %shift_right_arithmetic3A_55, %shift_left3A_56 : i32
    %multiple_of3A_58 = tpu.assume_multiple %shift_left3A_57, 128 : i32
    %shift_right_arithmetic3A_59 = arith.constant 7 : i32
    %shift_right_arithmetic3A_60 = arith.shrsi %squeeze3A_53, %shift_right_arithmetic3A_59 : i32
    %shift_left3A_61 = arith.constant 7 : i32
    %shift_left3A_62 = arith.shli %shift_right_arithmetic3A_60, %shift_left3A_61 : i32
    %multiple_of3A_63 = tpu.assume_multiple %shift_left3A_62, 128 : i32
    %dma_start3A_64 = arith.constant 1 : i32
    %dma_start3A_65 = arith.constant 0 : i32
    %dma_start3A_66 = arith.constant 0 : i32
    %dma_start3A_67 = tpu.memref_slice %arg12[%dma_start3A_64, %dma_start3A_65, %dma_start3A_66] : memref<4x32x128xf32, #tpu.memory_space<vmem>> -> memref<1x32x128xf32, #tpu.memory_space<vmem>>
    %dma_start3A_68 = tpu.memref_squeeze %dma_start3A_67 : memref<1x32x128xf32, #tpu.memory_space<vmem>> -> memref<32x128xf32, #tpu.memory_space<vmem>>
    %dma_start3A_69 = arith.constant 0 : i32
    %dma_start3A_70 = tpu.memref_slice %arg4[%dma_start3A_69, %multiple_of3A_58] : memref<32x1000000xf32, #tpu.memory_space<hbm>> -> memref<32x128xf32, #tpu.memory_space<hbm>>
    %dma_start3A_71 = arith.constant 0 : i32
    %dma_start3A_72 = arith.constant 0 : i32
    %dma_start3A_73 = tpu.memref_slice %arg12[%dma_start3A_64, %dma_start3A_71, %dma_start3A_72] : memref<4x32x128xf32, #tpu.memory_space<vmem>> -> memref<1x32x128xf32, #tpu.memory_space<vmem>>
    %dma_start3A_74 = tpu.memref_squeeze %dma_start3A_73 : memref<1x32x128xf32, #tpu.memory_space<vmem>> -> memref<32x128xf32, #tpu.memory_space<vmem>>
    %dma_start3A_75 = arith.constant 0 : i32
    %dma_start3A_76 = tpu.memref_slice %arg4[%dma_start3A_75, %multiple_of3A_58] : memref<32x1000000xf32, #tpu.memory_space<hbm>> -> memref<32x128xf32, #tpu.memory_space<hbm>>
    tpu.enqueue_dma source(%dma_start3A_76 : memref<32x128xf32, #tpu.memory_space<hbm>>) target(%dma_start3A_74 : memref<32x128xf32, #tpu.memory_space<vmem>>) target_semaphore(%arg21 : memref<!tpu.dma_semaphore, #tpu.memory_space<semaphore_mem>>)
    %dma_start3A_77 = arith.constant 1 : i32
    %dma_start3A_78 = arith.constant 0 : i32
    %dma_start3A_79 = arith.constant 0 : i32
    %dma_start3A_80 = tpu.memref_slice %arg14[%dma_start3A_77, %dma_start3A_78, %dma_start3A_79] : memref<4x32x128xf32, #tpu.memory_space<vmem>> -> memref<1x32x128xf32, #tpu.memory_space<vmem>>
    %dma_start3A_81 = tpu.memref_squeeze %dma_start3A_80 : memref<1x32x128xf32, #tpu.memory_space<vmem>> -> memref<32x128xf32, #tpu.memory_space<vmem>>
    %dma_start3A_82 = arith.constant 0 : i32
    %dma_start3A_83 = tpu.memref_slice %arg6[%dma_start3A_82, %multiple_of3A_63] : memref<32x1000000xf32, #tpu.memory_space<hbm>> -> memref<32x128xf32, #tpu.memory_space<hbm>>
    %dma_start3A_84 = arith.constant 0 : i32
    %dma_start3A_85 = arith.constant 0 : i32
    %dma_start3A_86 = tpu.memref_slice %arg14[%dma_start3A_77, %dma_start3A_84, %dma_start3A_85] : memref<4x32x128xf32, #tpu.memory_space<vmem>> -> memref<1x32x128xf32, #tpu.memory_space<vmem>>
    %dma_start3A_87 = tpu.memref_squeeze %dma_start3A_86 : memref<1x32x128xf32, #tpu.memory_space<vmem>> -> memref<32x128xf32, #tpu.memory_space<vmem>>
    %dma_start3A_88 = arith.constant 0 : i32
    %dma_start3A_89 = tpu.memref_slice %arg6[%dma_start3A_88, %multiple_of3A_63] : memref<32x1000000xf32, #tpu.memory_space<hbm>> -> memref<32x128xf32, #tpu.memory_space<hbm>>
    tpu.enqueue_dma source(%dma_start3A_89 : memref<32x128xf32, #tpu.memory_space<hbm>>) target(%dma_start3A_87 : memref<32x128xf32, #tpu.memory_space<vmem>>) target_semaphore(%arg23 : memref<!tpu.dma_semaphore, #tpu.memory_space<semaphore_mem>>)
    %slice3A_90 = vector.extract_strided_slice %get3A_12 {offsets = [2], sizes = [1], strides = [1]} : vector<16xi32> to vector<1xi32>
    %squeeze3A_91 = vector.extract %slice3A_90[0] : i32 from vector<1xi32>
    %slice3A_92 = vector.extract_strided_slice %get3A_14 {offsets = [2], sizes = [1], strides = [1]} : vector<16xi32> to vector<1xi32>
    %squeeze3A_93 = vector.extract %slice3A_92[0] : i32 from vector<1xi32>
    %shift_right_arithmetic3A_94 = arith.constant 7 : i32
    %shift_right_arithmetic3A_95 = arith.shrsi %squeeze3A_91, %shift_right_arithmetic3A_94 : i32
    %shift_left3A_96 = arith.constant 7 : i32
    %shift_left3A_97 = arith.shli %shift_right_arithmetic3A_95, %shift_left3A_96 : i32
    %multiple_of3A_98 = tpu.assume_multiple %shift_left3A_97, 128 : i32
    %shift_right_arithmetic3A_99 = arith.constant 7 : i32
    %shift_right_arithmetic3A_100 = arith.shrsi %squeeze3A_93, %shift_right_arithmetic3A_99 : i32
    %shift_left3A_101 = arith.constant 7 : i32
    %shift_left3A_102 = arith.shli %shift_right_arithmetic3A_100, %shift_left3A_101 : i32
    %multiple_of3A_103 = tpu.assume_multiple %shift_left3A_102, 128 : i32
    %dma_start3A_104 = arith.constant 2 : i32
    %dma_start3A_105 = arith.constant 0 : i32
    %dma_start3A_106 = arith.constant 0 : i32
    %dma_start3A_107 = tpu.memref_slice %arg12[%dma_start3A_104, %dma_start3A_105, %dma_start3A_106] : memref<4x32x128xf32, #tpu.memory_space<vmem>> -> memref<1x32x128xf32, #tpu.memory_space<vmem>>
    %dma_start3A_108 = tpu.memref_squeeze %dma_start3A_107 : memref<1x32x128xf32, #tpu.memory_space<vmem>> -> memref<32x128xf32, #tpu.memory_space<vmem>>
    %dma_start3A_109 = arith.constant 0 : i32
    %dma_start3A_110 = tpu.memref_slice %arg4[%dma_start3A_109, %multiple_of3A_98] : memref<32x1000000xf32, #tpu.memory_space<hbm>> -> memref<32x128xf32, #tpu.memory_space<hbm>>
    %dma_start3A_111 = arith.constant 0 : i32
    %dma_start3A_112 = arith.constant 0 : i32
    %dma_start3A_113 = tpu.memref_slice %arg12[%dma_start3A_104, %dma_start3A_111, %dma_start3A_112] : memref<4x32x128xf32, #tpu.memory_space<vmem>> -> memref<1x32x128xf32, #tpu.memory_space<vmem>>
    %dma_start3A_114 = tpu.memref_squeeze %dma_start3A_113 : memref<1x32x128xf32, #tpu.memory_space<vmem>> -> memref<32x128xf32, #tpu.memory_space<vmem>>
    %dma_start3A_115 = arith.constant 0 : i32
    %dma_start3A_116 = tpu.memref_slice %arg4[%dma_start3A_115, %multiple_of3A_98] : memref<32x1000000xf32, #tpu.memory_space<hbm>> -> memref<32x128xf32, #tpu.memory_space<hbm>>
    tpu.enqueue_dma source(%dma_start3A_116 : memref<32x128xf32, #tpu.memory_space<hbm>>) target(%dma_start3A_114 : memref<32x128xf32, #tpu.memory_space<vmem>>) target_semaphore(%arg21 : memref<!tpu.dma_semaphore, #tpu.memory_space<semaphore_mem>>)
    %dma_start3A_117 = arith.constant 2 : i32
    %dma_start3A_118 = arith.constant 0 : i32
    %dma_start3A_119 = arith.constant 0 : i32
    %dma_start3A_120 = tpu.memref_slice %arg14[%dma_start3A_117, %dma_start3A_118, %dma_start3A_119] : memref<4x32x128xf32, #tpu.memory_space<vmem>> -> memref<1x32x128xf32, #tpu.memory_space<vmem>>
    %dma_start3A_121 = tpu.memref_squeeze %dma_start3A_120 : memref<1x32x128xf32, #tpu.memory_space<vmem>> -> memref<32x128xf32, #tpu.memory_space<vmem>>
    %dma_start3A_122 = arith.constant 0 : i32
    %dma_start3A_123 = tpu.memref_slice %arg6[%dma_start3A_122, %multiple_of3A_103] : memref<32x1000000xf32, #tpu.memory_space<hbm>> -> memref<32x128xf32, #tpu.memory_space<hbm>>
    %dma_start3A_124 = arith.constant 0 : i32
    %dma_start3A_125 = arith.constant 0 : i32
    %dma_start3A_126 = tpu.memref_slice %arg14[%dma_start3A_117, %dma_start3A_124, %dma_start3A_125] : memref<4x32x128xf32, #tpu.memory_space<vmem>> -> memref<1x32x128xf32, #tpu.memory_space<vmem>>
    %dma_start3A_127 = tpu.memref_squeeze %dma_start3A_126 : memref<1x32x128xf32, #tpu.memory_space<vmem>> -> memref<32x128xf32, #tpu.memory_space<vmem>>
    %dma_start3A_128 = arith.constant 0 : i32
    %dma_start3A_129 = tpu.memref_slice %arg6[%dma_start3A_128, %multiple_of3A_103] : memref<32x1000000xf32, #tpu.memory_space<hbm>> -> memref<32x128xf32, #tpu.memory_space<hbm>>
    tpu.enqueue_dma source(%dma_start3A_129 : memref<32x128xf32, #tpu.memory_space<hbm>>) target(%dma_start3A_127 : memref<32x128xf32, #tpu.memory_space<vmem>>) target_semaphore(%arg23 : memref<!tpu.dma_semaphore, #tpu.memory_space<semaphore_mem>>)
    %slice3A_130 = vector.extract_strided_slice %get3A_12 {offsets = [3], sizes = [1], strides = [1]} : vector<16xi32> to vector<1xi32>
    %squeeze3A_131 = vector.extract %slice3A_130[0] : i32 from vector<1xi32>
    %slice3A_132 = vector.extract_strided_slice %get3A_14 {offsets = [3], sizes = [1], strides = [1]} : vector<16xi32> to vector<1xi32>
    %squeeze3A_133 = vector.extract %slice3A_132[0] : i32 from vector<1xi32>
    %shift_right_arithmetic3A_134 = arith.constant 7 : i32
    %shift_right_arithmetic3A_135 = arith.shrsi %squeeze3A_131, %shift_right_arithmetic3A_134 : i32
    %shift_left3A_136 = arith.constant 7 : i32
    %shift_left3A_137 = arith.shli %shift_right_arithmetic3A_135, %shift_left3A_136 : i32
    %multiple_of3A_138 = tpu.assume_multiple %shift_left3A_137, 128 : i32
    %shift_right_arithmetic3A_139 = arith.constant 7 : i32
    %shift_right_arithmetic3A_140 = arith.shrsi %squeeze3A_133, %shift_right_arithmetic3A_139 : i32
    %shift_left3A_141 = arith.constant 7 : i32
    %shift_left3A_142 = arith.shli %shift_right_arithmetic3A_140, %shift_left3A_141 : i32
    %multiple_of3A_143 = tpu.assume_multiple %shift_left3A_142, 128 : i32
    %dma_start3A_144 = arith.constant 3 : i32
    %dma_start3A_145 = arith.constant 0 : i32
    %dma_start3A_146 = arith.constant 0 : i32
    %dma_start3A_147 = tpu.memref_slice %arg12[%dma_start3A_144, %dma_start3A_145, %dma_start3A_146] : memref<4x32x128xf32, #tpu.memory_space<vmem>> -> memref<1x32x128xf32, #tpu.memory_space<vmem>>
    %dma_start3A_148 = tpu.memref_squeeze %dma_start3A_147 : memref<1x32x128xf32, #tpu.memory_space<vmem>> -> memref<32x128xf32, #tpu.memory_space<vmem>>
    %dma_start3A_149 = arith.constant 0 : i32
    %dma_start3A_150 = tpu.memref_slice %arg4[%dma_start3A_149, %multiple_of3A_138] : memref<32x1000000xf32, #tpu.memory_space<hbm>> -> memref<32x128xf32, #tpu.memory_space<hbm>>
    %dma_start3A_151 = arith.constant 0 : i32
    %dma_start3A_152 = arith.constant 0 : i32
    %dma_start3A_153 = tpu.memref_slice %arg12[%dma_start3A_144, %dma_start3A_151, %dma_start3A_152] : memref<4x32x128xf32, #tpu.memory_space<vmem>> -> memref<1x32x128xf32, #tpu.memory_space<vmem>>
    %dma_start3A_154 = tpu.memref_squeeze %dma_start3A_153 : memref<1x32x128xf32, #tpu.memory_space<vmem>> -> memref<32x128xf32, #tpu.memory_space<vmem>>
    %dma_start3A_155 = arith.constant 0 : i32
    %dma_start3A_156 = tpu.memref_slice %arg4[%dma_start3A_155, %multiple_of3A_138] : memref<32x1000000xf32, #tpu.memory_space<hbm>> -> memref<32x128xf32, #tpu.memory_space<hbm>>
    tpu.enqueue_dma source(%dma_start3A_156 : memref<32x128xf32, #tpu.memory_space<hbm>>) target(%dma_start3A_154 : memref<32x128xf32, #tpu.memory_space<vmem>>) target_semaphore(%arg21 : memref<!tpu.dma_semaphore, #tpu.memory_space<semaphore_mem>>)
    %dma_start3A_157 = arith.constant 3 : i32
    %dma_start3A_158 = arith.constant 0 : i32
    %dma_start3A_159 = arith.constant 0 : i32
    %dma_start3A_160 = tpu.memref_slice %arg14[%dma_start3A_157, %dma_start3A_158, %dma_start3A_159] : memref<4x32x128xf32, #tpu.memory_space<vmem>> -> memref<1x32x128xf32, #tpu.memory_space<vmem>>
    %dma_start3A_161 = tpu.memref_squeeze %dma_start3A_160 : memref<1x32x128xf32, #tpu.memory_space<vmem>> -> memref<32x128xf32, #tpu.memory_space<vmem>>
    %dma_start3A_162 = arith.constant 0 : i32
    %dma_start3A_163 = tpu.memref_slice %arg6[%dma_start3A_162, %multiple_of3A_143] : memref<32x1000000xf32, #tpu.memory_space<hbm>> -> memref<32x128xf32, #tpu.memory_space<hbm>>
    %dma_start3A_164 = arith.constant 0 : i32
    %dma_start3A_165 = arith.constant 0 : i32
    %dma_start3A_166 = tpu.memref_slice %arg14[%dma_start3A_157, %dma_start3A_164, %dma_start3A_165] : memref<4x32x128xf32, #tpu.memory_space<vmem>> -> memref<1x32x128xf32, #tpu.memory_space<vmem>>
    %dma_start3A_167 = tpu.memref_squeeze %dma_start3A_166 : memref<1x32x128xf32, #tpu.memory_space<vmem>> -> memref<32x128xf32, #tpu.memory_space<vmem>>
    %dma_start3A_168 = arith.constant 0 : i32
    %dma_start3A_169 = tpu.memref_slice %arg6[%dma_start3A_168, %multiple_of3A_143] : memref<32x1000000xf32, #tpu.memory_space<hbm>> -> memref<32x128xf32, #tpu.memory_space<hbm>>
    tpu.enqueue_dma source(%dma_start3A_169 : memref<32x128xf32, #tpu.memory_space<hbm>>) target(%dma_start3A_167 : memref<32x128xf32, #tpu.memory_space<vmem>>) target_semaphore(%arg23 : memref<!tpu.dma_semaphore, #tpu.memory_space<semaphore_mem>>)
    %dma_wait3A = arith.constant 0 : i32
    %dma_wait3A_170 = tpu.memref_slice %arg5[%dma_wait3A] : memref<1000000xf32, #tpu.memory_space<hbm>> -> memref<1000000xf32, #tpu.memory_space<hbm>>
    tpu.wait_indirect_dma semaphore(%arg25 : memref<!tpu.dma_semaphore, #tpu.memory_space<semaphore_mem>>) src(%dma_wait3A_170 : memref<1000000xf32, #tpu.memory_space<hbm>>) dst(%arg17 : memref<512xf32, #tpu.memory_space<vmem>>)
    %dma_wait3A_171 = arith.constant 0 : i32
    %dma_wait3A_172 = tpu.memref_slice %arg7[%dma_wait3A_171] : memref<1000000xf32, #tpu.memory_space<hbm>> -> memref<1000000xf32, #tpu.memory_space<hbm>>
    tpu.wait_indirect_dma semaphore(%arg26 : memref<!tpu.dma_semaphore, #tpu.memory_space<semaphore_mem>>) src(%dma_wait3A_172 : memref<1000000xf32, #tpu.memory_space<hbm>>) dst(%arg18 : memref<512xf32, #tpu.memory_space<vmem>>)
    %get3A_173 = arith.constant 0 : index
    %get3A_174 = tpu.vector_load %arg19[%get3A_173] {strides = array<i32>} : memref<16xf32, #tpu.memory_space<vmem>>, vector<16xf32>,
    %scan3A = arith.constant 0 : i32
    %scan3A_175 = arith.constant 0 : i32
    %scan3A_176 = arith.constant 31 : i32
    %scan3A_177 = arith.addi %scan3A_175, %scan3A_176 : i32
    %scan3A_178 = arith.constant 1 : i32
    %scan3A_179 = scf.for %scan3A_1567 = %scan3A_175 to %scan3A_177 step %scan3A_178 iter_args(%scan3A_1568 = %scan3A) -> (i32)  : i32 {
      %mul3A_1569 = arith.constant 16 : i32
      %mul3A_1570 = arith.muli %scan3A_1567, %mul3A_1569 : i32
      %multiple_of3A_1571 = tpu.assume_multiple %mul3A_1570, 16 : i32
      %get3A_1572 = arith.index_cast %multiple_of3A_1571 : i32 to index
      %get3A_1573 = tpu.vector_load %arg10[%get3A_1572] {strides = array<i32>} : memref<512xi32, #tpu.memory_space<vmem>>, vector<16xi32>,
      %get3A_1574 = arith.index_cast %multiple_of3A_1571 : i32 to index
      %get3A_1575 = tpu.vector_load %arg11[%get3A_1574] {strides = array<i32>} : memref<512xi32, #tpu.memory_space<vmem>>, vector<16xi32>,
      %slice3A_1576 = vector.extract_strided_slice %get3A_1573 {offsets = [4], sizes = [1], strides = [1]} : vector<16xi32> to vector<1xi32>
      %squeeze3A_1577 = vector.extract %slice3A_1576[0] : i32 from vector<1xi32>
      %slice3A_1578 = vector.extract_strided_slice %get3A_1575 {offsets = [4], sizes = [1], strides = [1]} : vector<16xi32> to vector<1xi32>
      %squeeze3A_1579 = vector.extract %slice3A_1578[0] : i32 from vector<1xi32>
      %shift_right_arithmetic3A_1580 = arith.constant 7 : i32
      %shift_right_arithmetic3A_1581 = arith.shrsi %squeeze3A_1577, %shift_right_arithmetic3A_1580 : i32
      %shift_left3A_1582 = arith.constant 7 : i32
      %shift_left3A_1583 = arith.shli %shift_right_arithmetic3A_1581, %shift_left3A_1582 : i32
      %multiple_of3A_1584 = tpu.assume_multiple %shift_left3A_1583, 128 : i32
      %shift_right_arithmetic3A_1585 = arith.constant 7 : i32
      %shift_right_arithmetic3A_1586 = arith.shrsi %squeeze3A_1579, %shift_right_arithmetic3A_1585 : i32
      %shift_left3A_1587 = arith.constant 7 : i32
      %shift_left3A_1588 = arith.shli %shift_right_arithmetic3A_1586, %shift_left3A_1587 : i32
      %multiple_of3A_1589 = tpu.assume_multiple %shift_left3A_1588, 128 : i32
      %dma_start3A_1590 = arith.constant 0 : i32
      %dma_start3A_1591 = arith.constant 0 : i32
      %dma_start3A_1592 = arith.constant 0 : i32
      %dma_start3A_1593 = tpu.memref_slice %arg13[%dma_start3A_1590, %dma_start3A_1591, %dma_start3A_1592] : memref<4x32x128xf32, #tpu.memory_space<vmem>> -> memref<1x32x128xf32, #tpu.memory_space<vmem>>
      %dma_start3A_1594 = tpu.memref_squeeze %dma_start3A_1593 : memref<1x32x128xf32, #tpu.memory_space<vmem>> -> memref<32x128xf32, #tpu.memory_space<vmem>>
      %dma_start3A_1595 = arith.constant 0 : i32
      %dma_start3A_1596 = tpu.memref_slice %arg4[%dma_start3A_1595, %multiple_of3A_1584] : memref<32x1000000xf32, #tpu.memory_space<hbm>> -> memref<32x128xf32, #tpu.memory_space<hbm>>
      %dma_start3A_1597 = arith.constant 0 : i32
      %dma_start3A_1598 = arith.constant 0 : i32
      %dma_start3A_1599 = tpu.memref_slice %arg13[%dma_start3A_1590, %dma_start3A_1597, %dma_start3A_1598] : memref<4x32x128xf32, #tpu.memory_space<vmem>> -> memref<1x32x128xf32, #tpu.memory_space<vmem>>
      %dma_start3A_1600 = tpu.memref_squeeze %dma_start3A_1599 : memref<1x32x128xf32, #tpu.memory_space<vmem>> -> memref<32x128xf32, #tpu.memory_space<vmem>>
      %dma_start3A_1601 = arith.constant 0 : i32
      %dma_start3A_1602 = tpu.memref_slice %arg4[%dma_start3A_1601, %multiple_of3A_1584] : memref<32x1000000xf32, #tpu.memory_space<hbm>> -> memref<32x128xf32, #tpu.memory_space<hbm>>
      tpu.enqueue_dma source(%dma_start3A_1602 : memref<32x128xf32, #tpu.memory_space<hbm>>) target(%dma_start3A_1600 : memref<32x128xf32, #tpu.memory_space<vmem>>) target_semaphore(%arg22 : memref<!tpu.dma_semaphore, #tpu.memory_space<semaphore_mem>>)
      %dma_start3A_1603 = arith.constant 0 : i32
      %dma_start3A_1604 = arith.constant 0 : i32
      %dma_start3A_1605 = arith.constant 0 : i32
      %dma_start3A_1606 = tpu.memref_slice %arg15[%dma_start3A_1603, %dma_start3A_1604, %dma_start3A_1605] : memref<4x32x128xf32, #tpu.memory_space<vmem>> -> memref<1x32x128xf32, #tpu.memory_space<vmem>>
      %dma_start3A_1607 = tpu.memref_squeeze %dma_start3A_1606 : memref<1x32x128xf32, #tpu.memory_space<vmem>> -> memref<32x128xf32, #tpu.memory_space<vmem>>
      %dma_start3A_1608 = arith.constant 0 : i32
      %dma_start3A_1609 = tpu.memref_slice %arg6[%dma_start3A_1608, %multiple_of3A_1589] : memref<32x1000000xf32, #tpu.memory_space<hbm>> -> memref<32x128xf32, #tpu.memory_space<hbm>>
      %dma_start3A_1610 = arith.constant 0 : i32
      %dma_start3A_1611 = arith.constant 0 : i32
      %dma_start3A_1612 = tpu.memref_slice %arg15[%dma_start3A_1603, %dma_start3A_1610, %dma_start3A_1611] : memref<4x32x128xf32, #tpu.memory_space<vmem>> -> memref<1x32x128xf32, #tpu.memory_space<vmem>>
      %dma_start3A_1613 = tpu.memref_squeeze %dma_start3A_1612 : memref<1x32x128xf32, #tpu.memory_space<vmem>> -> memref<32x128xf32, #tpu.memory_space<vmem>>
      %dma_start3A_1614 = arith.constant 0 : i32
      %dma_start3A_1615 = tpu.memref_slice %arg6[%dma_start3A_1614, %multiple_of3A_1589] : memref<32x1000000xf32, #tpu.memory_space<hbm>> -> memref<32x128xf32, #tpu.memory_space<hbm>>
      tpu.enqueue_dma source(%dma_start3A_1615 : memref<32x128xf32, #tpu.memory_space<hbm>>) target(%dma_start3A_1613 : memref<32x128xf32, #tpu.memory_space<vmem>>) target_semaphore(%arg24 : memref<!tpu.dma_semaphore, #tpu.memory_space<semaphore_mem>>)
      %slice3A_1616 = vector.extract_strided_slice %get3A_1573 {offsets = [5], sizes = [1], strides = [1]} : vector<16xi32> to vector<1xi32>
      %squeeze3A_1617 = vector.extract %slice3A_1616[0] : i32 from vector<1xi32>
      %slice3A_1618 = vector.extract_strided_slice %get3A_1575 {offsets = [5], sizes = [1], strides = [1]} : vector<16xi32> to vector<1xi32>
      %squeeze3A_1619 = vector.extract %slice3A_1618[0] : i32 from vector<1xi32>
      %shift_right_arithmetic3A_1620 = arith.constant 7 : i32
      %shift_right_arithmetic3A_1621 = arith.shrsi %squeeze3A_1617, %shift_right_arithmetic3A_1620 : i32
      %shift_left3A_1622 = arith.constant 7 : i32
      %shift_left3A_1623 = arith.shli %shift_right_arithmetic3A_1621, %shift_left3A_1622 : i32
      %multiple_of3A_1624 = tpu.assume_multiple %shift_left3A_1623, 128 : i32
      %shift_right_arithmetic3A_1625 = arith.constant 7 : i32
      %shift_right_arithmetic3A_1626 = arith.shrsi %squeeze3A_1619, %shift_right_arithmetic3A_1625 : i32
      %shift_left3A_1627 = arith.constant 7 : i32
      %shift_left3A_1628 = arith.shli %shift_right_arithmetic3A_1626, %shift_left3A_1627 : i32
      %multiple_of3A_1629 = tpu.assume_multiple %shift_left3A_1628, 128 : i32
      %dma_start3A_1630 = arith.constant 1 : i32
      %dma_start3A_1631 = arith.constant 0 : i32
      %dma_start3A_1632 = arith.constant 0 : i32
      %dma_start3A_1633 = tpu.memref_slice %arg13[%dma_start3A_1630, %dma_start3A_1631, %dma_start3A_1632] : memref<4x32x128xf32, #tpu.memory_space<vmem>> -> memref<1x32x128xf32, #tpu.memory_space<vmem>>
      %dma_start3A_1634 = tpu.memref_squeeze %dma_start3A_1633 : memref<1x32x128xf32, #tpu.memory_space<vmem>> -> memref<32x128xf32, #tpu.memory_space<vmem>>
      %dma_start3A_1635 = arith.constant 0 : i32
      %dma_start3A_1636 = tpu.memref_slice %arg4[%dma_start3A_1635, %multiple_of3A_1624] : memref<32x1000000xf32, #tpu.memory_space<hbm>> -> memref<32x128xf32, #tpu.memory_space<hbm>>
      %dma_start3A_1637 = arith.constant 0 : i32
      %dma_start3A_1638 = arith.constant 0 : i32
      %dma_start3A_1639 = tpu.memref_slice %arg13[%dma_start3A_1630, %dma_start3A_1637, %dma_start3A_1638] : memref<4x32x128xf32, #tpu.memory_space<vmem>> -> memref<1x32x128xf32, #tpu.memory_space<vmem>>
      %dma_start3A_1640 = tpu.memref_squeeze %dma_start3A_1639 : memref<1x32x128xf32, #tpu.memory_space<vmem>> -> memref<32x128xf32, #tpu.memory_space<vmem>>
      %dma_start3A_1641 = arith.constant 0 : i32
      %dma_start3A_1642 = tpu.memref_slice %arg4[%dma_start3A_1641, %multiple_of3A_1624] : memref<32x1000000xf32, #tpu.memory_space<hbm>> -> memref<32x128xf32, #tpu.memory_space<hbm>>
      tpu.enqueue_dma source(%dma_start3A_1642 : memref<32x128xf32, #tpu.memory_space<hbm>>) target(%dma_start3A_1640 : memref<32x128xf32, #tpu.memory_space<vmem>>) target_semaphore(%arg22 : memref<!tpu.dma_semaphore, #tpu.memory_space<semaphore_mem>>)
      %dma_start3A_1643 = arith.constant 1 : i32
      %dma_start3A_1644 = arith.constant 0 : i32
      %dma_start3A_1645 = arith.constant 0 : i32
      %dma_start3A_1646 = tpu.memref_slice %arg15[%dma_start3A_1643, %dma_start3A_1644, %dma_start3A_1645] : memref<4x32x128xf32, #tpu.memory_space<vmem>> -> memref<1x32x128xf32, #tpu.memory_space<vmem>>
      %dma_start3A_1647 = tpu.memref_squeeze %dma_start3A_1646 : memref<1x32x128xf32, #tpu.memory_space<vmem>> -> memref<32x128xf32, #tpu.memory_space<vmem>>
      %dma_start3A_1648 = arith.constant 0 : i32
      %dma_start3A_1649 = tpu.memref_slice %arg6[%dma_start3A_1648, %multiple_of3A_1629] : memref<32x1000000xf32, #tpu.memory_space<hbm>> -> memref<32x128xf32, #tpu.memory_space<hbm>>
      %dma_start3A_1650 = arith.constant 0 : i32
      %dma_start3A_1651 = arith.constant 0 : i32
      %dma_start3A_1652 = tpu.memref_slice %arg15[%dma_start3A_1643, %dma_start3A_1650, %dma_start3A_1651] : memref<4x32x128xf32, #tpu.memory_space<vmem>> -> memref<1x32x128xf32, #tpu.memory_space<vmem>>
      %dma_start3A_1653 = tpu.memref_squeeze %dma_start3A_1652 : memref<1x32x128xf32, #tpu.memory_space<vmem>> -> memref<32x128xf32, #tpu.memory_space<vmem>>
      %dma_start3A_1654 = arith.constant 0 : i32
      %dma_start3A_1655 = tpu.memref_slice %arg6[%dma_start3A_1654, %multiple_of3A_1629] : memref<32x1000000xf32, #tpu.memory_space<hbm>> -> memref<32x128xf32, #tpu.memory_space<hbm>>
      tpu.enqueue_dma source(%dma_start3A_1655 : memref<32x128xf32, #tpu.memory_space<hbm>>) target(%dma_start3A_1653 : memref<32x128xf32, #tpu.memory_space<vmem>>) target_semaphore(%arg24 : memref<!tpu.dma_semaphore, #tpu.memory_space<semaphore_mem>>)
      %slice3A_1656 = vector.extract_strided_slice %get3A_1573 {offsets = [6], sizes = [1], strides = [1]} : vector<16xi32> to vector<1xi32>
      %squeeze3A_1657 = vector.extract %slice3A_1656[0] : i32 from vector<1xi32>
      %slice3A_1658 = vector.extract_strided_slice %get3A_1575 {offsets = [6], sizes = [1], strides = [1]} : vector<16xi32> to vector<1xi32>
      %squeeze3A_1659 = vector.extract %slice3A_1658[0] : i32 from vector<1xi32>
      %shift_right_arithmetic3A_1660 = arith.constant 7 : i32
      %shift_right_arithmetic3A_1661 = arith.shrsi %squeeze3A_1657, %shift_right_arithmetic3A_1660 : i32
      %shift_left3A_1662 = arith.constant 7 : i32
      %shift_left3A_1663 = arith.shli %shift_right_arithmetic3A_1661, %shift_left3A_1662 : i32
      %multiple_of3A_1664 = tpu.assume_multiple %shift_left3A_1663, 128 : i32
      %shift_right_arithmetic3A_1665 = arith.constant 7 : i32
      %shift_right_arithmetic3A_1666 = arith.shrsi %squeeze3A_1659, %shift_right_arithmetic3A_1665 : i32
      %shift_left3A_1667 = arith.constant 7 : i32
      %shift_left3A_1668 = arith.shli %shift_right_arithmetic3A_1666, %shift_left3A_1667 : i32
      %multiple_of3A_1669 = tpu.assume_multiple %shift_left3A_1668, 128 : i32
      %dma_start3A_1670 = arith.constant 2 : i32
      %dma_start3A_1671 = arith.constant 0 : i32
      %dma_start3A_1672 = arith.constant 0 : i32
      %dma_start3A_1673 = tpu.memref_slice %arg13[%dma_start3A_1670, %dma_start3A_1671, %dma_start3A_1672] : memref<4x32x128xf32, #tpu.memory_space<vmem>> -> memref<1x32x128xf32, #tpu.memory_space<vmem>>
      %dma_start3A_1674 = tpu.memref_squeeze %dma_start3A_1673 : memref<1x32x128xf32, #tpu.memory_space<vmem>> -> memref<32x128xf32, #tpu.memory_space<vmem>>
      %dma_start3A_1675 = arith.constant 0 : i32
      %dma_start3A_1676 = tpu.memref_slice %arg4[%dma_start3A_1675, %multiple_of3A_1664] : memref<32x1000000xf32, #tpu.memory_space<hbm>> -> memref<32x128xf32, #tpu.memory_space<hbm>>
      %dma_start3A_1677 = arith.constant 0 : i32
      %dma_start3A_1678 = arith.constant 0 : i32
      %dma_start3A_1679 = tpu.memref_slice %arg13[%dma_start3A_1670, %dma_start3A_1677, %dma_start3A_1678] : memref<4x32x128xf32, #tpu.memory_space<vmem>> -> memref<1x32x128xf32, #tpu.memory_space<vmem>>
      %dma_start3A_1680 = tpu.memref_squeeze %dma_start3A_1679 : memref<1x32x128xf32, #tpu.memory_space<vmem>> -> memref<32x128xf32, #tpu.memory_space<vmem>>
      %dma_start3A_1681 = arith.constant 0 : i32
      %dma_start3A_1682 = tpu.memref_slice %arg4[%dma_start3A_1681, %multiple_of3A_1664] : memref<32x1000000xf32, #tpu.memory_space<hbm>> -> memref<32x128xf32, #tpu.memory_space<hbm>>
      tpu.enqueue_dma source(%dma_start3A_1682 : memref<32x128xf32, #tpu.memory_space<hbm>>) target(%dma_start3A_1680 : memref<32x128xf32, #tpu.memory_space<vmem>>) target_semaphore(%arg22 : memref<!tpu.dma_semaphore, #tpu.memory_space<semaphore_mem>>)
      %dma_start3A_1683 = arith.constant 2 : i32
      %dma_start3A_1684 = arith.constant 0 : i32
      %dma_start3A_1685 = arith.constant 0 : i32
      %dma_start3A_1686 = tpu.memref_slice %arg15[%dma_start3A_1683, %dma_start3A_1684, %dma_start3A_1685] : memref<4x32x128xf32, #tpu.memory_space<vmem>> -> memref<1x32x128xf32, #tpu.memory_space<vmem>>
      %dma_start3A_1687 = tpu.memref_squeeze %dma_start3A_1686 : memref<1x32x128xf32, #tpu.memory_space<vmem>> -> memref<32x128xf32, #tpu.memory_space<vmem>>
      %dma_start3A_1688 = arith.constant 0 : i32
      %dma_start3A_1689 = tpu.memref_slice %arg6[%dma_start3A_1688, %multiple_of3A_1669] : memref<32x1000000xf32, #tpu.memory_space<hbm>> -> memref<32x128xf32, #tpu.memory_space<hbm>>
      %dma_start3A_1690 = arith.constant 0 : i32
      %dma_start3A_1691 = arith.constant 0 : i32
      %dma_start3A_1692 = tpu.memref_slice %arg15[%dma_start3A_1683, %dma_start3A_1690, %dma_start3A_1691] : memref<4x32x128xf32, #tpu.memory_space<vmem>> -> memref<1x32x128xf32, #tpu.memory_space<vmem>>
      %dma_start3A_1693 = tpu.memref_squeeze %dma_start3A_1692 : memref<1x32x128xf32, #tpu.memory_space<vmem>> -> memref<32x128xf32, #tpu.memory_space<vmem>>
      %dma_start3A_1694 = arith.constant 0 : i32
      %dma_start3A_1695 = tpu.memref_slice %arg6[%dma_start3A_1694, %multiple_of3A_1669] : memref<32x1000000xf32, #tpu.memory_space<hbm>> -> memref<32x128xf32, #tpu.memory_space<hbm>>
      tpu.enqueue_dma source(%dma_start3A_1695 : memref<32x128xf32, #tpu.memory_space<hbm>>) target(%dma_start3A_1693 : memref<32x128xf32, #tpu.memory_space<vmem>>) target_semaphore(%arg24 : memref<!tpu.dma_semaphore, #tpu.memory_space<semaphore_mem>>)
      %slice3A_1696 = vector.extract_strided_slice %get3A_1573 {offsets = [7], sizes = [1], strides = [1]} : vector<16xi32> to vector<1xi32>
      %squeeze3A_1697 = vector.extract %slice3A_1696[0] : i32 from vector<1xi32>
      %slice3A_1698 = vector.extract_strided_slice %get3A_1575 {offsets = [7], sizes = [1], strides = [1]} : vector<16xi32> to vector<1xi32>
      %squeeze3A_1699 = vector.extract %slice3A_1698[0] : i32 from vector<1xi32>
      %shift_right_arithmetic3A_1700 = arith.constant 7 : i32
      %shift_right_arithmetic3A_1701 = arith.shrsi %squeeze3A_1697, %shift_right_arithmetic3A_1700 : i32
      %shift_left3A_1702 = arith.constant 7 : i32
      %shift_left3A_1703 = arith.shli %shift_right_arithmetic3A_1701, %shift_left3A_1702 : i32
      %multiple_of3A_1704 = tpu.assume_multiple %shift_left3A_1703, 128 : i32
      %shift_right_arithmetic3A_1705 = arith.constant 7 : i32
      %shift_right_arithmetic3A_1706 = arith.shrsi %squeeze3A_1699, %shift_right_arithmetic3A_1705 : i32
      %shift_left3A_1707 = arith.constant 7 : i32
      %shift_left3A_1708 = arith.shli %shift_right_arithmetic3A_1706, %shift_left3A_1707 : i32
      %multiple_of3A_1709 = tpu.assume_multiple %shift_left3A_1708, 128 : i32
      %dma_start3A_1710 = arith.constant 3 : i32
      %dma_start3A_1711 = arith.constant 0 : i32
      %dma_start3A_1712 = arith.constant 0 : i32
      %dma_start3A_1713 = tpu.memref_slice %arg13[%dma_start3A_1710, %dma_start3A_1711, %dma_start3A_1712] : memref<4x32x128xf32, #tpu.memory_space<vmem>> -> memref<1x32x128xf32, #tpu.memory_space<vmem>>
      %dma_start3A_1714 = tpu.memref_squeeze %dma_start3A_1713 : memref<1x32x128xf32, #tpu.memory_space<vmem>> -> memref<32x128xf32, #tpu.memory_space<vmem>>
      %dma_start3A_1715 = arith.constant 0 : i32
      %dma_start3A_1716 = tpu.memref_slice %arg4[%dma_start3A_1715, %multiple_of3A_1704] : memref<32x1000000xf32, #tpu.memory_space<hbm>> -> memref<32x128xf32, #tpu.memory_space<hbm>>
      %dma_start3A_1717 = arith.constant 0 : i32
      %dma_start3A_1718 = arith.constant 0 : i32
      %dma_start3A_1719 = tpu.memref_slice %arg13[%dma_start3A_1710, %dma_start3A_1717, %dma_start3A_1718] : memref<4x32x128xf32, #tpu.memory_space<vmem>> -> memref<1x32x128xf32, #tpu.memory_space<vmem>>
      %dma_start3A_1720 = tpu.memref_squeeze %dma_start3A_1719 : memref<1x32x128xf32, #tpu.memory_space<vmem>> -> memref<32x128xf32, #tpu.memory_space<vmem>>
      %dma_start3A_1721 = arith.constant 0 : i32
      %dma_start3A_1722 = tpu.memref_slice %arg4[%dma_start3A_1721, %multiple_of3A_1704] : memref<32x1000000xf32, #tpu.memory_space<hbm>> -> memref<32x128xf32, #tpu.memory_space<hbm>>
      tpu.enqueue_dma source(%dma_start3A_1722 : memref<32x128xf32, #tpu.memory_space<hbm>>) target(%dma_start3A_1720 : memref<32x128xf32, #tpu.memory_space<vmem>>) target_semaphore(%arg22 : memref<!tpu.dma_semaphore, #tpu.memory_space<semaphore_mem>>)
      %dma_start3A_1723 = arith.constant 3 : i32
      %dma_start3A_1724 = arith.constant 0 : i32
      %dma_start3A_1725 = arith.constant 0 : i32
      %dma_start3A_1726 = tpu.memref_slice %arg15[%dma_start3A_1723, %dma_start3A_1724, %dma_start3A_1725] : memref<4x32x128xf32, #tpu.memory_space<vmem>> -> memref<1x32x128xf32, #tpu.memory_space<vmem>>
      %dma_start3A_1727 = tpu.memref_squeeze %dma_start3A_1726 : memref<1x32x128xf32, #tpu.memory_space<vmem>> -> memref<32x128xf32, #tpu.memory_space<vmem>>
      %dma_start3A_1728 = arith.constant 0 : i32
      %dma_start3A_1729 = tpu.memref_slice %arg6[%dma_start3A_1728, %multiple_of3A_1709] : memref<32x1000000xf32, #tpu.memory_space<hbm>> -> memref<32x128xf32, #tpu.memory_space<hbm>>
      %dma_start3A_1730 = arith.constant 0 : i32
      %dma_start3A_1731 = arith.constant 0 : i32
      %dma_start3A_1732 = tpu.memref_slice %arg15[%dma_start3A_1723, %dma_start3A_1730, %dma_start3A_1731] : memref<4x32x128xf32, #tpu.memory_space<vmem>> -> memref<1x32x128xf32, #tpu.memory_space<vmem>>
      %dma_start3A_1733 = tpu.memref_squeeze %dma_start3A_1732 : memref<1x32x128xf32, #tpu.memory_space<vmem>> -> memref<32x128xf32, #tpu.memory_space<vmem>>
      %dma_start3A_1734 = arith.constant 0 : i32
      %dma_start3A_1735 = tpu.memref_slice %arg6[%dma_start3A_1734, %multiple_of3A_1709] : memref<32x1000000xf32, #tpu.memory_space<hbm>> -> memref<32x128xf32, #tpu.memory_space<hbm>>
      tpu.enqueue_dma source(%dma_start3A_1735 : memref<32x128xf32, #tpu.memory_space<hbm>>) target(%dma_start3A_1733 : memref<32x128xf32, #tpu.memory_space<vmem>>) target_semaphore(%arg24 : memref<!tpu.dma_semaphore, #tpu.memory_space<semaphore_mem>>)
      %dma_wait3A_1736 = arith.constant 0 : i32
      %dma_wait3A_1737 = arith.constant 0 : i32
      %dma_wait3A_1738 = arith.constant 0 : i32
      %dma_wait3A_1739 = tpu.memref_slice %arg12[%dma_wait3A_1736, %dma_wait3A_1737, %dma_wait3A_1738] : memref<4x32x128xf32, #tpu.memory_space<vmem>> -> memref<1x32x128xf32, #tpu.memory_space<vmem>>
      %dma_wait3A_1740 = tpu.memref_squeeze %dma_wait3A_1739 : memref<1x32x128xf32, #tpu.memory_space<vmem>> -> memref<32x128xf32, #tpu.memory_space<vmem>>
      %dma_wait3A_1741 = arith.constant 0 : i32
      %dma_wait3A_1742 = arith.constant 0 : i32
      %dma_wait3A_1743 = tpu.memref_slice %arg4[%dma_wait3A_1741, %dma_wait3A_1742] : memref<32x1000000xf32, #tpu.memory_space<hbm>> -> memref<32x128xf32, #tpu.memory_space<hbm>>
      %dma_wait3A_1744 = arith.constant 0 : i32
      %dma_wait3A_1745 = arith.constant 0 : i32
      %dma_wait3A_1746 = tpu.memref_slice %arg12[%dma_wait3A_1736, %dma_wait3A_1744, %dma_wait3A_1745] : memref<4x32x128xf32, #tpu.memory_space<vmem>> -> memref<1x32x128xf32, #tpu.memory_space<vmem>>
      %dma_wait3A_1747 = tpu.memref_squeeze %dma_wait3A_1746 : memref<1x32x128xf32, #tpu.memory_space<vmem>> -> memref<32x128xf32, #tpu.memory_space<vmem>>
      %dma_wait3A_1748 = arith.constant 0 : i32
      %dma_wait3A_1749 = arith.constant 0 : i32
      %dma_wait3A_1750 = tpu.memref_slice %arg4[%dma_wait3A_1748, %dma_wait3A_1749] : memref<32x1000000xf32, #tpu.memory_space<hbm>> -> memref<32x128xf32, #tpu.memory_space<hbm>>
      tpu.wait_dma2 semaphore(%arg21 : memref<!tpu.dma_semaphore, #tpu.memory_space<semaphore_mem>>) src(%dma_wait3A_1750 : memref<32x128xf32, #tpu.memory_space<hbm>>) dst(%dma_wait3A_1747 : memref<32x128xf32, #tpu.memory_space<vmem>>)
      %dma_wait3A_1751 = arith.constant 0 : i32
      %dma_wait3A_1752 = arith.constant 0 : i32
      %dma_wait3A_1753 = arith.constant 0 : i32
      %dma_wait3A_1754 = tpu.memref_slice %arg14[%dma_wait3A_1751, %dma_wait3A_1752, %dma_wait3A_1753] : memref<4x32x128xf32, #tpu.memory_space<vmem>> -> memref<1x32x128xf32, #tpu.memory_space<vmem>>
      %dma_wait3A_1755 = tpu.memref_squeeze %dma_wait3A_1754 : memref<1x32x128xf32, #tpu.memory_space<vmem>> -> memref<32x128xf32, #tpu.memory_space<vmem>>
      %dma_wait3A_1756 = arith.constant 0 : i32
      %dma_wait3A_1757 = arith.constant 0 : i32
      %dma_wait3A_1758 = tpu.memref_slice %arg6[%dma_wait3A_1756, %dma_wait3A_1757] : memref<32x1000000xf32, #tpu.memory_space<hbm>> -> memref<32x128xf32, #tpu.memory_space<hbm>>
      %dma_wait3A_1759 = arith.constant 0 : i32
      %dma_wait3A_1760 = arith.constant 0 : i32
      %dma_wait3A_1761 = tpu.memref_slice %arg14[%dma_wait3A_1751, %dma_wait3A_1759, %dma_wait3A_1760] : memref<4x32x128xf32, #tpu.memory_space<vmem>> -> memref<1x32x128xf32, #tpu.memory_space<vmem>>
      %dma_wait3A_1762 = tpu.memref_squeeze %dma_wait3A_1761 : memref<1x32x128xf32, #tpu.memory_space<vmem>> -> memref<32x128xf32, #tpu.memory_space<vmem>>
      %dma_wait3A_1763 = arith.constant 0 : i32
      %dma_wait3A_1764 = arith.constant 0 : i32
      %dma_wait3A_1765 = tpu.memref_slice %arg6[%dma_wait3A_1763, %dma_wait3A_1764] : memref<32x1000000xf32, #tpu.memory_space<hbm>> -> memref<32x128xf32, #tpu.memory_space<hbm>>
      tpu.wait_dma2 semaphore(%arg23 : memref<!tpu.dma_semaphore, #tpu.memory_space<semaphore_mem>>) src(%dma_wait3A_1765 : memref<32x128xf32, #tpu.memory_space<hbm>>) dst(%dma_wait3A_1762 : memref<32x128xf32, #tpu.memory_space<vmem>>)
      %dma_wait3A_1766 = arith.constant 1 : i32
      %dma_wait3A_1767 = arith.constant 0 : i32
      %dma_wait3A_1768 = arith.constant 0 : i32
      %dma_wait3A_1769 = tpu.memref_slice %arg12[%dma_wait3A_1766, %dma_wait3A_1767, %dma_wait3A_1768] : memref<4x32x128xf32, #tpu.memory_space<vmem>> -> memref<1x32x128xf32, #tpu.memory_space<vmem>>
      %dma_wait3A_1770 = tpu.memref_squeeze %dma_wait3A_1769 : memref<1x32x128xf32, #tpu.memory_space<vmem>> -> memref<32x128xf32, #tpu.memory_space<vmem>>
      %dma_wait3A_1771 = arith.constant 0 : i32
      %dma_wait3A_1772 = arith.constant 0 : i32
      %dma_wait3A_1773 = tpu.memref_slice %arg4[%dma_wait3A_1771, %dma_wait3A_1772] : memref<32x1000000xf32, #tpu.memory_space<hbm>> -> memref<32x128xf32, #tpu.memory_space<hbm>>
      %dma_wait3A_1774 = arith.constant 0 : i32
      %dma_wait3A_1775 = arith.constant 0 : i32
      %dma_wait3A_1776 = tpu.memref_slice %arg12[%dma_wait3A_1766, %dma_wait3A_1774, %dma_wait3A_1775] : memref<4x32x128xf32, #tpu.memory_space<vmem>> -> memref<1x32x128xf32, #tpu.memory_space<vmem>>
      %dma_wait3A_1777 = tpu.memref_squeeze %dma_wait3A_1776 : memref<1x32x128xf32, #tpu.memory_space<vmem>> -> memref<32x128xf32, #tpu.memory_space<vmem>>
      %dma_wait3A_1778 = arith.constant 0 : i32
      %dma_wait3A_1779 = arith.constant 0 : i32
      %dma_wait3A_1780 = tpu.memref_slice %arg4[%dma_wait3A_1778, %dma_wait3A_1779] : memref<32x1000000xf32, #tpu.memory_space<hbm>> -> memref<32x128xf32, #tpu.memory_space<hbm>>
      tpu.wait_dma2 semaphore(%arg21 : memref<!tpu.dma_semaphore, #tpu.memory_space<semaphore_mem>>) src(%dma_wait3A_1780 : memref<32x128xf32, #tpu.memory_space<hbm>>) dst(%dma_wait3A_1777 : memref<32x128xf32, #tpu.memory_space<vmem>>)
      %dma_wait3A_1781 = arith.constant 1 : i32
      %dma_wait3A_1782 = arith.constant 0 : i32
      %dma_wait3A_1783 = arith.constant 0 : i32
      %dma_wait3A_1784 = tpu.memref_slice %arg14[%dma_wait3A_1781, %dma_wait3A_1782, %dma_wait3A_1783] : memref<4x32x128xf32, #tpu.memory_space<vmem>> -> memref<1x32x128xf32, #tpu.memory_space<vmem>>
      %dma_wait3A_1785 = tpu.memref_squeeze %dma_wait3A_1784 : memref<1x32x128xf32, #tpu.memory_space<vmem>> -> memref<32x128xf32, #tpu.memory_space<vmem>>
      %dma_wait3A_1786 = arith.constant 0 : i32
      %dma_wait3A_1787 = arith.constant 0 : i32
      %dma_wait3A_1788 = tpu.memref_slice %arg6[%dma_wait3A_1786, %dma_wait3A_1787] : memref<32x1000000xf32, #tpu.memory_space<hbm>> -> memref<32x128xf32, #tpu.memory_space<hbm>>
      %dma_wait3A_1789 = arith.constant 0 : i32
      %dma_wait3A_1790 = arith.constant 0 : i32
      %dma_wait3A_1791 = tpu.memref_slice %arg14[%dma_wait3A_1781, %dma_wait3A_1789, %dma_wait3A_1790] : memref<4x32x128xf32, #tpu.memory_space<vmem>> -> memref<1x32x128xf32, #tpu.memory_space<vmem>>
      %dma_wait3A_1792 = tpu.memref_squeeze %dma_wait3A_1791 : memref<1x32x128xf32, #tpu.memory_space<vmem>> -> memref<32x128xf32, #tpu.memory_space<vmem>>
      %dma_wait3A_1793 = arith.constant 0 : i32
      %dma_wait3A_1794 = arith.constant 0 : i32
      %dma_wait3A_1795 = tpu.memref_slice %arg6[%dma_wait3A_1793, %dma_wait3A_1794] : memref<32x1000000xf32, #tpu.memory_space<hbm>> -> memref<32x128xf32, #tpu.memory_space<hbm>>
      tpu.wait_dma2 semaphore(%arg23 : memref<!tpu.dma_semaphore, #tpu.memory_space<semaphore_mem>>) src(%dma_wait3A_1795 : memref<32x128xf32, #tpu.memory_space<hbm>>) dst(%dma_wait3A_1792 : memref<32x128xf32, #tpu.memory_space<vmem>>)
      %dma_wait3A_1796 = arith.constant 2 : i32
      %dma_wait3A_1797 = arith.constant 0 : i32
      %dma_wait3A_1798 = arith.constant 0 : i32
      %dma_wait3A_1799 = tpu.memref_slice %arg12[%dma_wait3A_1796, %dma_wait3A_1797, %dma_wait3A_1798] : memref<4x32x128xf32, #tpu.memory_space<vmem>> -> memref<1x32x128xf32, #tpu.memory_space<vmem>>
      %dma_wait3A_1800 = tpu.memref_squeeze %dma_wait3A_1799 : memref<1x32x128xf32, #tpu.memory_space<vmem>> -> memref<32x128xf32, #tpu.memory_space<vmem>>
      %dma_wait3A_1801 = arith.constant 0 : i32
      %dma_wait3A_1802 = arith.constant 0 : i32
      %dma_wait3A_1803 = tpu.memref_slice %arg4[%dma_wait3A_1801, %dma_wait3A_1802] : memref<32x1000000xf32, #tpu.memory_space<hbm>> -> memref<32x128xf32, #tpu.memory_space<hbm>>
      %dma_wait3A_1804 = arith.constant 0 : i32
      %dma_wait3A_1805 = arith.constant 0 : i32
      %dma_wait3A_1806 = tpu.memref_slice %arg12[%dma_wait3A_1796, %dma_wait3A_1804, %dma_wait3A_1805] : memref<4x32x128xf32, #tpu.memory_space<vmem>> -> memref<1x32x128xf32, #tpu.memory_space<vmem>>
      %dma_wait3A_1807 = tpu.memref_squeeze %dma_wait3A_1806 : memref<1x32x128xf32, #tpu.memory_space<vmem>> -> memref<32x128xf32, #tpu.memory_space<vmem>>
      %dma_wait3A_1808 = arith.constant 0 : i32
      %dma_wait3A_1809 = arith.constant 0 : i32
      %dma_wait3A_1810 = tpu.memref_slice %arg4[%dma_wait3A_1808, %dma_wait3A_1809] : memref<32x1000000xf32, #tpu.memory_space<hbm>> -> memref<32x128xf32, #tpu.memory_space<hbm>>
      tpu.wait_dma2 semaphore(%arg21 : memref<!tpu.dma_semaphore, #tpu.memory_space<semaphore_mem>>) src(%dma_wait3A_1810 : memref<32x128xf32, #tpu.memory_space<hbm>>) dst(%dma_wait3A_1807 : memref<32x128xf32, #tpu.memory_space<vmem>>)
      %dma_wait3A_1811 = arith.constant 2 : i32
      %dma_wait3A_1812 = arith.constant 0 : i32
      %dma_wait3A_1813 = arith.constant 0 : i32
      %dma_wait3A_1814 = tpu.memref_slice %arg14[%dma_wait3A_1811, %dma_wait3A_1812, %dma_wait3A_1813] : memref<4x32x128xf32, #tpu.memory_space<vmem>> -> memref<1x32x128xf32, #tpu.memory_space<vmem>>
      %dma_wait3A_1815 = tpu.memref_squeeze %dma_wait3A_1814 : memref<1x32x128xf32, #tpu.memory_space<vmem>> -> memref<32x128xf32, #tpu.memory_space<vmem>>
      %dma_wait3A_1816 = arith.constant 0 : i32
      %dma_wait3A_1817 = arith.constant 0 : i32
      %dma_wait3A_1818 = tpu.memref_slice %arg6[%dma_wait3A_1816, %dma_wait3A_1817] : memref<32x1000000xf32, #tpu.memory_space<hbm>> -> memref<32x128xf32, #tpu.memory_space<hbm>>
      %dma_wait3A_1819 = arith.constant 0 : i32
      %dma_wait3A_1820 = arith.constant 0 : i32
      %dma_wait3A_1821 = tpu.memref_slice %arg14[%dma_wait3A_1811, %dma_wait3A_1819, %dma_wait3A_1820] : memref<4x32x128xf32, #tpu.memory_space<vmem>> -> memref<1x32x128xf32, #tpu.memory_space<vmem>>
      %dma_wait3A_1822 = tpu.memref_squeeze %dma_wait3A_1821 : memref<1x32x128xf32, #tpu.memory_space<vmem>> -> memref<32x128xf32, #tpu.memory_space<vmem>>
      %dma_wait3A_1823 = arith.constant 0 : i32
      %dma_wait3A_1824 = arith.constant 0 : i32
      %dma_wait3A_1825 = tpu.memref_slice %arg6[%dma_wait3A_1823, %dma_wait3A_1824] : memref<32x1000000xf32, #tpu.memory_space<hbm>> -> memref<32x128xf32, #tpu.memory_space<hbm>>
      tpu.wait_dma2 semaphore(%arg23 : memref<!tpu.dma_semaphore, #tpu.memory_space<semaphore_mem>>) src(%dma_wait3A_1825 : memref<32x128xf32, #tpu.memory_space<hbm>>) dst(%dma_wait3A_1822 : memref<32x128xf32, #tpu.memory_space<vmem>>)
      %dma_wait3A_1826 = arith.constant 3 : i32
      %dma_wait3A_1827 = arith.constant 0 : i32
      %dma_wait3A_1828 = arith.constant 0 : i32
      %dma_wait3A_1829 = tpu.memref_slice %arg12[%dma_wait3A_1826, %dma_wait3A_1827, %dma_wait3A_1828] : memref<4x32x128xf32, #tpu.memory_space<vmem>> -> memref<1x32x128xf32, #tpu.memory_space<vmem>>
      %dma_wait3A_1830 = tpu.memref_squeeze %dma_wait3A_1829 : memref<1x32x128xf32, #tpu.memory_space<vmem>> -> memref<32x128xf32, #tpu.memory_space<vmem>>
      %dma_wait3A_1831 = arith.constant 0 : i32
      %dma_wait3A_1832 = arith.constant 0 : i32
      %dma_wait3A_1833 = tpu.memref_slice %arg4[%dma_wait3A_1831, %dma_wait3A_1832] : memref<32x1000000xf32, #tpu.memory_space<hbm>> -> memref<32x128xf32, #tpu.memory_space<hbm>>
      %dma_wait3A_1834 = arith.constant 0 : i32
      %dma_wait3A_1835 = arith.constant 0 : i32
      %dma_wait3A_1836 = tpu.memref_slice %arg12[%dma_wait3A_1826, %dma_wait3A_1834, %dma_wait3A_1835] : memref<4x32x128xf32, #tpu.memory_space<vmem>> -> memref<1x32x128xf32, #tpu.memory_space<vmem>>
      %dma_wait3A_1837 = tpu.memref_squeeze %dma_wait3A_1836 : memref<1x32x128xf32, #tpu.memory_space<vmem>> -> memref<32x128xf32, #tpu.memory_space<vmem>>
      %dma_wait3A_1838 = arith.constant 0 : i32
      %dma_wait3A_1839 = arith.constant 0 : i32
      %dma_wait3A_1840 = tpu.memref_slice %arg4[%dma_wait3A_1838, %dma_wait3A_1839] : memref<32x1000000xf32, #tpu.memory_space<hbm>> -> memref<32x128xf32, #tpu.memory_space<hbm>>
      tpu.wait_dma2 semaphore(%arg21 : memref<!tpu.dma_semaphore, #tpu.memory_space<semaphore_mem>>) src(%dma_wait3A_1840 : memref<32x128xf32, #tpu.memory_space<hbm>>) dst(%dma_wait3A_1837 : memref<32x128xf32, #tpu.memory_space<vmem>>)
      %dma_wait3A_1841 = arith.constant 3 : i32
      %dma_wait3A_1842 = arith.constant 0 : i32
      %dma_wait3A_1843 = arith.constant 0 : i32
      %dma_wait3A_1844 = tpu.memref_slice %arg14[%dma_wait3A_1841, %dma_wait3A_1842, %dma_wait3A_1843] : memref<4x32x128xf32, #tpu.memory_space<vmem>> -> memref<1x32x128xf32, #tpu.memory_space<vmem>>
      %dma_wait3A_1845 = tpu.memref_squeeze %dma_wait3A_1844 : memref<1x32x128xf32, #tpu.memory_space<vmem>> -> memref<32x128xf32, #tpu.memory_space<vmem>>
      %dma_wait3A_1846 = arith.constant 0 : i32
      %dma_wait3A_1847 = arith.constant 0 : i32
      %dma_wait3A_1848 = tpu.memref_slice %arg6[%dma_wait3A_1846, %dma_wait3A_1847] : memref<32x1000000xf32, #tpu.memory_space<hbm>> -> memref<32x128xf32, #tpu.memory_space<hbm>>
      %dma_wait3A_1849 = arith.constant 0 : i32
      %dma_wait3A_1850 = arith.constant 0 : i32
      %dma_wait3A_1851 = tpu.memref_slice %arg14[%dma_wait3A_1841, %dma_wait3A_1849, %dma_wait3A_1850] : memref<4x32x128xf32, #tpu.memory_space<vmem>> -> memref<1x32x128xf32, #tpu.memory_space<vmem>>
      %dma_wait3A_1852 = tpu.memref_squeeze %dma_wait3A_1851 : memref<1x32x128xf32, #tpu.memory_space<vmem>> -> memref<32x128xf32, #tpu.memory_space<vmem>>
      %dma_wait3A_1853 = arith.constant 0 : i32
      %dma_wait3A_1854 = arith.constant 0 : i32
      %dma_wait3A_1855 = tpu.memref_slice %arg6[%dma_wait3A_1853, %dma_wait3A_1854] : memref<32x1000000xf32, #tpu.memory_space<hbm>> -> memref<32x128xf32, #tpu.memory_space<hbm>>
      tpu.wait_dma2 semaphore(%arg23 : memref<!tpu.dma_semaphore, #tpu.memory_space<semaphore_mem>>) src(%dma_wait3A_1855 : memref<32x128xf32, #tpu.memory_space<hbm>>) dst(%dma_wait3A_1852 : memref<32x128xf32, #tpu.memory_space<vmem>>)
      %slice3A_1856 = vector.extract_strided_slice %get3A_1573 {offsets = [0], sizes = [1], strides = [1]} : vector<16xi32> to vector<1xi32>
      %squeeze3A_1857 = vector.extract %slice3A_1856[0] : i32 from vector<1xi32>
      %and3A_1858 = arith.constant 127 : i32
      %and3A_1859 = arith.andi %squeeze3A_1857, %and3A_1858 : i32
      %broadcast_in_dim3A_1860 = vector.broadcast %and3A_1859 : i32 to vector<16xi32>
      %slice3A_1861 = vector.extract_strided_slice %get3A_1575 {offsets = [0], sizes = [1], strides = [1]} : vector<16xi32> to vector<1xi32>
      %squeeze3A_1862 = vector.extract %slice3A_1861[0] : i32 from vector<1xi32>
      %and3A_1863 = arith.constant 127 : i32
      %and3A_1864 = arith.andi %squeeze3A_1862, %and3A_1863 : i32
      %broadcast_in_dim3A_1865 = vector.broadcast %and3A_1864 : i32 to vector<16xi32>
      %broadcast_in_dim3A_1866 = arith.constant 0 : i32
      %broadcast_in_dim3A_1867 = vector.broadcast %broadcast_in_dim3A_1866 : i32 to vector<16xi32>
      %gather3A_1868 = tpu.vector_load_idx %arg12[%broadcast_in_dim3A_1867, %iota3A, %broadcast_in_dim3A_1860] : memref<4x32x128xf32, #tpu.memory_space<vmem>>[vector<16xi32>, vector<16xi32>, vector<16xi32>], vector<16xf32>,
      %gather3A_1869 = tpu.vector_load_idx %arg12[%broadcast_in_dim3A_1867, %add3A_11, %broadcast_in_dim3A_1860] : memref<4x32x128xf32, #tpu.memory_space<vmem>>[vector<16xi32>, vector<16xi32>, vector<16xi32>], vector<16xf32>,
      %gather3A_1870 = tpu.vector_load_idx %arg14[%broadcast_in_dim3A_1867, %iota3A, %broadcast_in_dim3A_1865] : memref<4x32x128xf32, #tpu.memory_space<vmem>>[vector<16xi32>, vector<16xi32>, vector<16xi32>], vector<16xf32>,
      %gather3A_1871 = tpu.vector_load_idx %arg14[%broadcast_in_dim3A_1867, %add3A_11, %broadcast_in_dim3A_1865] : memref<4x32x128xf32, #tpu.memory_space<vmem>>[vector<16xi32>, vector<16xi32>, vector<16xi32>], vector<16xf32>,
      %mul3A_1872 = arith.mulf %gather3A_1868, %gather3A_1870 : vector<16xf32>
      %mul3A_1873 = arith.mulf %gather3A_1869, %gather3A_1871 : vector<16xf32>
      %add3A_1874 = arith.addf %mul3A_1872, %mul3A_1873 : vector<16xf32>
      %swap3A_1875 = arith.constant 0 : index
      %swap3A_1876 = tpu.vector_load %arg16[%swap3A_1875] {strides = array<i32>} : memref<256xf32, #tpu.memory_space<vmem>>, vector<16xf32>,
      tpu.vector_store %arg16[%swap3A_1875], %add3A_1874 {strides = array<i32>} : memref<256xf32, #tpu.memory_space<vmem>>, vector<16xf32>,
      %slice3A_1877 = vector.extract_strided_slice %get3A_1573 {offsets = [1], sizes = [1], strides = [1]} : vector<16xi32> to vector<1xi32>
      %squeeze3A_1878 = vector.extract %slice3A_1877[0] : i32 from vector<1xi32>
      %and3A_1879 = arith.constant 127 : i32
      %and3A_1880 = arith.andi %squeeze3A_1878, %and3A_1879 : i32
      %broadcast_in_dim3A_1881 = vector.broadcast %and3A_1880 : i32 to vector<16xi32>
      %slice3A_1882 = vector.extract_strided_slice %get3A_1575 {offsets = [1], sizes = [1], strides = [1]} : vector<16xi32> to vector<1xi32>
      %squeeze3A_1883 = vector.extract %slice3A_1882[0] : i32 from vector<1xi32>
      %and3A_1884 = arith.constant 127 : i32
      %and3A_1885 = arith.andi %squeeze3A_1883, %and3A_1884 : i32
      %broadcast_in_dim3A_1886 = vector.broadcast %and3A_1885 : i32 to vector<16xi32>
      %broadcast_in_dim3A_1887 = arith.constant 1 : i32
      %broadcast_in_dim3A_1888 = vector.broadcast %broadcast_in_dim3A_1887 : i32 to vector<16xi32>
      %gather3A_1889 = tpu.vector_load_idx %arg12[%broadcast_in_dim3A_1888, %iota3A, %broadcast_in_dim3A_1881] : memref<4x32x128xf32, #tpu.memory_space<vmem>>[vector<16xi32>, vector<16xi32>, vector<16xi32>], vector<16xf32>,
      %gather3A_1890 = tpu.vector_load_idx %arg12[%broadcast_in_dim3A_1888, %add3A_11, %broadcast_in_dim3A_1881] : memref<4x32x128xf32, #tpu.memory_space<vmem>>[vector<16xi32>, vector<16xi32>, vector<16xi32>], vector<16xf32>,
      %gather3A_1891 = tpu.vector_load_idx %arg14[%broadcast_in_dim3A_1888, %iota3A, %broadcast_in_dim3A_1886] : memref<4x32x128xf32, #tpu.memory_space<vmem>>[vector<16xi32>, vector<16xi32>, vector<16xi32>], vector<16xf32>,
      %gather3A_1892 = tpu.vector_load_idx %arg14[%broadcast_in_dim3A_1888, %add3A_11, %broadcast_in_dim3A_1886] : memref<4x32x128xf32, #tpu.memory_space<vmem>>[vector<16xi32>, vector<16xi32>, vector<16xi32>], vector<16xf32>,
      %mul3A_1893 = arith.mulf %gather3A_1889, %gather3A_1891 : vector<16xf32>
      %mul3A_1894 = arith.mulf %gather3A_1890, %gather3A_1892 : vector<16xf32>
      %add3A_1895 = arith.addf %mul3A_1893, %mul3A_1894 : vector<16xf32>
      %swap3A_1896 = arith.constant 16 : index
      %swap3A_1897 = tpu.vector_load %arg16[%swap3A_1896] {strides = array<i32>} : memref<256xf32, #tpu.memory_space<vmem>>, vector<16xf32>,
      tpu.vector_store %arg16[%swap3A_1896], %add3A_1895 {strides = array<i32>} : memref<256xf32, #tpu.memory_space<vmem>>, vector<16xf32>,
      %slice3A_1898 = vector.extract_strided_slice %get3A_1573 {offsets = [2], sizes = [1], strides = [1]} : vector<16xi32> to vector<1xi32>
      %squeeze3A_1899 = vector.extract %slice3A_1898[0] : i32 from vector<1xi32>
      %and3A_1900 = arith.constant 127 : i32
      %and3A_1901 = arith.andi %squeeze3A_1899, %and3A_1900 : i32
      %broadcast_in_dim3A_1902 = vector.broadcast %and3A_1901 : i32 to vector<16xi32>
      %slice3A_1903 = vector.extract_strided_slice %get3A_1575 {offsets = [2], sizes = [1], strides = [1]} : vector<16xi32> to vector<1xi32>
      %squeeze3A_1904 = vector.extract %slice3A_1903[0] : i32 from vector<1xi32>
      %and3A_1905 = arith.constant 127 : i32
      %and3A_1906 = arith.andi %squeeze3A_1904, %and3A_1905 : i32
      %broadcast_in_dim3A_1907 = vector.broadcast %and3A_1906 : i32 to vector<16xi32>
      %broadcast_in_dim3A_1908 = arith.constant 2 : i32
      %broadcast_in_dim3A_1909 = vector.broadcast %broadcast_in_dim3A_1908 : i32 to vector<16xi32>
      %gather3A_1910 = tpu.vector_load_idx %arg12[%broadcast_in_dim3A_1909, %iota3A, %broadcast_in_dim3A_1902] : memref<4x32x128xf32, #tpu.memory_space<vmem>>[vector<16xi32>, vector<16xi32>, vector<16xi32>], vector<16xf32>,
      %gather3A_1911 = tpu.vector_load_idx %arg12[%broadcast_in_dim3A_1909, %add3A_11, %broadcast_in_dim3A_1902] : memref<4x32x128xf32, #tpu.memory_space<vmem>>[vector<16xi32>, vector<16xi32>, vector<16xi32>], vector<16xf32>,
      %gather3A_1912 = tpu.vector_load_idx %arg14[%broadcast_in_dim3A_1909, %iota3A, %broadcast_in_dim3A_1907] : memref<4x32x128xf32, #tpu.memory_space<vmem>>[vector<16xi32>, vector<16xi32>, vector<16xi32>], vector<16xf32>,
      %gather3A_1913 = tpu.vector_load_idx %arg14[%broadcast_in_dim3A_1909, %add3A_11, %broadcast_in_dim3A_1907] : memref<4x32x128xf32, #tpu.memory_space<vmem>>[vector<16xi32>, vector<16xi32>, vector<16xi32>], vector<16xf32>,
      %mul3A_1914 = arith.mulf %gather3A_1910, %gather3A_1912 : vector<16xf32>
      %mul3A_1915 = arith.mulf %gather3A_1911, %gather3A_1913 : vector<16xf32>
      %add3A_1916 = arith.addf %mul3A_1914, %mul3A_1915 : vector<16xf32>
      %swap3A_1917 = arith.constant 32 : index
      %swap3A_1918 = tpu.vector_load %arg16[%swap3A_1917] {strides = array<i32>} : memref<256xf32, #tpu.memory_space<vmem>>, vector<16xf32>,
      tpu.vector_store %arg16[%swap3A_1917], %add3A_1916 {strides = array<i32>} : memref<256xf32, #tpu.memory_space<vmem>>, vector<16xf32>,
      %slice3A_1919 = vector.extract_strided_slice %get3A_1573 {offsets = [3], sizes = [1], strides = [1]} : vector<16xi32> to vector<1xi32>
      %squeeze3A_1920 = vector.extract %slice3A_1919[0] : i32 from vector<1xi32>
      %and3A_1921 = arith.constant 127 : i32
      %and3A_1922 = arith.andi %squeeze3A_1920, %and3A_1921 : i32
      %broadcast_in_dim3A_1923 = vector.broadcast %and3A_1922 : i32 to vector<16xi32>
      %slice3A_1924 = vector.extract_strided_slice %get3A_1575 {offsets = [3], sizes = [1], strides = [1]} : vector<16xi32> to vector<1xi32>
      %squeeze3A_1925 = vector.extract %slice3A_1924[0] : i32 from vector<1xi32>
      %and3A_1926 = arith.constant 127 : i32
      %and3A_1927 = arith.andi %squeeze3A_1925, %and3A_1926 : i32
      %broadcast_in_dim3A_1928 = vector.broadcast %and3A_1927 : i32 to vector<16xi32>
      %broadcast_in_dim3A_1929 = arith.constant 3 : i32
      %broadcast_in_dim3A_1930 = vector.broadcast %broadcast_in_dim3A_1929 : i32 to vector<16xi32>
      %gather3A_1931 = tpu.vector_load_idx %arg12[%broadcast_in_dim3A_1930, %iota3A, %broadcast_in_dim3A_1923] : memref<4x32x128xf32, #tpu.memory_space<vmem>>[vector<16xi32>, vector<16xi32>, vector<16xi32>], vector<16xf32>,
      %gather3A_1932 = tpu.vector_load_idx %arg12[%broadcast_in_dim3A_1930, %add3A_11, %broadcast_in_dim3A_1923] : memref<4x32x128xf32, #tpu.memory_space<vmem>>[vector<16xi32>, vector<16xi32>, vector<16xi32>], vector<16xf32>,
      %gather3A_1933 = tpu.vector_load_idx %arg14[%broadcast_in_dim3A_1930, %iota3A, %broadcast_in_dim3A_1928] : memref<4x32x128xf32, #tpu.memory_space<vmem>>[vector<16xi32>, vector<16xi32>, vector<16xi32>], vector<16xf32>,
      %gather3A_1934 = tpu.vector_load_idx %arg14[%broadcast_in_dim3A_1930, %add3A_11, %broadcast_in_dim3A_1928] : memref<4x32x128xf32, #tpu.memory_space<vmem>>[vector<16xi32>, vector<16xi32>, vector<16xi32>], vector<16xf32>,
      %mul3A_1935 = arith.mulf %gather3A_1931, %gather3A_1933 : vector<16xf32>
      %mul3A_1936 = arith.mulf %gather3A_1932, %gather3A_1934 : vector<16xf32>
      %add3A_1937 = arith.addf %mul3A_1935, %mul3A_1936 : vector<16xf32>
      %swap3A_1938 = arith.constant 48 : index
      %swap3A_1939 = tpu.vector_load %arg16[%swap3A_1938] {strides = array<i32>} : memref<256xf32, #tpu.memory_space<vmem>>, vector<16xf32>,
      tpu.vector_store %arg16[%swap3A_1938], %add3A_1937 {strides = array<i32>} : memref<256xf32, #tpu.memory_space<vmem>>, vector<16xf32>,
      %slice3A_1940 = vector.extract_strided_slice %get3A_1573 {offsets = [8], sizes = [1], strides = [1]} : vector<16xi32> to vector<1xi32>
      %squeeze3A_1941 = vector.extract %slice3A_1940[0] : i32 from vector<1xi32>
      %slice3A_1942 = vector.extract_strided_slice %get3A_1575 {offsets = [8], sizes = [1], strides = [1]} : vector<16xi32> to vector<1xi32>
      %squeeze3A_1943 = vector.extract %slice3A_1942[0] : i32 from vector<1xi32>
      %shift_right_arithmetic3A_1944 = arith.constant 7 : i32
      %shift_right_arithmetic3A_1945 = arith.shrsi %squeeze3A_1941, %shift_right_arithmetic3A_1944 : i32
      %shift_left3A_1946 = arith.constant 7 : i32
      %shift_left3A_1947 = arith.shli %shift_right_arithmetic3A_1945, %shift_left3A_1946 : i32
      %multiple_of3A_1948 = tpu.assume_multiple %shift_left3A_1947, 128 : i32
      %shift_right_arithmetic3A_1949 = arith.constant 7 : i32
      %shift_right_arithmetic3A_1950 = arith.shrsi %squeeze3A_1943, %shift_right_arithmetic3A_1949 : i32
      %shift_left3A_1951 = arith.constant 7 : i32
      %shift_left3A_1952 = arith.shli %shift_right_arithmetic3A_1950, %shift_left3A_1951 : i32
      %multiple_of3A_1953 = tpu.assume_multiple %shift_left3A_1952, 128 : i32
      %dma_start3A_1954 = arith.constant 0 : i32
      %dma_start3A_1955 = arith.constant 0 : i32
      %dma_start3A_1956 = arith.constant 0 : i32
      %dma_start3A_1957 = tpu.memref_slice %arg12[%dma_start3A_1954, %dma_start3A_1955, %dma_start3A_1956] : memref<4x32x128xf32, #tpu.memory_space<vmem>> -> memref<1x32x128xf32, #tpu.memory_space<vmem>>
      %dma_start3A_1958 = tpu.memref_squeeze %dma_start3A_1957 : memref<1x32x128xf32, #tpu.memory_space<vmem>> -> memref<32x128xf32, #tpu.memory_space<vmem>>
      %dma_start3A_1959 = arith.constant 0 : i32
      %dma_start3A_1960 = tpu.memref_slice %arg4[%dma_start3A_1959, %multiple_of3A_1948] : memref<32x1000000xf32, #tpu.memory_space<hbm>> -> memref<32x128xf32, #tpu.memory_space<hbm>>
      %dma_start3A_1961 = arith.constant 0 : i32
      %dma_start3A_1962 = arith.constant 0 : i32
      %dma_start3A_1963 = tpu.memref_slice %arg12[%dma_start3A_1954, %dma_start3A_1961, %dma_start3A_1962] : memref<4x32x128xf32, #tpu.memory_space<vmem>> -> memref<1x32x128xf32, #tpu.memory_space<vmem>>
      %dma_start3A_1964 = tpu.memref_squeeze %dma_start3A_1963 : memref<1x32x128xf32, #tpu.memory_space<vmem>> -> memref<32x128xf32, #tpu.memory_space<vmem>>
      %dma_start3A_1965 = arith.constant 0 : i32
      %dma_start3A_1966 = tpu.memref_slice %arg4[%dma_start3A_1965, %multiple_of3A_1948] : memref<32x1000000xf32, #tpu.memory_space<hbm>> -> memref<32x128xf32, #tpu.memory_space<hbm>>
      tpu.enqueue_dma source(%dma_start3A_1966 : memref<32x128xf32, #tpu.memory_space<hbm>>) target(%dma_start3A_1964 : memref<32x128xf32, #tpu.memory_space<vmem>>) target_semaphore(%arg21 : memref<!tpu.dma_semaphore, #tpu.memory_space<semaphore_mem>>)
      %dma_start3A_1967 = arith.constant 0 : i32
      %dma_start3A_1968 = arith.constant 0 : i32
      %dma_start3A_1969 = arith.constant 0 : i32
      %dma_start3A_1970 = tpu.memref_slice %arg14[%dma_start3A_1967, %dma_start3A_1968, %dma_start3A_1969] : memref<4x32x128xf32, #tpu.memory_space<vmem>> -> memref<1x32x128xf32, #tpu.memory_space<vmem>>
      %dma_start3A_1971 = tpu.memref_squeeze %dma_start3A_1970 : memref<1x32x128xf32, #tpu.memory_space<vmem>> -> memref<32x128xf32, #tpu.memory_space<vmem>>
      %dma_start3A_1972 = arith.constant 0 : i32
      %dma_start3A_1973 = tpu.memref_slice %arg6[%dma_start3A_1972, %multiple_of3A_1953] : memref<32x1000000xf32, #tpu.memory_space<hbm>> -> memref<32x128xf32, #tpu.memory_space<hbm>>
      %dma_start3A_1974 = arith.constant 0 : i32
      %dma_start3A_1975 = arith.constant 0 : i32
      %dma_start3A_1976 = tpu.memref_slice %arg14[%dma_start3A_1967, %dma_start3A_1974, %dma_start3A_1975] : memref<4x32x128xf32, #tpu.memory_space<vmem>> -> memref<1x32x128xf32, #tpu.memory_space<vmem>>
      %dma_start3A_1977 = tpu.memref_squeeze %dma_start3A_1976 : memref<1x32x128xf32, #tpu.memory_space<vmem>> -> memref<32x128xf32, #tpu.memory_space<vmem>>
      %dma_start3A_1978 = arith.constant 0 : i32
      %dma_start3A_1979 = tpu.memref_slice %arg6[%dma_start3A_1978, %multiple_of3A_1953] : memref<32x1000000xf32, #tpu.memory_space<hbm>> -> memref<32x128xf32, #tpu.memory_space<hbm>>
      tpu.enqueue_dma source(%dma_start3A_1979 : memref<32x128xf32, #tpu.memory_space<hbm>>) target(%dma_start3A_1977 : memref<32x128xf32, #tpu.memory_space<vmem>>) target_semaphore(%arg23 : memref<!tpu.dma_semaphore, #tpu.memory_space<semaphore_mem>>)
      %slice3A_1980 = vector.extract_strided_slice %get3A_1573 {offsets = [9], sizes = [1], strides = [1]} : vector<16xi32> to vector<1xi32>
      %squeeze3A_1981 = vector.extract %slice3A_1980[0] : i32 from vector<1xi32>
      %slice3A_1982 = vector.extract_strided_slice %get3A_1575 {offsets = [9], sizes = [1], strides = [1]} : vector<16xi32> to vector<1xi32>
      %squeeze3A_1983 = vector.extract %slice3A_1982[0] : i32 from vector<1xi32>
      %shift_right_arithmetic3A_1984 = arith.constant 7 : i32
      %shift_right_arithmetic3A_1985 = arith.shrsi %squeeze3A_1981, %shift_right_arithmetic3A_1984 : i32
      %shift_left3A_1986 = arith.constant 7 : i32
      %shift_left3A_1987 = arith.shli %shift_right_arithmetic3A_1985, %shift_left3A_1986 : i32
      %multiple_of3A_1988 = tpu.assume_multiple %shift_left3A_1987, 128 : i32
      %shift_right_arithmetic3A_1989 = arith.constant 7 : i32
      %shift_right_arithmetic3A_1990 = arith.shrsi %squeeze3A_1983, %shift_right_arithmetic3A_1989 : i32
      %shift_left3A_1991 = arith.constant 7 : i32
      %shift_left3A_1992 = arith.shli %shift_right_arithmetic3A_1990, %shift_left3A_1991 : i32
      %multiple_of3A_1993 = tpu.assume_multiple %shift_left3A_1992, 128 : i32
      %dma_start3A_1994 = arith.constant 1 : i32
      %dma_start3A_1995 = arith.constant 0 : i32
      %dma_start3A_1996 = arith.constant 0 : i32
      %dma_start3A_1997 = tpu.memref_slice %arg12[%dma_start3A_1994, %dma_start3A_1995, %dma_start3A_1996] : memref<4x32x128xf32, #tpu.memory_space<vmem>> -> memref<1x32x128xf32, #tpu.memory_space<vmem>>
      %dma_start3A_1998 = tpu.memref_squeeze %dma_start3A_1997 : memref<1x32x128xf32, #tpu.memory_space<vmem>> -> memref<32x128xf32, #tpu.memory_space<vmem>>
      %dma_start3A_1999 = arith.constant 0 : i32
      %dma_start3A_2000 = tpu.memref_slice %arg4[%dma_start3A_1999, %multiple_of3A_1988] : memref<32x1000000xf32, #tpu.memory_space<hbm>> -> memref<32x128xf32, #tpu.memory_space<hbm>>
      %dma_start3A_2001 = arith.constant 0 : i32
      %dma_start3A_2002 = arith.constant 0 : i32
      %dma_start3A_2003 = tpu.memref_slice %arg12[%dma_start3A_1994, %dma_start3A_2001, %dma_start3A_2002] : memref<4x32x128xf32, #tpu.memory_space<vmem>> -> memref<1x32x128xf32, #tpu.memory_space<vmem>>
      %dma_start3A_2004 = tpu.memref_squeeze %dma_start3A_2003 : memref<1x32x128xf32, #tpu.memory_space<vmem>> -> memref<32x128xf32, #tpu.memory_space<vmem>>
      %dma_start3A_2005 = arith.constant 0 : i32
      %dma_start3A_2006 = tpu.memref_slice %arg4[%dma_start3A_2005, %multiple_of3A_1988] : memref<32x1000000xf32, #tpu.memory_space<hbm>> -> memref<32x128xf32, #tpu.memory_space<hbm>>
      tpu.enqueue_dma source(%dma_start3A_2006 : memref<32x128xf32, #tpu.memory_space<hbm>>) target(%dma_start3A_2004 : memref<32x128xf32, #tpu.memory_space<vmem>>) target_semaphore(%arg21 : memref<!tpu.dma_semaphore, #tpu.memory_space<semaphore_mem>>)
      %dma_start3A_2007 = arith.constant 1 : i32
      %dma_start3A_2008 = arith.constant 0 : i32
      %dma_start3A_2009 = arith.constant 0 : i32
      %dma_start3A_2010 = tpu.memref_slice %arg14[%dma_start3A_2007, %dma_start3A_2008, %dma_start3A_2009] : memref<4x32x128xf32, #tpu.memory_space<vmem>> -> memref<1x32x128xf32, #tpu.memory_space<vmem>>
      %dma_start3A_2011 = tpu.memref_squeeze %dma_start3A_2010 : memref<1x32x128xf32, #tpu.memory_space<vmem>> -> memref<32x128xf32, #tpu.memory_space<vmem>>
      %dma_start3A_2012 = arith.constant 0 : i32
      %dma_start3A_2013 = tpu.memref_slice %arg6[%dma_start3A_2012, %multiple_of3A_1993] : memref<32x1000000xf32, #tpu.memory_space<hbm>> -> memref<32x128xf32, #tpu.memory_space<hbm>>
      %dma_start3A_2014 = arith.constant 0 : i32
      %dma_start3A_2015 = arith.constant 0 : i32
      %dma_start3A_2016 = tpu.memref_slice %arg14[%dma_start3A_2007, %dma_start3A_2014, %dma_start3A_2015] : memref<4x32x128xf32, #tpu.memory_space<vmem>> -> memref<1x32x128xf32, #tpu.memory_space<vmem>>
      %dma_start3A_2017 = tpu.memref_squeeze %dma_start3A_2016 : memref<1x32x128xf32, #tpu.memory_space<vmem>> -> memref<32x128xf32, #tpu.memory_space<vmem>>
      %dma_start3A_2018 = arith.constant 0 : i32
      %dma_start3A_2019 = tpu.memref_slice %arg6[%dma_start3A_2018, %multiple_of3A_1993] : memref<32x1000000xf32, #tpu.memory_space<hbm>> -> memref<32x128xf32, #tpu.memory_space<hbm>>
      tpu.enqueue_dma source(%dma_start3A_2019 : memref<32x128xf32, #tpu.memory_space<hbm>>) target(%dma_start3A_2017 : memref<32x128xf32, #tpu.memory_space<vmem>>) target_semaphore(%arg23 : memref<!tpu.dma_semaphore, #tpu.memory_space<semaphore_mem>>)
      %slice3A_2020 = vector.extract_strided_slice %get3A_1573 {offsets = [10], sizes = [1], strides = [1]} : vector<16xi32> to vector<1xi32>
      %squeeze3A_2021 = vector.extract %slice3A_2020[0] : i32 from vector<1xi32>
      %slice3A_2022 = vector.extract_strided_slice %get3A_1575 {offsets = [10], sizes = [1], strides = [1]} : vector<16xi32> to vector<1xi32>
      %squeeze3A_2023 = vector.extract %slice3A_2022[0] : i32 from vector<1xi32>
      %shift_right_arithmetic3A_2024 = arith.constant 7 : i32
      %shift_right_arithmetic3A_2025 = arith.shrsi %squeeze3A_2021, %shift_right_arithmetic3A_2024 : i32
      %shift_left3A_2026 = arith.constant 7 : i32
      %shift_left3A_2027 = arith.shli %shift_right_arithmetic3A_2025, %shift_left3A_2026 : i32
      %multiple_of3A_2028 = tpu.assume_multiple %shift_left3A_2027, 128 : i32
      %shift_right_arithmetic3A_2029 = arith.constant 7 : i32
      %shift_right_arithmetic3A_2030 = arith.shrsi %squeeze3A_2023, %shift_right_arithmetic3A_2029 : i32
      %shift_left3A_2031 = arith.constant 7 : i32
      %shift_left3A_2032 = arith.shli %shift_right_arithmetic3A_2030, %shift_left3A_2031 : i32
      %multiple_of3A_2033 = tpu.assume_multiple %shift_left3A_2032, 128 : i32
      %dma_start3A_2034 = arith.constant 2 : i32
      %dma_start3A_2035 = arith.constant 0 : i32
      %dma_start3A_2036 = arith.constant 0 : i32
      %dma_start3A_2037 = tpu.memref_slice %arg12[%dma_start3A_2034, %dma_start3A_2035, %dma_start3A_2036] : memref<4x32x128xf32, #tpu.memory_space<vmem>> -> memref<1x32x128xf32, #tpu.memory_space<vmem>>
      %dma_start3A_2038 = tpu.memref_squeeze %dma_start3A_2037 : memref<1x32x128xf32, #tpu.memory_space<vmem>> -> memref<32x128xf32, #tpu.memory_space<vmem>>
      %dma_start3A_2039 = arith.constant 0 : i32
      %dma_start3A_2040 = tpu.memref_slice %arg4[%dma_start3A_2039, %multiple_of3A_2028] : memref<32x1000000xf32, #tpu.memory_space<hbm>> -> memref<32x128xf32, #tpu.memory_space<hbm>>
      %dma_start3A_2041 = arith.constant 0 : i32
      %dma_start3A_2042 = arith.constant 0 : i32
      %dma_start3A_2043 = tpu.memref_slice %arg12[%dma_start3A_2034, %dma_start3A_2041, %dma_start3A_2042] : memref<4x32x128xf32, #tpu.memory_space<vmem>> -> memref<1x32x128xf32, #tpu.memory_space<vmem>>
      %dma_start3A_2044 = tpu.memref_squeeze %dma_start3A_2043 : memref<1x32x128xf32, #tpu.memory_space<vmem>> -> memref<32x128xf32, #tpu.memory_space<vmem>>
      %dma_start3A_2045 = arith.constant 0 : i32
      %dma_start3A_2046 = tpu.memref_slice %arg4[%dma_start3A_2045, %multiple_of3A_2028] : memref<32x1000000xf32, #tpu.memory_space<hbm>> -> memref<32x128xf32, #tpu.memory_space<hbm>>
      tpu.enqueue_dma source(%dma_start3A_2046 : memref<32x128xf32, #tpu.memory_space<hbm>>) target(%dma_start3A_2044 : memref<32x128xf32, #tpu.memory_space<vmem>>) target_semaphore(%arg21 : memref<!tpu.dma_semaphore, #tpu.memory_space<semaphore_mem>>)
      %dma_start3A_2047 = arith.constant 2 : i32
      %dma_start3A_2048 = arith.constant 0 : i32
      %dma_start3A_2049 = arith.constant 0 : i32
      %dma_start3A_2050 = tpu.memref_slice %arg14[%dma_start3A_2047, %dma_start3A_2048, %dma_start3A_2049] : memref<4x32x128xf32, #tpu.memory_space<vmem>> -> memref<1x32x128xf32, #tpu.memory_space<vmem>>
      %dma_start3A_2051 = tpu.memref_squeeze %dma_start3A_2050 : memref<1x32x128xf32, #tpu.memory_space<vmem>> -> memref<32x128xf32, #tpu.memory_space<vmem>>
      %dma_start3A_2052 = arith.constant 0 : i32
      %dma_start3A_2053 = tpu.memref_slice %arg6[%dma_start3A_2052, %multiple_of3A_2033] : memref<32x1000000xf32, #tpu.memory_space<hbm>> -> memref<32x128xf32, #tpu.memory_space<hbm>>
      %dma_start3A_2054 = arith.constant 0 : i32
      %dma_start3A_2055 = arith.constant 0 : i32
      %dma_start3A_2056 = tpu.memref_slice %arg14[%dma_start3A_2047, %dma_start3A_2054, %dma_start3A_2055] : memref<4x32x128xf32, #tpu.memory_space<vmem>> -> memref<1x32x128xf32, #tpu.memory_space<vmem>>
      %dma_start3A_2057 = tpu.memref_squeeze %dma_start3A_2056 : memref<1x32x128xf32, #tpu.memory_space<vmem>> -> memref<32x128xf32, #tpu.memory_space<vmem>>
      %dma_start3A_2058 = arith.constant 0 : i32
      %dma_start3A_2059 = tpu.memref_slice %arg6[%dma_start3A_2058, %multiple_of3A_2033] : memref<32x1000000xf32, #tpu.memory_space<hbm>> -> memref<32x128xf32, #tpu.memory_space<hbm>>
      tpu.enqueue_dma source(%dma_start3A_2059 : memref<32x128xf32, #tpu.memory_space<hbm>>) target(%dma_start3A_2057 : memref<32x128xf32, #tpu.memory_space<vmem>>) target_semaphore(%arg23 : memref<!tpu.dma_semaphore, #tpu.memory_space<semaphore_mem>>)
      %slice3A_2060 = vector.extract_strided_slice %get3A_1573 {offsets = [11], sizes = [1], strides = [1]} : vector<16xi32> to vector<1xi32>
      %squeeze3A_2061 = vector.extract %slice3A_2060[0] : i32 from vector<1xi32>
      %slice3A_2062 = vector.extract_strided_slice %get3A_1575 {offsets = [11], sizes = [1], strides = [1]} : vector<16xi32> to vector<1xi32>
      %squeeze3A_2063 = vector.extract %slice3A_2062[0] : i32 from vector<1xi32>
      %shift_right_arithmetic3A_2064 = arith.constant 7 : i32
      %shift_right_arithmetic3A_2065 = arith.shrsi %squeeze3A_2061, %shift_right_arithmetic3A_2064 : i32
      %shift_left3A_2066 = arith.constant 7 : i32
      %shift_left3A_2067 = arith.shli %shift_right_arithmetic3A_2065, %shift_left3A_2066 : i32
      %multiple_of3A_2068 = tpu.assume_multiple %shift_left3A_2067, 128 : i32
      %shift_right_arithmetic3A_2069 = arith.constant 7 : i32
      %shift_right_arithmetic3A_2070 = arith.shrsi %squeeze3A_2063, %shift_right_arithmetic3A_2069 : i32
      %shift_left3A_2071 = arith.constant 7 : i32
      %shift_left3A_2072 = arith.shli %shift_right_arithmetic3A_2070, %shift_left3A_2071 : i32
      %multiple_of3A_2073 = tpu.assume_multiple %shift_left3A_2072, 128 : i32
      %dma_start3A_2074 = arith.constant 3 : i32
      %dma_start3A_2075 = arith.constant 0 : i32
      %dma_start3A_2076 = arith.constant 0 : i32
      %dma_start3A_2077 = tpu.memref_slice %arg12[%dma_start3A_2074, %dma_start3A_2075, %dma_start3A_2076] : memref<4x32x128xf32, #tpu.memory_space<vmem>> -> memref<1x32x128xf32, #tpu.memory_space<vmem>>
      %dma_start3A_2078 = tpu.memref_squeeze %dma_start3A_2077 : memref<1x32x128xf32, #tpu.memory_space<vmem>> -> memref<32x128xf32, #tpu.memory_space<vmem>>
      %dma_start3A_2079 = arith.constant 0 : i32
      %dma_start3A_2080 = tpu.memref_slice %arg4[%dma_start3A_2079, %multiple_of3A_2068] : memref<32x1000000xf32, #tpu.memory_space<hbm>> -> memref<32x128xf32, #tpu.memory_space<hbm>>
      %dma_start3A_2081 = arith.constant 0 : i32
      %dma_start3A_2082 = arith.constant 0 : i32
      %dma_start3A_2083 = tpu.memref_slice %arg12[%dma_start3A_2074, %dma_start3A_2081, %dma_start3A_2082] : memref<4x32x128xf32, #tpu.memory_space<vmem>> -> memref<1x32x128xf32, #tpu.memory_space<vmem>>
      %dma_start3A_2084 = tpu.memref_squeeze %dma_start3A_2083 : memref<1x32x128xf32, #tpu.memory_space<vmem>> -> memref<32x128xf32, #tpu.memory_space<vmem>>
      %dma_start3A_2085 = arith.constant 0 : i32
      %dma_start3A_2086 = tpu.memref_slice %arg4[%dma_start3A_2085, %multiple_of3A_2068] : memref<32x1000000xf32, #tpu.memory_space<hbm>> -> memref<32x128xf32, #tpu.memory_space<hbm>>
      tpu.enqueue_dma source(%dma_start3A_2086 : memref<32x128xf32, #tpu.memory_space<hbm>>) target(%dma_start3A_2084 : memref<32x128xf32, #tpu.memory_space<vmem>>) target_semaphore(%arg21 : memref<!tpu.dma_semaphore, #tpu.memory_space<semaphore_mem>>)
      %dma_start3A_2087 = arith.constant 3 : i32
      %dma_start3A_2088 = arith.constant 0 : i32
      %dma_start3A_2089 = arith.constant 0 : i32
      %dma_start3A_2090 = tpu.memref_slice %arg14[%dma_start3A_2087, %dma_start3A_2088, %dma_start3A_2089] : memref<4x32x128xf32, #tpu.memory_space<vmem>> -> memref<1x32x128xf32, #tpu.memory_space<vmem>>
      %dma_start3A_2091 = tpu.memref_squeeze %dma_start3A_2090 : memref<1x32x128xf32, #tpu.memory_space<vmem>> -> memref<32x128xf32, #tpu.memory_space<vmem>>
      %dma_start3A_2092 = arith.constant 0 : i32
      %dma_start3A_2093 = tpu.memref_slice %arg6[%dma_start3A_2092, %multiple_of3A_2073] : memref<32x1000000xf32, #tpu.memory_space<hbm>> -> memref<32x128xf32, #tpu.memory_space<hbm>>
      %dma_start3A_2094 = arith.constant 0 : i32
      %dma_start3A_2095 = arith.constant 0 : i32
      %dma_start3A_2096 = tpu.memref_slice %arg14[%dma_start3A_2087, %dma_start3A_2094, %dma_start3A_2095] : memref<4x32x128xf32, #tpu.memory_space<vmem>> -> memref<1x32x128xf32, #tpu.memory_space<vmem>>
      %dma_start3A_2097 = tpu.memref_squeeze %dma_start3A_2096 : memref<1x32x128xf32, #tpu.memory_space<vmem>> -> memref<32x128xf32, #tpu.memory_space<vmem>>
      %dma_start3A_2098 = arith.constant 0 : i32
      %dma_start3A_2099 = tpu.memref_slice %arg6[%dma_start3A_2098, %multiple_of3A_2073] : memref<32x1000000xf32, #tpu.memory_space<hbm>> -> memref<32x128xf32, #tpu.memory_space<hbm>>
      tpu.enqueue_dma source(%dma_start3A_2099 : memref<32x128xf32, #tpu.memory_space<hbm>>) target(%dma_start3A_2097 : memref<32x128xf32, #tpu.memory_space<vmem>>) target_semaphore(%arg23 : memref<!tpu.dma_semaphore, #tpu.memory_space<semaphore_mem>>)
      %dma_wait3A_2100 = arith.constant 0 : i32
      %dma_wait3A_2101 = arith.constant 0 : i32
      %dma_wait3A_2102 = arith.constant 0 : i32
      %dma_wait3A_2103 = tpu.memref_slice %arg13[%dma_wait3A_2100, %dma_wait3A_2101, %dma_wait3A_2102] : memref<4x32x128xf32, #tpu.memory_space<vmem>> -> memref<1x32x128xf32, #tpu.memory_space<vmem>>
      %dma_wait3A_2104 = tpu.memref_squeeze %dma_wait3A_2103 : memref<1x32x128xf32, #tpu.memory_space<vmem>> -> memref<32x128xf32, #tpu.memory_space<vmem>>
      %dma_wait3A_2105 = arith.constant 0 : i32
      %dma_wait3A_2106 = arith.constant 0 : i32
      %dma_wait3A_2107 = tpu.memref_slice %arg4[%dma_wait3A_2105, %dma_wait3A_2106] : memref<32x1000000xf32, #tpu.memory_space<hbm>> -> memref<32x128xf32, #tpu.memory_space<hbm>>
      %dma_wait3A_2108 = arith.constant 0 : i32
      %dma_wait3A_2109 = arith.constant 0 : i32
      %dma_wait3A_2110 = tpu.memref_slice %arg13[%dma_wait3A_2100, %dma_wait3A_2108, %dma_wait3A_2109] : memref<4x32x128xf32, #tpu.memory_space<vmem>> -> memref<1x32x128xf32, #tpu.memory_space<vmem>>
      %dma_wait3A_2111 = tpu.memref_squeeze %dma_wait3A_2110 : memref<1x32x128xf32, #tpu.memory_space<vmem>> -> memref<32x128xf32, #tpu.memory_space<vmem>>
      %dma_wait3A_2112 = arith.constant 0 : i32
      %dma_wait3A_2113 = arith.constant 0 : i32
      %dma_wait3A_2114 = tpu.memref_slice %arg4[%dma_wait3A_2112, %dma_wait3A_2113] : memref<32x1000000xf32, #tpu.memory_space<hbm>> -> memref<32x128xf32, #tpu.memory_space<hbm>>
      tpu.wait_dma2 semaphore(%arg22 : memref<!tpu.dma_semaphore, #tpu.memory_space<semaphore_mem>>) src(%dma_wait3A_2114 : memref<32x128xf32, #tpu.memory_space<hbm>>) dst(%dma_wait3A_2111 : memref<32x128xf32, #tpu.memory_space<vmem>>)
      %dma_wait3A_2115 = arith.constant 0 : i32
      %dma_wait3A_2116 = arith.constant 0 : i32
      %dma_wait3A_2117 = arith.constant 0 : i32
      %dma_wait3A_2118 = tpu.memref_slice %arg15[%dma_wait3A_2115, %dma_wait3A_2116, %dma_wait3A_2117] : memref<4x32x128xf32, #tpu.memory_space<vmem>> -> memref<1x32x128xf32, #tpu.memory_space<vmem>>
      %dma_wait3A_2119 = tpu.memref_squeeze %dma_wait3A_2118 : memref<1x32x128xf32, #tpu.memory_space<vmem>> -> memref<32x128xf32, #tpu.memory_space<vmem>>
      %dma_wait3A_2120 = arith.constant 0 : i32
      %dma_wait3A_2121 = arith.constant 0 : i32
      %dma_wait3A_2122 = tpu.memref_slice %arg6[%dma_wait3A_2120, %dma_wait3A_2121] : memref<32x1000000xf32, #tpu.memory_space<hbm>> -> memref<32x128xf32, #tpu.memory_space<hbm>>
      %dma_wait3A_2123 = arith.constant 0 : i32
      %dma_wait3A_2124 = arith.constant 0 : i32
      %dma_wait3A_2125 = tpu.memref_slice %arg15[%dma_wait3A_2115, %dma_wait3A_2123, %dma_wait3A_2124] : memref<4x32x128xf32, #tpu.memory_space<vmem>> -> memref<1x32x128xf32, #tpu.memory_space<vmem>>
      %dma_wait3A_2126 = tpu.memref_squeeze %dma_wait3A_2125 : memref<1x32x128xf32, #tpu.memory_space<vmem>> -> memref<32x128xf32, #tpu.memory_space<vmem>>
      %dma_wait3A_2127 = arith.constant 0 : i32
      %dma_wait3A_2128 = arith.constant 0 : i32
      %dma_wait3A_2129 = tpu.memref_slice %arg6[%dma_wait3A_2127, %dma_wait3A_2128] : memref<32x1000000xf32, #tpu.memory_space<hbm>> -> memref<32x128xf32, #tpu.memory_space<hbm>>
      tpu.wait_dma2 semaphore(%arg24 : memref<!tpu.dma_semaphore, #tpu.memory_space<semaphore_mem>>) src(%dma_wait3A_2129 : memref<32x128xf32, #tpu.memory_space<hbm>>) dst(%dma_wait3A_2126 : memref<32x128xf32, #tpu.memory_space<vmem>>)
      %dma_wait3A_2130 = arith.constant 1 : i32
      %dma_wait3A_2131 = arith.constant 0 : i32
      %dma_wait3A_2132 = arith.constant 0 : i32
      %dma_wait3A_2133 = tpu.memref_slice %arg13[%dma_wait3A_2130, %dma_wait3A_2131, %dma_wait3A_2132] : memref<4x32x128xf32, #tpu.memory_space<vmem>> -> memref<1x32x128xf32, #tpu.memory_space<vmem>>
      %dma_wait3A_2134 = tpu.memref_squeeze %dma_wait3A_2133 : memref<1x32x128xf32, #tpu.memory_space<vmem>> -> memref<32x128xf32, #tpu.memory_space<vmem>>
      %dma_wait3A_2135 = arith.constant 0 : i32
      %dma_wait3A_2136 = arith.constant 0 : i32
      %dma_wait3A_2137 = tpu.memref_slice %arg4[%dma_wait3A_2135, %dma_wait3A_2136] : memref<32x1000000xf32, #tpu.memory_space<hbm>> -> memref<32x128xf32, #tpu.memory_space<hbm>>
      %dma_wait3A_2138 = arith.constant 0 : i32
      %dma_wait3A_2139 = arith.constant 0 : i32
      %dma_wait3A_2140 = tpu.memref_slice %arg13[%dma_wait3A_2130, %dma_wait3A_2138, %dma_wait3A_2139] : memref<4x32x128xf32, #tpu.memory_space<vmem>> -> memref<1x32x128xf32, #tpu.memory_space<vmem>>
      %dma_wait3A_2141 = tpu.memref_squeeze %dma_wait3A_2140 : memref<1x32x128xf32, #tpu.memory_space<vmem>> -> memref<32x128xf32, #tpu.memory_space<vmem>>
      %dma_wait3A_2142 = arith.constant 0 : i32
      %dma_wait3A_2143 = arith.constant 0 : i32
      %dma_wait3A_2144 = tpu.memref_slice %arg4[%dma_wait3A_2142, %dma_wait3A_2143] : memref<32x1000000xf32, #tpu.memory_space<hbm>> -> memref<32x128xf32, #tpu.memory_space<hbm>>
      tpu.wait_dma2 semaphore(%arg22 : memref<!tpu.dma_semaphore, #tpu.memory_space<semaphore_mem>>) src(%dma_wait3A_2144 : memref<32x128xf32, #tpu.memory_space<hbm>>) dst(%dma_wait3A_2141 : memref<32x128xf32, #tpu.memory_space<vmem>>)
      %dma_wait3A_2145 = arith.constant 1 : i32
      %dma_wait3A_2146 = arith.constant 0 : i32
      %dma_wait3A_2147 = arith.constant 0 : i32
      %dma_wait3A_2148 = tpu.memref_slice %arg15[%dma_wait3A_2145, %dma_wait3A_2146, %dma_wait3A_2147] : memref<4x32x128xf32, #tpu.memory_space<vmem>> -> memref<1x32x128xf32, #tpu.memory_space<vmem>>
      %dma_wait3A_2149 = tpu.memref_squeeze %dma_wait3A_2148 : memref<1x32x128xf32, #tpu.memory_space<vmem>> -> memref<32x128xf32, #tpu.memory_space<vmem>>
      %dma_wait3A_2150 = arith.constant 0 : i32
      %dma_wait3A_2151 = arith.constant 0 : i32
      %dma_wait3A_2152 = tpu.memref_slice %arg6[%dma_wait3A_2150, %dma_wait3A_2151] : memref<32x1000000xf32, #tpu.memory_space<hbm>> -> memref<32x128xf32, #tpu.memory_space<hbm>>
      %dma_wait3A_2153 = arith.constant 0 : i32
      %dma_wait3A_2154 = arith.constant 0 : i32
      %dma_wait3A_2155 = tpu.memref_slice %arg15[%dma_wait3A_2145, %dma_wait3A_2153, %dma_wait3A_2154] : memref<4x32x128xf32, #tpu.memory_space<vmem>> -> memref<1x32x128xf32, #tpu.memory_space<vmem>>
      %dma_wait3A_2156 = tpu.memref_squeeze %dma_wait3A_2155 : memref<1x32x128xf32, #tpu.memory_space<vmem>> -> memref<32x128xf32, #tpu.memory_space<vmem>>
      %dma_wait3A_2157 = arith.constant 0 : i32
      %dma_wait3A_2158 = arith.constant 0 : i32
      %dma_wait3A_2159 = tpu.memref_slice %arg6[%dma_wait3A_2157, %dma_wait3A_2158] : memref<32x1000000xf32, #tpu.memory_space<hbm>> -> memref<32x128xf32, #tpu.memory_space<hbm>>
      tpu.wait_dma2 semaphore(%arg24 : memref<!tpu.dma_semaphore, #tpu.memory_space<semaphore_mem>>) src(%dma_wait3A_2159 : memref<32x128xf32, #tpu.memory_space<hbm>>) dst(%dma_wait3A_2156 : memref<32x128xf32, #tpu.memory_space<vmem>>)
      %dma_wait3A_2160 = arith.constant 2 : i32
      %dma_wait3A_2161 = arith.constant 0 : i32
      %dma_wait3A_2162 = arith.constant 0 : i32
      %dma_wait3A_2163 = tpu.memref_slice %arg13[%dma_wait3A_2160, %dma_wait3A_2161, %dma_wait3A_2162] : memref<4x32x128xf32, #tpu.memory_space<vmem>> -> memref<1x32x128xf32, #tpu.memory_space<vmem>>
      %dma_wait3A_2164 = tpu.memref_squeeze %dma_wait3A_2163 : memref<1x32x128xf32, #tpu.memory_space<vmem>> -> memref<32x128xf32, #tpu.memory_space<vmem>>
      %dma_wait3A_2165 = arith.constant 0 : i32
      %dma_wait3A_2166 = arith.constant 0 : i32
      %dma_wait3A_2167 = tpu.memref_slice %arg4[%dma_wait3A_2165, %dma_wait3A_2166] : memref<32x1000000xf32, #tpu.memory_space<hbm>> -> memref<32x128xf32, #tpu.memory_space<hbm>>
      %dma_wait3A_2168 = arith.constant 0 : i32
      %dma_wait3A_2169 = arith.constant 0 : i32
      %dma_wait3A_2170 = tpu.memref_slice %arg13[%dma_wait3A_2160, %dma_wait3A_2168, %dma_wait3A_2169] : memref<4x32x128xf32, #tpu.memory_space<vmem>> -> memref<1x32x128xf32, #tpu.memory_space<vmem>>
      %dma_wait3A_2171 = tpu.memref_squeeze %dma_wait3A_2170 : memref<1x32x128xf32, #tpu.memory_space<vmem>> -> memref<32x128xf32, #tpu.memory_space<vmem>>
      %dma_wait3A_2172 = arith.constant 0 : i32
      %dma_wait3A_2173 = arith.constant 0 : i32
      %dma_wait3A_2174 = tpu.memref_slice %arg4[%dma_wait3A_2172, %dma_wait3A_2173] : memref<32x1000000xf32, #tpu.memory_space<hbm>> -> memref<32x128xf32, #tpu.memory_space<hbm>>
      tpu.wait_dma2 semaphore(%arg22 : memref<!tpu.dma_semaphore, #tpu.memory_space<semaphore_mem>>) src(%dma_wait3A_2174 : memref<32x128xf32, #tpu.memory_space<hbm>>) dst(%dma_wait3A_2171 : memref<32x128xf32, #tpu.memory_space<vmem>>)
      %dma_wait3A_2175 = arith.constant 2 : i32
      %dma_wait3A_2176 = arith.constant 0 : i32
      %dma_wait3A_2177 = arith.constant 0 : i32
      %dma_wait3A_2178 = tpu.memref_slice %arg15[%dma_wait3A_2175, %dma_wait3A_2176, %dma_wait3A_2177] : memref<4x32x128xf32, #tpu.memory_space<vmem>> -> memref<1x32x128xf32, #tpu.memory_space<vmem>>
      %dma_wait3A_2179 = tpu.memref_squeeze %dma_wait3A_2178 : memref<1x32x128xf32, #tpu.memory_space<vmem>> -> memref<32x128xf32, #tpu.memory_space<vmem>>
      %dma_wait3A_2180 = arith.constant 0 : i32
      %dma_wait3A_2181 = arith.constant 0 : i32
      %dma_wait3A_2182 = tpu.memref_slice %arg6[%dma_wait3A_2180, %dma_wait3A_2181] : memref<32x1000000xf32, #tpu.memory_space<hbm>> -> memref<32x128xf32, #tpu.memory_space<hbm>>
      %dma_wait3A_2183 = arith.constant 0 : i32
      %dma_wait3A_2184 = arith.constant 0 : i32
      %dma_wait3A_2185 = tpu.memref_slice %arg15[%dma_wait3A_2175, %dma_wait3A_2183, %dma_wait3A_2184] : memref<4x32x128xf32, #tpu.memory_space<vmem>> -> memref<1x32x128xf32, #tpu.memory_space<vmem>>
      %dma_wait3A_2186 = tpu.memref_squeeze %dma_wait3A_2185 : memref<1x32x128xf32, #tpu.memory_space<vmem>> -> memref<32x128xf32, #tpu.memory_space<vmem>>
      %dma_wait3A_2187 = arith.constant 0 : i32
      %dma_wait3A_2188 = arith.constant 0 : i32
      %dma_wait3A_2189 = tpu.memref_slice %arg6[%dma_wait3A_2187, %dma_wait3A_2188] : memref<32x1000000xf32, #tpu.memory_space<hbm>> -> memref<32x128xf32, #tpu.memory_space<hbm>>
      tpu.wait_dma2 semaphore(%arg24 : memref<!tpu.dma_semaphore, #tpu.memory_space<semaphore_mem>>) src(%dma_wait3A_2189 : memref<32x128xf32, #tpu.memory_space<hbm>>) dst(%dma_wait3A_2186 : memref<32x128xf32, #tpu.memory_space<vmem>>)
      %dma_wait3A_2190 = arith.constant 3 : i32
      %dma_wait3A_2191 = arith.constant 0 : i32
      %dma_wait3A_2192 = arith.constant 0 : i32
      %dma_wait3A_2193 = tpu.memref_slice %arg13[%dma_wait3A_2190, %dma_wait3A_2191, %dma_wait3A_2192] : memref<4x32x128xf32, #tpu.memory_space<vmem>> -> memref<1x32x128xf32, #tpu.memory_space<vmem>>
      %dma_wait3A_2194 = tpu.memref_squeeze %dma_wait3A_2193 : memref<1x32x128xf32, #tpu.memory_space<vmem>> -> memref<32x128xf32, #tpu.memory_space<vmem>>
      %dma_wait3A_2195 = arith.constant 0 : i32
      %dma_wait3A_2196 = arith.constant 0 : i32
      %dma_wait3A_2197 = tpu.memref_slice %arg4[%dma_wait3A_2195, %dma_wait3A_2196] : memref<32x1000000xf32, #tpu.memory_space<hbm>> -> memref<32x128xf32, #tpu.memory_space<hbm>>
      %dma_wait3A_2198 = arith.constant 0 : i32
      %dma_wait3A_2199 = arith.constant 0 : i32
      %dma_wait3A_2200 = tpu.memref_slice %arg13[%dma_wait3A_2190, %dma_wait3A_2198, %dma_wait3A_2199] : memref<4x32x128xf32, #tpu.memory_space<vmem>> -> memref<1x32x128xf32, #tpu.memory_space<vmem>>
      %dma_wait3A_2201 = tpu.memref_squeeze %dma_wait3A_2200 : memref<1x32x128xf32, #tpu.memory_space<vmem>> -> memref<32x128xf32, #tpu.memory_space<vmem>>
      %dma_wait3A_2202 = arith.constant 0 : i32
      %dma_wait3A_2203 = arith.constant 0 : i32
      %dma_wait3A_2204 = tpu.memref_slice %arg4[%dma_wait3A_2202, %dma_wait3A_2203] : memref<32x1000000xf32, #tpu.memory_space<hbm>> -> memref<32x128xf32, #tpu.memory_space<hbm>>
      tpu.wait_dma2 semaphore(%arg22 : memref<!tpu.dma_semaphore, #tpu.memory_space<semaphore_mem>>) src(%dma_wait3A_2204 : memref<32x128xf32, #tpu.memory_space<hbm>>) dst(%dma_wait3A_2201 : memref<32x128xf32, #tpu.memory_space<vmem>>)
      %dma_wait3A_2205 = arith.constant 3 : i32
      %dma_wait3A_2206 = arith.constant 0 : i32
      %dma_wait3A_2207 = arith.constant 0 : i32
      %dma_wait3A_2208 = tpu.memref_slice %arg15[%dma_wait3A_2205, %dma_wait3A_2206, %dma_wait3A_2207] : memref<4x32x128xf32, #tpu.memory_space<vmem>> -> memref<1x32x128xf32, #tpu.memory_space<vmem>>
      %dma_wait3A_2209 = tpu.memref_squeeze %dma_wait3A_2208 : memref<1x32x128xf32, #tpu.memory_space<vmem>> -> memref<32x128xf32, #tpu.memory_space<vmem>>
      %dma_wait3A_2210 = arith.constant 0 : i32
      %dma_wait3A_2211 = arith.constant 0 : i32
      %dma_wait3A_2212 = tpu.memref_slice %arg6[%dma_wait3A_2210, %dma_wait3A_2211] : memref<32x1000000xf32, #tpu.memory_space<hbm>> -> memref<32x128xf32, #tpu.memory_space<hbm>>
      %dma_wait3A_2213 = arith.constant 0 : i32
      %dma_wait3A_2214 = arith.constant 0 : i32
      %dma_wait3A_2215 = tpu.memref_slice %arg15[%dma_wait3A_2205, %dma_wait3A_2213, %dma_wait3A_2214] : memref<4x32x128xf32, #tpu.memory_space<vmem>> -> memref<1x32x128xf32, #tpu.memory_space<vmem>>
      %dma_wait3A_2216 = tpu.memref_squeeze %dma_wait3A_2215 : memref<1x32x128xf32, #tpu.memory_space<vmem>> -> memref<32x128xf32, #tpu.memory_space<vmem>>
      %dma_wait3A_2217 = arith.constant 0 : i32
      %dma_wait3A_2218 = arith.constant 0 : i32
      %dma_wait3A_2219 = tpu.memref_slice %arg6[%dma_wait3A_2217, %dma_wait3A_2218] : memref<32x1000000xf32, #tpu.memory_space<hbm>> -> memref<32x128xf32, #tpu.memory_space<hbm>>
      tpu.wait_dma2 semaphore(%arg24 : memref<!tpu.dma_semaphore, #tpu.memory_space<semaphore_mem>>) src(%dma_wait3A_2219 : memref<32x128xf32, #tpu.memory_space<hbm>>) dst(%dma_wait3A_2216 : memref<32x128xf32, #tpu.memory_space<vmem>>)
      %slice3A_2220 = vector.extract_strided_slice %get3A_1573 {offsets = [4], sizes = [1], strides = [1]} : vector<16xi32> to vector<1xi32>
      %squeeze3A_2221 = vector.extract %slice3A_2220[0] : i32 from vector<1xi32>
      %and3A_2222 = arith.constant 127 : i32
      %and3A_2223 = arith.andi %squeeze3A_2221, %and3A_2222 : i32
      %broadcast_in_dim3A_2224 = vector.broadcast %and3A_2223 : i32 to vector<16xi32>
      %slice3A_2225 = vector.extract_strided_slice %get3A_1575 {offsets = [4], sizes = [1], strides = [1]} : vector<16xi32> to vector<1xi32>
      %squeeze3A_2226 = vector.extract %slice3A_2225[0] : i32 from vector<1xi32>
      %and3A_2227 = arith.constant 127 : i32
      %and3A_2228 = arith.andi %squeeze3A_2226, %and3A_2227 : i32
      %broadcast_in_dim3A_2229 = vector.broadcast %and3A_2228 : i32 to vector<16xi32>
      %broadcast_in_dim3A_2230 = arith.constant 0 : i32
      %broadcast_in_dim3A_2231 = vector.broadcast %broadcast_in_dim3A_2230 : i32 to vector<16xi32>
      %gather3A_2232 = tpu.vector_load_idx %arg13[%broadcast_in_dim3A_2231, %iota3A, %broadcast_in_dim3A_2224] : memref<4x32x128xf32, #tpu.memory_space<vmem>>[vector<16xi32>, vector<16xi32>, vector<16xi32>], vector<16xf32>,
      %gather3A_2233 = tpu.vector_load_idx %arg13[%broadcast_in_dim3A_2231, %add3A_11, %broadcast_in_dim3A_2224] : memref<4x32x128xf32, #tpu.memory_space<vmem>>[vector<16xi32>, vector<16xi32>, vector<16xi32>], vector<16xf32>,
      %gather3A_2234 = tpu.vector_load_idx %arg15[%broadcast_in_dim3A_2231, %iota3A, %broadcast_in_dim3A_2229] : memref<4x32x128xf32, #tpu.memory_space<vmem>>[vector<16xi32>, vector<16xi32>, vector<16xi32>], vector<16xf32>,
      %gather3A_2235 = tpu.vector_load_idx %arg15[%broadcast_in_dim3A_2231, %add3A_11, %broadcast_in_dim3A_2229] : memref<4x32x128xf32, #tpu.memory_space<vmem>>[vector<16xi32>, vector<16xi32>, vector<16xi32>], vector<16xf32>,
      %mul3A_2236 = arith.mulf %gather3A_2232, %gather3A_2234 : vector<16xf32>
      %mul3A_2237 = arith.mulf %gather3A_2233, %gather3A_2235 : vector<16xf32>
      %add3A_2238 = arith.addf %mul3A_2236, %mul3A_2237 : vector<16xf32>
      %swap3A_2239 = arith.constant 64 : index
      %swap3A_2240 = tpu.vector_load %arg16[%swap3A_2239] {strides = array<i32>} : memref<256xf32, #tpu.memory_space<vmem>>, vector<16xf32>,
      tpu.vector_store %arg16[%swap3A_2239], %add3A_2238 {strides = array<i32>} : memref<256xf32, #tpu.memory_space<vmem>>, vector<16xf32>,
      %slice3A_2241 = vector.extract_strided_slice %get3A_1573 {offsets = [5], sizes = [1], strides = [1]} : vector<16xi32> to vector<1xi32>
      %squeeze3A_2242 = vector.extract %slice3A_2241[0] : i32 from vector<1xi32>
      %and3A_2243 = arith.constant 127 : i32
      %and3A_2244 = arith.andi %squeeze3A_2242, %and3A_2243 : i32
      %broadcast_in_dim3A_2245 = vector.broadcast %and3A_2244 : i32 to vector<16xi32>
      %slice3A_2246 = vector.extract_strided_slice %get3A_1575 {offsets = [5], sizes = [1], strides = [1]} : vector<16xi32> to vector<1xi32>
      %squeeze3A_2247 = vector.extract %slice3A_2246[0] : i32 from vector<1xi32>
      %and3A_2248 = arith.constant 127 : i32
      %and3A_2249 = arith.andi %squeeze3A_2247, %and3A_2248 : i32
      %broadcast_in_dim3A_2250 = vector.broadcast %and3A_2249 : i32 to vector<16xi32>
      %broadcast_in_dim3A_2251 = arith.constant 1 : i32
      %broadcast_in_dim3A_2252 = vector.broadcast %broadcast_in_dim3A_2251 : i32 to vector<16xi32>
      %gather3A_2253 = tpu.vector_load_idx %arg13[%broadcast_in_dim3A_2252, %iota3A, %broadcast_in_dim3A_2245] : memref<4x32x128xf32, #tpu.memory_space<vmem>>[vector<16xi32>, vector<16xi32>, vector<16xi32>], vector<16xf32>,
      %gather3A_2254 = tpu.vector_load_idx %arg13[%broadcast_in_dim3A_2252, %add3A_11, %broadcast_in_dim3A_2245] : memref<4x32x128xf32, #tpu.memory_space<vmem>>[vector<16xi32>, vector<16xi32>, vector<16xi32>], vector<16xf32>,
      %gather3A_2255 = tpu.vector_load_idx %arg15[%broadcast_in_dim3A_2252, %iota3A, %broadcast_in_dim3A_2250] : memref<4x32x128xf32, #tpu.memory_space<vmem>>[vector<16xi32>, vector<16xi32>, vector<16xi32>], vector<16xf32>,
      %gather3A_2256 = tpu.vector_load_idx %arg15[%broadcast_in_dim3A_2252, %add3A_11, %broadcast_in_dim3A_2250] : memref<4x32x128xf32, #tpu.memory_space<vmem>>[vector<16xi32>, vector<16xi32>, vector<16xi32>], vector<16xf32>,
      %mul3A_2257 = arith.mulf %gather3A_2253, %gather3A_2255 : vector<16xf32>
      %mul3A_2258 = arith.mulf %gather3A_2254, %gather3A_2256 : vector<16xf32>
      %add3A_2259 = arith.addf %mul3A_2257, %mul3A_2258 : vector<16xf32>
      %swap3A_2260 = arith.constant 80 : index
      %swap3A_2261 = tpu.vector_load %arg16[%swap3A_2260] {strides = array<i32>} : memref<256xf32, #tpu.memory_space<vmem>>, vector<16xf32>,
      tpu.vector_store %arg16[%swap3A_2260], %add3A_2259 {strides = array<i32>} : memref<256xf32, #tpu.memory_space<vmem>>, vector<16xf32>,
      %slice3A_2262 = vector.extract_strided_slice %get3A_1573 {offsets = [6], sizes = [1], strides = [1]} : vector<16xi32> to vector<1xi32>
      %squeeze3A_2263 = vector.extract %slice3A_2262[0] : i32 from vector<1xi32>
      %and3A_2264 = arith.constant 127 : i32
      %and3A_2265 = arith.andi %squeeze3A_2263, %and3A_2264 : i32
      %broadcast_in_dim3A_2266 = vector.broadcast %and3A_2265 : i32 to vector<16xi32>
      %slice3A_2267 = vector.extract_strided_slice %get3A_1575 {offsets = [6], sizes = [1], strides = [1]} : vector<16xi32> to vector<1xi32>
      %squeeze3A_2268 = vector.extract %slice3A_2267[0] : i32 from vector<1xi32>
      %and3A_2269 = arith.constant 127 : i32
      %and3A_2270 = arith.andi %squeeze3A_2268, %and3A_2269 : i32
      %broadcast_in_dim3A_2271 = vector.broadcast %and3A_2270 : i32 to vector<16xi32>
      %broadcast_in_dim3A_2272 = arith.constant 2 : i32
      %broadcast_in_dim3A_2273 = vector.broadcast %broadcast_in_dim3A_2272 : i32 to vector<16xi32>
      %gather3A_2274 = tpu.vector_load_idx %arg13[%broadcast_in_dim3A_2273, %iota3A, %broadcast_in_dim3A_2266] : memref<4x32x128xf32, #tpu.memory_space<vmem>>[vector<16xi32>, vector<16xi32>, vector<16xi32>], vector<16xf32>,
      %gather3A_2275 = tpu.vector_load_idx %arg13[%broadcast_in_dim3A_2273, %add3A_11, %broadcast_in_dim3A_2266] : memref<4x32x128xf32, #tpu.memory_space<vmem>>[vector<16xi32>, vector<16xi32>, vector<16xi32>], vector<16xf32>,
      %gather3A_2276 = tpu.vector_load_idx %arg15[%broadcast_in_dim3A_2273, %iota3A, %broadcast_in_dim3A_2271] : memref<4x32x128xf32, #tpu.memory_space<vmem>>[vector<16xi32>, vector<16xi32>, vector<16xi32>], vector<16xf32>,
      %gather3A_2277 = tpu.vector_load_idx %arg15[%broadcast_in_dim3A_2273, %add3A_11, %broadcast_in_dim3A_2271] : memref<4x32x128xf32, #tpu.memory_space<vmem>>[vector<16xi32>, vector<16xi32>, vector<16xi32>], vector<16xf32>,
      %mul3A_2278 = arith.mulf %gather3A_2274, %gather3A_2276 : vector<16xf32>
      %mul3A_2279 = arith.mulf %gather3A_2275, %gather3A_2277 : vector<16xf32>
      %add3A_2280 = arith.addf %mul3A_2278, %mul3A_2279 : vector<16xf32>
      %swap3A_2281 = arith.constant 96 : index
      %swap3A_2282 = tpu.vector_load %arg16[%swap3A_2281] {strides = array<i32>} : memref<256xf32, #tpu.memory_space<vmem>>, vector<16xf32>,
      tpu.vector_store %arg16[%swap3A_2281], %add3A_2280 {strides = array<i32>} : memref<256xf32, #tpu.memory_space<vmem>>, vector<16xf32>,
      %slice3A_2283 = vector.extract_strided_slice %get3A_1573 {offsets = [7], sizes = [1], strides = [1]} : vector<16xi32> to vector<1xi32>
      %squeeze3A_2284 = vector.extract %slice3A_2283[0] : i32 from vector<1xi32>
      %and3A_2285 = arith.constant 127 : i32
      %and3A_2286 = arith.andi %squeeze3A_2284, %and3A_2285 : i32
      %broadcast_in_dim3A_2287 = vector.broadcast %and3A_2286 : i32 to vector<16xi32>
      %slice3A_2288 = vector.extract_strided_slice %get3A_1575 {offsets = [7], sizes = [1], strides = [1]} : vector<16xi32> to vector<1xi32>
      %squeeze3A_2289 = vector.extract %slice3A_2288[0] : i32 from vector<1xi32>
      %and3A_2290 = arith.constant 127 : i32
      %and3A_2291 = arith.andi %squeeze3A_2289, %and3A_2290 : i32
      %broadcast_in_dim3A_2292 = vector.broadcast %and3A_2291 : i32 to vector<16xi32>
      %broadcast_in_dim3A_2293 = arith.constant 3 : i32
      %broadcast_in_dim3A_2294 = vector.broadcast %broadcast_in_dim3A_2293 : i32 to vector<16xi32>
      %gather3A_2295 = tpu.vector_load_idx %arg13[%broadcast_in_dim3A_2294, %iota3A, %broadcast_in_dim3A_2287] : memref<4x32x128xf32, #tpu.memory_space<vmem>>[vector<16xi32>, vector<16xi32>, vector<16xi32>], vector<16xf32>,
      %gather3A_2296 = tpu.vector_load_idx %arg13[%broadcast_in_dim3A_2294, %add3A_11, %broadcast_in_dim3A_2287] : memref<4x32x128xf32, #tpu.memory_space<vmem>>[vector<16xi32>, vector<16xi32>, vector<16xi32>], vector<16xf32>,
      %gather3A_2297 = tpu.vector_load_idx %arg15[%broadcast_in_dim3A_2294, %iota3A, %broadcast_in_dim3A_2292] : memref<4x32x128xf32, #tpu.memory_space<vmem>>[vector<16xi32>, vector<16xi32>, vector<16xi32>], vector<16xf32>,
      %gather3A_2298 = tpu.vector_load_idx %arg15[%broadcast_in_dim3A_2294, %add3A_11, %broadcast_in_dim3A_2292] : memref<4x32x128xf32, #tpu.memory_space<vmem>>[vector<16xi32>, vector<16xi32>, vector<16xi32>], vector<16xf32>,
      %mul3A_2299 = arith.mulf %gather3A_2295, %gather3A_2297 : vector<16xf32>
      %mul3A_2300 = arith.mulf %gather3A_2296, %gather3A_2298 : vector<16xf32>
      %add3A_2301 = arith.addf %mul3A_2299, %mul3A_2300 : vector<16xf32>
      %swap3A_2302 = arith.constant 112 : index
      %swap3A_2303 = tpu.vector_load %arg16[%swap3A_2302] {strides = array<i32>} : memref<256xf32, #tpu.memory_space<vmem>>, vector<16xf32>,
      tpu.vector_store %arg16[%swap3A_2302], %add3A_2301 {strides = array<i32>} : memref<256xf32, #tpu.memory_space<vmem>>, vector<16xf32>,
      %slice3A_2304 = vector.extract_strided_slice %get3A_1573 {offsets = [12], sizes = [1], strides = [1]} : vector<16xi32> to vector<1xi32>
      %squeeze3A_2305 = vector.extract %slice3A_2304[0] : i32 from vector<1xi32>
      %slice3A_2306 = vector.extract_strided_slice %get3A_1575 {offsets = [12], sizes = [1], strides = [1]} : vector<16xi32> to vector<1xi32>
      %squeeze3A_2307 = vector.extract %slice3A_2306[0] : i32 from vector<1xi32>
      %shift_right_arithmetic3A_2308 = arith.constant 7 : i32
      %shift_right_arithmetic3A_2309 = arith.shrsi %squeeze3A_2305, %shift_right_arithmetic3A_2308 : i32
      %shift_left3A_2310 = arith.constant 7 : i32
      %shift_left3A_2311 = arith.shli %shift_right_arithmetic3A_2309, %shift_left3A_2310 : i32
      %multiple_of3A_2312 = tpu.assume_multiple %shift_left3A_2311, 128 : i32
      %shift_right_arithmetic3A_2313 = arith.constant 7 : i32
      %shift_right_arithmetic3A_2314 = arith.shrsi %squeeze3A_2307, %shift_right_arithmetic3A_2313 : i32
      %shift_left3A_2315 = arith.constant 7 : i32
      %shift_left3A_2316 = arith.shli %shift_right_arithmetic3A_2314, %shift_left3A_2315 : i32
      %multiple_of3A_2317 = tpu.assume_multiple %shift_left3A_2316, 128 : i32
      %dma_start3A_2318 = arith.constant 0 : i32
      %dma_start3A_2319 = arith.constant 0 : i32
      %dma_start3A_2320 = arith.constant 0 : i32
      %dma_start3A_2321 = tpu.memref_slice %arg13[%dma_start3A_2318, %dma_start3A_2319, %dma_start3A_2320] : memref<4x32x128xf32, #tpu.memory_space<vmem>> -> memref<1x32x128xf32, #tpu.memory_space<vmem>>
      %dma_start3A_2322 = tpu.memref_squeeze %dma_start3A_2321 : memref<1x32x128xf32, #tpu.memory_space<vmem>> -> memref<32x128xf32, #tpu.memory_space<vmem>>
      %dma_start3A_2323 = arith.constant 0 : i32
      %dma_start3A_2324 = tpu.memref_slice %arg4[%dma_start3A_2323, %multiple_of3A_2312] : memref<32x1000000xf32, #tpu.memory_space<hbm>> -> memref<32x128xf32, #tpu.memory_space<hbm>>
      %dma_start3A_2325 = arith.constant 0 : i32
      %dma_start3A_2326 = arith.constant 0 : i32
      %dma_start3A_2327 = tpu.memref_slice %arg13[%dma_start3A_2318, %dma_start3A_2325, %dma_start3A_2326] : memref<4x32x128xf32, #tpu.memory_space<vmem>> -> memref<1x32x128xf32, #tpu.memory_space<vmem>>
      %dma_start3A_2328 = tpu.memref_squeeze %dma_start3A_2327 : memref<1x32x128xf32, #tpu.memory_space<vmem>> -> memref<32x128xf32, #tpu.memory_space<vmem>>
      %dma_start3A_2329 = arith.constant 0 : i32
      %dma_start3A_2330 = tpu.memref_slice %arg4[%dma_start3A_2329, %multiple_of3A_2312] : memref<32x1000000xf32, #tpu.memory_space<hbm>> -> memref<32x128xf32, #tpu.memory_space<hbm>>
      tpu.enqueue_dma source(%dma_start3A_2330 : memref<32x128xf32, #tpu.memory_space<hbm>>) target(%dma_start3A_2328 : memref<32x128xf32, #tpu.memory_space<vmem>>) target_semaphore(%arg22 : memref<!tpu.dma_semaphore, #tpu.memory_space<semaphore_mem>>)
      %dma_start3A_2331 = arith.constant 0 : i32
      %dma_start3A_2332 = arith.constant 0 : i32
      %dma_start3A_2333 = arith.constant 0 : i32
      %dma_start3A_2334 = tpu.memref_slice %arg15[%dma_start3A_2331, %dma_start3A_2332, %dma_start3A_2333] : memref<4x32x128xf32, #tpu.memory_space<vmem>> -> memref<1x32x128xf32, #tpu.memory_space<vmem>>
      %dma_start3A_2335 = tpu.memref_squeeze %dma_start3A_2334 : memref<1x32x128xf32, #tpu.memory_space<vmem>> -> memref<32x128xf32, #tpu.memory_space<vmem>>
      %dma_start3A_2336 = arith.constant 0 : i32
      %dma_start3A_2337 = tpu.memref_slice %arg6[%dma_start3A_2336, %multiple_of3A_2317] : memref<32x1000000xf32, #tpu.memory_space<hbm>> -> memref<32x128xf32, #tpu.memory_space<hbm>>
      %dma_start3A_2338 = arith.constant 0 : i32
      %dma_start3A_2339 = arith.constant 0 : i32
      %dma_start3A_2340 = tpu.memref_slice %arg15[%dma_start3A_2331, %dma_start3A_2338, %dma_start3A_2339] : memref<4x32x128xf32, #tpu.memory_space<vmem>> -> memref<1x32x128xf32, #tpu.memory_space<vmem>>
      %dma_start3A_2341 = tpu.memref_squeeze %dma_start3A_2340 : memref<1x32x128xf32, #tpu.memory_space<vmem>> -> memref<32x128xf32, #tpu.memory_space<vmem>>
      %dma_start3A_2342 = arith.constant 0 : i32
      %dma_start3A_2343 = tpu.memref_slice %arg6[%dma_start3A_2342, %multiple_of3A_2317] : memref<32x1000000xf32, #tpu.memory_space<hbm>> -> memref<32x128xf32, #tpu.memory_space<hbm>>
      tpu.enqueue_dma source(%dma_start3A_2343 : memref<32x128xf32, #tpu.memory_space<hbm>>) target(%dma_start3A_2341 : memref<32x128xf32, #tpu.memory_space<vmem>>) target_semaphore(%arg24 : memref<!tpu.dma_semaphore, #tpu.memory_space<semaphore_mem>>)
      %slice3A_2344 = vector.extract_strided_slice %get3A_1573 {offsets = [13], sizes = [1], strides = [1]} : vector<16xi32> to vector<1xi32>
      %squeeze3A_2345 = vector.extract %slice3A_2344[0] : i32 from vector<1xi32>
      %slice3A_2346 = vector.extract_strided_slice %get3A_1575 {offsets = [13], sizes = [1], strides = [1]} : vector<16xi32> to vector<1xi32>
      %squeeze3A_2347 = vector.extract %slice3A_2346[0] : i32 from vector<1xi32>
      %shift_right_arithmetic3A_2348 = arith.constant 7 : i32
      %shift_right_arithmetic3A_2349 = arith.shrsi %squeeze3A_2345, %shift_right_arithmetic3A_2348 : i32
      %shift_left3A_2350 = arith.constant 7 : i32
      %shift_left3A_2351 = arith.shli %shift_right_arithmetic3A_2349, %shift_left3A_2350 : i32
      %multiple_of3A_2352 = tpu.assume_multiple %shift_left3A_2351, 128 : i32
      %shift_right_arithmetic3A_2353 = arith.constant 7 : i32
      %shift_right_arithmetic3A_2354 = arith.shrsi %squeeze3A_2347, %shift_right_arithmetic3A_2353 : i32
      %shift_left3A_2355 = arith.constant 7 : i32
      %shift_left3A_2356 = arith.shli %shift_right_arithmetic3A_2354, %shift_left3A_2355 : i32
      %multiple_of3A_2357 = tpu.assume_multiple %shift_left3A_2356, 128 : i32
      %dma_start3A_2358 = arith.constant 1 : i32
      %dma_start3A_2359 = arith.constant 0 : i32
      %dma_start3A_2360 = arith.constant 0 : i32
      %dma_start3A_2361 = tpu.memref_slice %arg13[%dma_start3A_2358, %dma_start3A_2359, %dma_start3A_2360] : memref<4x32x128xf32, #tpu.memory_space<vmem>> -> memref<1x32x128xf32, #tpu.memory_space<vmem>>
      %dma_start3A_2362 = tpu.memref_squeeze %dma_start3A_2361 : memref<1x32x128xf32, #tpu.memory_space<vmem>> -> memref<32x128xf32, #tpu.memory_space<vmem>>
      %dma_start3A_2363 = arith.constant 0 : i32
      %dma_start3A_2364 = tpu.memref_slice %arg4[%dma_start3A_2363, %multiple_of3A_2352] : memref<32x1000000xf32, #tpu.memory_space<hbm>> -> memref<32x128xf32, #tpu.memory_space<hbm>>
      %dma_start3A_2365 = arith.constant 0 : i32
      %dma_start3A_2366 = arith.constant 0 : i32
      %dma_start3A_2367 = tpu.memref_slice %arg13[%dma_start3A_2358, %dma_start3A_2365, %dma_start3A_2366] : memref<4x32x128xf32, #tpu.memory_space<vmem>> -> memref<1x32x128xf32, #tpu.memory_space<vmem>>
      %dma_start3A_2368 = tpu.memref_squeeze %dma_start3A_2367 : memref<1x32x128xf32, #tpu.memory_space<vmem>> -> memref<32x128xf32, #tpu.memory_space<vmem>>
      %dma_start3A_2369 = arith.constant 0 : i32
      %dma_start3A_2370 = tpu.memref_slice %arg4[%dma_start3A_2369, %multiple_of3A_2352] : memref<32x1000000xf32, #tpu.memory_space<hbm>> -> memref<32x128xf32, #tpu.memory_space<hbm>>
      tpu.enqueue_dma source(%dma_start3A_2370 : memref<32x128xf32, #tpu.memory_space<hbm>>) target(%dma_start3A_2368 : memref<32x128xf32, #tpu.memory_space<vmem>>) target_semaphore(%arg22 : memref<!tpu.dma_semaphore, #tpu.memory_space<semaphore_mem>>)
      %dma_start3A_2371 = arith.constant 1 : i32
      %dma_start3A_2372 = arith.constant 0 : i32
      %dma_start3A_2373 = arith.constant 0 : i32
      %dma_start3A_2374 = tpu.memref_slice %arg15[%dma_start3A_2371, %dma_start3A_2372, %dma_start3A_2373] : memref<4x32x128xf32, #tpu.memory_space<vmem>> -> memref<1x32x128xf32, #tpu.memory_space<vmem>>
      %dma_start3A_2375 = tpu.memref_squeeze %dma_start3A_2374 : memref<1x32x128xf32, #tpu.memory_space<vmem>> -> memref<32x128xf32, #tpu.memory_space<vmem>>
      %dma_start3A_2376 = arith.constant 0 : i32
      %dma_start3A_2377 = tpu.memref_slice %arg6[%dma_start3A_2376, %multiple_of3A_2357] : memref<32x1000000xf32, #tpu.memory_space<hbm>> -> memref<32x128xf32, #tpu.memory_space<hbm>>
      %dma_start3A_2378 = arith.constant 0 : i32
      %dma_start3A_2379 = arith.constant 0 : i32
      %dma_start3A_2380 = tpu.memref_slice %arg15[%dma_start3A_2371, %dma_start3A_2378, %dma_start3A_2379] : memref<4x32x128xf32, #tpu.memory_space<vmem>> -> memref<1x32x128xf32, #tpu.memory_space<vmem>>
      %dma_start3A_2381 = tpu.memref_squeeze %dma_start3A_2380 : memref<1x32x128xf32, #tpu.memory_space<vmem>> -> memref<32x128xf32, #tpu.memory_space<vmem>>
      %dma_start3A_2382 = arith.constant 0 : i32
      %dma_start3A_2383 = tpu.memref_slice %arg6[%dma_start3A_2382, %multiple_of3A_2357] : memref<32x1000000xf32, #tpu.memory_space<hbm>> -> memref<32x128xf32, #tpu.memory_space<hbm>>
      tpu.enqueue_dma source(%dma_start3A_2383 : memref<32x128xf32, #tpu.memory_space<hbm>>) target(%dma_start3A_2381 : memref<32x128xf32, #tpu.memory_space<vmem>>) target_semaphore(%arg24 : memref<!tpu.dma_semaphore, #tpu.memory_space<semaphore_mem>>)
      %slice3A_2384 = vector.extract_strided_slice %get3A_1573 {offsets = [14], sizes = [1], strides = [1]} : vector<16xi32> to vector<1xi32>
      %squeeze3A_2385 = vector.extract %slice3A_2384[0] : i32 from vector<1xi32>
      %slice3A_2386 = vector.extract_strided_slice %get3A_1575 {offsets = [14], sizes = [1], strides = [1]} : vector<16xi32> to vector<1xi32>
      %squeeze3A_2387 = vector.extract %slice3A_2386[0] : i32 from vector<1xi32>
      %shift_right_arithmetic3A_2388 = arith.constant 7 : i32
      %shift_right_arithmetic3A_2389 = arith.shrsi %squeeze3A_2385, %shift_right_arithmetic3A_2388 : i32
      %shift_left3A_2390 = arith.constant 7 : i32
      %shift_left3A_2391 = arith.shli %shift_right_arithmetic3A_2389, %shift_left3A_2390 : i32
      %multiple_of3A_2392 = tpu.assume_multiple %shift_left3A_2391, 128 : i32
      %shift_right_arithmetic3A_2393 = arith.constant 7 : i32
      %shift_right_arithmetic3A_2394 = arith.shrsi %squeeze3A_2387, %shift_right_arithmetic3A_2393 : i32
      %shift_left3A_2395 = arith.constant 7 : i32
      %shift_left3A_2396 = arith.shli %shift_right_arithmetic3A_2394, %shift_left3A_2395 : i32
      %multiple_of3A_2397 = tpu.assume_multiple %shift_left3A_2396, 128 : i32
      %dma_start3A_2398 = arith.constant 2 : i32
      %dma_start3A_2399 = arith.constant 0 : i32
      %dma_start3A_2400 = arith.constant 0 : i32
      %dma_start3A_2401 = tpu.memref_slice %arg13[%dma_start3A_2398, %dma_start3A_2399, %dma_start3A_2400] : memref<4x32x128xf32, #tpu.memory_space<vmem>> -> memref<1x32x128xf32, #tpu.memory_space<vmem>>
      %dma_start3A_2402 = tpu.memref_squeeze %dma_start3A_2401 : memref<1x32x128xf32, #tpu.memory_space<vmem>> -> memref<32x128xf32, #tpu.memory_space<vmem>>
      %dma_start3A_2403 = arith.constant 0 : i32
      %dma_start3A_2404 = tpu.memref_slice %arg4[%dma_start3A_2403, %multiple_of3A_2392] : memref<32x1000000xf32, #tpu.memory_space<hbm>> -> memref<32x128xf32, #tpu.memory_space<hbm>>
      %dma_start3A_2405 = arith.constant 0 : i32
      %dma_start3A_2406 = arith.constant 0 : i32
      %dma_start3A_2407 = tpu.memref_slice %arg13[%dma_start3A_2398, %dma_start3A_2405, %dma_start3A_2406] : memref<4x32x128xf32, #tpu.memory_space<vmem>> -> memref<1x32x128xf32, #tpu.memory_space<vmem>>
      %dma_start3A_2408 = tpu.memref_squeeze %dma_start3A_2407 : memref<1x32x128xf32, #tpu.memory_space<vmem>> -> memref<32x128xf32, #tpu.memory_space<vmem>>
      %dma_start3A_2409 = arith.constant 0 : i32
      %dma_start3A_2410 = tpu.memref_slice %arg4[%dma_start3A_2409, %multiple_of3A_2392] : memref<32x1000000xf32, #tpu.memory_space<hbm>> -> memref<32x128xf32, #tpu.memory_space<hbm>>
      tpu.enqueue_dma source(%dma_start3A_2410 : memref<32x128xf32, #tpu.memory_space<hbm>>) target(%dma_start3A_2408 : memref<32x128xf32, #tpu.memory_space<vmem>>) target_semaphore(%arg22 : memref<!tpu.dma_semaphore, #tpu.memory_space<semaphore_mem>>)
      %dma_start3A_2411 = arith.constant 2 : i32
      %dma_start3A_2412 = arith.constant 0 : i32
      %dma_start3A_2413 = arith.constant 0 : i32
      %dma_start3A_2414 = tpu.memref_slice %arg15[%dma_start3A_2411, %dma_start3A_2412, %dma_start3A_2413] : memref<4x32x128xf32, #tpu.memory_space<vmem>> -> memref<1x32x128xf32, #tpu.memory_space<vmem>>
      %dma_start3A_2415 = tpu.memref_squeeze %dma_start3A_2414 : memref<1x32x128xf32, #tpu.memory_space<vmem>> -> memref<32x128xf32, #tpu.memory_space<vmem>>
      %dma_start3A_2416 = arith.constant 0 : i32
      %dma_start3A_2417 = tpu.memref_slice %arg6[%dma_start3A_2416, %multiple_of3A_2397] : memref<32x1000000xf32, #tpu.memory_space<hbm>> -> memref<32x128xf32, #tpu.memory_space<hbm>>
      %dma_start3A_2418 = arith.constant 0 : i32
      %dma_start3A_2419 = arith.constant 0 : i32
      %dma_start3A_2420 = tpu.memref_slice %arg15[%dma_start3A_2411, %dma_start3A_2418, %dma_start3A_2419] : memref<4x32x128xf32, #tpu.memory_space<vmem>> -> memref<1x32x128xf32, #tpu.memory_space<vmem>>
      %dma_start3A_2421 = tpu.memref_squeeze %dma_start3A_2420 : memref<1x32x128xf32, #tpu.memory_space<vmem>> -> memref<32x128xf32, #tpu.memory_space<vmem>>
      %dma_start3A_2422 = arith.constant 0 : i32
      %dma_start3A_2423 = tpu.memref_slice %arg6[%dma_start3A_2422, %multiple_of3A_2397] : memref<32x1000000xf32, #tpu.memory_space<hbm>> -> memref<32x128xf32, #tpu.memory_space<hbm>>
      tpu.enqueue_dma source(%dma_start3A_2423 : memref<32x128xf32, #tpu.memory_space<hbm>>) target(%dma_start3A_2421 : memref<32x128xf32, #tpu.memory_space<vmem>>) target_semaphore(%arg24 : memref<!tpu.dma_semaphore, #tpu.memory_space<semaphore_mem>>)
      %slice3A_2424 = vector.extract_strided_slice %get3A_1573 {offsets = [15], sizes = [1], strides = [1]} : vector<16xi32> to vector<1xi32>
      %squeeze3A_2425 = vector.extract %slice3A_2424[0] : i32 from vector<1xi32>
      %slice3A_2426 = vector.extract_strided_slice %get3A_1575 {offsets = [15], sizes = [1], strides = [1]} : vector<16xi32> to vector<1xi32>
      %squeeze3A_2427 = vector.extract %slice3A_2426[0] : i32 from vector<1xi32>
      %shift_right_arithmetic3A_2428 = arith.constant 7 : i32
      %shift_right_arithmetic3A_2429 = arith.shrsi %squeeze3A_2425, %shift_right_arithmetic3A_2428 : i32
      %shift_left3A_2430 = arith.constant 7 : i32
      %shift_left3A_2431 = arith.shli %shift_right_arithmetic3A_2429, %shift_left3A_2430 : i32
      %multiple_of3A_2432 = tpu.assume_multiple %shift_left3A_2431, 128 : i32
      %shift_right_arithmetic3A_2433 = arith.constant 7 : i32
      %shift_right_arithmetic3A_2434 = arith.shrsi %squeeze3A_2427, %shift_right_arithmetic3A_2433 : i32
      %shift_left3A_2435 = arith.constant 7 : i32
      %shift_left3A_2436 = arith.shli %shift_right_arithmetic3A_2434, %shift_left3A_2435 : i32
      %multiple_of3A_2437 = tpu.assume_multiple %shift_left3A_2436, 128 : i32
      %dma_start3A_2438 = arith.constant 3 : i32
      %dma_start3A_2439 = arith.constant 0 : i32
      %dma_start3A_2440 = arith.constant 0 : i32
      %dma_start3A_2441 = tpu.memref_slice %arg13[%dma_start3A_2438, %dma_start3A_2439, %dma_start3A_2440] : memref<4x32x128xf32, #tpu.memory_space<vmem>> -> memref<1x32x128xf32, #tpu.memory_space<vmem>>
      %dma_start3A_2442 = tpu.memref_squeeze %dma_start3A_2441 : memref<1x32x128xf32, #tpu.memory_space<vmem>> -> memref<32x128xf32, #tpu.memory_space<vmem>>
      %dma_start3A_2443 = arith.constant 0 : i32
      %dma_start3A_2444 = tpu.memref_slice %arg4[%dma_start3A_2443, %multiple_of3A_2432] : memref<32x1000000xf32, #tpu.memory_space<hbm>> -> memref<32x128xf32, #tpu.memory_space<hbm>>
      %dma_start3A_2445 = arith.constant 0 : i32
      %dma_start3A_2446 = arith.constant 0 : i32
      %dma_start3A_2447 = tpu.memref_slice %arg13[%dma_start3A_2438, %dma_start3A_2445, %dma_start3A_2446] : memref<4x32x128xf32, #tpu.memory_space<vmem>> -> memref<1x32x128xf32, #tpu.memory_space<vmem>>
      %dma_start3A_2448 = tpu.memref_squeeze %dma_start3A_2447 : memref<1x32x128xf32, #tpu.memory_space<vmem>> -> memref<32x128xf32, #tpu.memory_space<vmem>>
      %dma_start3A_2449 = arith.constant 0 : i32
      %dma_start3A_2450 = tpu.memref_slice %arg4[%dma_start3A_2449, %multiple_of3A_2432] : memref<32x1000000xf32, #tpu.memory_space<hbm>> -> memref<32x128xf32, #tpu.memory_space<hbm>>
      tpu.enqueue_dma source(%dma_start3A_2450 : memref<32x128xf32, #tpu.memory_space<hbm>>) target(%dma_start3A_2448 : memref<32x128xf32, #tpu.memory_space<vmem>>) target_semaphore(%arg22 : memref<!tpu.dma_semaphore, #tpu.memory_space<semaphore_mem>>)
      %dma_start3A_2451 = arith.constant 3 : i32
      %dma_start3A_2452 = arith.constant 0 : i32
      %dma_start3A_2453 = arith.constant 0 : i32
      %dma_start3A_2454 = tpu.memref_slice %arg15[%dma_start3A_2451, %dma_start3A_2452, %dma_start3A_2453] : memref<4x32x128xf32, #tpu.memory_space<vmem>> -> memref<1x32x128xf32, #tpu.memory_space<vmem>>
      %dma_start3A_2455 = tpu.memref_squeeze %dma_start3A_2454 : memref<1x32x128xf32, #tpu.memory_space<vmem>> -> memref<32x128xf32, #tpu.memory_space<vmem>>
      %dma_start3A_2456 = arith.constant 0 : i32
      %dma_start3A_2457 = tpu.memref_slice %arg6[%dma_start3A_2456, %multiple_of3A_2437] : memref<32x1000000xf32, #tpu.memory_space<hbm>> -> memref<32x128xf32, #tpu.memory_space<hbm>>
      %dma_start3A_2458 = arith.constant 0 : i32
      %dma_start3A_2459 = arith.constant 0 : i32
      %dma_start3A_2460 = tpu.memref_slice %arg15[%dma_start3A_2451, %dma_start3A_2458, %dma_start3A_2459] : memref<4x32x128xf32, #tpu.memory_space<vmem>> -> memref<1x32x128xf32, #tpu.memory_space<vmem>>
      %dma_start3A_2461 = tpu.memref_squeeze %dma_start3A_2460 : memref<1x32x128xf32, #tpu.memory_space<vmem>> -> memref<32x128xf32, #tpu.memory_space<vmem>>
      %dma_start3A_2462 = arith.constant 0 : i32
      %dma_start3A_2463 = tpu.memref_slice %arg6[%dma_start3A_2462, %multiple_of3A_2437] : memref<32x1000000xf32, #tpu.memory_space<hbm>> -> memref<32x128xf32, #tpu.memory_space<hbm>>
      tpu.enqueue_dma source(%dma_start3A_2463 : memref<32x128xf32, #tpu.memory_space<hbm>>) target(%dma_start3A_2461 : memref<32x128xf32, #tpu.memory_space<vmem>>) target_semaphore(%arg24 : memref<!tpu.dma_semaphore, #tpu.memory_space<semaphore_mem>>)
      %dma_wait3A_2464 = arith.constant 0 : i32
      %dma_wait3A_2465 = arith.constant 0 : i32
      %dma_wait3A_2466 = arith.constant 0 : i32
      %dma_wait3A_2467 = tpu.memref_slice %arg12[%dma_wait3A_2464, %dma_wait3A_2465, %dma_wait3A_2466] : memref<4x32x128xf32, #tpu.memory_space<vmem>> -> memref<1x32x128xf32, #tpu.memory_space<vmem>>
      %dma_wait3A_2468 = tpu.memref_squeeze %dma_wait3A_2467 : memref<1x32x128xf32, #tpu.memory_space<vmem>> -> memref<32x128xf32, #tpu.memory_space<vmem>>
      %dma_wait3A_2469 = arith.constant 0 : i32
      %dma_wait3A_2470 = arith.constant 0 : i32
      %dma_wait3A_2471 = tpu.memref_slice %arg4[%dma_wait3A_2469, %dma_wait3A_2470] : memref<32x1000000xf32, #tpu.memory_space<hbm>> -> memref<32x128xf32, #tpu.memory_space<hbm>>
      %dma_wait3A_2472 = arith.constant 0 : i32
      %dma_wait3A_2473 = arith.constant 0 : i32
      %dma_wait3A_2474 = tpu.memref_slice %arg12[%dma_wait3A_2464, %dma_wait3A_2472, %dma_wait3A_2473] : memref<4x32x128xf32, #tpu.memory_space<vmem>> -> memref<1x32x128xf32, #tpu.memory_space<vmem>>
      %dma_wait3A_2475 = tpu.memref_squeeze %dma_wait3A_2474 : memref<1x32x128xf32, #tpu.memory_space<vmem>> -> memref<32x128xf32, #tpu.memory_space<vmem>>
      %dma_wait3A_2476 = arith.constant 0 : i32
      %dma_wait3A_2477 = arith.constant 0 : i32
      %dma_wait3A_2478 = tpu.memref_slice %arg4[%dma_wait3A_2476, %dma_wait3A_2477] : memref<32x1000000xf32, #tpu.memory_space<hbm>> -> memref<32x128xf32, #tpu.memory_space<hbm>>
      tpu.wait_dma2 semaphore(%arg21 : memref<!tpu.dma_semaphore, #tpu.memory_space<semaphore_mem>>) src(%dma_wait3A_2478 : memref<32x128xf32, #tpu.memory_space<hbm>>) dst(%dma_wait3A_2475 : memref<32x128xf32, #tpu.memory_space<vmem>>)
      %dma_wait3A_2479 = arith.constant 0 : i32
      %dma_wait3A_2480 = arith.constant 0 : i32
      %dma_wait3A_2481 = arith.constant 0 : i32
      %dma_wait3A_2482 = tpu.memref_slice %arg14[%dma_wait3A_2479, %dma_wait3A_2480, %dma_wait3A_2481] : memref<4x32x128xf32, #tpu.memory_space<vmem>> -> memref<1x32x128xf32, #tpu.memory_space<vmem>>
      %dma_wait3A_2483 = tpu.memref_squeeze %dma_wait3A_2482 : memref<1x32x128xf32, #tpu.memory_space<vmem>> -> memref<32x128xf32, #tpu.memory_space<vmem>>
      %dma_wait3A_2484 = arith.constant 0 : i32
      %dma_wait3A_2485 = arith.constant 0 : i32
      %dma_wait3A_2486 = tpu.memref_slice %arg6[%dma_wait3A_2484, %dma_wait3A_2485] : memref<32x1000000xf32, #tpu.memory_space<hbm>> -> memref<32x128xf32, #tpu.memory_space<hbm>>
      %dma_wait3A_2487 = arith.constant 0 : i32
      %dma_wait3A_2488 = arith.constant 0 : i32
      %dma_wait3A_2489 = tpu.memref_slice %arg14[%dma_wait3A_2479, %dma_wait3A_2487, %dma_wait3A_2488] : memref<4x32x128xf32, #tpu.memory_space<vmem>> -> memref<1x32x128xf32, #tpu.memory_space<vmem>>
      %dma_wait3A_2490 = tpu.memref_squeeze %dma_wait3A_2489 : memref<1x32x128xf32, #tpu.memory_space<vmem>> -> memref<32x128xf32, #tpu.memory_space<vmem>>
      %dma_wait3A_2491 = arith.constant 0 : i32
      %dma_wait3A_2492 = arith.constant 0 : i32
      %dma_wait3A_2493 = tpu.memref_slice %arg6[%dma_wait3A_2491, %dma_wait3A_2492] : memref<32x1000000xf32, #tpu.memory_space<hbm>> -> memref<32x128xf32, #tpu.memory_space<hbm>>
      tpu.wait_dma2 semaphore(%arg23 : memref<!tpu.dma_semaphore, #tpu.memory_space<semaphore_mem>>) src(%dma_wait3A_2493 : memref<32x128xf32, #tpu.memory_space<hbm>>) dst(%dma_wait3A_2490 : memref<32x128xf32, #tpu.memory_space<vmem>>)
      %dma_wait3A_2494 = arith.constant 1 : i32
      %dma_wait3A_2495 = arith.constant 0 : i32
      %dma_wait3A_2496 = arith.constant 0 : i32
      %dma_wait3A_2497 = tpu.memref_slice %arg12[%dma_wait3A_2494, %dma_wait3A_2495, %dma_wait3A_2496] : memref<4x32x128xf32, #tpu.memory_space<vmem>> -> memref<1x32x128xf32, #tpu.memory_space<vmem>>
      %dma_wait3A_2498 = tpu.memref_squeeze %dma_wait3A_2497 : memref<1x32x128xf32, #tpu.memory_space<vmem>> -> memref<32x128xf32, #tpu.memory_space<vmem>>
      %dma_wait3A_2499 = arith.constant 0 : i32
      %dma_wait3A_2500 = arith.constant 0 : i32
      %dma_wait3A_2501 = tpu.memref_slice %arg4[%dma_wait3A_2499, %dma_wait3A_2500] : memref<32x1000000xf32, #tpu.memory_space<hbm>> -> memref<32x128xf32, #tpu.memory_space<hbm>>
      %dma_wait3A_2502 = arith.constant 0 : i32
      %dma_wait3A_2503 = arith.constant 0 : i32
      %dma_wait3A_2504 = tpu.memref_slice %arg12[%dma_wait3A_2494, %dma_wait3A_2502, %dma_wait3A_2503] : memref<4x32x128xf32, #tpu.memory_space<vmem>> -> memref<1x32x128xf32, #tpu.memory_space<vmem>>
      %dma_wait3A_2505 = tpu.memref_squeeze %dma_wait3A_2504 : memref<1x32x128xf32, #tpu.memory_space<vmem>> -> memref<32x128xf32, #tpu.memory_space<vmem>>
      %dma_wait3A_2506 = arith.constant 0 : i32
      %dma_wait3A_2507 = arith.constant 0 : i32
      %dma_wait3A_2508 = tpu.memref_slice %arg4[%dma_wait3A_2506, %dma_wait3A_2507] : memref<32x1000000xf32, #tpu.memory_space<hbm>> -> memref<32x128xf32, #tpu.memory_space<hbm>>
      tpu.wait_dma2 semaphore(%arg21 : memref<!tpu.dma_semaphore, #tpu.memory_space<semaphore_mem>>) src(%dma_wait3A_2508 : memref<32x128xf32, #tpu.memory_space<hbm>>) dst(%dma_wait3A_2505 : memref<32x128xf32, #tpu.memory_space<vmem>>)
      %dma_wait3A_2509 = arith.constant 1 : i32
      %dma_wait3A_2510 = arith.constant 0 : i32
      %dma_wait3A_2511 = arith.constant 0 : i32
      %dma_wait3A_2512 = tpu.memref_slice %arg14[%dma_wait3A_2509, %dma_wait3A_2510, %dma_wait3A_2511] : memref<4x32x128xf32, #tpu.memory_space<vmem>> -> memref<1x32x128xf32, #tpu.memory_space<vmem>>
      %dma_wait3A_2513 = tpu.memref_squeeze %dma_wait3A_2512 : memref<1x32x128xf32, #tpu.memory_space<vmem>> -> memref<32x128xf32, #tpu.memory_space<vmem>>
      %dma_wait3A_2514 = arith.constant 0 : i32
      %dma_wait3A_2515 = arith.constant 0 : i32
      %dma_wait3A_2516 = tpu.memref_slice %arg6[%dma_wait3A_2514, %dma_wait3A_2515] : memref<32x1000000xf32, #tpu.memory_space<hbm>> -> memref<32x128xf32, #tpu.memory_space<hbm>>
      %dma_wait3A_2517 = arith.constant 0 : i32
      %dma_wait3A_2518 = arith.constant 0 : i32
      %dma_wait3A_2519 = tpu.memref_slice %arg14[%dma_wait3A_2509, %dma_wait3A_2517, %dma_wait3A_2518] : memref<4x32x128xf32, #tpu.memory_space<vmem>> -> memref<1x32x128xf32, #tpu.memory_space<vmem>>
      %dma_wait3A_2520 = tpu.memref_squeeze %dma_wait3A_2519 : memref<1x32x128xf32, #tpu.memory_space<vmem>> -> memref<32x128xf32, #tpu.memory_space<vmem>>
      %dma_wait3A_2521 = arith.constant 0 : i32
      %dma_wait3A_2522 = arith.constant 0 : i32
      %dma_wait3A_2523 = tpu.memref_slice %arg6[%dma_wait3A_2521, %dma_wait3A_2522] : memref<32x1000000xf32, #tpu.memory_space<hbm>> -> memref<32x128xf32, #tpu.memory_space<hbm>>
      tpu.wait_dma2 semaphore(%arg23 : memref<!tpu.dma_semaphore, #tpu.memory_space<semaphore_mem>>) src(%dma_wait3A_2523 : memref<32x128xf32, #tpu.memory_space<hbm>>) dst(%dma_wait3A_2520 : memref<32x128xf32, #tpu.memory_space<vmem>>)
      %dma_wait3A_2524 = arith.constant 2 : i32
      %dma_wait3A_2525 = arith.constant 0 : i32
      %dma_wait3A_2526 = arith.constant 0 : i32
      %dma_wait3A_2527 = tpu.memref_slice %arg12[%dma_wait3A_2524, %dma_wait3A_2525, %dma_wait3A_2526] : memref<4x32x128xf32, #tpu.memory_space<vmem>> -> memref<1x32x128xf32, #tpu.memory_space<vmem>>
      %dma_wait3A_2528 = tpu.memref_squeeze %dma_wait3A_2527 : memref<1x32x128xf32, #tpu.memory_space<vmem>> -> memref<32x128xf32, #tpu.memory_space<vmem>>
      %dma_wait3A_2529 = arith.constant 0 : i32
      %dma_wait3A_2530 = arith.constant 0 : i32
      %dma_wait3A_2531 = tpu.memref_slice %arg4[%dma_wait3A_2529, %dma_wait3A_2530] : memref<32x1000000xf32, #tpu.memory_space<hbm>> -> memref<32x128xf32, #tpu.memory_space<hbm>>
      %dma_wait3A_2532 = arith.constant 0 : i32
      %dma_wait3A_2533 = arith.constant 0 : i32
      %dma_wait3A_2534 = tpu.memref_slice %arg12[%dma_wait3A_2524, %dma_wait3A_2532, %dma_wait3A_2533] : memref<4x32x128xf32, #tpu.memory_space<vmem>> -> memref<1x32x128xf32, #tpu.memory_space<vmem>>
      %dma_wait3A_2535 = tpu.memref_squeeze %dma_wait3A_2534 : memref<1x32x128xf32, #tpu.memory_space<vmem>> -> memref<32x128xf32, #tpu.memory_space<vmem>>
      %dma_wait3A_2536 = arith.constant 0 : i32
      %dma_wait3A_2537 = arith.constant 0 : i32
      %dma_wait3A_2538 = tpu.memref_slice %arg4[%dma_wait3A_2536, %dma_wait3A_2537] : memref<32x1000000xf32, #tpu.memory_space<hbm>> -> memref<32x128xf32, #tpu.memory_space<hbm>>
      tpu.wait_dma2 semaphore(%arg21 : memref<!tpu.dma_semaphore, #tpu.memory_space<semaphore_mem>>) src(%dma_wait3A_2538 : memref<32x128xf32, #tpu.memory_space<hbm>>) dst(%dma_wait3A_2535 : memref<32x128xf32, #tpu.memory_space<vmem>>)
      %dma_wait3A_2539 = arith.constant 2 : i32
      %dma_wait3A_2540 = arith.constant 0 : i32
      %dma_wait3A_2541 = arith.constant 0 : i32
      %dma_wait3A_2542 = tpu.memref_slice %arg14[%dma_wait3A_2539, %dma_wait3A_2540, %dma_wait3A_2541] : memref<4x32x128xf32, #tpu.memory_space<vmem>> -> memref<1x32x128xf32, #tpu.memory_space<vmem>>
      %dma_wait3A_2543 = tpu.memref_squeeze %dma_wait3A_2542 : memref<1x32x128xf32, #tpu.memory_space<vmem>> -> memref<32x128xf32, #tpu.memory_space<vmem>>
      %dma_wait3A_2544 = arith.constant 0 : i32
      %dma_wait3A_2545 = arith.constant 0 : i32
      %dma_wait3A_2546 = tpu.memref_slice %arg6[%dma_wait3A_2544, %dma_wait3A_2545] : memref<32x1000000xf32, #tpu.memory_space<hbm>> -> memref<32x128xf32, #tpu.memory_space<hbm>>
      %dma_wait3A_2547 = arith.constant 0 : i32
      %dma_wait3A_2548 = arith.constant 0 : i32
      %dma_wait3A_2549 = tpu.memref_slice %arg14[%dma_wait3A_2539, %dma_wait3A_2547, %dma_wait3A_2548] : memref<4x32x128xf32, #tpu.memory_space<vmem>> -> memref<1x32x128xf32, #tpu.memory_space<vmem>>
      %dma_wait3A_2550 = tpu.memref_squeeze %dma_wait3A_2549 : memref<1x32x128xf32, #tpu.memory_space<vmem>> -> memref<32x128xf32, #tpu.memory_space<vmem>>
      %dma_wait3A_2551 = arith.constant 0 : i32
      %dma_wait3A_2552 = arith.constant 0 : i32
      %dma_wait3A_2553 = tpu.memref_slice %arg6[%dma_wait3A_2551, %dma_wait3A_2552] : memref<32x1000000xf32, #tpu.memory_space<hbm>> -> memref<32x128xf32, #tpu.memory_space<hbm>>
      tpu.wait_dma2 semaphore(%arg23 : memref<!tpu.dma_semaphore, #tpu.memory_space<semaphore_mem>>) src(%dma_wait3A_2553 : memref<32x128xf32, #tpu.memory_space<hbm>>) dst(%dma_wait3A_2550 : memref<32x128xf32, #tpu.memory_space<vmem>>)
      %dma_wait3A_2554 = arith.constant 3 : i32
      %dma_wait3A_2555 = arith.constant 0 : i32
      %dma_wait3A_2556 = arith.constant 0 : i32
      %dma_wait3A_2557 = tpu.memref_slice %arg12[%dma_wait3A_2554, %dma_wait3A_2555, %dma_wait3A_2556] : memref<4x32x128xf32, #tpu.memory_space<vmem>> -> memref<1x32x128xf32, #tpu.memory_space<vmem>>
      %dma_wait3A_2558 = tpu.memref_squeeze %dma_wait3A_2557 : memref<1x32x128xf32, #tpu.memory_space<vmem>> -> memref<32x128xf32, #tpu.memory_space<vmem>>
      %dma_wait3A_2559 = arith.constant 0 : i32
      %dma_wait3A_2560 = arith.constant 0 : i32
      %dma_wait3A_2561 = tpu.memref_slice %arg4[%dma_wait3A_2559, %dma_wait3A_2560] : memref<32x1000000xf32, #tpu.memory_space<hbm>> -> memref<32x128xf32, #tpu.memory_space<hbm>>
      %dma_wait3A_2562 = arith.constant 0 : i32
      %dma_wait3A_2563 = arith.constant 0 : i32
      %dma_wait3A_2564 = tpu.memref_slice %arg12[%dma_wait3A_2554, %dma_wait3A_2562, %dma_wait3A_2563] : memref<4x32x128xf32, #tpu.memory_space<vmem>> -> memref<1x32x128xf32, #tpu.memory_space<vmem>>
      %dma_wait3A_2565 = tpu.memref_squeeze %dma_wait3A_2564 : memref<1x32x128xf32, #tpu.memory_space<vmem>> -> memref<32x128xf32, #tpu.memory_space<vmem>>
      %dma_wait3A_2566 = arith.constant 0 : i32
      %dma_wait3A_2567 = arith.constant 0 : i32
      %dma_wait3A_2568 = tpu.memref_slice %arg4[%dma_wait3A_2566, %dma_wait3A_2567] : memref<32x1000000xf32, #tpu.memory_space<hbm>> -> memref<32x128xf32, #tpu.memory_space<hbm>>
      tpu.wait_dma2 semaphore(%arg21 : memref<!tpu.dma_semaphore, #tpu.memory_space<semaphore_mem>>) src(%dma_wait3A_2568 : memref<32x128xf32, #tpu.memory_space<hbm>>) dst(%dma_wait3A_2565 : memref<32x128xf32, #tpu.memory_space<vmem>>)
      %dma_wait3A_2569 = arith.constant 3 : i32
      %dma_wait3A_2570 = arith.constant 0 : i32
      %dma_wait3A_2571 = arith.constant 0 : i32
      %dma_wait3A_2572 = tpu.memref_slice %arg14[%dma_wait3A_2569, %dma_wait3A_2570, %dma_wait3A_2571] : memref<4x32x128xf32, #tpu.memory_space<vmem>> -> memref<1x32x128xf32, #tpu.memory_space<vmem>>
      %dma_wait3A_2573 = tpu.memref_squeeze %dma_wait3A_2572 : memref<1x32x128xf32, #tpu.memory_space<vmem>> -> memref<32x128xf32, #tpu.memory_space<vmem>>
      %dma_wait3A_2574 = arith.constant 0 : i32
      %dma_wait3A_2575 = arith.constant 0 : i32
      %dma_wait3A_2576 = tpu.memref_slice %arg6[%dma_wait3A_2574, %dma_wait3A_2575] : memref<32x1000000xf32, #tpu.memory_space<hbm>> -> memref<32x128xf32, #tpu.memory_space<hbm>>
      %dma_wait3A_2577 = arith.constant 0 : i32
      %dma_wait3A_2578 = arith.constant 0 : i32
      %dma_wait3A_2579 = tpu.memref_slice %arg14[%dma_wait3A_2569, %dma_wait3A_2577, %dma_wait3A_2578] : memref<4x32x128xf32, #tpu.memory_space<vmem>> -> memref<1x32x128xf32, #tpu.memory_space<vmem>>
      %dma_wait3A_2580 = tpu.memref_squeeze %dma_wait3A_2579 : memref<1x32x128xf32, #tpu.memory_space<vmem>> -> memref<32x128xf32, #tpu.memory_space<vmem>>
      %dma_wait3A_2581 = arith.constant 0 : i32
      %dma_wait3A_2582 = arith.constant 0 : i32
      %dma_wait3A_2583 = tpu.memref_slice %arg6[%dma_wait3A_2581, %dma_wait3A_2582] : memref<32x1000000xf32, #tpu.memory_space<hbm>> -> memref<32x128xf32, #tpu.memory_space<hbm>>
      tpu.wait_dma2 semaphore(%arg23 : memref<!tpu.dma_semaphore, #tpu.memory_space<semaphore_mem>>) src(%dma_wait3A_2583 : memref<32x128xf32, #tpu.memory_space<hbm>>) dst(%dma_wait3A_2580 : memref<32x128xf32, #tpu.memory_space<vmem>>)
      %slice3A_2584 = vector.extract_strided_slice %get3A_1573 {offsets = [8], sizes = [1], strides = [1]} : vector<16xi32> to vector<1xi32>
      %squeeze3A_2585 = vector.extract %slice3A_2584[0] : i32 from vector<1xi32>
      %and3A_2586 = arith.constant 127 : i32
      %and3A_2587 = arith.andi %squeeze3A_2585, %and3A_2586 : i32
      %broadcast_in_dim3A_2588 = vector.broadcast %and3A_2587 : i32 to vector<16xi32>
      %slice3A_2589 = vector.extract_strided_slice %get3A_1575 {offsets = [8], sizes = [1], strides = [1]} : vector<16xi32> to vector<1xi32>
      %squeeze3A_2590 = vector.extract %slice3A_2589[0] : i32 from vector<1xi32>
      %and3A_2591 = arith.constant 127 : i32
      %and3A_2592 = arith.andi %squeeze3A_2590, %and3A_2591 : i32
      %broadcast_in_dim3A_2593 = vector.broadcast %and3A_2592 : i32 to vector<16xi32>
      %broadcast_in_dim3A_2594 = arith.constant 0 : i32
      %broadcast_in_dim3A_2595 = vector.broadcast %broadcast_in_dim3A_2594 : i32 to vector<16xi32>
      %gather3A_2596 = tpu.vector_load_idx %arg12[%broadcast_in_dim3A_2595, %iota3A, %broadcast_in_dim3A_2588] : memref<4x32x128xf32, #tpu.memory_space<vmem>>[vector<16xi32>, vector<16xi32>, vector<16xi32>], vector<16xf32>,
      %gather3A_2597 = tpu.vector_load_idx %arg12[%broadcast_in_dim3A_2595, %add3A_11, %broadcast_in_dim3A_2588] : memref<4x32x128xf32, #tpu.memory_space<vmem>>[vector<16xi32>, vector<16xi32>, vector<16xi32>], vector<16xf32>,
      %gather3A_2598 = tpu.vector_load_idx %arg14[%broadcast_in_dim3A_2595, %iota3A, %broadcast_in_dim3A_2593] : memref<4x32x128xf32, #tpu.memory_space<vmem>>[vector<16xi32>, vector<16xi32>, vector<16xi32>], vector<16xf32>,
      %gather3A_2599 = tpu.vector_load_idx %arg14[%broadcast_in_dim3A_2595, %add3A_11, %broadcast_in_dim3A_2593] : memref<4x32x128xf32, #tpu.memory_space<vmem>>[vector<16xi32>, vector<16xi32>, vector<16xi32>], vector<16xf32>,
      %mul3A_2600 = arith.mulf %gather3A_2596, %gather3A_2598 : vector<16xf32>
      %mul3A_2601 = arith.mulf %gather3A_2597, %gather3A_2599 : vector<16xf32>
      %add3A_2602 = arith.addf %mul3A_2600, %mul3A_2601 : vector<16xf32>
      %swap3A_2603 = arith.constant 128 : index
      %swap3A_2604 = tpu.vector_load %arg16[%swap3A_2603] {strides = array<i32>} : memref<256xf32, #tpu.memory_space<vmem>>, vector<16xf32>,
      tpu.vector_store %arg16[%swap3A_2603], %add3A_2602 {strides = array<i32>} : memref<256xf32, #tpu.memory_space<vmem>>, vector<16xf32>,
      %slice3A_2605 = vector.extract_strided_slice %get3A_1573 {offsets = [9], sizes = [1], strides = [1]} : vector<16xi32> to vector<1xi32>
      %squeeze3A_2606 = vector.extract %slice3A_2605[0] : i32 from vector<1xi32>
      %and3A_2607 = arith.constant 127 : i32
      %and3A_2608 = arith.andi %squeeze3A_2606, %and3A_2607 : i32
      %broadcast_in_dim3A_2609 = vector.broadcast %and3A_2608 : i32 to vector<16xi32>
      %slice3A_2610 = vector.extract_strided_slice %get3A_1575 {offsets = [9], sizes = [1], strides = [1]} : vector<16xi32> to vector<1xi32>
      %squeeze3A_2611 = vector.extract %slice3A_2610[0] : i32 from vector<1xi32>
      %and3A_2612 = arith.constant 127 : i32
      %and3A_2613 = arith.andi %squeeze3A_2611, %and3A_2612 : i32
      %broadcast_in_dim3A_2614 = vector.broadcast %and3A_2613 : i32 to vector<16xi32>
      %broadcast_in_dim3A_2615 = arith.constant 1 : i32
      %broadcast_in_dim3A_2616 = vector.broadcast %broadcast_in_dim3A_2615 : i32 to vector<16xi32>
      %gather3A_2617 = tpu.vector_load_idx %arg12[%broadcast_in_dim3A_2616, %iota3A, %broadcast_in_dim3A_2609] : memref<4x32x128xf32, #tpu.memory_space<vmem>>[vector<16xi32>, vector<16xi32>, vector<16xi32>], vector<16xf32>,
      %gather3A_2618 = tpu.vector_load_idx %arg12[%broadcast_in_dim3A_2616, %add3A_11, %broadcast_in_dim3A_2609] : memref<4x32x128xf32, #tpu.memory_space<vmem>>[vector<16xi32>, vector<16xi32>, vector<16xi32>], vector<16xf32>,
      %gather3A_2619 = tpu.vector_load_idx %arg14[%broadcast_in_dim3A_2616, %iota3A, %broadcast_in_dim3A_2614] : memref<4x32x128xf32, #tpu.memory_space<vmem>>[vector<16xi32>, vector<16xi32>, vector<16xi32>], vector<16xf32>,
      %gather3A_2620 = tpu.vector_load_idx %arg14[%broadcast_in_dim3A_2616, %add3A_11, %broadcast_in_dim3A_2614] : memref<4x32x128xf32, #tpu.memory_space<vmem>>[vector<16xi32>, vector<16xi32>, vector<16xi32>], vector<16xf32>,
      %mul3A_2621 = arith.mulf %gather3A_2617, %gather3A_2619 : vector<16xf32>
      %mul3A_2622 = arith.mulf %gather3A_2618, %gather3A_2620 : vector<16xf32>
      %add3A_2623 = arith.addf %mul3A_2621, %mul3A_2622 : vector<16xf32>
      %swap3A_2624 = arith.constant 144 : index
      %swap3A_2625 = tpu.vector_load %arg16[%swap3A_2624] {strides = array<i32>} : memref<256xf32, #tpu.memory_space<vmem>>, vector<16xf32>,
      tpu.vector_store %arg16[%swap3A_2624], %add3A_2623 {strides = array<i32>} : memref<256xf32, #tpu.memory_space<vmem>>, vector<16xf32>,
      %slice3A_2626 = vector.extract_strided_slice %get3A_1573 {offsets = [10], sizes = [1], strides = [1]} : vector<16xi32> to vector<1xi32>
      %squeeze3A_2627 = vector.extract %slice3A_2626[0] : i32 from vector<1xi32>
      %and3A_2628 = arith.constant 127 : i32
      %and3A_2629 = arith.andi %squeeze3A_2627, %and3A_2628 : i32
      %broadcast_in_dim3A_2630 = vector.broadcast %and3A_2629 : i32 to vector<16xi32>
      %slice3A_2631 = vector.extract_strided_slice %get3A_1575 {offsets = [10], sizes = [1], strides = [1]} : vector<16xi32> to vector<1xi32>
      %squeeze3A_2632 = vector.extract %slice3A_2631[0] : i32 from vector<1xi32>
      %and3A_2633 = arith.constant 127 : i32
      %and3A_2634 = arith.andi %squeeze3A_2632, %and3A_2633 : i32
      %broadcast_in_dim3A_2635 = vector.broadcast %and3A_2634 : i32 to vector<16xi32>
      %broadcast_in_dim3A_2636 = arith.constant 2 : i32
      %broadcast_in_dim3A_2637 = vector.broadcast %broadcast_in_dim3A_2636 : i32 to vector<16xi32>
      %gather3A_2638 = tpu.vector_load_idx %arg12[%broadcast_in_dim3A_2637, %iota3A, %broadcast_in_dim3A_2630] : memref<4x32x128xf32, #tpu.memory_space<vmem>>[vector<16xi32>, vector<16xi32>, vector<16xi32>], vector<16xf32>,
      %gather3A_2639 = tpu.vector_load_idx %arg12[%broadcast_in_dim3A_2637, %add3A_11, %broadcast_in_dim3A_2630] : memref<4x32x128xf32, #tpu.memory_space<vmem>>[vector<16xi32>, vector<16xi32>, vector<16xi32>], vector<16xf32>,
      %gather3A_2640 = tpu.vector_load_idx %arg14[%broadcast_in_dim3A_2637, %iota3A, %broadcast_in_dim3A_2635] : memref<4x32x128xf32, #tpu.memory_space<vmem>>[vector<16xi32>, vector<16xi32>, vector<16xi32>], vector<16xf32>,
      %gather3A_2641 = tpu.vector_load_idx %arg14[%broadcast_in_dim3A_2637, %add3A_11, %broadcast_in_dim3A_2635] : memref<4x32x128xf32, #tpu.memory_space<vmem>>[vector<16xi32>, vector<16xi32>, vector<16xi32>], vector<16xf32>,
      %mul3A_2642 = arith.mulf %gather3A_2638, %gather3A_2640 : vector<16xf32>
      %mul3A_2643 = arith.mulf %gather3A_2639, %gather3A_2641 : vector<16xf32>
      %add3A_2644 = arith.addf %mul3A_2642, %mul3A_2643 : vector<16xf32>
      %swap3A_2645 = arith.constant 160 : index
      %swap3A_2646 = tpu.vector_load %arg16[%swap3A_2645] {strides = array<i32>} : memref<256xf32, #tpu.memory_space<vmem>>, vector<16xf32>,
      tpu.vector_store %arg16[%swap3A_2645], %add3A_2644 {strides = array<i32>} : memref<256xf32, #tpu.memory_space<vmem>>, vector<16xf32>,
      %slice3A_2647 = vector.extract_strided_slice %get3A_1573 {offsets = [11], sizes = [1], strides = [1]} : vector<16xi32> to vector<1xi32>
      %squeeze3A_2648 = vector.extract %slice3A_2647[0] : i32 from vector<1xi32>
      %and3A_2649 = arith.constant 127 : i32
      %and3A_2650 = arith.andi %squeeze3A_2648, %and3A_2649 : i32
      %broadcast_in_dim3A_2651 = vector.broadcast %and3A_2650 : i32 to vector<16xi32>
      %slice3A_2652 = vector.extract_strided_slice %get3A_1575 {offsets = [11], sizes = [1], strides = [1]} : vector<16xi32> to vector<1xi32>
      %squeeze3A_2653 = vector.extract %slice3A_2652[0] : i32 from vector<1xi32>
      %and3A_2654 = arith.constant 127 : i32
      %and3A_2655 = arith.andi %squeeze3A_2653, %and3A_2654 : i32
      %broadcast_in_dim3A_2656 = vector.broadcast %and3A_2655 : i32 to vector<16xi32>
      %broadcast_in_dim3A_2657 = arith.constant 3 : i32
      %broadcast_in_dim3A_2658 = vector.broadcast %broadcast_in_dim3A_2657 : i32 to vector<16xi32>
      %gather3A_2659 = tpu.vector_load_idx %arg12[%broadcast_in_dim3A_2658, %iota3A, %broadcast_in_dim3A_2651] : memref<4x32x128xf32, #tpu.memory_space<vmem>>[vector<16xi32>, vector<16xi32>, vector<16xi32>], vector<16xf32>,
      %gather3A_2660 = tpu.vector_load_idx %arg12[%broadcast_in_dim3A_2658, %add3A_11, %broadcast_in_dim3A_2651] : memref<4x32x128xf32, #tpu.memory_space<vmem>>[vector<16xi32>, vector<16xi32>, vector<16xi32>], vector<16xf32>,
      %gather3A_2661 = tpu.vector_load_idx %arg14[%broadcast_in_dim3A_2658, %iota3A, %broadcast_in_dim3A_2656] : memref<4x32x128xf32, #tpu.memory_space<vmem>>[vector<16xi32>, vector<16xi32>, vector<16xi32>], vector<16xf32>,
      %gather3A_2662 = tpu.vector_load_idx %arg14[%broadcast_in_dim3A_2658, %add3A_11, %broadcast_in_dim3A_2656] : memref<4x32x128xf32, #tpu.memory_space<vmem>>[vector<16xi32>, vector<16xi32>, vector<16xi32>], vector<16xf32>,
      %mul3A_2663 = arith.mulf %gather3A_2659, %gather3A_2661 : vector<16xf32>
      %mul3A_2664 = arith.mulf %gather3A_2660, %gather3A_2662 : vector<16xf32>
      %add3A_2665 = arith.addf %mul3A_2663, %mul3A_2664 : vector<16xf32>
      %swap3A_2666 = arith.constant 176 : index
      %swap3A_2667 = tpu.vector_load %arg16[%swap3A_2666] {strides = array<i32>} : memref<256xf32, #tpu.memory_space<vmem>>, vector<16xf32>,
      tpu.vector_store %arg16[%swap3A_2666], %add3A_2665 {strides = array<i32>} : memref<256xf32, #tpu.memory_space<vmem>>, vector<16xf32>,
      %add3A_2668 = arith.constant 1 : i32
      %add3A_2669 = arith.addi %scan3A_1567, %add3A_2668 : i32
      %mul3A_2670 = arith.constant 16 : i32
      %mul3A_2671 = arith.muli %add3A_2669, %mul3A_2670 : i32
      %multiple_of3A_2672 = tpu.assume_multiple %mul3A_2671, 16 : i32
      %get3A_2673 = arith.index_cast %multiple_of3A_2672 : i32 to index
      %get3A_2674 = tpu.vector_load %arg10[%get3A_2673] {strides = array<i32>} : memref<512xi32, #tpu.memory_space<vmem>>, vector<16xi32>,
      %get3A_2675 = arith.index_cast %multiple_of3A_2672 : i32 to index
      %get3A_2676 = tpu.vector_load %arg11[%get3A_2675] {strides = array<i32>} : memref<512xi32, #tpu.memory_space<vmem>>, vector<16xi32>,
      %slice3A_2677 = vector.extract_strided_slice %get3A_2674 {offsets = [0], sizes = [1], strides = [1]} : vector<16xi32> to vector<1xi32>
      %squeeze3A_2678 = vector.extract %slice3A_2677[0] : i32 from vector<1xi32>
      %slice3A_2679 = vector.extract_strided_slice %get3A_2676 {offsets = [0], sizes = [1], strides = [1]} : vector<16xi32> to vector<1xi32>
      %squeeze3A_2680 = vector.extract %slice3A_2679[0] : i32 from vector<1xi32>
      %shift_right_arithmetic3A_2681 = arith.constant 7 : i32
      %shift_right_arithmetic3A_2682 = arith.shrsi %squeeze3A_2678, %shift_right_arithmetic3A_2681 : i32
      %shift_left3A_2683 = arith.constant 7 : i32
      %shift_left3A_2684 = arith.shli %shift_right_arithmetic3A_2682, %shift_left3A_2683 : i32
      %multiple_of3A_2685 = tpu.assume_multiple %shift_left3A_2684, 128 : i32
      %shift_right_arithmetic3A_2686 = arith.constant 7 : i32
      %shift_right_arithmetic3A_2687 = arith.shrsi %squeeze3A_2680, %shift_right_arithmetic3A_2686 : i32
      %shift_left3A_2688 = arith.constant 7 : i32
      %shift_left3A_2689 = arith.shli %shift_right_arithmetic3A_2687, %shift_left3A_2688 : i32
      %multiple_of3A_2690 = tpu.assume_multiple %shift_left3A_2689, 128 : i32
      %dma_start3A_2691 = arith.constant 0 : i32
      %dma_start3A_2692 = arith.constant 0 : i32
      %dma_start3A_2693 = arith.constant 0 : i32
      %dma_start3A_2694 = tpu.memref_slice %arg12[%dma_start3A_2691, %dma_start3A_2692, %dma_start3A_2693] : memref<4x32x128xf32, #tpu.memory_space<vmem>> -> memref<1x32x128xf32, #tpu.memory_space<vmem>>
      %dma_start3A_2695 = tpu.memref_squeeze %dma_start3A_2694 : memref<1x32x128xf32, #tpu.memory_space<vmem>> -> memref<32x128xf32, #tpu.memory_space<vmem>>
      %dma_start3A_2696 = arith.constant 0 : i32
      %dma_start3A_2697 = tpu.memref_slice %arg4[%dma_start3A_2696, %multiple_of3A_2685] : memref<32x1000000xf32, #tpu.memory_space<hbm>> -> memref<32x128xf32, #tpu.memory_space<hbm>>
      %dma_start3A_2698 = arith.constant 0 : i32
      %dma_start3A_2699 = arith.constant 0 : i32
      %dma_start3A_2700 = tpu.memref_slice %arg12[%dma_start3A_2691, %dma_start3A_2698, %dma_start3A_2699] : memref<4x32x128xf32, #tpu.memory_space<vmem>> -> memref<1x32x128xf32, #tpu.memory_space<vmem>>
      %dma_start3A_2701 = tpu.memref_squeeze %dma_start3A_2700 : memref<1x32x128xf32, #tpu.memory_space<vmem>> -> memref<32x128xf32, #tpu.memory_space<vmem>>
      %dma_start3A_2702 = arith.constant 0 : i32
      %dma_start3A_2703 = tpu.memref_slice %arg4[%dma_start3A_2702, %multiple_of3A_2685] : memref<32x1000000xf32, #tpu.memory_space<hbm>> -> memref<32x128xf32, #tpu.memory_space<hbm>>
      tpu.enqueue_dma source(%dma_start3A_2703 : memref<32x128xf32, #tpu.memory_space<hbm>>) target(%dma_start3A_2701 : memref<32x128xf32, #tpu.memory_space<vmem>>) target_semaphore(%arg21 : memref<!tpu.dma_semaphore, #tpu.memory_space<semaphore_mem>>)
      %dma_start3A_2704 = arith.constant 0 : i32
      %dma_start3A_2705 = arith.constant 0 : i32
      %dma_start3A_2706 = arith.constant 0 : i32
      %dma_start3A_2707 = tpu.memref_slice %arg14[%dma_start3A_2704, %dma_start3A_2705, %dma_start3A_2706] : memref<4x32x128xf32, #tpu.memory_space<vmem>> -> memref<1x32x128xf32, #tpu.memory_space<vmem>>
      %dma_start3A_2708 = tpu.memref_squeeze %dma_start3A_2707 : memref<1x32x128xf32, #tpu.memory_space<vmem>> -> memref<32x128xf32, #tpu.memory_space<vmem>>
      %dma_start3A_2709 = arith.constant 0 : i32
      %dma_start3A_2710 = tpu.memref_slice %arg6[%dma_start3A_2709, %multiple_of3A_2690] : memref<32x1000000xf32, #tpu.memory_space<hbm>> -> memref<32x128xf32, #tpu.memory_space<hbm>>
      %dma_start3A_2711 = arith.constant 0 : i32
      %dma_start3A_2712 = arith.constant 0 : i32
      %dma_start3A_2713 = tpu.memref_slice %arg14[%dma_start3A_2704, %dma_start3A_2711, %dma_start3A_2712] : memref<4x32x128xf32, #tpu.memory_space<vmem>> -> memref<1x32x128xf32, #tpu.memory_space<vmem>>
      %dma_start3A_2714 = tpu.memref_squeeze %dma_start3A_2713 : memref<1x32x128xf32, #tpu.memory_space<vmem>> -> memref<32x128xf32, #tpu.memory_space<vmem>>
      %dma_start3A_2715 = arith.constant 0 : i32
      %dma_start3A_2716 = tpu.memref_slice %arg6[%dma_start3A_2715, %multiple_of3A_2690] : memref<32x1000000xf32, #tpu.memory_space<hbm>> -> memref<32x128xf32, #tpu.memory_space<hbm>>
      tpu.enqueue_dma source(%dma_start3A_2716 : memref<32x128xf32, #tpu.memory_space<hbm>>) target(%dma_start3A_2714 : memref<32x128xf32, #tpu.memory_space<vmem>>) target_semaphore(%arg23 : memref<!tpu.dma_semaphore, #tpu.memory_space<semaphore_mem>>)
      %slice3A_2717 = vector.extract_strided_slice %get3A_2674 {offsets = [1], sizes = [1], strides = [1]} : vector<16xi32> to vector<1xi32>
      %squeeze3A_2718 = vector.extract %slice3A_2717[0] : i32 from vector<1xi32>
      %slice3A_2719 = vector.extract_strided_slice %get3A_2676 {offsets = [1], sizes = [1], strides = [1]} : vector<16xi32> to vector<1xi32>
      %squeeze3A_2720 = vector.extract %slice3A_2719[0] : i32 from vector<1xi32>
      %shift_right_arithmetic3A_2721 = arith.constant 7 : i32
      %shift_right_arithmetic3A_2722 = arith.shrsi %squeeze3A_2718, %shift_right_arithmetic3A_2721 : i32
      %shift_left3A_2723 = arith.constant 7 : i32
      %shift_left3A_2724 = arith.shli %shift_right_arithmetic3A_2722, %shift_left3A_2723 : i32
      %multiple_of3A_2725 = tpu.assume_multiple %shift_left3A_2724, 128 : i32
      %shift_right_arithmetic3A_2726 = arith.constant 7 : i32
      %shift_right_arithmetic3A_2727 = arith.shrsi %squeeze3A_2720, %shift_right_arithmetic3A_2726 : i32
      %shift_left3A_2728 = arith.constant 7 : i32
      %shift_left3A_2729 = arith.shli %shift_right_arithmetic3A_2727, %shift_left3A_2728 : i32
      %multiple_of3A_2730 = tpu.assume_multiple %shift_left3A_2729, 128 : i32
      %dma_start3A_2731 = arith.constant 1 : i32
      %dma_start3A_2732 = arith.constant 0 : i32
      %dma_start3A_2733 = arith.constant 0 : i32
      %dma_start3A_2734 = tpu.memref_slice %arg12[%dma_start3A_2731, %dma_start3A_2732, %dma_start3A_2733] : memref<4x32x128xf32, #tpu.memory_space<vmem>> -> memref<1x32x128xf32, #tpu.memory_space<vmem>>
      %dma_start3A_2735 = tpu.memref_squeeze %dma_start3A_2734 : memref<1x32x128xf32, #tpu.memory_space<vmem>> -> memref<32x128xf32, #tpu.memory_space<vmem>>
      %dma_start3A_2736 = arith.constant 0 : i32
      %dma_start3A_2737 = tpu.memref_slice %arg4[%dma_start3A_2736, %multiple_of3A_2725] : memref<32x1000000xf32, #tpu.memory_space<hbm>> -> memref<32x128xf32, #tpu.memory_space<hbm>>
      %dma_start3A_2738 = arith.constant 0 : i32
      %dma_start3A_2739 = arith.constant 0 : i32
      %dma_start3A_2740 = tpu.memref_slice %arg12[%dma_start3A_2731, %dma_start3A_2738, %dma_start3A_2739] : memref<4x32x128xf32, #tpu.memory_space<vmem>> -> memref<1x32x128xf32, #tpu.memory_space<vmem>>
      %dma_start3A_2741 = tpu.memref_squeeze %dma_start3A_2740 : memref<1x32x128xf32, #tpu.memory_space<vmem>> -> memref<32x128xf32, #tpu.memory_space<vmem>>
      %dma_start3A_2742 = arith.constant 0 : i32
      %dma_start3A_2743 = tpu.memref_slice %arg4[%dma_start3A_2742, %multiple_of3A_2725] : memref<32x1000000xf32, #tpu.memory_space<hbm>> -> memref<32x128xf32, #tpu.memory_space<hbm>>
      tpu.enqueue_dma source(%dma_start3A_2743 : memref<32x128xf32, #tpu.memory_space<hbm>>) target(%dma_start3A_2741 : memref<32x128xf32, #tpu.memory_space<vmem>>) target_semaphore(%arg21 : memref<!tpu.dma_semaphore, #tpu.memory_space<semaphore_mem>>)
      %dma_start3A_2744 = arith.constant 1 : i32
      %dma_start3A_2745 = arith.constant 0 : i32
      %dma_start3A_2746 = arith.constant 0 : i32
      %dma_start3A_2747 = tpu.memref_slice %arg14[%dma_start3A_2744, %dma_start3A_2745, %dma_start3A_2746] : memref<4x32x128xf32, #tpu.memory_space<vmem>> -> memref<1x32x128xf32, #tpu.memory_space<vmem>>
      %dma_start3A_2748 = tpu.memref_squeeze %dma_start3A_2747 : memref<1x32x128xf32, #tpu.memory_space<vmem>> -> memref<32x128xf32, #tpu.memory_space<vmem>>
      %dma_start3A_2749 = arith.constant 0 : i32
      %dma_start3A_2750 = tpu.memref_slice %arg6[%dma_start3A_2749, %multiple_of3A_2730] : memref<32x1000000xf32, #tpu.memory_space<hbm>> -> memref<32x128xf32, #tpu.memory_space<hbm>>
      %dma_start3A_2751 = arith.constant 0 : i32
      %dma_start3A_2752 = arith.constant 0 : i32
      %dma_start3A_2753 = tpu.memref_slice %arg14[%dma_start3A_2744, %dma_start3A_2751, %dma_start3A_2752] : memref<4x32x128xf32, #tpu.memory_space<vmem>> -> memref<1x32x128xf32, #tpu.memory_space<vmem>>
      %dma_start3A_2754 = tpu.memref_squeeze %dma_start3A_2753 : memref<1x32x128xf32, #tpu.memory_space<vmem>> -> memref<32x128xf32, #tpu.memory_space<vmem>>
      %dma_start3A_2755 = arith.constant 0 : i32
      %dma_start3A_2756 = tpu.memref_slice %arg6[%dma_start3A_2755, %multiple_of3A_2730] : memref<32x1000000xf32, #tpu.memory_space<hbm>> -> memref<32x128xf32, #tpu.memory_space<hbm>>
      tpu.enqueue_dma source(%dma_start3A_2756 : memref<32x128xf32, #tpu.memory_space<hbm>>) target(%dma_start3A_2754 : memref<32x128xf32, #tpu.memory_space<vmem>>) target_semaphore(%arg23 : memref<!tpu.dma_semaphore, #tpu.memory_space<semaphore_mem>>)
      %slice3A_2757 = vector.extract_strided_slice %get3A_2674 {offsets = [2], sizes = [1], strides = [1]} : vector<16xi32> to vector<1xi32>
      %squeeze3A_2758 = vector.extract %slice3A_2757[0] : i32 from vector<1xi32>
      %slice3A_2759 = vector.extract_strided_slice %get3A_2676 {offsets = [2], sizes = [1], strides = [1]} : vector<16xi32> to vector<1xi32>
      %squeeze3A_2760 = vector.extract %slice3A_2759[0] : i32 from vector<1xi32>
      %shift_right_arithmetic3A_2761 = arith.constant 7 : i32
      %shift_right_arithmetic3A_2762 = arith.shrsi %squeeze3A_2758, %shift_right_arithmetic3A_2761 : i32
      %shift_left3A_2763 = arith.constant 7 : i32
      %shift_left3A_2764 = arith.shli %shift_right_arithmetic3A_2762, %shift_left3A_2763 : i32
      %multiple_of3A_2765 = tpu.assume_multiple %shift_left3A_2764, 128 : i32
      %shift_right_arithmetic3A_2766 = arith.constant 7 : i32
      %shift_right_arithmetic3A_2767 = arith.shrsi %squeeze3A_2760, %shift_right_arithmetic3A_2766 : i32
      %shift_left3A_2768 = arith.constant 7 : i32
      %shift_left3A_2769 = arith.shli %shift_right_arithmetic3A_2767, %shift_left3A_2768 : i32
      %multiple_of3A_2770 = tpu.assume_multiple %shift_left3A_2769, 128 : i32
      %dma_start3A_2771 = arith.constant 2 : i32
      %dma_start3A_2772 = arith.constant 0 : i32
      %dma_start3A_2773 = arith.constant 0 : i32
      %dma_start3A_2774 = tpu.memref_slice %arg12[%dma_start3A_2771, %dma_start3A_2772, %dma_start3A_2773] : memref<4x32x128xf32, #tpu.memory_space<vmem>> -> memref<1x32x128xf32, #tpu.memory_space<vmem>>
      %dma_start3A_2775 = tpu.memref_squeeze %dma_start3A_2774 : memref<1x32x128xf32, #tpu.memory_space<vmem>> -> memref<32x128xf32, #tpu.memory_space<vmem>>
      %dma_start3A_2776 = arith.constant 0 : i32
      %dma_start3A_2777 = tpu.memref_slice %arg4[%dma_start3A_2776, %multiple_of3A_2765] : memref<32x1000000xf32, #tpu.memory_space<hbm>> -> memref<32x128xf32, #tpu.memory_space<hbm>>
      %dma_start3A_2778 = arith.constant 0 : i32
      %dma_start3A_2779 = arith.constant 0 : i32
      %dma_start3A_2780 = tpu.memref_slice %arg12[%dma_start3A_2771, %dma_start3A_2778, %dma_start3A_2779] : memref<4x32x128xf32, #tpu.memory_space<vmem>> -> memref<1x32x128xf32, #tpu.memory_space<vmem>>
      %dma_start3A_2781 = tpu.memref_squeeze %dma_start3A_2780 : memref<1x32x128xf32, #tpu.memory_space<vmem>> -> memref<32x128xf32, #tpu.memory_space<vmem>>
      %dma_start3A_2782 = arith.constant 0 : i32
      %dma_start3A_2783 = tpu.memref_slice %arg4[%dma_start3A_2782, %multiple_of3A_2765] : memref<32x1000000xf32, #tpu.memory_space<hbm>> -> memref<32x128xf32, #tpu.memory_space<hbm>>
      tpu.enqueue_dma source(%dma_start3A_2783 : memref<32x128xf32, #tpu.memory_space<hbm>>) target(%dma_start3A_2781 : memref<32x128xf32, #tpu.memory_space<vmem>>) target_semaphore(%arg21 : memref<!tpu.dma_semaphore, #tpu.memory_space<semaphore_mem>>)
      %dma_start3A_2784 = arith.constant 2 : i32
      %dma_start3A_2785 = arith.constant 0 : i32
      %dma_start3A_2786 = arith.constant 0 : i32
      %dma_start3A_2787 = tpu.memref_slice %arg14[%dma_start3A_2784, %dma_start3A_2785, %dma_start3A_2786] : memref<4x32x128xf32, #tpu.memory_space<vmem>> -> memref<1x32x128xf32, #tpu.memory_space<vmem>>
      %dma_start3A_2788 = tpu.memref_squeeze %dma_start3A_2787 : memref<1x32x128xf32, #tpu.memory_space<vmem>> -> memref<32x128xf32, #tpu.memory_space<vmem>>
      %dma_start3A_2789 = arith.constant 0 : i32
      %dma_start3A_2790 = tpu.memref_slice %arg6[%dma_start3A_2789, %multiple_of3A_2770] : memref<32x1000000xf32, #tpu.memory_space<hbm>> -> memref<32x128xf32, #tpu.memory_space<hbm>>
      %dma_start3A_2791 = arith.constant 0 : i32
      %dma_start3A_2792 = arith.constant 0 : i32
      %dma_start3A_2793 = tpu.memref_slice %arg14[%dma_start3A_2784, %dma_start3A_2791, %dma_start3A_2792] : memref<4x32x128xf32, #tpu.memory_space<vmem>> -> memref<1x32x128xf32, #tpu.memory_space<vmem>>
      %dma_start3A_2794 = tpu.memref_squeeze %dma_start3A_2793 : memref<1x32x128xf32, #tpu.memory_space<vmem>> -> memref<32x128xf32, #tpu.memory_space<vmem>>
      %dma_start3A_2795 = arith.constant 0 : i32
      %dma_start3A_2796 = tpu.memref_slice %arg6[%dma_start3A_2795, %multiple_of3A_2770] : memref<32x1000000xf32, #tpu.memory_space<hbm>> -> memref<32x128xf32, #tpu.memory_space<hbm>>
      tpu.enqueue_dma source(%dma_start3A_2796 : memref<32x128xf32, #tpu.memory_space<hbm>>) target(%dma_start3A_2794 : memref<32x128xf32, #tpu.memory_space<vmem>>) target_semaphore(%arg23 : memref<!tpu.dma_semaphore, #tpu.memory_space<semaphore_mem>>)
      %slice3A_2797 = vector.extract_strided_slice %get3A_2674 {offsets = [3], sizes = [1], strides = [1]} : vector<16xi32> to vector<1xi32>
      %squeeze3A_2798 = vector.extract %slice3A_2797[0] : i32 from vector<1xi32>
      %slice3A_2799 = vector.extract_strided_slice %get3A_2676 {offsets = [3], sizes = [1], strides = [1]} : vector<16xi32> to vector<1xi32>
      %squeeze3A_2800 = vector.extract %slice3A_2799[0] : i32 from vector<1xi32>
      %shift_right_arithmetic3A_2801 = arith.constant 7 : i32
      %shift_right_arithmetic3A_2802 = arith.shrsi %squeeze3A_2798, %shift_right_arithmetic3A_2801 : i32
      %shift_left3A_2803 = arith.constant 7 : i32
      %shift_left3A_2804 = arith.shli %shift_right_arithmetic3A_2802, %shift_left3A_2803 : i32
      %multiple_of3A_2805 = tpu.assume_multiple %shift_left3A_2804, 128 : i32
      %shift_right_arithmetic3A_2806 = arith.constant 7 : i32
      %shift_right_arithmetic3A_2807 = arith.shrsi %squeeze3A_2800, %shift_right_arithmetic3A_2806 : i32
      %shift_left3A_2808 = arith.constant 7 : i32
      %shift_left3A_2809 = arith.shli %shift_right_arithmetic3A_2807, %shift_left3A_2808 : i32
      %multiple_of3A_2810 = tpu.assume_multiple %shift_left3A_2809, 128 : i32
      %dma_start3A_2811 = arith.constant 3 : i32
      %dma_start3A_2812 = arith.constant 0 : i32
      %dma_start3A_2813 = arith.constant 0 : i32
      %dma_start3A_2814 = tpu.memref_slice %arg12[%dma_start3A_2811, %dma_start3A_2812, %dma_start3A_2813] : memref<4x32x128xf32, #tpu.memory_space<vmem>> -> memref<1x32x128xf32, #tpu.memory_space<vmem>>
      %dma_start3A_2815 = tpu.memref_squeeze %dma_start3A_2814 : memref<1x32x128xf32, #tpu.memory_space<vmem>> -> memref<32x128xf32, #tpu.memory_space<vmem>>
      %dma_start3A_2816 = arith.constant 0 : i32
      %dma_start3A_2817 = tpu.memref_slice %arg4[%dma_start3A_2816, %multiple_of3A_2805] : memref<32x1000000xf32, #tpu.memory_space<hbm>> -> memref<32x128xf32, #tpu.memory_space<hbm>>
      %dma_start3A_2818 = arith.constant 0 : i32
      %dma_start3A_2819 = arith.constant 0 : i32
      %dma_start3A_2820 = tpu.memref_slice %arg12[%dma_start3A_2811, %dma_start3A_2818, %dma_start3A_2819] : memref<4x32x128xf32, #tpu.memory_space<vmem>> -> memref<1x32x128xf32, #tpu.memory_space<vmem>>
      %dma_start3A_2821 = tpu.memref_squeeze %dma_start3A_2820 : memref<1x32x128xf32, #tpu.memory_space<vmem>> -> memref<32x128xf32, #tpu.memory_space<vmem>>
      %dma_start3A_2822 = arith.constant 0 : i32
      %dma_start3A_2823 = tpu.memref_slice %arg4[%dma_start3A_2822, %multiple_of3A_2805] : memref<32x1000000xf32, #tpu.memory_space<hbm>> -> memref<32x128xf32, #tpu.memory_space<hbm>>
      tpu.enqueue_dma source(%dma_start3A_2823 : memref<32x128xf32, #tpu.memory_space<hbm>>) target(%dma_start3A_2821 : memref<32x128xf32, #tpu.memory_space<vmem>>) target_semaphore(%arg21 : memref<!tpu.dma_semaphore, #tpu.memory_space<semaphore_mem>>)
      %dma_start3A_2824 = arith.constant 3 : i32
      %dma_start3A_2825 = arith.constant 0 : i32
      %dma_start3A_2826 = arith.constant 0 : i32
      %dma_start3A_2827 = tpu.memref_slice %arg14[%dma_start3A_2824, %dma_start3A_2825, %dma_start3A_2826] : memref<4x32x128xf32, #tpu.memory_space<vmem>> -> memref<1x32x128xf32, #tpu.memory_space<vmem>>
      %dma_start3A_2828 = tpu.memref_squeeze %dma_start3A_2827 : memref<1x32x128xf32, #tpu.memory_space<vmem>> -> memref<32x128xf32, #tpu.memory_space<vmem>>
      %dma_start3A_2829 = arith.constant 0 : i32
      %dma_start3A_2830 = tpu.memref_slice %arg6[%dma_start3A_2829, %multiple_of3A_2810] : memref<32x1000000xf32, #tpu.memory_space<hbm>> -> memref<32x128xf32, #tpu.memory_space<hbm>>
      %dma_start3A_2831 = arith.constant 0 : i32
      %dma_start3A_2832 = arith.constant 0 : i32
      %dma_start3A_2833 = tpu.memref_slice %arg14[%dma_start3A_2824, %dma_start3A_2831, %dma_start3A_2832] : memref<4x32x128xf32, #tpu.memory_space<vmem>> -> memref<1x32x128xf32, #tpu.memory_space<vmem>>
      %dma_start3A_2834 = tpu.memref_squeeze %dma_start3A_2833 : memref<1x32x128xf32, #tpu.memory_space<vmem>> -> memref<32x128xf32, #tpu.memory_space<vmem>>
      %dma_start3A_2835 = arith.constant 0 : i32
      %dma_start3A_2836 = tpu.memref_slice %arg6[%dma_start3A_2835, %multiple_of3A_2810] : memref<32x1000000xf32, #tpu.memory_space<hbm>> -> memref<32x128xf32, #tpu.memory_space<hbm>>
      tpu.enqueue_dma source(%dma_start3A_2836 : memref<32x128xf32, #tpu.memory_space<hbm>>) target(%dma_start3A_2834 : memref<32x128xf32, #tpu.memory_space<vmem>>) target_semaphore(%arg23 : memref<!tpu.dma_semaphore, #tpu.memory_space<semaphore_mem>>)
      %dma_wait3A_2837 = arith.constant 0 : i32
      %dma_wait3A_2838 = arith.constant 0 : i32
      %dma_wait3A_2839 = arith.constant 0 : i32
      %dma_wait3A_2840 = tpu.memref_slice %arg13[%dma_wait3A_2837, %dma_wait3A_2838, %dma_wait3A_2839] : memref<4x32x128xf32, #tpu.memory_space<vmem>> -> memref<1x32x128xf32, #tpu.memory_space<vmem>>
      %dma_wait3A_2841 = tpu.memref_squeeze %dma_wait3A_2840 : memref<1x32x128xf32, #tpu.memory_space<vmem>> -> memref<32x128xf32, #tpu.memory_space<vmem>>
      %dma_wait3A_2842 = arith.constant 0 : i32
      %dma_wait3A_2843 = arith.constant 0 : i32
      %dma_wait3A_2844 = tpu.memref_slice %arg4[%dma_wait3A_2842, %dma_wait3A_2843] : memref<32x1000000xf32, #tpu.memory_space<hbm>> -> memref<32x128xf32, #tpu.memory_space<hbm>>
      %dma_wait3A_2845 = arith.constant 0 : i32
      %dma_wait3A_2846 = arith.constant 0 : i32
      %dma_wait3A_2847 = tpu.memref_slice %arg13[%dma_wait3A_2837, %dma_wait3A_2845, %dma_wait3A_2846] : memref<4x32x128xf32, #tpu.memory_space<vmem>> -> memref<1x32x128xf32, #tpu.memory_space<vmem>>
      %dma_wait3A_2848 = tpu.memref_squeeze %dma_wait3A_2847 : memref<1x32x128xf32, #tpu.memory_space<vmem>> -> memref<32x128xf32, #tpu.memory_space<vmem>>
      %dma_wait3A_2849 = arith.constant 0 : i32
      %dma_wait3A_2850 = arith.constant 0 : i32
      %dma_wait3A_2851 = tpu.memref_slice %arg4[%dma_wait3A_2849, %dma_wait3A_2850] : memref<32x1000000xf32, #tpu.memory_space<hbm>> -> memref<32x128xf32, #tpu.memory_space<hbm>>
      tpu.wait_dma2 semaphore(%arg22 : memref<!tpu.dma_semaphore, #tpu.memory_space<semaphore_mem>>) src(%dma_wait3A_2851 : memref<32x128xf32, #tpu.memory_space<hbm>>) dst(%dma_wait3A_2848 : memref<32x128xf32, #tpu.memory_space<vmem>>)
      %dma_wait3A_2852 = arith.constant 0 : i32
      %dma_wait3A_2853 = arith.constant 0 : i32
      %dma_wait3A_2854 = arith.constant 0 : i32
      %dma_wait3A_2855 = tpu.memref_slice %arg15[%dma_wait3A_2852, %dma_wait3A_2853, %dma_wait3A_2854] : memref<4x32x128xf32, #tpu.memory_space<vmem>> -> memref<1x32x128xf32, #tpu.memory_space<vmem>>
      %dma_wait3A_2856 = tpu.memref_squeeze %dma_wait3A_2855 : memref<1x32x128xf32, #tpu.memory_space<vmem>> -> memref<32x128xf32, #tpu.memory_space<vmem>>
      %dma_wait3A_2857 = arith.constant 0 : i32
      %dma_wait3A_2858 = arith.constant 0 : i32
      %dma_wait3A_2859 = tpu.memref_slice %arg6[%dma_wait3A_2857, %dma_wait3A_2858] : memref<32x1000000xf32, #tpu.memory_space<hbm>> -> memref<32x128xf32, #tpu.memory_space<hbm>>
      %dma_wait3A_2860 = arith.constant 0 : i32
      %dma_wait3A_2861 = arith.constant 0 : i32
      %dma_wait3A_2862 = tpu.memref_slice %arg15[%dma_wait3A_2852, %dma_wait3A_2860, %dma_wait3A_2861] : memref<4x32x128xf32, #tpu.memory_space<vmem>> -> memref<1x32x128xf32, #tpu.memory_space<vmem>>
      %dma_wait3A_2863 = tpu.memref_squeeze %dma_wait3A_2862 : memref<1x32x128xf32, #tpu.memory_space<vmem>> -> memref<32x128xf32, #tpu.memory_space<vmem>>
      %dma_wait3A_2864 = arith.constant 0 : i32
      %dma_wait3A_2865 = arith.constant 0 : i32
      %dma_wait3A_2866 = tpu.memref_slice %arg6[%dma_wait3A_2864, %dma_wait3A_2865] : memref<32x1000000xf32, #tpu.memory_space<hbm>> -> memref<32x128xf32, #tpu.memory_space<hbm>>
      tpu.wait_dma2 semaphore(%arg24 : memref<!tpu.dma_semaphore, #tpu.memory_space<semaphore_mem>>) src(%dma_wait3A_2866 : memref<32x128xf32, #tpu.memory_space<hbm>>) dst(%dma_wait3A_2863 : memref<32x128xf32, #tpu.memory_space<vmem>>)
      %dma_wait3A_2867 = arith.constant 1 : i32
      %dma_wait3A_2868 = arith.constant 0 : i32
      %dma_wait3A_2869 = arith.constant 0 : i32
      %dma_wait3A_2870 = tpu.memref_slice %arg13[%dma_wait3A_2867, %dma_wait3A_2868, %dma_wait3A_2869] : memref<4x32x128xf32, #tpu.memory_space<vmem>> -> memref<1x32x128xf32, #tpu.memory_space<vmem>>
      %dma_wait3A_2871 = tpu.memref_squeeze %dma_wait3A_2870 : memref<1x32x128xf32, #tpu.memory_space<vmem>> -> memref<32x128xf32, #tpu.memory_space<vmem>>
      %dma_wait3A_2872 = arith.constant 0 : i32
      %dma_wait3A_2873 = arith.constant 0 : i32
      %dma_wait3A_2874 = tpu.memref_slice %arg4[%dma_wait3A_2872, %dma_wait3A_2873] : memref<32x1000000xf32, #tpu.memory_space<hbm>> -> memref<32x128xf32, #tpu.memory_space<hbm>>
      %dma_wait3A_2875 = arith.constant 0 : i32
      %dma_wait3A_2876 = arith.constant 0 : i32
      %dma_wait3A_2877 = tpu.memref_slice %arg13[%dma_wait3A_2867, %dma_wait3A_2875, %dma_wait3A_2876] : memref<4x32x128xf32, #tpu.memory_space<vmem>> -> memref<1x32x128xf32, #tpu.memory_space<vmem>>
      %dma_wait3A_2878 = tpu.memref_squeeze %dma_wait3A_2877 : memref<1x32x128xf32, #tpu.memory_space<vmem>> -> memref<32x128xf32, #tpu.memory_space<vmem>>
      %dma_wait3A_2879 = arith.constant 0 : i32
      %dma_wait3A_2880 = arith.constant 0 : i32
      %dma_wait3A_2881 = tpu.memref_slice %arg4[%dma_wait3A_2879, %dma_wait3A_2880] : memref<32x1000000xf32, #tpu.memory_space<hbm>> -> memref<32x128xf32, #tpu.memory_space<hbm>>
      tpu.wait_dma2 semaphore(%arg22 : memref<!tpu.dma_semaphore, #tpu.memory_space<semaphore_mem>>) src(%dma_wait3A_2881 : memref<32x128xf32, #tpu.memory_space<hbm>>) dst(%dma_wait3A_2878 : memref<32x128xf32, #tpu.memory_space<vmem>>)
      %dma_wait3A_2882 = arith.constant 1 : i32
      %dma_wait3A_2883 = arith.constant 0 : i32
      %dma_wait3A_2884 = arith.constant 0 : i32
      %dma_wait3A_2885 = tpu.memref_slice %arg15[%dma_wait3A_2882, %dma_wait3A_2883, %dma_wait3A_2884] : memref<4x32x128xf32, #tpu.memory_space<vmem>> -> memref<1x32x128xf32, #tpu.memory_space<vmem>>
      %dma_wait3A_2886 = tpu.memref_squeeze %dma_wait3A_2885 : memref<1x32x128xf32, #tpu.memory_space<vmem>> -> memref<32x128xf32, #tpu.memory_space<vmem>>
      %dma_wait3A_2887 = arith.constant 0 : i32
      %dma_wait3A_2888 = arith.constant 0 : i32
      %dma_wait3A_2889 = tpu.memref_slice %arg6[%dma_wait3A_2887, %dma_wait3A_2888] : memref<32x1000000xf32, #tpu.memory_space<hbm>> -> memref<32x128xf32, #tpu.memory_space<hbm>>
      %dma_wait3A_2890 = arith.constant 0 : i32
      %dma_wait3A_2891 = arith.constant 0 : i32
      %dma_wait3A_2892 = tpu.memref_slice %arg15[%dma_wait3A_2882, %dma_wait3A_2890, %dma_wait3A_2891] : memref<4x32x128xf32, #tpu.memory_space<vmem>> -> memref<1x32x128xf32, #tpu.memory_space<vmem>>
      %dma_wait3A_2893 = tpu.memref_squeeze %dma_wait3A_2892 : memref<1x32x128xf32, #tpu.memory_space<vmem>> -> memref<32x128xf32, #tpu.memory_space<vmem>>
      %dma_wait3A_2894 = arith.constant 0 : i32
      %dma_wait3A_2895 = arith.constant 0 : i32
      %dma_wait3A_2896 = tpu.memref_slice %arg6[%dma_wait3A_2894, %dma_wait3A_2895] : memref<32x1000000xf32, #tpu.memory_space<hbm>> -> memref<32x128xf32, #tpu.memory_space<hbm>>
      tpu.wait_dma2 semaphore(%arg24 : memref<!tpu.dma_semaphore, #tpu.memory_space<semaphore_mem>>) src(%dma_wait3A_2896 : memref<32x128xf32, #tpu.memory_space<hbm>>) dst(%dma_wait3A_2893 : memref<32x128xf32, #tpu.memory_space<vmem>>)
      %dma_wait3A_2897 = arith.constant 2 : i32
      %dma_wait3A_2898 = arith.constant 0 : i32
      %dma_wait3A_2899 = arith.constant 0 : i32
      %dma_wait3A_2900 = tpu.memref_slice %arg13[%dma_wait3A_2897, %dma_wait3A_2898, %dma_wait3A_2899] : memref<4x32x128xf32, #tpu.memory_space<vmem>> -> memref<1x32x128xf32, #tpu.memory_space<vmem>>
      %dma_wait3A_2901 = tpu.memref_squeeze %dma_wait3A_2900 : memref<1x32x128xf32, #tpu.memory_space<vmem>> -> memref<32x128xf32, #tpu.memory_space<vmem>>
      %dma_wait3A_2902 = arith.constant 0 : i32
      %dma_wait3A_2903 = arith.constant 0 : i32
      %dma_wait3A_2904 = tpu.memref_slice %arg4[%dma_wait3A_2902, %dma_wait3A_2903] : memref<32x1000000xf32, #tpu.memory_space<hbm>> -> memref<32x128xf32, #tpu.memory_space<hbm>>
      %dma_wait3A_2905 = arith.constant 0 : i32
      %dma_wait3A_2906 = arith.constant 0 : i32
      %dma_wait3A_2907 = tpu.memref_slice %arg13[%dma_wait3A_2897, %dma_wait3A_2905, %dma_wait3A_2906] : memref<4x32x128xf32, #tpu.memory_space<vmem>> -> memref<1x32x128xf32, #tpu.memory_space<vmem>>
      %dma_wait3A_2908 = tpu.memref_squeeze %dma_wait3A_2907 : memref<1x32x128xf32, #tpu.memory_space<vmem>> -> memref<32x128xf32, #tpu.memory_space<vmem>>
      %dma_wait3A_2909 = arith.constant 0 : i32
      %dma_wait3A_2910 = arith.constant 0 : i32
      %dma_wait3A_2911 = tpu.memref_slice %arg4[%dma_wait3A_2909, %dma_wait3A_2910] : memref<32x1000000xf32, #tpu.memory_space<hbm>> -> memref<32x128xf32, #tpu.memory_space<hbm>>
      tpu.wait_dma2 semaphore(%arg22 : memref<!tpu.dma_semaphore, #tpu.memory_space<semaphore_mem>>) src(%dma_wait3A_2911 : memref<32x128xf32, #tpu.memory_space<hbm>>) dst(%dma_wait3A_2908 : memref<32x128xf32, #tpu.memory_space<vmem>>)
      %dma_wait3A_2912 = arith.constant 2 : i32
      %dma_wait3A_2913 = arith.constant 0 : i32
      %dma_wait3A_2914 = arith.constant 0 : i32
      %dma_wait3A_2915 = tpu.memref_slice %arg15[%dma_wait3A_2912, %dma_wait3A_2913, %dma_wait3A_2914] : memref<4x32x128xf32, #tpu.memory_space<vmem>> -> memref<1x32x128xf32, #tpu.memory_space<vmem>>
      %dma_wait3A_2916 = tpu.memref_squeeze %dma_wait3A_2915 : memref<1x32x128xf32, #tpu.memory_space<vmem>> -> memref<32x128xf32, #tpu.memory_space<vmem>>
      %dma_wait3A_2917 = arith.constant 0 : i32
      %dma_wait3A_2918 = arith.constant 0 : i32
      %dma_wait3A_2919 = tpu.memref_slice %arg6[%dma_wait3A_2917, %dma_wait3A_2918] : memref<32x1000000xf32, #tpu.memory_space<hbm>> -> memref<32x128xf32, #tpu.memory_space<hbm>>
      %dma_wait3A_2920 = arith.constant 0 : i32
      %dma_wait3A_2921 = arith.constant 0 : i32
      %dma_wait3A_2922 = tpu.memref_slice %arg15[%dma_wait3A_2912, %dma_wait3A_2920, %dma_wait3A_2921] : memref<4x32x128xf32, #tpu.memory_space<vmem>> -> memref<1x32x128xf32, #tpu.memory_space<vmem>>
      %dma_wait3A_2923 = tpu.memref_squeeze %dma_wait3A_2922 : memref<1x32x128xf32, #tpu.memory_space<vmem>> -> memref<32x128xf32, #tpu.memory_space<vmem>>
      %dma_wait3A_2924 = arith.constant 0 : i32
      %dma_wait3A_2925 = arith.constant 0 : i32
      %dma_wait3A_2926 = tpu.memref_slice %arg6[%dma_wait3A_2924, %dma_wait3A_2925] : memref<32x1000000xf32, #tpu.memory_space<hbm>> -> memref<32x128xf32, #tpu.memory_space<hbm>>
      tpu.wait_dma2 semaphore(%arg24 : memref<!tpu.dma_semaphore, #tpu.memory_space<semaphore_mem>>) src(%dma_wait3A_2926 : memref<32x128xf32, #tpu.memory_space<hbm>>) dst(%dma_wait3A_2923 : memref<32x128xf32, #tpu.memory_space<vmem>>)
      %dma_wait3A_2927 = arith.constant 3 : i32
      %dma_wait3A_2928 = arith.constant 0 : i32
      %dma_wait3A_2929 = arith.constant 0 : i32
      %dma_wait3A_2930 = tpu.memref_slice %arg13[%dma_wait3A_2927, %dma_wait3A_2928, %dma_wait3A_2929] : memref<4x32x128xf32, #tpu.memory_space<vmem>> -> memref<1x32x128xf32, #tpu.memory_space<vmem>>
      %dma_wait3A_2931 = tpu.memref_squeeze %dma_wait3A_2930 : memref<1x32x128xf32, #tpu.memory_space<vmem>> -> memref<32x128xf32, #tpu.memory_space<vmem>>
      %dma_wait3A_2932 = arith.constant 0 : i32
      %dma_wait3A_2933 = arith.constant 0 : i32
      %dma_wait3A_2934 = tpu.memref_slice %arg4[%dma_wait3A_2932, %dma_wait3A_2933] : memref<32x1000000xf32, #tpu.memory_space<hbm>> -> memref<32x128xf32, #tpu.memory_space<hbm>>
      %dma_wait3A_2935 = arith.constant 0 : i32
      %dma_wait3A_2936 = arith.constant 0 : i32
      %dma_wait3A_2937 = tpu.memref_slice %arg13[%dma_wait3A_2927, %dma_wait3A_2935, %dma_wait3A_2936] : memref<4x32x128xf32, #tpu.memory_space<vmem>> -> memref<1x32x128xf32, #tpu.memory_space<vmem>>
      %dma_wait3A_2938 = tpu.memref_squeeze %dma_wait3A_2937 : memref<1x32x128xf32, #tpu.memory_space<vmem>> -> memref<32x128xf32, #tpu.memory_space<vmem>>
      %dma_wait3A_2939 = arith.constant 0 : i32
      %dma_wait3A_2940 = arith.constant 0 : i32
      %dma_wait3A_2941 = tpu.memref_slice %arg4[%dma_wait3A_2939, %dma_wait3A_2940] : memref<32x1000000xf32, #tpu.memory_space<hbm>> -> memref<32x128xf32, #tpu.memory_space<hbm>>
      tpu.wait_dma2 semaphore(%arg22 : memref<!tpu.dma_semaphore, #tpu.memory_space<semaphore_mem>>) src(%dma_wait3A_2941 : memref<32x128xf32, #tpu.memory_space<hbm>>) dst(%dma_wait3A_2938 : memref<32x128xf32, #tpu.memory_space<vmem>>)
      %dma_wait3A_2942 = arith.constant 3 : i32
      %dma_wait3A_2943 = arith.constant 0 : i32
      %dma_wait3A_2944 = arith.constant 0 : i32
      %dma_wait3A_2945 = tpu.memref_slice %arg15[%dma_wait3A_2942, %dma_wait3A_2943, %dma_wait3A_2944] : memref<4x32x128xf32, #tpu.memory_space<vmem>> -> memref<1x32x128xf32, #tpu.memory_space<vmem>>
      %dma_wait3A_2946 = tpu.memref_squeeze %dma_wait3A_2945 : memref<1x32x128xf32, #tpu.memory_space<vmem>> -> memref<32x128xf32, #tpu.memory_space<vmem>>
      %dma_wait3A_2947 = arith.constant 0 : i32
      %dma_wait3A_2948 = arith.constant 0 : i32
      %dma_wait3A_2949 = tpu.memref_slice %arg6[%dma_wait3A_2947, %dma_wait3A_2948] : memref<32x1000000xf32, #tpu.memory_space<hbm>> -> memref<32x128xf32, #tpu.memory_space<hbm>>
      %dma_wait3A_2950 = arith.constant 0 : i32
      %dma_wait3A_2951 = arith.constant 0 : i32
      %dma_wait3A_2952 = tpu.memref_slice %arg15[%dma_wait3A_2942, %dma_wait3A_2950, %dma_wait3A_2951] : memref<4x32x128xf32, #tpu.memory_space<vmem>> -> memref<1x32x128xf32, #tpu.memory_space<vmem>>
      %dma_wait3A_2953 = tpu.memref_squeeze %dma_wait3A_2952 : memref<1x32x128xf32, #tpu.memory_space<vmem>> -> memref<32x128xf32, #tpu.memory_space<vmem>>
      %dma_wait3A_2954 = arith.constant 0 : i32
      %dma_wait3A_2955 = arith.constant 0 : i32
      %dma_wait3A_2956 = tpu.memref_slice %arg6[%dma_wait3A_2954, %dma_wait3A_2955] : memref<32x1000000xf32, #tpu.memory_space<hbm>> -> memref<32x128xf32, #tpu.memory_space<hbm>>
      tpu.wait_dma2 semaphore(%arg24 : memref<!tpu.dma_semaphore, #tpu.memory_space<semaphore_mem>>) src(%dma_wait3A_2956 : memref<32x128xf32, #tpu.memory_space<hbm>>) dst(%dma_wait3A_2953 : memref<32x128xf32, #tpu.memory_space<vmem>>)
      %slice3A_2957 = vector.extract_strided_slice %get3A_1573 {offsets = [12], sizes = [1], strides = [1]} : vector<16xi32> to vector<1xi32>
      %squeeze3A_2958 = vector.extract %slice3A_2957[0] : i32 from vector<1xi32>
      %and3A_2959 = arith.constant 127 : i32
      %and3A_2960 = arith.andi %squeeze3A_2958, %and3A_2959 : i32
      %broadcast_in_dim3A_2961 = vector.broadcast %and3A_2960 : i32 to vector<16xi32>
      %slice3A_2962 = vector.extract_strided_slice %get3A_1575 {offsets = [12], sizes = [1], strides = [1]} : vector<16xi32> to vector<1xi32>
      %squeeze3A_2963 = vector.extract %slice3A_2962[0] : i32 from vector<1xi32>
      %and3A_2964 = arith.constant 127 : i32
      %and3A_2965 = arith.andi %squeeze3A_2963, %and3A_2964 : i32
      %broadcast_in_dim3A_2966 = vector.broadcast %and3A_2965 : i32 to vector<16xi32>
      %broadcast_in_dim3A_2967 = arith.constant 0 : i32
      %broadcast_in_dim3A_2968 = vector.broadcast %broadcast_in_dim3A_2967 : i32 to vector<16xi32>
      %gather3A_2969 = tpu.vector_load_idx %arg13[%broadcast_in_dim3A_2968, %iota3A, %broadcast_in_dim3A_2961] : memref<4x32x128xf32, #tpu.memory_space<vmem>>[vector<16xi32>, vector<16xi32>, vector<16xi32>], vector<16xf32>,
      %gather3A_2970 = tpu.vector_load_idx %arg13[%broadcast_in_dim3A_2968, %add3A_11, %broadcast_in_dim3A_2961] : memref<4x32x128xf32, #tpu.memory_space<vmem>>[vector<16xi32>, vector<16xi32>, vector<16xi32>], vector<16xf32>,
      %gather3A_2971 = tpu.vector_load_idx %arg15[%broadcast_in_dim3A_2968, %iota3A, %broadcast_in_dim3A_2966] : memref<4x32x128xf32, #tpu.memory_space<vmem>>[vector<16xi32>, vector<16xi32>, vector<16xi32>], vector<16xf32>,
      %gather3A_2972 = tpu.vector_load_idx %arg15[%broadcast_in_dim3A_2968, %add3A_11, %broadcast_in_dim3A_2966] : memref<4x32x128xf32, #tpu.memory_space<vmem>>[vector<16xi32>, vector<16xi32>, vector<16xi32>], vector<16xf32>,
      %mul3A_2973 = arith.mulf %gather3A_2969, %gather3A_2971 : vector<16xf32>
      %mul3A_2974 = arith.mulf %gather3A_2970, %gather3A_2972 : vector<16xf32>
      %add3A_2975 = arith.addf %mul3A_2973, %mul3A_2974 : vector<16xf32>
      %swap3A_2976 = arith.constant 192 : index
      %swap3A_2977 = tpu.vector_load %arg16[%swap3A_2976] {strides = array<i32>} : memref<256xf32, #tpu.memory_space<vmem>>, vector<16xf32>,
      tpu.vector_store %arg16[%swap3A_2976], %add3A_2975 {strides = array<i32>} : memref<256xf32, #tpu.memory_space<vmem>>, vector<16xf32>,
      %slice3A_2978 = vector.extract_strided_slice %get3A_1573 {offsets = [13], sizes = [1], strides = [1]} : vector<16xi32> to vector<1xi32>
      %squeeze3A_2979 = vector.extract %slice3A_2978[0] : i32 from vector<1xi32>
      %and3A_2980 = arith.constant 127 : i32
      %and3A_2981 = arith.andi %squeeze3A_2979, %and3A_2980 : i32
      %broadcast_in_dim3A_2982 = vector.broadcast %and3A_2981 : i32 to vector<16xi32>
      %slice3A_2983 = vector.extract_strided_slice %get3A_1575 {offsets = [13], sizes = [1], strides = [1]} : vector<16xi32> to vector<1xi32>
      %squeeze3A_2984 = vector.extract %slice3A_2983[0] : i32 from vector<1xi32>
      %and3A_2985 = arith.constant 127 : i32
      %and3A_2986 = arith.andi %squeeze3A_2984, %and3A_2985 : i32
      %broadcast_in_dim3A_2987 = vector.broadcast %and3A_2986 : i32 to vector<16xi32>
      %broadcast_in_dim3A_2988 = arith.constant 1 : i32
      %broadcast_in_dim3A_2989 = vector.broadcast %broadcast_in_dim3A_2988 : i32 to vector<16xi32>
      %gather3A_2990 = tpu.vector_load_idx %arg13[%broadcast_in_dim3A_2989, %iota3A, %broadcast_in_dim3A_2982] : memref<4x32x128xf32, #tpu.memory_space<vmem>>[vector<16xi32>, vector<16xi32>, vector<16xi32>], vector<16xf32>,
      %gather3A_2991 = tpu.vector_load_idx %arg13[%broadcast_in_dim3A_2989, %add3A_11, %broadcast_in_dim3A_2982] : memref<4x32x128xf32, #tpu.memory_space<vmem>>[vector<16xi32>, vector<16xi32>, vector<16xi32>], vector<16xf32>,
      %gather3A_2992 = tpu.vector_load_idx %arg15[%broadcast_in_dim3A_2989, %iota3A, %broadcast_in_dim3A_2987] : memref<4x32x128xf32, #tpu.memory_space<vmem>>[vector<16xi32>, vector<16xi32>, vector<16xi32>], vector<16xf32>,
      %gather3A_2993 = tpu.vector_load_idx %arg15[%broadcast_in_dim3A_2989, %add3A_11, %broadcast_in_dim3A_2987] : memref<4x32x128xf32, #tpu.memory_space<vmem>>[vector<16xi32>, vector<16xi32>, vector<16xi32>], vector<16xf32>,
      %mul3A_2994 = arith.mulf %gather3A_2990, %gather3A_2992 : vector<16xf32>
      %mul3A_2995 = arith.mulf %gather3A_2991, %gather3A_2993 : vector<16xf32>
      %add3A_2996 = arith.addf %mul3A_2994, %mul3A_2995 : vector<16xf32>
      %swap3A_2997 = arith.constant 208 : index
      %swap3A_2998 = tpu.vector_load %arg16[%swap3A_2997] {strides = array<i32>} : memref<256xf32, #tpu.memory_space<vmem>>, vector<16xf32>,
      tpu.vector_store %arg16[%swap3A_2997], %add3A_2996 {strides = array<i32>} : memref<256xf32, #tpu.memory_space<vmem>>, vector<16xf32>,
      %slice3A_2999 = vector.extract_strided_slice %get3A_1573 {offsets = [14], sizes = [1], strides = [1]} : vector<16xi32> to vector<1xi32>
      %squeeze3A_3000 = vector.extract %slice3A_2999[0] : i32 from vector<1xi32>
      %and3A_3001 = arith.constant 127 : i32
      %and3A_3002 = arith.andi %squeeze3A_3000, %and3A_3001 : i32
      %broadcast_in_dim3A_3003 = vector.broadcast %and3A_3002 : i32 to vector<16xi32>
      %slice3A_3004 = vector.extract_strided_slice %get3A_1575 {offsets = [14], sizes = [1], strides = [1]} : vector<16xi32> to vector<1xi32>
      %squeeze3A_3005 = vector.extract %slice3A_3004[0] : i32 from vector<1xi32>
      %and3A_3006 = arith.constant 127 : i32
      %and3A_3007 = arith.andi %squeeze3A_3005, %and3A_3006 : i32
      %broadcast_in_dim3A_3008 = vector.broadcast %and3A_3007 : i32 to vector<16xi32>
      %broadcast_in_dim3A_3009 = arith.constant 2 : i32
      %broadcast_in_dim3A_3010 = vector.broadcast %broadcast_in_dim3A_3009 : i32 to vector<16xi32>
      %gather3A_3011 = tpu.vector_load_idx %arg13[%broadcast_in_dim3A_3010, %iota3A, %broadcast_in_dim3A_3003] : memref<4x32x128xf32, #tpu.memory_space<vmem>>[vector<16xi32>, vector<16xi32>, vector<16xi32>], vector<16xf32>,
      %gather3A_3012 = tpu.vector_load_idx %arg13[%broadcast_in_dim3A_3010, %add3A_11, %broadcast_in_dim3A_3003] : memref<4x32x128xf32, #tpu.memory_space<vmem>>[vector<16xi32>, vector<16xi32>, vector<16xi32>], vector<16xf32>,
      %gather3A_3013 = tpu.vector_load_idx %arg15[%broadcast_in_dim3A_3010, %iota3A, %broadcast_in_dim3A_3008] : memref<4x32x128xf32, #tpu.memory_space<vmem>>[vector<16xi32>, vector<16xi32>, vector<16xi32>], vector<16xf32>,
      %gather3A_3014 = tpu.vector_load_idx %arg15[%broadcast_in_dim3A_3010, %add3A_11, %broadcast_in_dim3A_3008] : memref<4x32x128xf32, #tpu.memory_space<vmem>>[vector<16xi32>, vector<16xi32>, vector<16xi32>], vector<16xf32>,
      %mul3A_3015 = arith.mulf %gather3A_3011, %gather3A_3013 : vector<16xf32>
      %mul3A_3016 = arith.mulf %gather3A_3012, %gather3A_3014 : vector<16xf32>
      %add3A_3017 = arith.addf %mul3A_3015, %mul3A_3016 : vector<16xf32>
      %swap3A_3018 = arith.constant 224 : index
      %swap3A_3019 = tpu.vector_load %arg16[%swap3A_3018] {strides = array<i32>} : memref<256xf32, #tpu.memory_space<vmem>>, vector<16xf32>,
      tpu.vector_store %arg16[%swap3A_3018], %add3A_3017 {strides = array<i32>} : memref<256xf32, #tpu.memory_space<vmem>>, vector<16xf32>,
      %slice3A_3020 = vector.extract_strided_slice %get3A_1573 {offsets = [15], sizes = [1], strides = [1]} : vector<16xi32> to vector<1xi32>
      %squeeze3A_3021 = vector.extract %slice3A_3020[0] : i32 from vector<1xi32>
      %and3A_3022 = arith.constant 127 : i32
      %and3A_3023 = arith.andi %squeeze3A_3021, %and3A_3022 : i32
      %broadcast_in_dim3A_3024 = vector.broadcast %and3A_3023 : i32 to vector<16xi32>
      %slice3A_3025 = vector.extract_strided_slice %get3A_1575 {offsets = [15], sizes = [1], strides = [1]} : vector<16xi32> to vector<1xi32>
      %squeeze3A_3026 = vector.extract %slice3A_3025[0] : i32 from vector<1xi32>
      %and3A_3027 = arith.constant 127 : i32
      %and3A_3028 = arith.andi %squeeze3A_3026, %and3A_3027 : i32
      %broadcast_in_dim3A_3029 = vector.broadcast %and3A_3028 : i32 to vector<16xi32>
      %broadcast_in_dim3A_3030 = arith.constant 3 : i32
      %broadcast_in_dim3A_3031 = vector.broadcast %broadcast_in_dim3A_3030 : i32 to vector<16xi32>
      %gather3A_3032 = tpu.vector_load_idx %arg13[%broadcast_in_dim3A_3031, %iota3A, %broadcast_in_dim3A_3024] : memref<4x32x128xf32, #tpu.memory_space<vmem>>[vector<16xi32>, vector<16xi32>, vector<16xi32>], vector<16xf32>,
      %gather3A_3033 = tpu.vector_load_idx %arg13[%broadcast_in_dim3A_3031, %add3A_11, %broadcast_in_dim3A_3024] : memref<4x32x128xf32, #tpu.memory_space<vmem>>[vector<16xi32>, vector<16xi32>, vector<16xi32>], vector<16xf32>,
      %gather3A_3034 = tpu.vector_load_idx %arg15[%broadcast_in_dim3A_3031, %iota3A, %broadcast_in_dim3A_3029] : memref<4x32x128xf32, #tpu.memory_space<vmem>>[vector<16xi32>, vector<16xi32>, vector<16xi32>], vector<16xf32>,
      %gather3A_3035 = tpu.vector_load_idx %arg15[%broadcast_in_dim3A_3031, %add3A_11, %broadcast_in_dim3A_3029] : memref<4x32x128xf32, #tpu.memory_space<vmem>>[vector<16xi32>, vector<16xi32>, vector<16xi32>], vector<16xf32>,
      %mul3A_3036 = arith.mulf %gather3A_3032, %gather3A_3034 : vector<16xf32>
      %mul3A_3037 = arith.mulf %gather3A_3033, %gather3A_3035 : vector<16xf32>
      %add3A_3038 = arith.addf %mul3A_3036, %mul3A_3037 : vector<16xf32>
      %swap3A_3039 = arith.constant 240 : index
      %swap3A_3040 = tpu.vector_load %arg16[%swap3A_3039] {strides = array<i32>} : memref<256xf32, #tpu.memory_space<vmem>>, vector<16xf32>,
      tpu.vector_store %arg16[%swap3A_3039], %add3A_3038 {strides = array<i32>} : memref<256xf32, #tpu.memory_space<vmem>>, vector<16xf32>,
      %get3A_3041 = arith.index_cast %multiple_of3A_1571 : i32 to index
      %get3A_3042 = tpu.vector_load %arg17[%get3A_3041] {strides = array<i32>} : memref<512xf32, #tpu.memory_space<vmem>>, vector<16xf32>,
      %get3A_3043 = arith.index_cast %multiple_of3A_1571 : i32 to index
      %get3A_3044 = tpu.vector_load %arg18[%get3A_3043] {strides = array<i32>} : memref<512xf32, #tpu.memory_space<vmem>>, vector<16xf32>,
      %add3A_3045 = arith.addf %get3A_3042, %get3A_3044 : vector<16xf32>
      %add3A_3046 = arith.addf %add3A_3045, %get3A_174 : vector<16xf32>
      %add3A_3047 = arith.constant 0 : i32
      %add3A_3048 = vector.broadcast %add3A_3047 : i32 to vector<16xi32>
      %add3A_3049 = arith.addi %mul3A_8, %add3A_3048 : vector<16xi32>
      %gather3A_3050 = tpu.vector_load_idx %arg16[%add3A_3049] : memref<256xf32, #tpu.memory_space<vmem>>[vector<16xi32>], vector<16xf32>,
      %add3A_3051 = arith.addf %add3A_3046, %gather3A_3050 : vector<16xf32>
      %add3A_3052 = arith.constant 1 : i32
      %add3A_3053 = vector.broadcast %add3A_3052 : i32 to vector<16xi32>
      %add3A_3054 = arith.addi %mul3A_8, %add3A_3053 : vector<16xi32>
      %gather3A_3055 = tpu.vector_load_idx %arg16[%add3A_3054] : memref<256xf32, #tpu.memory_space<vmem>>[vector<16xi32>], vector<16xf32>,
      %add3A_3056 = arith.addf %add3A_3051, %gather3A_3055 : vector<16xf32>
      %add3A_3057 = arith.constant 2 : i32
      %add3A_3058 = vector.broadcast %add3A_3057 : i32 to vector<16xi32>
      %add3A_3059 = arith.addi %mul3A_8, %add3A_3058 : vector<16xi32>
      %gather3A_3060 = tpu.vector_load_idx %arg16[%add3A_3059] : memref<256xf32, #tpu.memory_space<vmem>>[vector<16xi32>], vector<16xf32>,
      %add3A_3061 = arith.addf %add3A_3056, %gather3A_3060 : vector<16xf32>
      %add3A_3062 = arith.constant 3 : i32
      %add3A_3063 = vector.broadcast %add3A_3062 : i32 to vector<16xi32>
      %add3A_3064 = arith.addi %mul3A_8, %add3A_3063 : vector<16xi32>
      %gather3A_3065 = tpu.vector_load_idx %arg16[%add3A_3064] : memref<256xf32, #tpu.memory_space<vmem>>[vector<16xi32>], vector<16xf32>,
      %add3A_3066 = arith.addf %add3A_3061, %gather3A_3065 : vector<16xf32>
      %add3A_3067 = arith.constant 4 : i32
      %add3A_3068 = vector.broadcast %add3A_3067 : i32 to vector<16xi32>
      %add3A_3069 = arith.addi %mul3A_8, %add3A_3068 : vector<16xi32>
      %gather3A_3070 = tpu.vector_load_idx %arg16[%add3A_3069] : memref<256xf32, #tpu.memory_space<vmem>>[vector<16xi32>], vector<16xf32>,
      %add3A_3071 = arith.addf %add3A_3066, %gather3A_3070 : vector<16xf32>
      %add3A_3072 = arith.constant 5 : i32
      %add3A_3073 = vector.broadcast %add3A_3072 : i32 to vector<16xi32>
      %add3A_3074 = arith.addi %mul3A_8, %add3A_3073 : vector<16xi32>
      %gather3A_3075 = tpu.vector_load_idx %arg16[%add3A_3074] : memref<256xf32, #tpu.memory_space<vmem>>[vector<16xi32>], vector<16xf32>,
      %add3A_3076 = arith.addf %add3A_3071, %gather3A_3075 : vector<16xf32>
      %add3A_3077 = arith.constant 6 : i32
      %add3A_3078 = vector.broadcast %add3A_3077 : i32 to vector<16xi32>
      %add3A_3079 = arith.addi %mul3A_8, %add3A_3078 : vector<16xi32>
      %gather3A_3080 = tpu.vector_load_idx %arg16[%add3A_3079] : memref<256xf32, #tpu.memory_space<vmem>>[vector<16xi32>], vector<16xf32>,
      %add3A_3081 = arith.addf %add3A_3076, %gather3A_3080 : vector<16xf32>
      %add3A_3082 = arith.constant 7 : i32
      %add3A_3083 = vector.broadcast %add3A_3082 : i32 to vector<16xi32>
      %add3A_3084 = arith.addi %mul3A_8, %add3A_3083 : vector<16xi32>
      %gather3A_3085 = tpu.vector_load_idx %arg16[%add3A_3084] : memref<256xf32, #tpu.memory_space<vmem>>[vector<16xi32>], vector<16xf32>,
      %add3A_3086 = arith.addf %add3A_3081, %gather3A_3085 : vector<16xf32>
      %add3A_3087 = arith.constant 8 : i32
      %add3A_3088 = vector.broadcast %add3A_3087 : i32 to vector<16xi32>
      %add3A_3089 = arith.addi %mul3A_8, %add3A_3088 : vector<16xi32>
      %gather3A_3090 = tpu.vector_load_idx %arg16[%add3A_3089] : memref<256xf32, #tpu.memory_space<vmem>>[vector<16xi32>], vector<16xf32>,
      %add3A_3091 = arith.addf %add3A_3086, %gather3A_3090 : vector<16xf32>
      %add3A_3092 = arith.constant 9 : i32
      %add3A_3093 = vector.broadcast %add3A_3092 : i32 to vector<16xi32>
      %add3A_3094 = arith.addi %mul3A_8, %add3A_3093 : vector<16xi32>
      %gather3A_3095 = tpu.vector_load_idx %arg16[%add3A_3094] : memref<256xf32, #tpu.memory_space<vmem>>[vector<16xi32>], vector<16xf32>,
      %add3A_3096 = arith.addf %add3A_3091, %gather3A_3095 : vector<16xf32>
      %add3A_3097 = arith.constant 10 : i32
      %add3A_3098 = vector.broadcast %add3A_3097 : i32 to vector<16xi32>
      %add3A_3099 = arith.addi %mul3A_8, %add3A_3098 : vector<16xi32>
      %gather3A_3100 = tpu.vector_load_idx %arg16[%add3A_3099] : memref<256xf32, #tpu.memory_space<vmem>>[vector<16xi32>], vector<16xf32>,
      %add3A_3101 = arith.addf %add3A_3096, %gather3A_3100 : vector<16xf32>
      %add3A_3102 = arith.constant 11 : i32
      %add3A_3103 = vector.broadcast %add3A_3102 : i32 to vector<16xi32>
      %add3A_3104 = arith.addi %mul3A_8, %add3A_3103 : vector<16xi32>
      %gather3A_3105 = tpu.vector_load_idx %arg16[%add3A_3104] : memref<256xf32, #tpu.memory_space<vmem>>[vector<16xi32>], vector<16xf32>,
      %add3A_3106 = arith.addf %add3A_3101, %gather3A_3105 : vector<16xf32>
      %add3A_3107 = arith.constant 12 : i32
      %add3A_3108 = vector.broadcast %add3A_3107 : i32 to vector<16xi32>
      %add3A_3109 = arith.addi %mul3A_8, %add3A_3108 : vector<16xi32>
      %gather3A_3110 = tpu.vector_load_idx %arg16[%add3A_3109] : memref<256xf32, #tpu.memory_space<vmem>>[vector<16xi32>], vector<16xf32>,
      %add3A_3111 = arith.addf %add3A_3106, %gather3A_3110 : vector<16xf32>
      %add3A_3112 = arith.constant 13 : i32
      %add3A_3113 = vector.broadcast %add3A_3112 : i32 to vector<16xi32>
      %add3A_3114 = arith.addi %mul3A_8, %add3A_3113 : vector<16xi32>
      %gather3A_3115 = tpu.vector_load_idx %arg16[%add3A_3114] : memref<256xf32, #tpu.memory_space<vmem>>[vector<16xi32>], vector<16xf32>,
      %add3A_3116 = arith.addf %add3A_3111, %gather3A_3115 : vector<16xf32>
      %add3A_3117 = arith.constant 14 : i32
      %add3A_3118 = vector.broadcast %add3A_3117 : i32 to vector<16xi32>
      %add3A_3119 = arith.addi %mul3A_8, %add3A_3118 : vector<16xi32>
      %gather3A_3120 = tpu.vector_load_idx %arg16[%add3A_3119] : memref<256xf32, #tpu.memory_space<vmem>>[vector<16xi32>], vector<16xf32>,
      %add3A_3121 = arith.addf %add3A_3116, %gather3A_3120 : vector<16xf32>
      %add3A_3122 = arith.constant 15 : i32
      %add3A_3123 = vector.broadcast %add3A_3122 : i32 to vector<16xi32>
      %add3A_3124 = arith.addi %mul3A_8, %add3A_3123 : vector<16xi32>
      %gather3A_3125 = tpu.vector_load_idx %arg16[%add3A_3124] : memref<256xf32, #tpu.memory_space<vmem>>[vector<16xi32>], vector<16xf32>,
      %add3A_3126 = arith.addf %add3A_3121, %gather3A_3125 : vector<16xf32>
      %swap3A_3127 = arith.index_cast %multiple_of3A_1571 : i32 to index
      %swap3A_3128 = tpu.vector_load %arg20[%swap3A_3127] {strides = array<i32>} : memref<512xf32, #tpu.memory_space<vmem>>, vector<16xf32>,
      tpu.vector_store %arg20[%swap3A_3127], %add3A_3126 {strides = array<i32>} : memref<512xf32, #tpu.memory_space<vmem>>, vector<16xf32>,
      %scan3A_3129 = arith.constant 0 : i32
      scf.yield %scan3A_3129 : i32
    }
    %scan3A_180 = arith.constant 31 : i32
    %multiple_of3A_181 = arith.constant 496 : i32
    %multiple_of3A_182 = tpu.assume_multiple %multiple_of3A_181, 16 : i32
    %get3A_183 = arith.index_cast %multiple_of3A_182 : i32 to index
    %get3A_184 = tpu.vector_load %arg10[%get3A_183] {strides = array<i32>} : memref<512xi32, #tpu.memory_space<vmem>>, vector<16xi32>,
    %get3A_185 = arith.index_cast %multiple_of3A_182 : i32 to index
    %get3A_186 = tpu.vector_load %arg11[%get3A_185] {strides = array<i32>} : memref<512xi32, #tpu.memory_space<vmem>>, vector<16xi32>,
    %slice3A_187 = vector.extract_strided_slice %get3A_184 {offsets = [4], sizes = [1], strides = [1]} : vector<16xi32> to vector<1xi32>
    %squeeze3A_188 = vector.extract %slice3A_187[0] : i32 from vector<1xi32>
    %slice3A_189 = vector.extract_strided_slice %get3A_186 {offsets = [4], sizes = [1], strides = [1]} : vector<16xi32> to vector<1xi32>
    %squeeze3A_190 = vector.extract %slice3A_189[0] : i32 from vector<1xi32>
    %shift_right_arithmetic3A_191 = arith.constant 7 : i32
    %shift_right_arithmetic3A_192 = arith.shrsi %squeeze3A_188, %shift_right_arithmetic3A_191 : i32
    %shift_left3A_193 = arith.constant 7 : i32
    %shift_left3A_194 = arith.shli %shift_right_arithmetic3A_192, %shift_left3A_193 : i32
    %multiple_of3A_195 = tpu.assume_multiple %shift_left3A_194, 128 : i32
    %shift_right_arithmetic3A_196 = arith.constant 7 : i32
    %shift_right_arithmetic3A_197 = arith.shrsi %squeeze3A_190, %shift_right_arithmetic3A_196 : i32
    %shift_left3A_198 = arith.constant 7 : i32
    %shift_left3A_199 = arith.shli %shift_right_arithmetic3A_197, %shift_left3A_198 : i32
    %multiple_of3A_200 = tpu.assume_multiple %shift_left3A_199, 128 : i32
    %dma_start3A_201 = arith.constant 0 : i32
    %dma_start3A_202 = arith.constant 0 : i32
    %dma_start3A_203 = arith.constant 0 : i32
    %dma_start3A_204 = tpu.memref_slice %arg13[%dma_start3A_201, %dma_start3A_202, %dma_start3A_203] : memref<4x32x128xf32, #tpu.memory_space<vmem>> -> memref<1x32x128xf32, #tpu.memory_space<vmem>>
    %dma_start3A_205 = tpu.memref_squeeze %dma_start3A_204 : memref<1x32x128xf32, #tpu.memory_space<vmem>> -> memref<32x128xf32, #tpu.memory_space<vmem>>
    %dma_start3A_206 = arith.constant 0 : i32
    %dma_start3A_207 = tpu.memref_slice %arg4[%dma_start3A_206, %multiple_of3A_195] : memref<32x1000000xf32, #tpu.memory_space<hbm>> -> memref<32x128xf32, #tpu.memory_space<hbm>>
    %dma_start3A_208 = arith.constant 0 : i32
    %dma_start3A_209 = arith.constant 0 : i32
    %dma_start3A_210 = tpu.memref_slice %arg13[%dma_start3A_201, %dma_start3A_208, %dma_start3A_209] : memref<4x32x128xf32, #tpu.memory_space<vmem>> -> memref<1x32x128xf32, #tpu.memory_space<vmem>>
    %dma_start3A_211 = tpu.memref_squeeze %dma_start3A_210 : memref<1x32x128xf32, #tpu.memory_space<vmem>> -> memref<32x128xf32, #tpu.memory_space<vmem>>
    %dma_start3A_212 = arith.constant 0 : i32
    %dma_start3A_213 = tpu.memref_slice %arg4[%dma_start3A_212, %multiple_of3A_195] : memref<32x1000000xf32, #tpu.memory_space<hbm>> -> memref<32x128xf32, #tpu.memory_space<hbm>>
    tpu.enqueue_dma source(%dma_start3A_213 : memref<32x128xf32, #tpu.memory_space<hbm>>) target(%dma_start3A_211 : memref<32x128xf32, #tpu.memory_space<vmem>>) target_semaphore(%arg22 : memref<!tpu.dma_semaphore, #tpu.memory_space<semaphore_mem>>)
    %dma_start3A_214 = arith.constant 0 : i32
    %dma_start3A_215 = arith.constant 0 : i32
    %dma_start3A_216 = arith.constant 0 : i32
    %dma_start3A_217 = tpu.memref_slice %arg15[%dma_start3A_214, %dma_start3A_215, %dma_start3A_216] : memref<4x32x128xf32, #tpu.memory_space<vmem>> -> memref<1x32x128xf32, #tpu.memory_space<vmem>>
    %dma_start3A_218 = tpu.memref_squeeze %dma_start3A_217 : memref<1x32x128xf32, #tpu.memory_space<vmem>> -> memref<32x128xf32, #tpu.memory_space<vmem>>
    %dma_start3A_219 = arith.constant 0 : i32
    %dma_start3A_220 = tpu.memref_slice %arg6[%dma_start3A_219, %multiple_of3A_200] : memref<32x1000000xf32, #tpu.memory_space<hbm>> -> memref<32x128xf32, #tpu.memory_space<hbm>>
    %dma_start3A_221 = arith.constant 0 : i32
    %dma_start3A_222 = arith.constant 0 : i32
    %dma_start3A_223 = tpu.memref_slice %arg15[%dma_start3A_214, %dma_start3A_221, %dma_start3A_222] : memref<4x32x128xf32, #tpu.memory_space<vmem>> -> memref<1x32x128xf32, #tpu.memory_space<vmem>>
    %dma_start3A_224 = tpu.memref_squeeze %dma_start3A_223 : memref<1x32x128xf32, #tpu.memory_space<vmem>> -> memref<32x128xf32, #tpu.memory_space<vmem>>
    %dma_start3A_225 = arith.constant 0 : i32
    %dma_start3A_226 = tpu.memref_slice %arg6[%dma_start3A_225, %multiple_of3A_200] : memref<32x1000000xf32, #tpu.memory_space<hbm>> -> memref<32x128xf32, #tpu.memory_space<hbm>>
    tpu.enqueue_dma source(%dma_start3A_226 : memref<32x128xf32, #tpu.memory_space<hbm>>) target(%dma_start3A_224 : memref<32x128xf32, #tpu.memory_space<vmem>>) target_semaphore(%arg24 : memref<!tpu.dma_semaphore, #tpu.memory_space<semaphore_mem>>)
    %slice3A_227 = vector.extract_strided_slice %get3A_184 {offsets = [5], sizes = [1], strides = [1]} : vector<16xi32> to vector<1xi32>
    %squeeze3A_228 = vector.extract %slice3A_227[0] : i32 from vector<1xi32>
    %slice3A_229 = vector.extract_strided_slice %get3A_186 {offsets = [5], sizes = [1], strides = [1]} : vector<16xi32> to vector<1xi32>
    %squeeze3A_230 = vector.extract %slice3A_229[0] : i32 from vector<1xi32>
    %shift_right_arithmetic3A_231 = arith.constant 7 : i32
    %shift_right_arithmetic3A_232 = arith.shrsi %squeeze3A_228, %shift_right_arithmetic3A_231 : i32
    %shift_left3A_233 = arith.constant 7 : i32
    %shift_left3A_234 = arith.shli %shift_right_arithmetic3A_232, %shift_left3A_233 : i32
    %multiple_of3A_235 = tpu.assume_multiple %shift_left3A_234, 128 : i32
    %shift_right_arithmetic3A_236 = arith.constant 7 : i32
    %shift_right_arithmetic3A_237 = arith.shrsi %squeeze3A_230, %shift_right_arithmetic3A_236 : i32
    %shift_left3A_238 = arith.constant 7 : i32
    %shift_left3A_239 = arith.shli %shift_right_arithmetic3A_237, %shift_left3A_238 : i32
    %multiple_of3A_240 = tpu.assume_multiple %shift_left3A_239, 128 : i32
    %dma_start3A_241 = arith.constant 1 : i32
    %dma_start3A_242 = arith.constant 0 : i32
    %dma_start3A_243 = arith.constant 0 : i32
    %dma_start3A_244 = tpu.memref_slice %arg13[%dma_start3A_241, %dma_start3A_242, %dma_start3A_243] : memref<4x32x128xf32, #tpu.memory_space<vmem>> -> memref<1x32x128xf32, #tpu.memory_space<vmem>>
    %dma_start3A_245 = tpu.memref_squeeze %dma_start3A_244 : memref<1x32x128xf32, #tpu.memory_space<vmem>> -> memref<32x128xf32, #tpu.memory_space<vmem>>
    %dma_start3A_246 = arith.constant 0 : i32
    %dma_start3A_247 = tpu.memref_slice %arg4[%dma_start3A_246, %multiple_of3A_235] : memref<32x1000000xf32, #tpu.memory_space<hbm>> -> memref<32x128xf32, #tpu.memory_space<hbm>>
    %dma_start3A_248 = arith.constant 0 : i32
    %dma_start3A_249 = arith.constant 0 : i32
    %dma_start3A_250 = tpu.memref_slice %arg13[%dma_start3A_241, %dma_start3A_248, %dma_start3A_249] : memref<4x32x128xf32, #tpu.memory_space<vmem>> -> memref<1x32x128xf32, #tpu.memory_space<vmem>>
    %dma_start3A_251 = tpu.memref_squeeze %dma_start3A_250 : memref<1x32x128xf32, #tpu.memory_space<vmem>> -> memref<32x128xf32, #tpu.memory_space<vmem>>
    %dma_start3A_252 = arith.constant 0 : i32
    %dma_start3A_253 = tpu.memref_slice %arg4[%dma_start3A_252, %multiple_of3A_235] : memref<32x1000000xf32, #tpu.memory_space<hbm>> -> memref<32x128xf32, #tpu.memory_space<hbm>>
    tpu.enqueue_dma source(%dma_start3A_253 : memref<32x128xf32, #tpu.memory_space<hbm>>) target(%dma_start3A_251 : memref<32x128xf32, #tpu.memory_space<vmem>>) target_semaphore(%arg22 : memref<!tpu.dma_semaphore, #tpu.memory_space<semaphore_mem>>)
    %dma_start3A_254 = arith.constant 1 : i32
    %dma_start3A_255 = arith.constant 0 : i32
    %dma_start3A_256 = arith.constant 0 : i32
    %dma_start3A_257 = tpu.memref_slice %arg15[%dma_start3A_254, %dma_start3A_255, %dma_start3A_256] : memref<4x32x128xf32, #tpu.memory_space<vmem>> -> memref<1x32x128xf32, #tpu.memory_space<vmem>>
    %dma_start3A_258 = tpu.memref_squeeze %dma_start3A_257 : memref<1x32x128xf32, #tpu.memory_space<vmem>> -> memref<32x128xf32, #tpu.memory_space<vmem>>
    %dma_start3A_259 = arith.constant 0 : i32
    %dma_start3A_260 = tpu.memref_slice %arg6[%dma_start3A_259, %multiple_of3A_240] : memref<32x1000000xf32, #tpu.memory_space<hbm>> -> memref<32x128xf32, #tpu.memory_space<hbm>>
    %dma_start3A_261 = arith.constant 0 : i32
    %dma_start3A_262 = arith.constant 0 : i32
    %dma_start3A_263 = tpu.memref_slice %arg15[%dma_start3A_254, %dma_start3A_261, %dma_start3A_262] : memref<4x32x128xf32, #tpu.memory_space<vmem>> -> memref<1x32x128xf32, #tpu.memory_space<vmem>>
    %dma_start3A_264 = tpu.memref_squeeze %dma_start3A_263 : memref<1x32x128xf32, #tpu.memory_space<vmem>> -> memref<32x128xf32, #tpu.memory_space<vmem>>
    %dma_start3A_265 = arith.constant 0 : i32
    %dma_start3A_266 = tpu.memref_slice %arg6[%dma_start3A_265, %multiple_of3A_240] : memref<32x1000000xf32, #tpu.memory_space<hbm>> -> memref<32x128xf32, #tpu.memory_space<hbm>>
    tpu.enqueue_dma source(%dma_start3A_266 : memref<32x128xf32, #tpu.memory_space<hbm>>) target(%dma_start3A_264 : memref<32x128xf32, #tpu.memory_space<vmem>>) target_semaphore(%arg24 : memref<!tpu.dma_semaphore, #tpu.memory_space<semaphore_mem>>)
    %slice3A_267 = vector.extract_strided_slice %get3A_184 {offsets = [6], sizes = [1], strides = [1]} : vector<16xi32> to vector<1xi32>
    %squeeze3A_268 = vector.extract %slice3A_267[0] : i32 from vector<1xi32>
    %slice3A_269 = vector.extract_strided_slice %get3A_186 {offsets = [6], sizes = [1], strides = [1]} : vector<16xi32> to vector<1xi32>
    %squeeze3A_270 = vector.extract %slice3A_269[0] : i32 from vector<1xi32>
    %shift_right_arithmetic3A_271 = arith.constant 7 : i32
    %shift_right_arithmetic3A_272 = arith.shrsi %squeeze3A_268, %shift_right_arithmetic3A_271 : i32
    %shift_left3A_273 = arith.constant 7 : i32
    %shift_left3A_274 = arith.shli %shift_right_arithmetic3A_272, %shift_left3A_273 : i32
    %multiple_of3A_275 = tpu.assume_multiple %shift_left3A_274, 128 : i32
    %shift_right_arithmetic3A_276 = arith.constant 7 : i32
    %shift_right_arithmetic3A_277 = arith.shrsi %squeeze3A_270, %shift_right_arithmetic3A_276 : i32
    %shift_left3A_278 = arith.constant 7 : i32
    %shift_left3A_279 = arith.shli %shift_right_arithmetic3A_277, %shift_left3A_278 : i32
    %multiple_of3A_280 = tpu.assume_multiple %shift_left3A_279, 128 : i32
    %dma_start3A_281 = arith.constant 2 : i32
    %dma_start3A_282 = arith.constant 0 : i32
    %dma_start3A_283 = arith.constant 0 : i32
    %dma_start3A_284 = tpu.memref_slice %arg13[%dma_start3A_281, %dma_start3A_282, %dma_start3A_283] : memref<4x32x128xf32, #tpu.memory_space<vmem>> -> memref<1x32x128xf32, #tpu.memory_space<vmem>>
    %dma_start3A_285 = tpu.memref_squeeze %dma_start3A_284 : memref<1x32x128xf32, #tpu.memory_space<vmem>> -> memref<32x128xf32, #tpu.memory_space<vmem>>
    %dma_start3A_286 = arith.constant 0 : i32
    %dma_start3A_287 = tpu.memref_slice %arg4[%dma_start3A_286, %multiple_of3A_275] : memref<32x1000000xf32, #tpu.memory_space<hbm>> -> memref<32x128xf32, #tpu.memory_space<hbm>>
    %dma_start3A_288 = arith.constant 0 : i32
    %dma_start3A_289 = arith.constant 0 : i32
    %dma_start3A_290 = tpu.memref_slice %arg13[%dma_start3A_281, %dma_start3A_288, %dma_start3A_289] : memref<4x32x128xf32, #tpu.memory_space<vmem>> -> memref<1x32x128xf32, #tpu.memory_space<vmem>>
    %dma_start3A_291 = tpu.memref_squeeze %dma_start3A_290 : memref<1x32x128xf32, #tpu.memory_space<vmem>> -> memref<32x128xf32, #tpu.memory_space<vmem>>
    %dma_start3A_292 = arith.constant 0 : i32
    %dma_start3A_293 = tpu.memref_slice %arg4[%dma_start3A_292, %multiple_of3A_275] : memref<32x1000000xf32, #tpu.memory_space<hbm>> -> memref<32x128xf32, #tpu.memory_space<hbm>>
    tpu.enqueue_dma source(%dma_start3A_293 : memref<32x128xf32, #tpu.memory_space<hbm>>) target(%dma_start3A_291 : memref<32x128xf32, #tpu.memory_space<vmem>>) target_semaphore(%arg22 : memref<!tpu.dma_semaphore, #tpu.memory_space<semaphore_mem>>)
    %dma_start3A_294 = arith.constant 2 : i32
    %dma_start3A_295 = arith.constant 0 : i32
    %dma_start3A_296 = arith.constant 0 : i32
    %dma_start3A_297 = tpu.memref_slice %arg15[%dma_start3A_294, %dma_start3A_295, %dma_start3A_296] : memref<4x32x128xf32, #tpu.memory_space<vmem>> -> memref<1x32x128xf32, #tpu.memory_space<vmem>>
    %dma_start3A_298 = tpu.memref_squeeze %dma_start3A_297 : memref<1x32x128xf32, #tpu.memory_space<vmem>> -> memref<32x128xf32, #tpu.memory_space<vmem>>
    %dma_start3A_299 = arith.constant 0 : i32
    %dma_start3A_300 = tpu.memref_slice %arg6[%dma_start3A_299, %multiple_of3A_280] : memref<32x1000000xf32, #tpu.memory_space<hbm>> -> memref<32x128xf32, #tpu.memory_space<hbm>>
    %dma_start3A_301 = arith.constant 0 : i32
    %dma_start3A_302 = arith.constant 0 : i32
    %dma_start3A_303 = tpu.memref_slice %arg15[%dma_start3A_294, %dma_start3A_301, %dma_start3A_302] : memref<4x32x128xf32, #tpu.memory_space<vmem>> -> memref<1x32x128xf32, #tpu.memory_space<vmem>>
    %dma_start3A_304 = tpu.memref_squeeze %dma_start3A_303 : memref<1x32x128xf32, #tpu.memory_space<vmem>> -> memref<32x128xf32, #tpu.memory_space<vmem>>
    %dma_start3A_305 = arith.constant 0 : i32
    %dma_start3A_306 = tpu.memref_slice %arg6[%dma_start3A_305, %multiple_of3A_280] : memref<32x1000000xf32, #tpu.memory_space<hbm>> -> memref<32x128xf32, #tpu.memory_space<hbm>>
    tpu.enqueue_dma source(%dma_start3A_306 : memref<32x128xf32, #tpu.memory_space<hbm>>) target(%dma_start3A_304 : memref<32x128xf32, #tpu.memory_space<vmem>>) target_semaphore(%arg24 : memref<!tpu.dma_semaphore, #tpu.memory_space<semaphore_mem>>)
    %slice3A_307 = vector.extract_strided_slice %get3A_184 {offsets = [7], sizes = [1], strides = [1]} : vector<16xi32> to vector<1xi32>
    %squeeze3A_308 = vector.extract %slice3A_307[0] : i32 from vector<1xi32>
    %slice3A_309 = vector.extract_strided_slice %get3A_186 {offsets = [7], sizes = [1], strides = [1]} : vector<16xi32> to vector<1xi32>
    %squeeze3A_310 = vector.extract %slice3A_309[0] : i32 from vector<1xi32>
    %shift_right_arithmetic3A_311 = arith.constant 7 : i32
    %shift_right_arithmetic3A_312 = arith.shrsi %squeeze3A_308, %shift_right_arithmetic3A_311 : i32
    %shift_left3A_313 = arith.constant 7 : i32
    %shift_left3A_314 = arith.shli %shift_right_arithmetic3A_312, %shift_left3A_313 : i32
    %multiple_of3A_315 = tpu.assume_multiple %shift_left3A_314, 128 : i32
    %shift_right_arithmetic3A_316 = arith.constant 7 : i32
    %shift_right_arithmetic3A_317 = arith.shrsi %squeeze3A_310, %shift_right_arithmetic3A_316 : i32
    %shift_left3A_318 = arith.constant 7 : i32
    %shift_left3A_319 = arith.shli %shift_right_arithmetic3A_317, %shift_left3A_318 : i32
    %multiple_of3A_320 = tpu.assume_multiple %shift_left3A_319, 128 : i32
    %dma_start3A_321 = arith.constant 3 : i32
    %dma_start3A_322 = arith.constant 0 : i32
    %dma_start3A_323 = arith.constant 0 : i32
    %dma_start3A_324 = tpu.memref_slice %arg13[%dma_start3A_321, %dma_start3A_322, %dma_start3A_323] : memref<4x32x128xf32, #tpu.memory_space<vmem>> -> memref<1x32x128xf32, #tpu.memory_space<vmem>>
    %dma_start3A_325 = tpu.memref_squeeze %dma_start3A_324 : memref<1x32x128xf32, #tpu.memory_space<vmem>> -> memref<32x128xf32, #tpu.memory_space<vmem>>
    %dma_start3A_326 = arith.constant 0 : i32
    %dma_start3A_327 = tpu.memref_slice %arg4[%dma_start3A_326, %multiple_of3A_315] : memref<32x1000000xf32, #tpu.memory_space<hbm>> -> memref<32x128xf32, #tpu.memory_space<hbm>>
    %dma_start3A_328 = arith.constant 0 : i32
    %dma_start3A_329 = arith.constant 0 : i32
    %dma_start3A_330 = tpu.memref_slice %arg13[%dma_start3A_321, %dma_start3A_328, %dma_start3A_329] : memref<4x32x128xf32, #tpu.memory_space<vmem>> -> memref<1x32x128xf32, #tpu.memory_space<vmem>>
    %dma_start3A_331 = tpu.memref_squeeze %dma_start3A_330 : memref<1x32x128xf32, #tpu.memory_space<vmem>> -> memref<32x128xf32, #tpu.memory_space<vmem>>
    %dma_start3A_332 = arith.constant 0 : i32
    %dma_start3A_333 = tpu.memref_slice %arg4[%dma_start3A_332, %multiple_of3A_315] : memref<32x1000000xf32, #tpu.memory_space<hbm>> -> memref<32x128xf32, #tpu.memory_space<hbm>>
    tpu.enqueue_dma source(%dma_start3A_333 : memref<32x128xf32, #tpu.memory_space<hbm>>) target(%dma_start3A_331 : memref<32x128xf32, #tpu.memory_space<vmem>>) target_semaphore(%arg22 : memref<!tpu.dma_semaphore, #tpu.memory_space<semaphore_mem>>)
    %dma_start3A_334 = arith.constant 3 : i32
    %dma_start3A_335 = arith.constant 0 : i32
    %dma_start3A_336 = arith.constant 0 : i32
    %dma_start3A_337 = tpu.memref_slice %arg15[%dma_start3A_334, %dma_start3A_335, %dma_start3A_336] : memref<4x32x128xf32, #tpu.memory_space<vmem>> -> memref<1x32x128xf32, #tpu.memory_space<vmem>>
    %dma_start3A_338 = tpu.memref_squeeze %dma_start3A_337 : memref<1x32x128xf32, #tpu.memory_space<vmem>> -> memref<32x128xf32, #tpu.memory_space<vmem>>
    %dma_start3A_339 = arith.constant 0 : i32
    %dma_start3A_340 = tpu.memref_slice %arg6[%dma_start3A_339, %multiple_of3A_320] : memref<32x1000000xf32, #tpu.memory_space<hbm>> -> memref<32x128xf32, #tpu.memory_space<hbm>>
    %dma_start3A_341 = arith.constant 0 : i32
    %dma_start3A_342 = arith.constant 0 : i32
    %dma_start3A_343 = tpu.memref_slice %arg15[%dma_start3A_334, %dma_start3A_341, %dma_start3A_342] : memref<4x32x128xf32, #tpu.memory_space<vmem>> -> memref<1x32x128xf32, #tpu.memory_space<vmem>>
    %dma_start3A_344 = tpu.memref_squeeze %dma_start3A_343 : memref<1x32x128xf32, #tpu.memory_space<vmem>> -> memref<32x128xf32, #tpu.memory_space<vmem>>
    %dma_start3A_345 = arith.constant 0 : i32
    %dma_start3A_346 = tpu.memref_slice %arg6[%dma_start3A_345, %multiple_of3A_320] : memref<32x1000000xf32, #tpu.memory_space<hbm>> -> memref<32x128xf32, #tpu.memory_space<hbm>>
    tpu.enqueue_dma source(%dma_start3A_346 : memref<32x128xf32, #tpu.memory_space<hbm>>) target(%dma_start3A_344 : memref<32x128xf32, #tpu.memory_space<vmem>>) target_semaphore(%arg24 : memref<!tpu.dma_semaphore, #tpu.memory_space<semaphore_mem>>)
    %dma_wait3A_347 = arith.constant 0 : i32
    %dma_wait3A_348 = arith.constant 0 : i32
    %dma_wait3A_349 = arith.constant 0 : i32
    %dma_wait3A_350 = tpu.memref_slice %arg12[%dma_wait3A_347, %dma_wait3A_348, %dma_wait3A_349] : memref<4x32x128xf32, #tpu.memory_space<vmem>> -> memref<1x32x128xf32, #tpu.memory_space<vmem>>
    %dma_wait3A_351 = tpu.memref_squeeze %dma_wait3A_350 : memref<1x32x128xf32, #tpu.memory_space<vmem>> -> memref<32x128xf32, #tpu.memory_space<vmem>>
    %dma_wait3A_352 = arith.constant 0 : i32
    %dma_wait3A_353 = arith.constant 0 : i32
    %dma_wait3A_354 = tpu.memref_slice %arg4[%dma_wait3A_352, %dma_wait3A_353] : memref<32x1000000xf32, #tpu.memory_space<hbm>> -> memref<32x128xf32, #tpu.memory_space<hbm>>
    %dma_wait3A_355 = arith.constant 0 : i32
    %dma_wait3A_356 = arith.constant 0 : i32
    %dma_wait3A_357 = tpu.memref_slice %arg12[%dma_wait3A_347, %dma_wait3A_355, %dma_wait3A_356] : memref<4x32x128xf32, #tpu.memory_space<vmem>> -> memref<1x32x128xf32, #tpu.memory_space<vmem>>
    %dma_wait3A_358 = tpu.memref_squeeze %dma_wait3A_357 : memref<1x32x128xf32, #tpu.memory_space<vmem>> -> memref<32x128xf32, #tpu.memory_space<vmem>>
    %dma_wait3A_359 = arith.constant 0 : i32
    %dma_wait3A_360 = arith.constant 0 : i32
    %dma_wait3A_361 = tpu.memref_slice %arg4[%dma_wait3A_359, %dma_wait3A_360] : memref<32x1000000xf32, #tpu.memory_space<hbm>> -> memref<32x128xf32, #tpu.memory_space<hbm>>
    tpu.wait_dma2 semaphore(%arg21 : memref<!tpu.dma_semaphore, #tpu.memory_space<semaphore_mem>>) src(%dma_wait3A_361 : memref<32x128xf32, #tpu.memory_space<hbm>>) dst(%dma_wait3A_358 : memref<32x128xf32, #tpu.memory_space<vmem>>)
    %dma_wait3A_362 = arith.constant 0 : i32
    %dma_wait3A_363 = arith.constant 0 : i32
    %dma_wait3A_364 = arith.constant 0 : i32
    %dma_wait3A_365 = tpu.memref_slice %arg14[%dma_wait3A_362, %dma_wait3A_363, %dma_wait3A_364] : memref<4x32x128xf32, #tpu.memory_space<vmem>> -> memref<1x32x128xf32, #tpu.memory_space<vmem>>
    %dma_wait3A_366 = tpu.memref_squeeze %dma_wait3A_365 : memref<1x32x128xf32, #tpu.memory_space<vmem>> -> memref<32x128xf32, #tpu.memory_space<vmem>>
    %dma_wait3A_367 = arith.constant 0 : i32
    %dma_wait3A_368 = arith.constant 0 : i32
    %dma_wait3A_369 = tpu.memref_slice %arg6[%dma_wait3A_367, %dma_wait3A_368] : memref<32x1000000xf32, #tpu.memory_space<hbm>> -> memref<32x128xf32, #tpu.memory_space<hbm>>
    %dma_wait3A_370 = arith.constant 0 : i32
    %dma_wait3A_371 = arith.constant 0 : i32
    %dma_wait3A_372 = tpu.memref_slice %arg14[%dma_wait3A_362, %dma_wait3A_370, %dma_wait3A_371] : memref<4x32x128xf32, #tpu.memory_space<vmem>> -> memref<1x32x128xf32, #tpu.memory_space<vmem>>
    %dma_wait3A_373 = tpu.memref_squeeze %dma_wait3A_372 : memref<1x32x128xf32, #tpu.memory_space<vmem>> -> memref<32x128xf32, #tpu.memory_space<vmem>>
    %dma_wait3A_374 = arith.constant 0 : i32
    %dma_wait3A_375 = arith.constant 0 : i32
    %dma_wait3A_376 = tpu.memref_slice %arg6[%dma_wait3A_374, %dma_wait3A_375] : memref<32x1000000xf32, #tpu.memory_space<hbm>> -> memref<32x128xf32, #tpu.memory_space<hbm>>
    tpu.wait_dma2 semaphore(%arg23 : memref<!tpu.dma_semaphore, #tpu.memory_space<semaphore_mem>>) src(%dma_wait3A_376 : memref<32x128xf32, #tpu.memory_space<hbm>>) dst(%dma_wait3A_373 : memref<32x128xf32, #tpu.memory_space<vmem>>)
    %dma_wait3A_377 = arith.constant 1 : i32
    %dma_wait3A_378 = arith.constant 0 : i32
    %dma_wait3A_379 = arith.constant 0 : i32
    %dma_wait3A_380 = tpu.memref_slice %arg12[%dma_wait3A_377, %dma_wait3A_378, %dma_wait3A_379] : memref<4x32x128xf32, #tpu.memory_space<vmem>> -> memref<1x32x128xf32, #tpu.memory_space<vmem>>
    %dma_wait3A_381 = tpu.memref_squeeze %dma_wait3A_380 : memref<1x32x128xf32, #tpu.memory_space<vmem>> -> memref<32x128xf32, #tpu.memory_space<vmem>>
    %dma_wait3A_382 = arith.constant 0 : i32
    %dma_wait3A_383 = arith.constant 0 : i32
    %dma_wait3A_384 = tpu.memref_slice %arg4[%dma_wait3A_382, %dma_wait3A_383] : memref<32x1000000xf32, #tpu.memory_space<hbm>> -> memref<32x128xf32, #tpu.memory_space<hbm>>
    %dma_wait3A_385 = arith.constant 0 : i32
    %dma_wait3A_386 = arith.constant 0 : i32
    %dma_wait3A_387 = tpu.memref_slice %arg12[%dma_wait3A_377, %dma_wait3A_385, %dma_wait3A_386] : memref<4x32x128xf32, #tpu.memory_space<vmem>> -> memref<1x32x128xf32, #tpu.memory_space<vmem>>
    %dma_wait3A_388 = tpu.memref_squeeze %dma_wait3A_387 : memref<1x32x128xf32, #tpu.memory_space<vmem>> -> memref<32x128xf32, #tpu.memory_space<vmem>>
    %dma_wait3A_389 = arith.constant 0 : i32
    %dma_wait3A_390 = arith.constant 0 : i32
    %dma_wait3A_391 = tpu.memref_slice %arg4[%dma_wait3A_389, %dma_wait3A_390] : memref<32x1000000xf32, #tpu.memory_space<hbm>> -> memref<32x128xf32, #tpu.memory_space<hbm>>
    tpu.wait_dma2 semaphore(%arg21 : memref<!tpu.dma_semaphore, #tpu.memory_space<semaphore_mem>>) src(%dma_wait3A_391 : memref<32x128xf32, #tpu.memory_space<hbm>>) dst(%dma_wait3A_388 : memref<32x128xf32, #tpu.memory_space<vmem>>)
    %dma_wait3A_392 = arith.constant 1 : i32
    %dma_wait3A_393 = arith.constant 0 : i32
    %dma_wait3A_394 = arith.constant 0 : i32
    %dma_wait3A_395 = tpu.memref_slice %arg14[%dma_wait3A_392, %dma_wait3A_393, %dma_wait3A_394] : memref<4x32x128xf32, #tpu.memory_space<vmem>> -> memref<1x32x128xf32, #tpu.memory_space<vmem>>
    %dma_wait3A_396 = tpu.memref_squeeze %dma_wait3A_395 : memref<1x32x128xf32, #tpu.memory_space<vmem>> -> memref<32x128xf32, #tpu.memory_space<vmem>>
    %dma_wait3A_397 = arith.constant 0 : i32
    %dma_wait3A_398 = arith.constant 0 : i32
    %dma_wait3A_399 = tpu.memref_slice %arg6[%dma_wait3A_397, %dma_wait3A_398] : memref<32x1000000xf32, #tpu.memory_space<hbm>> -> memref<32x128xf32, #tpu.memory_space<hbm>>
    %dma_wait3A_400 = arith.constant 0 : i32
    %dma_wait3A_401 = arith.constant 0 : i32
    %dma_wait3A_402 = tpu.memref_slice %arg14[%dma_wait3A_392, %dma_wait3A_400, %dma_wait3A_401] : memref<4x32x128xf32, #tpu.memory_space<vmem>> -> memref<1x32x128xf32, #tpu.memory_space<vmem>>
    %dma_wait3A_403 = tpu.memref_squeeze %dma_wait3A_402 : memref<1x32x128xf32, #tpu.memory_space<vmem>> -> memref<32x128xf32, #tpu.memory_space<vmem>>
    %dma_wait3A_404 = arith.constant 0 : i32
    %dma_wait3A_405 = arith.constant 0 : i32
    %dma_wait3A_406 = tpu.memref_slice %arg6[%dma_wait3A_404, %dma_wait3A_405] : memref<32x1000000xf32, #tpu.memory_space<hbm>> -> memref<32x128xf32, #tpu.memory_space<hbm>>
    tpu.wait_dma2 semaphore(%arg23 : memref<!tpu.dma_semaphore, #tpu.memory_space<semaphore_mem>>) src(%dma_wait3A_406 : memref<32x128xf32, #tpu.memory_space<hbm>>) dst(%dma_wait3A_403 : memref<32x128xf32, #tpu.memory_space<vmem>>)
    %dma_wait3A_407 = arith.constant 2 : i32
    %dma_wait3A_408 = arith.constant 0 : i32
    %dma_wait3A_409 = arith.constant 0 : i32
    %dma_wait3A_410 = tpu.memref_slice %arg12[%dma_wait3A_407, %dma_wait3A_408, %dma_wait3A_409] : memref<4x32x128xf32, #tpu.memory_space<vmem>> -> memref<1x32x128xf32, #tpu.memory_space<vmem>>
    %dma_wait3A_411 = tpu.memref_squeeze %dma_wait3A_410 : memref<1x32x128xf32, #tpu.memory_space<vmem>> -> memref<32x128xf32, #tpu.memory_space<vmem>>
    %dma_wait3A_412 = arith.constant 0 : i32
    %dma_wait3A_413 = arith.constant 0 : i32
    %dma_wait3A_414 = tpu.memref_slice %arg4[%dma_wait3A_412, %dma_wait3A_413] : memref<32x1000000xf32, #tpu.memory_space<hbm>> -> memref<32x128xf32, #tpu.memory_space<hbm>>
    %dma_wait3A_415 = arith.constant 0 : i32
    %dma_wait3A_416 = arith.constant 0 : i32
    %dma_wait3A_417 = tpu.memref_slice %arg12[%dma_wait3A_407, %dma_wait3A_415, %dma_wait3A_416] : memref<4x32x128xf32, #tpu.memory_space<vmem>> -> memref<1x32x128xf32, #tpu.memory_space<vmem>>
    %dma_wait3A_418 = tpu.memref_squeeze %dma_wait3A_417 : memref<1x32x128xf32, #tpu.memory_space<vmem>> -> memref<32x128xf32, #tpu.memory_space<vmem>>
    %dma_wait3A_419 = arith.constant 0 : i32
    %dma_wait3A_420 = arith.constant 0 : i32
    %dma_wait3A_421 = tpu.memref_slice %arg4[%dma_wait3A_419, %dma_wait3A_420] : memref<32x1000000xf32, #tpu.memory_space<hbm>> -> memref<32x128xf32, #tpu.memory_space<hbm>>
    tpu.wait_dma2 semaphore(%arg21 : memref<!tpu.dma_semaphore, #tpu.memory_space<semaphore_mem>>) src(%dma_wait3A_421 : memref<32x128xf32, #tpu.memory_space<hbm>>) dst(%dma_wait3A_418 : memref<32x128xf32, #tpu.memory_space<vmem>>)
    %dma_wait3A_422 = arith.constant 2 : i32
    %dma_wait3A_423 = arith.constant 0 : i32
    %dma_wait3A_424 = arith.constant 0 : i32
    %dma_wait3A_425 = tpu.memref_slice %arg14[%dma_wait3A_422, %dma_wait3A_423, %dma_wait3A_424] : memref<4x32x128xf32, #tpu.memory_space<vmem>> -> memref<1x32x128xf32, #tpu.memory_space<vmem>>
    %dma_wait3A_426 = tpu.memref_squeeze %dma_wait3A_425 : memref<1x32x128xf32, #tpu.memory_space<vmem>> -> memref<32x128xf32, #tpu.memory_space<vmem>>
    %dma_wait3A_427 = arith.constant 0 : i32
    %dma_wait3A_428 = arith.constant 0 : i32
    %dma_wait3A_429 = tpu.memref_slice %arg6[%dma_wait3A_427, %dma_wait3A_428] : memref<32x1000000xf32, #tpu.memory_space<hbm>> -> memref<32x128xf32, #tpu.memory_space<hbm>>
    %dma_wait3A_430 = arith.constant 0 : i32
    %dma_wait3A_431 = arith.constant 0 : i32
    %dma_wait3A_432 = tpu.memref_slice %arg14[%dma_wait3A_422, %dma_wait3A_430, %dma_wait3A_431] : memref<4x32x128xf32, #tpu.memory_space<vmem>> -> memref<1x32x128xf32, #tpu.memory_space<vmem>>
    %dma_wait3A_433 = tpu.memref_squeeze %dma_wait3A_432 : memref<1x32x128xf32, #tpu.memory_space<vmem>> -> memref<32x128xf32, #tpu.memory_space<vmem>>
    %dma_wait3A_434 = arith.constant 0 : i32
    %dma_wait3A_435 = arith.constant 0 : i32
    %dma_wait3A_436 = tpu.memref_slice %arg6[%dma_wait3A_434, %dma_wait3A_435] : memref<32x1000000xf32, #tpu.memory_space<hbm>> -> memref<32x128xf32, #tpu.memory_space<hbm>>
    tpu.wait_dma2 semaphore(%arg23 : memref<!tpu.dma_semaphore, #tpu.memory_space<semaphore_mem>>) src(%dma_wait3A_436 : memref<32x128xf32, #tpu.memory_space<hbm>>) dst(%dma_wait3A_433 : memref<32x128xf32, #tpu.memory_space<vmem>>)
    %dma_wait3A_437 = arith.constant 3 : i32
    %dma_wait3A_438 = arith.constant 0 : i32
    %dma_wait3A_439 = arith.constant 0 : i32
    %dma_wait3A_440 = tpu.memref_slice %arg12[%dma_wait3A_437, %dma_wait3A_438, %dma_wait3A_439] : memref<4x32x128xf32, #tpu.memory_space<vmem>> -> memref<1x32x128xf32, #tpu.memory_space<vmem>>
    %dma_wait3A_441 = tpu.memref_squeeze %dma_wait3A_440 : memref<1x32x128xf32, #tpu.memory_space<vmem>> -> memref<32x128xf32, #tpu.memory_space<vmem>>
    %dma_wait3A_442 = arith.constant 0 : i32
    %dma_wait3A_443 = arith.constant 0 : i32
    %dma_wait3A_444 = tpu.memref_slice %arg4[%dma_wait3A_442, %dma_wait3A_443] : memref<32x1000000xf32, #tpu.memory_space<hbm>> -> memref<32x128xf32, #tpu.memory_space<hbm>>
    %dma_wait3A_445 = arith.constant 0 : i32
    %dma_wait3A_446 = arith.constant 0 : i32
    %dma_wait3A_447 = tpu.memref_slice %arg12[%dma_wait3A_437, %dma_wait3A_445, %dma_wait3A_446] : memref<4x32x128xf32, #tpu.memory_space<vmem>> -> memref<1x32x128xf32, #tpu.memory_space<vmem>>
    %dma_wait3A_448 = tpu.memref_squeeze %dma_wait3A_447 : memref<1x32x128xf32, #tpu.memory_space<vmem>> -> memref<32x128xf32, #tpu.memory_space<vmem>>
    %dma_wait3A_449 = arith.constant 0 : i32
    %dma_wait3A_450 = arith.constant 0 : i32
    %dma_wait3A_451 = tpu.memref_slice %arg4[%dma_wait3A_449, %dma_wait3A_450] : memref<32x1000000xf32, #tpu.memory_space<hbm>> -> memref<32x128xf32, #tpu.memory_space<hbm>>
    tpu.wait_dma2 semaphore(%arg21 : memref<!tpu.dma_semaphore, #tpu.memory_space<semaphore_mem>>) src(%dma_wait3A_451 : memref<32x128xf32, #tpu.memory_space<hbm>>) dst(%dma_wait3A_448 : memref<32x128xf32, #tpu.memory_space<vmem>>)
    %dma_wait3A_452 = arith.constant 3 : i32
    %dma_wait3A_453 = arith.constant 0 : i32
    %dma_wait3A_454 = arith.constant 0 : i32
    %dma_wait3A_455 = tpu.memref_slice %arg14[%dma_wait3A_452, %dma_wait3A_453, %dma_wait3A_454] : memref<4x32x128xf32, #tpu.memory_space<vmem>> -> memref<1x32x128xf32, #tpu.memory_space<vmem>>
    %dma_wait3A_456 = tpu.memref_squeeze %dma_wait3A_455 : memref<1x32x128xf32, #tpu.memory_space<vmem>> -> memref<32x128xf32, #tpu.memory_space<vmem>>
    %dma_wait3A_457 = arith.constant 0 : i32
    %dma_wait3A_458 = arith.constant 0 : i32
    %dma_wait3A_459 = tpu.memref_slice %arg6[%dma_wait3A_457, %dma_wait3A_458] : memref<32x1000000xf32, #tpu.memory_space<hbm>> -> memref<32x128xf32, #tpu.memory_space<hbm>>
    %dma_wait3A_460 = arith.constant 0 : i32
    %dma_wait3A_461 = arith.constant 0 : i32
    %dma_wait3A_462 = tpu.memref_slice %arg14[%dma_wait3A_452, %dma_wait3A_460, %dma_wait3A_461] : memref<4x32x128xf32, #tpu.memory_space<vmem>> -> memref<1x32x128xf32, #tpu.memory_space<vmem>>
    %dma_wait3A_463 = tpu.memref_squeeze %dma_wait3A_462 : memref<1x32x128xf32, #tpu.memory_space<vmem>> -> memref<32x128xf32, #tpu.memory_space<vmem>>
    %dma_wait3A_464 = arith.constant 0 : i32
    %dma_wait3A_465 = arith.constant 0 : i32
    %dma_wait3A_466 = tpu.memref_slice %arg6[%dma_wait3A_464, %dma_wait3A_465] : memref<32x1000000xf32, #tpu.memory_space<hbm>> -> memref<32x128xf32, #tpu.memory_space<hbm>>
    tpu.wait_dma2 semaphore(%arg23 : memref<!tpu.dma_semaphore, #tpu.memory_space<semaphore_mem>>) src(%dma_wait3A_466 : memref<32x128xf32, #tpu.memory_space<hbm>>) dst(%dma_wait3A_463 : memref<32x128xf32, #tpu.memory_space<vmem>>)
    %slice3A_467 = vector.extract_strided_slice %get3A_184 {offsets = [0], sizes = [1], strides = [1]} : vector<16xi32> to vector<1xi32>
    %squeeze3A_468 = vector.extract %slice3A_467[0] : i32 from vector<1xi32>
    %and3A = arith.constant 127 : i32
    %and3A_469 = arith.andi %squeeze3A_468, %and3A : i32
    %broadcast_in_dim3A = vector.broadcast %and3A_469 : i32 to vector<16xi32>
    %slice3A_470 = vector.extract_strided_slice %get3A_186 {offsets = [0], sizes = [1], strides = [1]} : vector<16xi32> to vector<1xi32>
    %squeeze3A_471 = vector.extract %slice3A_470[0] : i32 from vector<1xi32>
    %and3A_472 = arith.constant 127 : i32
    %and3A_473 = arith.andi %squeeze3A_471, %and3A_472 : i32
    %broadcast_in_dim3A_474 = vector.broadcast %and3A_473 : i32 to vector<16xi32>
    %broadcast_in_dim3A_475 = arith.constant 0 : i32
    %broadcast_in_dim3A_476 = vector.broadcast %broadcast_in_dim3A_475 : i32 to vector<16xi32>
    %gather3A = tpu.vector_load_idx %arg12[%broadcast_in_dim3A_476, %iota3A, %broadcast_in_dim3A] : memref<4x32x128xf32, #tpu.memory_space<vmem>>[vector<16xi32>, vector<16xi32>, vector<16xi32>], vector<16xf32>,
    %gather3A_477 = tpu.vector_load_idx %arg12[%broadcast_in_dim3A_476, %add3A_11, %broadcast_in_dim3A] : memref<4x32x128xf32, #tpu.memory_space<vmem>>[vector<16xi32>, vector<16xi32>, vector<16xi32>], vector<16xf32>,
    %gather3A_478 = tpu.vector_load_idx %arg14[%broadcast_in_dim3A_476, %iota3A, %broadcast_in_dim3A_474] : memref<4x32x128xf32, #tpu.memory_space<vmem>>[vector<16xi32>, vector<16xi32>, vector<16xi32>], vector<16xf32>,
    %gather3A_479 = tpu.vector_load_idx %arg14[%broadcast_in_dim3A_476, %add3A_11, %broadcast_in_dim3A_474] : memref<4x32x128xf32, #tpu.memory_space<vmem>>[vector<16xi32>, vector<16xi32>, vector<16xi32>], vector<16xf32>,
    %mul3A_480 = arith.mulf %gather3A, %gather3A_478 : vector<16xf32>
    %mul3A_481 = arith.mulf %gather3A_477, %gather3A_479 : vector<16xf32>
    %add3A_482 = arith.addf %mul3A_480, %mul3A_481 : vector<16xf32>
    %swap3A = arith.constant 0 : index
    %swap3A_483 = tpu.vector_load %arg16[%swap3A] {strides = array<i32>} : memref<256xf32, #tpu.memory_space<vmem>>, vector<16xf32>,
    tpu.vector_store %arg16[%swap3A], %add3A_482 {strides = array<i32>} : memref<256xf32, #tpu.memory_space<vmem>>, vector<16xf32>,
    %slice3A_484 = vector.extract_strided_slice %get3A_184 {offsets = [1], sizes = [1], strides = [1]} : vector<16xi32> to vector<1xi32>
    %squeeze3A_485 = vector.extract %slice3A_484[0] : i32 from vector<1xi32>
    %and3A_486 = arith.constant 127 : i32
    %and3A_487 = arith.andi %squeeze3A_485, %and3A_486 : i32
    %broadcast_in_dim3A_488 = vector.broadcast %and3A_487 : i32 to vector<16xi32>
    %slice3A_489 = vector.extract_strided_slice %get3A_186 {offsets = [1], sizes = [1], strides = [1]} : vector<16xi32> to vector<1xi32>
    %squeeze3A_490 = vector.extract %slice3A_489[0] : i32 from vector<1xi32>
    %and3A_491 = arith.constant 127 : i32
    %and3A_492 = arith.andi %squeeze3A_490, %and3A_491 : i32
    %broadcast_in_dim3A_493 = vector.broadcast %and3A_492 : i32 to vector<16xi32>
    %broadcast_in_dim3A_494 = arith.constant 1 : i32
    %broadcast_in_dim3A_495 = vector.broadcast %broadcast_in_dim3A_494 : i32 to vector<16xi32>
    %gather3A_496 = tpu.vector_load_idx %arg12[%broadcast_in_dim3A_495, %iota3A, %broadcast_in_dim3A_488] : memref<4x32x128xf32, #tpu.memory_space<vmem>>[vector<16xi32>, vector<16xi32>, vector<16xi32>], vector<16xf32>,
    %gather3A_497 = tpu.vector_load_idx %arg12[%broadcast_in_dim3A_495, %add3A_11, %broadcast_in_dim3A_488] : memref<4x32x128xf32, #tpu.memory_space<vmem>>[vector<16xi32>, vector<16xi32>, vector<16xi32>], vector<16xf32>,
    %gather3A_498 = tpu.vector_load_idx %arg14[%broadcast_in_dim3A_495, %iota3A, %broadcast_in_dim3A_493] : memref<4x32x128xf32, #tpu.memory_space<vmem>>[vector<16xi32>, vector<16xi32>, vector<16xi32>], vector<16xf32>,
    %gather3A_499 = tpu.vector_load_idx %arg14[%broadcast_in_dim3A_495, %add3A_11, %broadcast_in_dim3A_493] : memref<4x32x128xf32, #tpu.memory_space<vmem>>[vector<16xi32>, vector<16xi32>, vector<16xi32>], vector<16xf32>,
    %mul3A_500 = arith.mulf %gather3A_496, %gather3A_498 : vector<16xf32>
    %mul3A_501 = arith.mulf %gather3A_497, %gather3A_499 : vector<16xf32>
    %add3A_502 = arith.addf %mul3A_500, %mul3A_501 : vector<16xf32>
    %swap3A_503 = arith.constant 16 : index
    %swap3A_504 = tpu.vector_load %arg16[%swap3A_503] {strides = array<i32>} : memref<256xf32, #tpu.memory_space<vmem>>, vector<16xf32>,
    tpu.vector_store %arg16[%swap3A_503], %add3A_502 {strides = array<i32>} : memref<256xf32, #tpu.memory_space<vmem>>, vector<16xf32>,
    %slice3A_505 = vector.extract_strided_slice %get3A_184 {offsets = [2], sizes = [1], strides = [1]} : vector<16xi32> to vector<1xi32>
    %squeeze3A_506 = vector.extract %slice3A_505[0] : i32 from vector<1xi32>
    %and3A_507 = arith.constant 127 : i32
    %and3A_508 = arith.andi %squeeze3A_506, %and3A_507 : i32
    %broadcast_in_dim3A_509 = vector.broadcast %and3A_508 : i32 to vector<16xi32>
    %slice3A_510 = vector.extract_strided_slice %get3A_186 {offsets = [2], sizes = [1], strides = [1]} : vector<16xi32> to vector<1xi32>
    %squeeze3A_511 = vector.extract %slice3A_510[0] : i32 from vector<1xi32>
    %and3A_512 = arith.constant 127 : i32
    %and3A_513 = arith.andi %squeeze3A_511, %and3A_512 : i32
    %broadcast_in_dim3A_514 = vector.broadcast %and3A_513 : i32 to vector<16xi32>
    %broadcast_in_dim3A_515 = arith.constant 2 : i32
    %broadcast_in_dim3A_516 = vector.broadcast %broadcast_in_dim3A_515 : i32 to vector<16xi32>
    %gather3A_517 = tpu.vector_load_idx %arg12[%broadcast_in_dim3A_516, %iota3A, %broadcast_in_dim3A_509] : memref<4x32x128xf32, #tpu.memory_space<vmem>>[vector<16xi32>, vector<16xi32>, vector<16xi32>], vector<16xf32>,
    %gather3A_518 = tpu.vector_load_idx %arg12[%broadcast_in_dim3A_516, %add3A_11, %broadcast_in_dim3A_509] : memref<4x32x128xf32, #tpu.memory_space<vmem>>[vector<16xi32>, vector<16xi32>, vector<16xi32>], vector<16xf32>,
    %gather3A_519 = tpu.vector_load_idx %arg14[%broadcast_in_dim3A_516, %iota3A, %broadcast_in_dim3A_514] : memref<4x32x128xf32, #tpu.memory_space<vmem>>[vector<16xi32>, vector<16xi32>, vector<16xi32>], vector<16xf32>,
    %gather3A_520 = tpu.vector_load_idx %arg14[%broadcast_in_dim3A_516, %add3A_11, %broadcast_in_dim3A_514] : memref<4x32x128xf32, #tpu.memory_space<vmem>>[vector<16xi32>, vector<16xi32>, vector<16xi32>], vector<16xf32>,
    %mul3A_521 = arith.mulf %gather3A_517, %gather3A_519 : vector<16xf32>
    %mul3A_522 = arith.mulf %gather3A_518, %gather3A_520 : vector<16xf32>
    %add3A_523 = arith.addf %mul3A_521, %mul3A_522 : vector<16xf32>
    %swap3A_524 = arith.constant 32 : index
    %swap3A_525 = tpu.vector_load %arg16[%swap3A_524] {strides = array<i32>} : memref<256xf32, #tpu.memory_space<vmem>>, vector<16xf32>,
    tpu.vector_store %arg16[%swap3A_524], %add3A_523 {strides = array<i32>} : memref<256xf32, #tpu.memory_space<vmem>>, vector<16xf32>,
    %slice3A_526 = vector.extract_strided_slice %get3A_184 {offsets = [3], sizes = [1], strides = [1]} : vector<16xi32> to vector<1xi32>
    %squeeze3A_527 = vector.extract %slice3A_526[0] : i32 from vector<1xi32>
    %and3A_528 = arith.constant 127 : i32
    %and3A_529 = arith.andi %squeeze3A_527, %and3A_528 : i32
    %broadcast_in_dim3A_530 = vector.broadcast %and3A_529 : i32 to vector<16xi32>
    %slice3A_531 = vector.extract_strided_slice %get3A_186 {offsets = [3], sizes = [1], strides = [1]} : vector<16xi32> to vector<1xi32>
    %squeeze3A_532 = vector.extract %slice3A_531[0] : i32 from vector<1xi32>
    %and3A_533 = arith.constant 127 : i32
    %and3A_534 = arith.andi %squeeze3A_532, %and3A_533 : i32
    %broadcast_in_dim3A_535 = vector.broadcast %and3A_534 : i32 to vector<16xi32>
    %broadcast_in_dim3A_536 = arith.constant 3 : i32
    %broadcast_in_dim3A_537 = vector.broadcast %broadcast_in_dim3A_536 : i32 to vector<16xi32>
    %gather3A_538 = tpu.vector_load_idx %arg12[%broadcast_in_dim3A_537, %iota3A, %broadcast_in_dim3A_530] : memref<4x32x128xf32, #tpu.memory_space<vmem>>[vector<16xi32>, vector<16xi32>, vector<16xi32>], vector<16xf32>,
    %gather3A_539 = tpu.vector_load_idx %arg12[%broadcast_in_dim3A_537, %add3A_11, %broadcast_in_dim3A_530] : memref<4x32x128xf32, #tpu.memory_space<vmem>>[vector<16xi32>, vector<16xi32>, vector<16xi32>], vector<16xf32>,
    %gather3A_540 = tpu.vector_load_idx %arg14[%broadcast_in_dim3A_537, %iota3A, %broadcast_in_dim3A_535] : memref<4x32x128xf32, #tpu.memory_space<vmem>>[vector<16xi32>, vector<16xi32>, vector<16xi32>], vector<16xf32>,
    %gather3A_541 = tpu.vector_load_idx %arg14[%broadcast_in_dim3A_537, %add3A_11, %broadcast_in_dim3A_535] : memref<4x32x128xf32, #tpu.memory_space<vmem>>[vector<16xi32>, vector<16xi32>, vector<16xi32>], vector<16xf32>,
    %mul3A_542 = arith.mulf %gather3A_538, %gather3A_540 : vector<16xf32>
    %mul3A_543 = arith.mulf %gather3A_539, %gather3A_541 : vector<16xf32>
    %add3A_544 = arith.addf %mul3A_542, %mul3A_543 : vector<16xf32>
    %swap3A_545 = arith.constant 48 : index
    %swap3A_546 = tpu.vector_load %arg16[%swap3A_545] {strides = array<i32>} : memref<256xf32, #tpu.memory_space<vmem>>, vector<16xf32>,
    tpu.vector_store %arg16[%swap3A_545], %add3A_544 {strides = array<i32>} : memref<256xf32, #tpu.memory_space<vmem>>, vector<16xf32>,
    %slice3A_547 = vector.extract_strided_slice %get3A_184 {offsets = [8], sizes = [1], strides = [1]} : vector<16xi32> to vector<1xi32>
    %squeeze3A_548 = vector.extract %slice3A_547[0] : i32 from vector<1xi32>
    %slice3A_549 = vector.extract_strided_slice %get3A_186 {offsets = [8], sizes = [1], strides = [1]} : vector<16xi32> to vector<1xi32>
    %squeeze3A_550 = vector.extract %slice3A_549[0] : i32 from vector<1xi32>
    %shift_right_arithmetic3A_551 = arith.constant 7 : i32
    %shift_right_arithmetic3A_552 = arith.shrsi %squeeze3A_548, %shift_right_arithmetic3A_551 : i32
    %shift_left3A_553 = arith.constant 7 : i32
    %shift_left3A_554 = arith.shli %shift_right_arithmetic3A_552, %shift_left3A_553 : i32
    %multiple_of3A_555 = tpu.assume_multiple %shift_left3A_554, 128 : i32
    %shift_right_arithmetic3A_556 = arith.constant 7 : i32
    %shift_right_arithmetic3A_557 = arith.shrsi %squeeze3A_550, %shift_right_arithmetic3A_556 : i32
    %shift_left3A_558 = arith.constant 7 : i32
    %shift_left3A_559 = arith.shli %shift_right_arithmetic3A_557, %shift_left3A_558 : i32
    %multiple_of3A_560 = tpu.assume_multiple %shift_left3A_559, 128 : i32
    %dma_start3A_561 = arith.constant 0 : i32
    %dma_start3A_562 = arith.constant 0 : i32
    %dma_start3A_563 = arith.constant 0 : i32
    %dma_start3A_564 = tpu.memref_slice %arg12[%dma_start3A_561, %dma_start3A_562, %dma_start3A_563] : memref<4x32x128xf32, #tpu.memory_space<vmem>> -> memref<1x32x128xf32, #tpu.memory_space<vmem>>
    %dma_start3A_565 = tpu.memref_squeeze %dma_start3A_564 : memref<1x32x128xf32, #tpu.memory_space<vmem>> -> memref<32x128xf32, #tpu.memory_space<vmem>>
    %dma_start3A_566 = arith.constant 0 : i32
    %dma_start3A_567 = tpu.memref_slice %arg4[%dma_start3A_566, %multiple_of3A_555] : memref<32x1000000xf32, #tpu.memory_space<hbm>> -> memref<32x128xf32, #tpu.memory_space<hbm>>
    %dma_start3A_568 = arith.constant 0 : i32
    %dma_start3A_569 = arith.constant 0 : i32
    %dma_start3A_570 = tpu.memref_slice %arg12[%dma_start3A_561, %dma_start3A_568, %dma_start3A_569] : memref<4x32x128xf32, #tpu.memory_space<vmem>> -> memref<1x32x128xf32, #tpu.memory_space<vmem>>
    %dma_start3A_571 = tpu.memref_squeeze %dma_start3A_570 : memref<1x32x128xf32, #tpu.memory_space<vmem>> -> memref<32x128xf32, #tpu.memory_space<vmem>>
    %dma_start3A_572 = arith.constant 0 : i32
    %dma_start3A_573 = tpu.memref_slice %arg4[%dma_start3A_572, %multiple_of3A_555] : memref<32x1000000xf32, #tpu.memory_space<hbm>> -> memref<32x128xf32, #tpu.memory_space<hbm>>
    tpu.enqueue_dma source(%dma_start3A_573 : memref<32x128xf32, #tpu.memory_space<hbm>>) target(%dma_start3A_571 : memref<32x128xf32, #tpu.memory_space<vmem>>) target_semaphore(%arg21 : memref<!tpu.dma_semaphore, #tpu.memory_space<semaphore_mem>>)
    %dma_start3A_574 = arith.constant 0 : i32
    %dma_start3A_575 = arith.constant 0 : i32
    %dma_start3A_576 = arith.constant 0 : i32
    %dma_start3A_577 = tpu.memref_slice %arg14[%dma_start3A_574, %dma_start3A_575, %dma_start3A_576] : memref<4x32x128xf32, #tpu.memory_space<vmem>> -> memref<1x32x128xf32, #tpu.memory_space<vmem>>
    %dma_start3A_578 = tpu.memref_squeeze %dma_start3A_577 : memref<1x32x128xf32, #tpu.memory_space<vmem>> -> memref<32x128xf32, #tpu.memory_space<vmem>>
    %dma_start3A_579 = arith.constant 0 : i32
    %dma_start3A_580 = tpu.memref_slice %arg6[%dma_start3A_579, %multiple_of3A_560] : memref<32x1000000xf32, #tpu.memory_space<hbm>> -> memref<32x128xf32, #tpu.memory_space<hbm>>
    %dma_start3A_581 = arith.constant 0 : i32
    %dma_start3A_582 = arith.constant 0 : i32
    %dma_start3A_583 = tpu.memref_slice %arg14[%dma_start3A_574, %dma_start3A_581, %dma_start3A_582] : memref<4x32x128xf32, #tpu.memory_space<vmem>> -> memref<1x32x128xf32, #tpu.memory_space<vmem>>
    %dma_start3A_584 = tpu.memref_squeeze %dma_start3A_583 : memref<1x32x128xf32, #tpu.memory_space<vmem>> -> memref<32x128xf32, #tpu.memory_space<vmem>>
    %dma_start3A_585 = arith.constant 0 : i32
    %dma_start3A_586 = tpu.memref_slice %arg6[%dma_start3A_585, %multiple_of3A_560] : memref<32x1000000xf32, #tpu.memory_space<hbm>> -> memref<32x128xf32, #tpu.memory_space<hbm>>
    tpu.enqueue_dma source(%dma_start3A_586 : memref<32x128xf32, #tpu.memory_space<hbm>>) target(%dma_start3A_584 : memref<32x128xf32, #tpu.memory_space<vmem>>) target_semaphore(%arg23 : memref<!tpu.dma_semaphore, #tpu.memory_space<semaphore_mem>>)
    %slice3A_587 = vector.extract_strided_slice %get3A_184 {offsets = [9], sizes = [1], strides = [1]} : vector<16xi32> to vector<1xi32>
    %squeeze3A_588 = vector.extract %slice3A_587[0] : i32 from vector<1xi32>
    %slice3A_589 = vector.extract_strided_slice %get3A_186 {offsets = [9], sizes = [1], strides = [1]} : vector<16xi32> to vector<1xi32>
    %squeeze3A_590 = vector.extract %slice3A_589[0] : i32 from vector<1xi32>
    %shift_right_arithmetic3A_591 = arith.constant 7 : i32
    %shift_right_arithmetic3A_592 = arith.shrsi %squeeze3A_588, %shift_right_arithmetic3A_591 : i32
    %shift_left3A_593 = arith.constant 7 : i32
    %shift_left3A_594 = arith.shli %shift_right_arithmetic3A_592, %shift_left3A_593 : i32
    %multiple_of3A_595 = tpu.assume_multiple %shift_left3A_594, 128 : i32
    %shift_right_arithmetic3A_596 = arith.constant 7 : i32
    %shift_right_arithmetic3A_597 = arith.shrsi %squeeze3A_590, %shift_right_arithmetic3A_596 : i32
    %shift_left3A_598 = arith.constant 7 : i32
    %shift_left3A_599 = arith.shli %shift_right_arithmetic3A_597, %shift_left3A_598 : i32
    %multiple_of3A_600 = tpu.assume_multiple %shift_left3A_599, 128 : i32
    %dma_start3A_601 = arith.constant 1 : i32
    %dma_start3A_602 = arith.constant 0 : i32
    %dma_start3A_603 = arith.constant 0 : i32
    %dma_start3A_604 = tpu.memref_slice %arg12[%dma_start3A_601, %dma_start3A_602, %dma_start3A_603] : memref<4x32x128xf32, #tpu.memory_space<vmem>> -> memref<1x32x128xf32, #tpu.memory_space<vmem>>
    %dma_start3A_605 = tpu.memref_squeeze %dma_start3A_604 : memref<1x32x128xf32, #tpu.memory_space<vmem>> -> memref<32x128xf32, #tpu.memory_space<vmem>>
    %dma_start3A_606 = arith.constant 0 : i32
    %dma_start3A_607 = tpu.memref_slice %arg4[%dma_start3A_606, %multiple_of3A_595] : memref<32x1000000xf32, #tpu.memory_space<hbm>> -> memref<32x128xf32, #tpu.memory_space<hbm>>
    %dma_start3A_608 = arith.constant 0 : i32
    %dma_start3A_609 = arith.constant 0 : i32
    %dma_start3A_610 = tpu.memref_slice %arg12[%dma_start3A_601, %dma_start3A_608, %dma_start3A_609] : memref<4x32x128xf32, #tpu.memory_space<vmem>> -> memref<1x32x128xf32, #tpu.memory_space<vmem>>
    %dma_start3A_611 = tpu.memref_squeeze %dma_start3A_610 : memref<1x32x128xf32, #tpu.memory_space<vmem>> -> memref<32x128xf32, #tpu.memory_space<vmem>>
    %dma_start3A_612 = arith.constant 0 : i32
    %dma_start3A_613 = tpu.memref_slice %arg4[%dma_start3A_612, %multiple_of3A_595] : memref<32x1000000xf32, #tpu.memory_space<hbm>> -> memref<32x128xf32, #tpu.memory_space<hbm>>
    tpu.enqueue_dma source(%dma_start3A_613 : memref<32x128xf32, #tpu.memory_space<hbm>>) target(%dma_start3A_611 : memref<32x128xf32, #tpu.memory_space<vmem>>) target_semaphore(%arg21 : memref<!tpu.dma_semaphore, #tpu.memory_space<semaphore_mem>>)
    %dma_start3A_614 = arith.constant 1 : i32
    %dma_start3A_615 = arith.constant 0 : i32
    %dma_start3A_616 = arith.constant 0 : i32
    %dma_start3A_617 = tpu.memref_slice %arg14[%dma_start3A_614, %dma_start3A_615, %dma_start3A_616] : memref<4x32x128xf32, #tpu.memory_space<vmem>> -> memref<1x32x128xf32, #tpu.memory_space<vmem>>
    %dma_start3A_618 = tpu.memref_squeeze %dma_start3A_617 : memref<1x32x128xf32, #tpu.memory_space<vmem>> -> memref<32x128xf32, #tpu.memory_space<vmem>>
    %dma_start3A_619 = arith.constant 0 : i32
    %dma_start3A_620 = tpu.memref_slice %arg6[%dma_start3A_619, %multiple_of3A_600] : memref<32x1000000xf32, #tpu.memory_space<hbm>> -> memref<32x128xf32, #tpu.memory_space<hbm>>
    %dma_start3A_621 = arith.constant 0 : i32
    %dma_start3A_622 = arith.constant 0 : i32
    %dma_start3A_623 = tpu.memref_slice %arg14[%dma_start3A_614, %dma_start3A_621, %dma_start3A_622] : memref<4x32x128xf32, #tpu.memory_space<vmem>> -> memref<1x32x128xf32, #tpu.memory_space<vmem>>
    %dma_start3A_624 = tpu.memref_squeeze %dma_start3A_623 : memref<1x32x128xf32, #tpu.memory_space<vmem>> -> memref<32x128xf32, #tpu.memory_space<vmem>>
    %dma_start3A_625 = arith.constant 0 : i32
    %dma_start3A_626 = tpu.memref_slice %arg6[%dma_start3A_625, %multiple_of3A_600] : memref<32x1000000xf32, #tpu.memory_space<hbm>> -> memref<32x128xf32, #tpu.memory_space<hbm>>
    tpu.enqueue_dma source(%dma_start3A_626 : memref<32x128xf32, #tpu.memory_space<hbm>>) target(%dma_start3A_624 : memref<32x128xf32, #tpu.memory_space<vmem>>) target_semaphore(%arg23 : memref<!tpu.dma_semaphore, #tpu.memory_space<semaphore_mem>>)
    %slice3A_627 = vector.extract_strided_slice %get3A_184 {offsets = [10], sizes = [1], strides = [1]} : vector<16xi32> to vector<1xi32>
    %squeeze3A_628 = vector.extract %slice3A_627[0] : i32 from vector<1xi32>
    %slice3A_629 = vector.extract_strided_slice %get3A_186 {offsets = [10], sizes = [1], strides = [1]} : vector<16xi32> to vector<1xi32>
    %squeeze3A_630 = vector.extract %slice3A_629[0] : i32 from vector<1xi32>
    %shift_right_arithmetic3A_631 = arith.constant 7 : i32
    %shift_right_arithmetic3A_632 = arith.shrsi %squeeze3A_628, %shift_right_arithmetic3A_631 : i32
    %shift_left3A_633 = arith.constant 7 : i32
    %shift_left3A_634 = arith.shli %shift_right_arithmetic3A_632, %shift_left3A_633 : i32
    %multiple_of3A_635 = tpu.assume_multiple %shift_left3A_634, 128 : i32
    %shift_right_arithmetic3A_636 = arith.constant 7 : i32
    %shift_right_arithmetic3A_637 = arith.shrsi %squeeze3A_630, %shift_right_arithmetic3A_636 : i32
    %shift_left3A_638 = arith.constant 7 : i32
    %shift_left3A_639 = arith.shli %shift_right_arithmetic3A_637, %shift_left3A_638 : i32
    %multiple_of3A_640 = tpu.assume_multiple %shift_left3A_639, 128 : i32
    %dma_start3A_641 = arith.constant 2 : i32
    %dma_start3A_642 = arith.constant 0 : i32
    %dma_start3A_643 = arith.constant 0 : i32
    %dma_start3A_644 = tpu.memref_slice %arg12[%dma_start3A_641, %dma_start3A_642, %dma_start3A_643] : memref<4x32x128xf32, #tpu.memory_space<vmem>> -> memref<1x32x128xf32, #tpu.memory_space<vmem>>
    %dma_start3A_645 = tpu.memref_squeeze %dma_start3A_644 : memref<1x32x128xf32, #tpu.memory_space<vmem>> -> memref<32x128xf32, #tpu.memory_space<vmem>>
    %dma_start3A_646 = arith.constant 0 : i32
    %dma_start3A_647 = tpu.memref_slice %arg4[%dma_start3A_646, %multiple_of3A_635] : memref<32x1000000xf32, #tpu.memory_space<hbm>> -> memref<32x128xf32, #tpu.memory_space<hbm>>
    %dma_start3A_648 = arith.constant 0 : i32
    %dma_start3A_649 = arith.constant 0 : i32
    %dma_start3A_650 = tpu.memref_slice %arg12[%dma_start3A_641, %dma_start3A_648, %dma_start3A_649] : memref<4x32x128xf32, #tpu.memory_space<vmem>> -> memref<1x32x128xf32, #tpu.memory_space<vmem>>
    %dma_start3A_651 = tpu.memref_squeeze %dma_start3A_650 : memref<1x32x128xf32, #tpu.memory_space<vmem>> -> memref<32x128xf32, #tpu.memory_space<vmem>>
    %dma_start3A_652 = arith.constant 0 : i32
    %dma_start3A_653 = tpu.memref_slice %arg4[%dma_start3A_652, %multiple_of3A_635] : memref<32x1000000xf32, #tpu.memory_space<hbm>> -> memref<32x128xf32, #tpu.memory_space<hbm>>
    tpu.enqueue_dma source(%dma_start3A_653 : memref<32x128xf32, #tpu.memory_space<hbm>>) target(%dma_start3A_651 : memref<32x128xf32, #tpu.memory_space<vmem>>) target_semaphore(%arg21 : memref<!tpu.dma_semaphore, #tpu.memory_space<semaphore_mem>>)
    %dma_start3A_654 = arith.constant 2 : i32
    %dma_start3A_655 = arith.constant 0 : i32
    %dma_start3A_656 = arith.constant 0 : i32
    %dma_start3A_657 = tpu.memref_slice %arg14[%dma_start3A_654, %dma_start3A_655, %dma_start3A_656] : memref<4x32x128xf32, #tpu.memory_space<vmem>> -> memref<1x32x128xf32, #tpu.memory_space<vmem>>
    %dma_start3A_658 = tpu.memref_squeeze %dma_start3A_657 : memref<1x32x128xf32, #tpu.memory_space<vmem>> -> memref<32x128xf32, #tpu.memory_space<vmem>>
    %dma_start3A_659 = arith.constant 0 : i32
    %dma_start3A_660 = tpu.memref_slice %arg6[%dma_start3A_659, %multiple_of3A_640] : memref<32x1000000xf32, #tpu.memory_space<hbm>> -> memref<32x128xf32, #tpu.memory_space<hbm>>
    %dma_start3A_661 = arith.constant 0 : i32
    %dma_start3A_662 = arith.constant 0 : i32
    %dma_start3A_663 = tpu.memref_slice %arg14[%dma_start3A_654, %dma_start3A_661, %dma_start3A_662] : memref<4x32x128xf32, #tpu.memory_space<vmem>> -> memref<1x32x128xf32, #tpu.memory_space<vmem>>
    %dma_start3A_664 = tpu.memref_squeeze %dma_start3A_663 : memref<1x32x128xf32, #tpu.memory_space<vmem>> -> memref<32x128xf32, #tpu.memory_space<vmem>>
    %dma_start3A_665 = arith.constant 0 : i32
    %dma_start3A_666 = tpu.memref_slice %arg6[%dma_start3A_665, %multiple_of3A_640] : memref<32x1000000xf32, #tpu.memory_space<hbm>> -> memref<32x128xf32, #tpu.memory_space<hbm>>
    tpu.enqueue_dma source(%dma_start3A_666 : memref<32x128xf32, #tpu.memory_space<hbm>>) target(%dma_start3A_664 : memref<32x128xf32, #tpu.memory_space<vmem>>) target_semaphore(%arg23 : memref<!tpu.dma_semaphore, #tpu.memory_space<semaphore_mem>>)
    %slice3A_667 = vector.extract_strided_slice %get3A_184 {offsets = [11], sizes = [1], strides = [1]} : vector<16xi32> to vector<1xi32>
    %squeeze3A_668 = vector.extract %slice3A_667[0] : i32 from vector<1xi32>
    %slice3A_669 = vector.extract_strided_slice %get3A_186 {offsets = [11], sizes = [1], strides = [1]} : vector<16xi32> to vector<1xi32>
    %squeeze3A_670 = vector.extract %slice3A_669[0] : i32 from vector<1xi32>
    %shift_right_arithmetic3A_671 = arith.constant 7 : i32
    %shift_right_arithmetic3A_672 = arith.shrsi %squeeze3A_668, %shift_right_arithmetic3A_671 : i32
    %shift_left3A_673 = arith.constant 7 : i32
    %shift_left3A_674 = arith.shli %shift_right_arithmetic3A_672, %shift_left3A_673 : i32
    %multiple_of3A_675 = tpu.assume_multiple %shift_left3A_674, 128 : i32
    %shift_right_arithmetic3A_676 = arith.constant 7 : i32
    %shift_right_arithmetic3A_677 = arith.shrsi %squeeze3A_670, %shift_right_arithmetic3A_676 : i32
    %shift_left3A_678 = arith.constant 7 : i32
    %shift_left3A_679 = arith.shli %shift_right_arithmetic3A_677, %shift_left3A_678 : i32
    %multiple_of3A_680 = tpu.assume_multiple %shift_left3A_679, 128 : i32
    %dma_start3A_681 = arith.constant 3 : i32
    %dma_start3A_682 = arith.constant 0 : i32
    %dma_start3A_683 = arith.constant 0 : i32
    %dma_start3A_684 = tpu.memref_slice %arg12[%dma_start3A_681, %dma_start3A_682, %dma_start3A_683] : memref<4x32x128xf32, #tpu.memory_space<vmem>> -> memref<1x32x128xf32, #tpu.memory_space<vmem>>
    %dma_start3A_685 = tpu.memref_squeeze %dma_start3A_684 : memref<1x32x128xf32, #tpu.memory_space<vmem>> -> memref<32x128xf32, #tpu.memory_space<vmem>>
    %dma_start3A_686 = arith.constant 0 : i32
    %dma_start3A_687 = tpu.memref_slice %arg4[%dma_start3A_686, %multiple_of3A_675] : memref<32x1000000xf32, #tpu.memory_space<hbm>> -> memref<32x128xf32, #tpu.memory_space<hbm>>
    %dma_start3A_688 = arith.constant 0 : i32
    %dma_start3A_689 = arith.constant 0 : i32
    %dma_start3A_690 = tpu.memref_slice %arg12[%dma_start3A_681, %dma_start3A_688, %dma_start3A_689] : memref<4x32x128xf32, #tpu.memory_space<vmem>> -> memref<1x32x128xf32, #tpu.memory_space<vmem>>
    %dma_start3A_691 = tpu.memref_squeeze %dma_start3A_690 : memref<1x32x128xf32, #tpu.memory_space<vmem>> -> memref<32x128xf32, #tpu.memory_space<vmem>>
    %dma_start3A_692 = arith.constant 0 : i32
    %dma_start3A_693 = tpu.memref_slice %arg4[%dma_start3A_692, %multiple_of3A_675] : memref<32x1000000xf32, #tpu.memory_space<hbm>> -> memref<32x128xf32, #tpu.memory_space<hbm>>
    tpu.enqueue_dma source(%dma_start3A_693 : memref<32x128xf32, #tpu.memory_space<hbm>>) target(%dma_start3A_691 : memref<32x128xf32, #tpu.memory_space<vmem>>) target_semaphore(%arg21 : memref<!tpu.dma_semaphore, #tpu.memory_space<semaphore_mem>>)
    %dma_start3A_694 = arith.constant 3 : i32
    %dma_start3A_695 = arith.constant 0 : i32
    %dma_start3A_696 = arith.constant 0 : i32
    %dma_start3A_697 = tpu.memref_slice %arg14[%dma_start3A_694, %dma_start3A_695, %dma_start3A_696] : memref<4x32x128xf32, #tpu.memory_space<vmem>> -> memref<1x32x128xf32, #tpu.memory_space<vmem>>
    %dma_start3A_698 = tpu.memref_squeeze %dma_start3A_697 : memref<1x32x128xf32, #tpu.memory_space<vmem>> -> memref<32x128xf32, #tpu.memory_space<vmem>>
    %dma_start3A_699 = arith.constant 0 : i32
    %dma_start3A_700 = tpu.memref_slice %arg6[%dma_start3A_699, %multiple_of3A_680] : memref<32x1000000xf32, #tpu.memory_space<hbm>> -> memref<32x128xf32, #tpu.memory_space<hbm>>
    %dma_start3A_701 = arith.constant 0 : i32
    %dma_start3A_702 = arith.constant 0 : i32
    %dma_start3A_703 = tpu.memref_slice %arg14[%dma_start3A_694, %dma_start3A_701, %dma_start3A_702] : memref<4x32x128xf32, #tpu.memory_space<vmem>> -> memref<1x32x128xf32, #tpu.memory_space<vmem>>
    %dma_start3A_704 = tpu.memref_squeeze %dma_start3A_703 : memref<1x32x128xf32, #tpu.memory_space<vmem>> -> memref<32x128xf32, #tpu.memory_space<vmem>>
    %dma_start3A_705 = arith.constant 0 : i32
    %dma_start3A_706 = tpu.memref_slice %arg6[%dma_start3A_705, %multiple_of3A_680] : memref<32x1000000xf32, #tpu.memory_space<hbm>> -> memref<32x128xf32, #tpu.memory_space<hbm>>
    tpu.enqueue_dma source(%dma_start3A_706 : memref<32x128xf32, #tpu.memory_space<hbm>>) target(%dma_start3A_704 : memref<32x128xf32, #tpu.memory_space<vmem>>) target_semaphore(%arg23 : memref<!tpu.dma_semaphore, #tpu.memory_space<semaphore_mem>>)
    %dma_wait3A_707 = arith.constant 0 : i32
    %dma_wait3A_708 = arith.constant 0 : i32
    %dma_wait3A_709 = arith.constant 0 : i32
    %dma_wait3A_710 = tpu.memref_slice %arg13[%dma_wait3A_707, %dma_wait3A_708, %dma_wait3A_709] : memref<4x32x128xf32, #tpu.memory_space<vmem>> -> memref<1x32x128xf32, #tpu.memory_space<vmem>>
    %dma_wait3A_711 = tpu.memref_squeeze %dma_wait3A_710 : memref<1x32x128xf32, #tpu.memory_space<vmem>> -> memref<32x128xf32, #tpu.memory_space<vmem>>
    %dma_wait3A_712 = arith.constant 0 : i32
    %dma_wait3A_713 = arith.constant 0 : i32
    %dma_wait3A_714 = tpu.memref_slice %arg4[%dma_wait3A_712, %dma_wait3A_713] : memref<32x1000000xf32, #tpu.memory_space<hbm>> -> memref<32x128xf32, #tpu.memory_space<hbm>>
    %dma_wait3A_715 = arith.constant 0 : i32
    %dma_wait3A_716 = arith.constant 0 : i32
    %dma_wait3A_717 = tpu.memref_slice %arg13[%dma_wait3A_707, %dma_wait3A_715, %dma_wait3A_716] : memref<4x32x128xf32, #tpu.memory_space<vmem>> -> memref<1x32x128xf32, #tpu.memory_space<vmem>>
    %dma_wait3A_718 = tpu.memref_squeeze %dma_wait3A_717 : memref<1x32x128xf32, #tpu.memory_space<vmem>> -> memref<32x128xf32, #tpu.memory_space<vmem>>
    %dma_wait3A_719 = arith.constant 0 : i32
    %dma_wait3A_720 = arith.constant 0 : i32
    %dma_wait3A_721 = tpu.memref_slice %arg4[%dma_wait3A_719, %dma_wait3A_720] : memref<32x1000000xf32, #tpu.memory_space<hbm>> -> memref<32x128xf32, #tpu.memory_space<hbm>>
    tpu.wait_dma2 semaphore(%arg22 : memref<!tpu.dma_semaphore, #tpu.memory_space<semaphore_mem>>) src(%dma_wait3A_721 : memref<32x128xf32, #tpu.memory_space<hbm>>) dst(%dma_wait3A_718 : memref<32x128xf32, #tpu.memory_space<vmem>>)
    %dma_wait3A_722 = arith.constant 0 : i32
    %dma_wait3A_723 = arith.constant 0 : i32
    %dma_wait3A_724 = arith.constant 0 : i32
    %dma_wait3A_725 = tpu.memref_slice %arg15[%dma_wait3A_722, %dma_wait3A_723, %dma_wait3A_724] : memref<4x32x128xf32, #tpu.memory_space<vmem>> -> memref<1x32x128xf32, #tpu.memory_space<vmem>>
    %dma_wait3A_726 = tpu.memref_squeeze %dma_wait3A_725 : memref<1x32x128xf32, #tpu.memory_space<vmem>> -> memref<32x128xf32, #tpu.memory_space<vmem>>
    %dma_wait3A_727 = arith.constant 0 : i32
    %dma_wait3A_728 = arith.constant 0 : i32
    %dma_wait3A_729 = tpu.memref_slice %arg6[%dma_wait3A_727, %dma_wait3A_728] : memref<32x1000000xf32, #tpu.memory_space<hbm>> -> memref<32x128xf32, #tpu.memory_space<hbm>>
    %dma_wait3A_730 = arith.constant 0 : i32
    %dma_wait3A_731 = arith.constant 0 : i32
    %dma_wait3A_732 = tpu.memref_slice %arg15[%dma_wait3A_722, %dma_wait3A_730, %dma_wait3A_731] : memref<4x32x128xf32, #tpu.memory_space<vmem>> -> memref<1x32x128xf32, #tpu.memory_space<vmem>>
    %dma_wait3A_733 = tpu.memref_squeeze %dma_wait3A_732 : memref<1x32x128xf32, #tpu.memory_space<vmem>> -> memref<32x128xf32, #tpu.memory_space<vmem>>
    %dma_wait3A_734 = arith.constant 0 : i32
    %dma_wait3A_735 = arith.constant 0 : i32
    %dma_wait3A_736 = tpu.memref_slice %arg6[%dma_wait3A_734, %dma_wait3A_735] : memref<32x1000000xf32, #tpu.memory_space<hbm>> -> memref<32x128xf32, #tpu.memory_space<hbm>>
    tpu.wait_dma2 semaphore(%arg24 : memref<!tpu.dma_semaphore, #tpu.memory_space<semaphore_mem>>) src(%dma_wait3A_736 : memref<32x128xf32, #tpu.memory_space<hbm>>) dst(%dma_wait3A_733 : memref<32x128xf32, #tpu.memory_space<vmem>>)
    %dma_wait3A_737 = arith.constant 1 : i32
    %dma_wait3A_738 = arith.constant 0 : i32
    %dma_wait3A_739 = arith.constant 0 : i32
    %dma_wait3A_740 = tpu.memref_slice %arg13[%dma_wait3A_737, %dma_wait3A_738, %dma_wait3A_739] : memref<4x32x128xf32, #tpu.memory_space<vmem>> -> memref<1x32x128xf32, #tpu.memory_space<vmem>>
    %dma_wait3A_741 = tpu.memref_squeeze %dma_wait3A_740 : memref<1x32x128xf32, #tpu.memory_space<vmem>> -> memref<32x128xf32, #tpu.memory_space<vmem>>
    %dma_wait3A_742 = arith.constant 0 : i32
    %dma_wait3A_743 = arith.constant 0 : i32
    %dma_wait3A_744 = tpu.memref_slice %arg4[%dma_wait3A_742, %dma_wait3A_743] : memref<32x1000000xf32, #tpu.memory_space<hbm>> -> memref<32x128xf32, #tpu.memory_space<hbm>>
    %dma_wait3A_745 = arith.constant 0 : i32
    %dma_wait3A_746 = arith.constant 0 : i32
    %dma_wait3A_747 = tpu.memref_slice %arg13[%dma_wait3A_737, %dma_wait3A_745, %dma_wait3A_746] : memref<4x32x128xf32, #tpu.memory_space<vmem>> -> memref<1x32x128xf32, #tpu.memory_space<vmem>>
    %dma_wait3A_748 = tpu.memref_squeeze %dma_wait3A_747 : memref<1x32x128xf32, #tpu.memory_space<vmem>> -> memref<32x128xf32, #tpu.memory_space<vmem>>
    %dma_wait3A_749 = arith.constant 0 : i32
    %dma_wait3A_750 = arith.constant 0 : i32
    %dma_wait3A_751 = tpu.memref_slice %arg4[%dma_wait3A_749, %dma_wait3A_750] : memref<32x1000000xf32, #tpu.memory_space<hbm>> -> memref<32x128xf32, #tpu.memory_space<hbm>>
    tpu.wait_dma2 semaphore(%arg22 : memref<!tpu.dma_semaphore, #tpu.memory_space<semaphore_mem>>) src(%dma_wait3A_751 : memref<32x128xf32, #tpu.memory_space<hbm>>) dst(%dma_wait3A_748 : memref<32x128xf32, #tpu.memory_space<vmem>>)
    %dma_wait3A_752 = arith.constant 1 : i32
    %dma_wait3A_753 = arith.constant 0 : i32
    %dma_wait3A_754 = arith.constant 0 : i32
    %dma_wait3A_755 = tpu.memref_slice %arg15[%dma_wait3A_752, %dma_wait3A_753, %dma_wait3A_754] : memref<4x32x128xf32, #tpu.memory_space<vmem>> -> memref<1x32x128xf32, #tpu.memory_space<vmem>>
    %dma_wait3A_756 = tpu.memref_squeeze %dma_wait3A_755 : memref<1x32x128xf32, #tpu.memory_space<vmem>> -> memref<32x128xf32, #tpu.memory_space<vmem>>
    %dma_wait3A_757 = arith.constant 0 : i32
    %dma_wait3A_758 = arith.constant 0 : i32
    %dma_wait3A_759 = tpu.memref_slice %arg6[%dma_wait3A_757, %dma_wait3A_758] : memref<32x1000000xf32, #tpu.memory_space<hbm>> -> memref<32x128xf32, #tpu.memory_space<hbm>>
    %dma_wait3A_760 = arith.constant 0 : i32
    %dma_wait3A_761 = arith.constant 0 : i32
    %dma_wait3A_762 = tpu.memref_slice %arg15[%dma_wait3A_752, %dma_wait3A_760, %dma_wait3A_761] : memref<4x32x128xf32, #tpu.memory_space<vmem>> -> memref<1x32x128xf32, #tpu.memory_space<vmem>>
    %dma_wait3A_763 = tpu.memref_squeeze %dma_wait3A_762 : memref<1x32x128xf32, #tpu.memory_space<vmem>> -> memref<32x128xf32, #tpu.memory_space<vmem>>
    %dma_wait3A_764 = arith.constant 0 : i32
    %dma_wait3A_765 = arith.constant 0 : i32
    %dma_wait3A_766 = tpu.memref_slice %arg6[%dma_wait3A_764, %dma_wait3A_765] : memref<32x1000000xf32, #tpu.memory_space<hbm>> -> memref<32x128xf32, #tpu.memory_space<hbm>>
    tpu.wait_dma2 semaphore(%arg24 : memref<!tpu.dma_semaphore, #tpu.memory_space<semaphore_mem>>) src(%dma_wait3A_766 : memref<32x128xf32, #tpu.memory_space<hbm>>) dst(%dma_wait3A_763 : memref<32x128xf32, #tpu.memory_space<vmem>>)
    %dma_wait3A_767 = arith.constant 2 : i32
    %dma_wait3A_768 = arith.constant 0 : i32
    %dma_wait3A_769 = arith.constant 0 : i32
    %dma_wait3A_770 = tpu.memref_slice %arg13[%dma_wait3A_767, %dma_wait3A_768, %dma_wait3A_769] : memref<4x32x128xf32, #tpu.memory_space<vmem>> -> memref<1x32x128xf32, #tpu.memory_space<vmem>>
    %dma_wait3A_771 = tpu.memref_squeeze %dma_wait3A_770 : memref<1x32x128xf32, #tpu.memory_space<vmem>> -> memref<32x128xf32, #tpu.memory_space<vmem>>
    %dma_wait3A_772 = arith.constant 0 : i32
    %dma_wait3A_773 = arith.constant 0 : i32
    %dma_wait3A_774 = tpu.memref_slice %arg4[%dma_wait3A_772, %dma_wait3A_773] : memref<32x1000000xf32, #tpu.memory_space<hbm>> -> memref<32x128xf32, #tpu.memory_space<hbm>>
    %dma_wait3A_775 = arith.constant 0 : i32
    %dma_wait3A_776 = arith.constant 0 : i32
    %dma_wait3A_777 = tpu.memref_slice %arg13[%dma_wait3A_767, %dma_wait3A_775, %dma_wait3A_776] : memref<4x32x128xf32, #tpu.memory_space<vmem>> -> memref<1x32x128xf32, #tpu.memory_space<vmem>>
    %dma_wait3A_778 = tpu.memref_squeeze %dma_wait3A_777 : memref<1x32x128xf32, #tpu.memory_space<vmem>> -> memref<32x128xf32, #tpu.memory_space<vmem>>
    %dma_wait3A_779 = arith.constant 0 : i32
    %dma_wait3A_780 = arith.constant 0 : i32
    %dma_wait3A_781 = tpu.memref_slice %arg4[%dma_wait3A_779, %dma_wait3A_780] : memref<32x1000000xf32, #tpu.memory_space<hbm>> -> memref<32x128xf32, #tpu.memory_space<hbm>>
    tpu.wait_dma2 semaphore(%arg22 : memref<!tpu.dma_semaphore, #tpu.memory_space<semaphore_mem>>) src(%dma_wait3A_781 : memref<32x128xf32, #tpu.memory_space<hbm>>) dst(%dma_wait3A_778 : memref<32x128xf32, #tpu.memory_space<vmem>>)
    %dma_wait3A_782 = arith.constant 2 : i32
    %dma_wait3A_783 = arith.constant 0 : i32
    %dma_wait3A_784 = arith.constant 0 : i32
    %dma_wait3A_785 = tpu.memref_slice %arg15[%dma_wait3A_782, %dma_wait3A_783, %dma_wait3A_784] : memref<4x32x128xf32, #tpu.memory_space<vmem>> -> memref<1x32x128xf32, #tpu.memory_space<vmem>>
    %dma_wait3A_786 = tpu.memref_squeeze %dma_wait3A_785 : memref<1x32x128xf32, #tpu.memory_space<vmem>> -> memref<32x128xf32, #tpu.memory_space<vmem>>
    %dma_wait3A_787 = arith.constant 0 : i32
    %dma_wait3A_788 = arith.constant 0 : i32
    %dma_wait3A_789 = tpu.memref_slice %arg6[%dma_wait3A_787, %dma_wait3A_788] : memref<32x1000000xf32, #tpu.memory_space<hbm>> -> memref<32x128xf32, #tpu.memory_space<hbm>>
    %dma_wait3A_790 = arith.constant 0 : i32
    %dma_wait3A_791 = arith.constant 0 : i32
    %dma_wait3A_792 = tpu.memref_slice %arg15[%dma_wait3A_782, %dma_wait3A_790, %dma_wait3A_791] : memref<4x32x128xf32, #tpu.memory_space<vmem>> -> memref<1x32x128xf32, #tpu.memory_space<vmem>>
    %dma_wait3A_793 = tpu.memref_squeeze %dma_wait3A_792 : memref<1x32x128xf32, #tpu.memory_space<vmem>> -> memref<32x128xf32, #tpu.memory_space<vmem>>
    %dma_wait3A_794 = arith.constant 0 : i32
    %dma_wait3A_795 = arith.constant 0 : i32
    %dma_wait3A_796 = tpu.memref_slice %arg6[%dma_wait3A_794, %dma_wait3A_795] : memref<32x1000000xf32, #tpu.memory_space<hbm>> -> memref<32x128xf32, #tpu.memory_space<hbm>>
    tpu.wait_dma2 semaphore(%arg24 : memref<!tpu.dma_semaphore, #tpu.memory_space<semaphore_mem>>) src(%dma_wait3A_796 : memref<32x128xf32, #tpu.memory_space<hbm>>) dst(%dma_wait3A_793 : memref<32x128xf32, #tpu.memory_space<vmem>>)
    %dma_wait3A_797 = arith.constant 3 : i32
    %dma_wait3A_798 = arith.constant 0 : i32
    %dma_wait3A_799 = arith.constant 0 : i32
    %dma_wait3A_800 = tpu.memref_slice %arg13[%dma_wait3A_797, %dma_wait3A_798, %dma_wait3A_799] : memref<4x32x128xf32, #tpu.memory_space<vmem>> -> memref<1x32x128xf32, #tpu.memory_space<vmem>>
    %dma_wait3A_801 = tpu.memref_squeeze %dma_wait3A_800 : memref<1x32x128xf32, #tpu.memory_space<vmem>> -> memref<32x128xf32, #tpu.memory_space<vmem>>
    %dma_wait3A_802 = arith.constant 0 : i32
    %dma_wait3A_803 = arith.constant 0 : i32
    %dma_wait3A_804 = tpu.memref_slice %arg4[%dma_wait3A_802, %dma_wait3A_803] : memref<32x1000000xf32, #tpu.memory_space<hbm>> -> memref<32x128xf32, #tpu.memory_space<hbm>>
    %dma_wait3A_805 = arith.constant 0 : i32
    %dma_wait3A_806 = arith.constant 0 : i32
    %dma_wait3A_807 = tpu.memref_slice %arg13[%dma_wait3A_797, %dma_wait3A_805, %dma_wait3A_806] : memref<4x32x128xf32, #tpu.memory_space<vmem>> -> memref<1x32x128xf32, #tpu.memory_space<vmem>>
    %dma_wait3A_808 = tpu.memref_squeeze %dma_wait3A_807 : memref<1x32x128xf32, #tpu.memory_space<vmem>> -> memref<32x128xf32, #tpu.memory_space<vmem>>
    %dma_wait3A_809 = arith.constant 0 : i32
    %dma_wait3A_810 = arith.constant 0 : i32
    %dma_wait3A_811 = tpu.memref_slice %arg4[%dma_wait3A_809, %dma_wait3A_810] : memref<32x1000000xf32, #tpu.memory_space<hbm>> -> memref<32x128xf32, #tpu.memory_space<hbm>>
    tpu.wait_dma2 semaphore(%arg22 : memref<!tpu.dma_semaphore, #tpu.memory_space<semaphore_mem>>) src(%dma_wait3A_811 : memref<32x128xf32, #tpu.memory_space<hbm>>) dst(%dma_wait3A_808 : memref<32x128xf32, #tpu.memory_space<vmem>>)
    %dma_wait3A_812 = arith.constant 3 : i32
    %dma_wait3A_813 = arith.constant 0 : i32
    %dma_wait3A_814 = arith.constant 0 : i32
    %dma_wait3A_815 = tpu.memref_slice %arg15[%dma_wait3A_812, %dma_wait3A_813, %dma_wait3A_814] : memref<4x32x128xf32, #tpu.memory_space<vmem>> -> memref<1x32x128xf32, #tpu.memory_space<vmem>>
    %dma_wait3A_816 = tpu.memref_squeeze %dma_wait3A_815 : memref<1x32x128xf32, #tpu.memory_space<vmem>> -> memref<32x128xf32, #tpu.memory_space<vmem>>
    %dma_wait3A_817 = arith.constant 0 : i32
    %dma_wait3A_818 = arith.constant 0 : i32
    %dma_wait3A_819 = tpu.memref_slice %arg6[%dma_wait3A_817, %dma_wait3A_818] : memref<32x1000000xf32, #tpu.memory_space<hbm>> -> memref<32x128xf32, #tpu.memory_space<hbm>>
    %dma_wait3A_820 = arith.constant 0 : i32
    %dma_wait3A_821 = arith.constant 0 : i32
    %dma_wait3A_822 = tpu.memref_slice %arg15[%dma_wait3A_812, %dma_wait3A_820, %dma_wait3A_821] : memref<4x32x128xf32, #tpu.memory_space<vmem>> -> memref<1x32x128xf32, #tpu.memory_space<vmem>>
    %dma_wait3A_823 = tpu.memref_squeeze %dma_wait3A_822 : memref<1x32x128xf32, #tpu.memory_space<vmem>> -> memref<32x128xf32, #tpu.memory_space<vmem>>
    %dma_wait3A_824 = arith.constant 0 : i32
    %dma_wait3A_825 = arith.constant 0 : i32
    %dma_wait3A_826 = tpu.memref_slice %arg6[%dma_wait3A_824, %dma_wait3A_825] : memref<32x1000000xf32, #tpu.memory_space<hbm>> -> memref<32x128xf32, #tpu.memory_space<hbm>>
    tpu.wait_dma2 semaphore(%arg24 : memref<!tpu.dma_semaphore, #tpu.memory_space<semaphore_mem>>) src(%dma_wait3A_826 : memref<32x128xf32, #tpu.memory_space<hbm>>) dst(%dma_wait3A_823 : memref<32x128xf32, #tpu.memory_space<vmem>>)
    %slice3A_827 = vector.extract_strided_slice %get3A_184 {offsets = [4], sizes = [1], strides = [1]} : vector<16xi32> to vector<1xi32>
    %squeeze3A_828 = vector.extract %slice3A_827[0] : i32 from vector<1xi32>
    %and3A_829 = arith.constant 127 : i32
    %and3A_830 = arith.andi %squeeze3A_828, %and3A_829 : i32
    %broadcast_in_dim3A_831 = vector.broadcast %and3A_830 : i32 to vector<16xi32>
    %slice3A_832 = vector.extract_strided_slice %get3A_186 {offsets = [4], sizes = [1], strides = [1]} : vector<16xi32> to vector<1xi32>
    %squeeze3A_833 = vector.extract %slice3A_832[0] : i32 from vector<1xi32>
    %and3A_834 = arith.constant 127 : i32
    %and3A_835 = arith.andi %squeeze3A_833, %and3A_834 : i32
    %broadcast_in_dim3A_836 = vector.broadcast %and3A_835 : i32 to vector<16xi32>
    %broadcast_in_dim3A_837 = arith.constant 0 : i32
    %broadcast_in_dim3A_838 = vector.broadcast %broadcast_in_dim3A_837 : i32 to vector<16xi32>
    %gather3A_839 = tpu.vector_load_idx %arg13[%broadcast_in_dim3A_838, %iota3A, %broadcast_in_dim3A_831] : memref<4x32x128xf32, #tpu.memory_space<vmem>>[vector<16xi32>, vector<16xi32>, vector<16xi32>], vector<16xf32>,
    %gather3A_840 = tpu.vector_load_idx %arg13[%broadcast_in_dim3A_838, %add3A_11, %broadcast_in_dim3A_831] : memref<4x32x128xf32, #tpu.memory_space<vmem>>[vector<16xi32>, vector<16xi32>, vector<16xi32>], vector<16xf32>,
    %gather3A_841 = tpu.vector_load_idx %arg15[%broadcast_in_dim3A_838, %iota3A, %broadcast_in_dim3A_836] : memref<4x32x128xf32, #tpu.memory_space<vmem>>[vector<16xi32>, vector<16xi32>, vector<16xi32>], vector<16xf32>,
    %gather3A_842 = tpu.vector_load_idx %arg15[%broadcast_in_dim3A_838, %add3A_11, %broadcast_in_dim3A_836] : memref<4x32x128xf32, #tpu.memory_space<vmem>>[vector<16xi32>, vector<16xi32>, vector<16xi32>], vector<16xf32>,
    %mul3A_843 = arith.mulf %gather3A_839, %gather3A_841 : vector<16xf32>
    %mul3A_844 = arith.mulf %gather3A_840, %gather3A_842 : vector<16xf32>
    %add3A_845 = arith.addf %mul3A_843, %mul3A_844 : vector<16xf32>
    %swap3A_846 = arith.constant 64 : index
    %swap3A_847 = tpu.vector_load %arg16[%swap3A_846] {strides = array<i32>} : memref<256xf32, #tpu.memory_space<vmem>>, vector<16xf32>,
    tpu.vector_store %arg16[%swap3A_846], %add3A_845 {strides = array<i32>} : memref<256xf32, #tpu.memory_space<vmem>>, vector<16xf32>,
    %slice3A_848 = vector.extract_strided_slice %get3A_184 {offsets = [5], sizes = [1], strides = [1]} : vector<16xi32> to vector<1xi32>
    %squeeze3A_849 = vector.extract %slice3A_848[0] : i32 from vector<1xi32>
    %and3A_850 = arith.constant 127 : i32
    %and3A_851 = arith.andi %squeeze3A_849, %and3A_850 : i32
    %broadcast_in_dim3A_852 = vector.broadcast %and3A_851 : i32 to vector<16xi32>
    %slice3A_853 = vector.extract_strided_slice %get3A_186 {offsets = [5], sizes = [1], strides = [1]} : vector<16xi32> to vector<1xi32>
    %squeeze3A_854 = vector.extract %slice3A_853[0] : i32 from vector<1xi32>
    %and3A_855 = arith.constant 127 : i32
    %and3A_856 = arith.andi %squeeze3A_854, %and3A_855 : i32
    %broadcast_in_dim3A_857 = vector.broadcast %and3A_856 : i32 to vector<16xi32>
    %broadcast_in_dim3A_858 = arith.constant 1 : i32
    %broadcast_in_dim3A_859 = vector.broadcast %broadcast_in_dim3A_858 : i32 to vector<16xi32>
    %gather3A_860 = tpu.vector_load_idx %arg13[%broadcast_in_dim3A_859, %iota3A, %broadcast_in_dim3A_852] : memref<4x32x128xf32, #tpu.memory_space<vmem>>[vector<16xi32>, vector<16xi32>, vector<16xi32>], vector<16xf32>,
    %gather3A_861 = tpu.vector_load_idx %arg13[%broadcast_in_dim3A_859, %add3A_11, %broadcast_in_dim3A_852] : memref<4x32x128xf32, #tpu.memory_space<vmem>>[vector<16xi32>, vector<16xi32>, vector<16xi32>], vector<16xf32>,
    %gather3A_862 = tpu.vector_load_idx %arg15[%broadcast_in_dim3A_859, %iota3A, %broadcast_in_dim3A_857] : memref<4x32x128xf32, #tpu.memory_space<vmem>>[vector<16xi32>, vector<16xi32>, vector<16xi32>], vector<16xf32>,
    %gather3A_863 = tpu.vector_load_idx %arg15[%broadcast_in_dim3A_859, %add3A_11, %broadcast_in_dim3A_857] : memref<4x32x128xf32, #tpu.memory_space<vmem>>[vector<16xi32>, vector<16xi32>, vector<16xi32>], vector<16xf32>,
    %mul3A_864 = arith.mulf %gather3A_860, %gather3A_862 : vector<16xf32>
    %mul3A_865 = arith.mulf %gather3A_861, %gather3A_863 : vector<16xf32>
    %add3A_866 = arith.addf %mul3A_864, %mul3A_865 : vector<16xf32>
    %swap3A_867 = arith.constant 80 : index
    %swap3A_868 = tpu.vector_load %arg16[%swap3A_867] {strides = array<i32>} : memref<256xf32, #tpu.memory_space<vmem>>, vector<16xf32>,
    tpu.vector_store %arg16[%swap3A_867], %add3A_866 {strides = array<i32>} : memref<256xf32, #tpu.memory_space<vmem>>, vector<16xf32>,
    %slice3A_869 = vector.extract_strided_slice %get3A_184 {offsets = [6], sizes = [1], strides = [1]} : vector<16xi32> to vector<1xi32>
    %squeeze3A_870 = vector.extract %slice3A_869[0] : i32 from vector<1xi32>
    %and3A_871 = arith.constant 127 : i32
    %and3A_872 = arith.andi %squeeze3A_870, %and3A_871 : i32
    %broadcast_in_dim3A_873 = vector.broadcast %and3A_872 : i32 to vector<16xi32>
    %slice3A_874 = vector.extract_strided_slice %get3A_186 {offsets = [6], sizes = [1], strides = [1]} : vector<16xi32> to vector<1xi32>
    %squeeze3A_875 = vector.extract %slice3A_874[0] : i32 from vector<1xi32>
    %and3A_876 = arith.constant 127 : i32
    %and3A_877 = arith.andi %squeeze3A_875, %and3A_876 : i32
    %broadcast_in_dim3A_878 = vector.broadcast %and3A_877 : i32 to vector<16xi32>
    %broadcast_in_dim3A_879 = arith.constant 2 : i32
    %broadcast_in_dim3A_880 = vector.broadcast %broadcast_in_dim3A_879 : i32 to vector<16xi32>
    %gather3A_881 = tpu.vector_load_idx %arg13[%broadcast_in_dim3A_880, %iota3A, %broadcast_in_dim3A_873] : memref<4x32x128xf32, #tpu.memory_space<vmem>>[vector<16xi32>, vector<16xi32>, vector<16xi32>], vector<16xf32>,
    %gather3A_882 = tpu.vector_load_idx %arg13[%broadcast_in_dim3A_880, %add3A_11, %broadcast_in_dim3A_873] : memref<4x32x128xf32, #tpu.memory_space<vmem>>[vector<16xi32>, vector<16xi32>, vector<16xi32>], vector<16xf32>,
    %gather3A_883 = tpu.vector_load_idx %arg15[%broadcast_in_dim3A_880, %iota3A, %broadcast_in_dim3A_878] : memref<4x32x128xf32, #tpu.memory_space<vmem>>[vector<16xi32>, vector<16xi32>, vector<16xi32>], vector<16xf32>,
    %gather3A_884 = tpu.vector_load_idx %arg15[%broadcast_in_dim3A_880, %add3A_11, %broadcast_in_dim3A_878] : memref<4x32x128xf32, #tpu.memory_space<vmem>>[vector<16xi32>, vector<16xi32>, vector<16xi32>], vector<16xf32>,
    %mul3A_885 = arith.mulf %gather3A_881, %gather3A_883 : vector<16xf32>
    %mul3A_886 = arith.mulf %gather3A_882, %gather3A_884 : vector<16xf32>
    %add3A_887 = arith.addf %mul3A_885, %mul3A_886 : vector<16xf32>
    %swap3A_888 = arith.constant 96 : index
    %swap3A_889 = tpu.vector_load %arg16[%swap3A_888] {strides = array<i32>} : memref<256xf32, #tpu.memory_space<vmem>>, vector<16xf32>,
    tpu.vector_store %arg16[%swap3A_888], %add3A_887 {strides = array<i32>} : memref<256xf32, #tpu.memory_space<vmem>>, vector<16xf32>,
    %slice3A_890 = vector.extract_strided_slice %get3A_184 {offsets = [7], sizes = [1], strides = [1]} : vector<16xi32> to vector<1xi32>
    %squeeze3A_891 = vector.extract %slice3A_890[0] : i32 from vector<1xi32>
    %and3A_892 = arith.constant 127 : i32
    %and3A_893 = arith.andi %squeeze3A_891, %and3A_892 : i32
    %broadcast_in_dim3A_894 = vector.broadcast %and3A_893 : i32 to vector<16xi32>
    %slice3A_895 = vector.extract_strided_slice %get3A_186 {offsets = [7], sizes = [1], strides = [1]} : vector<16xi32> to vector<1xi32>
    %squeeze3A_896 = vector.extract %slice3A_895[0] : i32 from vector<1xi32>
    %and3A_897 = arith.constant 127 : i32
    %and3A_898 = arith.andi %squeeze3A_896, %and3A_897 : i32
    %broadcast_in_dim3A_899 = vector.broadcast %and3A_898 : i32 to vector<16xi32>
    %broadcast_in_dim3A_900 = arith.constant 3 : i32
    %broadcast_in_dim3A_901 = vector.broadcast %broadcast_in_dim3A_900 : i32 to vector<16xi32>
    %gather3A_902 = tpu.vector_load_idx %arg13[%broadcast_in_dim3A_901, %iota3A, %broadcast_in_dim3A_894] : memref<4x32x128xf32, #tpu.memory_space<vmem>>[vector<16xi32>, vector<16xi32>, vector<16xi32>], vector<16xf32>,
    %gather3A_903 = tpu.vector_load_idx %arg13[%broadcast_in_dim3A_901, %add3A_11, %broadcast_in_dim3A_894] : memref<4x32x128xf32, #tpu.memory_space<vmem>>[vector<16xi32>, vector<16xi32>, vector<16xi32>], vector<16xf32>,
    %gather3A_904 = tpu.vector_load_idx %arg15[%broadcast_in_dim3A_901, %iota3A, %broadcast_in_dim3A_899] : memref<4x32x128xf32, #tpu.memory_space<vmem>>[vector<16xi32>, vector<16xi32>, vector<16xi32>], vector<16xf32>,
    %gather3A_905 = tpu.vector_load_idx %arg15[%broadcast_in_dim3A_901, %add3A_11, %broadcast_in_dim3A_899] : memref<4x32x128xf32, #tpu.memory_space<vmem>>[vector<16xi32>, vector<16xi32>, vector<16xi32>], vector<16xf32>,
    %mul3A_906 = arith.mulf %gather3A_902, %gather3A_904 : vector<16xf32>
    %mul3A_907 = arith.mulf %gather3A_903, %gather3A_905 : vector<16xf32>
    %add3A_908 = arith.addf %mul3A_906, %mul3A_907 : vector<16xf32>
    %swap3A_909 = arith.constant 112 : index
    %swap3A_910 = tpu.vector_load %arg16[%swap3A_909] {strides = array<i32>} : memref<256xf32, #tpu.memory_space<vmem>>, vector<16xf32>,
    tpu.vector_store %arg16[%swap3A_909], %add3A_908 {strides = array<i32>} : memref<256xf32, #tpu.memory_space<vmem>>, vector<16xf32>,
    %slice3A_911 = vector.extract_strided_slice %get3A_184 {offsets = [12], sizes = [1], strides = [1]} : vector<16xi32> to vector<1xi32>
    %squeeze3A_912 = vector.extract %slice3A_911[0] : i32 from vector<1xi32>
    %slice3A_913 = vector.extract_strided_slice %get3A_186 {offsets = [12], sizes = [1], strides = [1]} : vector<16xi32> to vector<1xi32>
    %squeeze3A_914 = vector.extract %slice3A_913[0] : i32 from vector<1xi32>
    %shift_right_arithmetic3A_915 = arith.constant 7 : i32
    %shift_right_arithmetic3A_916 = arith.shrsi %squeeze3A_912, %shift_right_arithmetic3A_915 : i32
    %shift_left3A_917 = arith.constant 7 : i32
    %shift_left3A_918 = arith.shli %shift_right_arithmetic3A_916, %shift_left3A_917 : i32
    %multiple_of3A_919 = tpu.assume_multiple %shift_left3A_918, 128 : i32
    %shift_right_arithmetic3A_920 = arith.constant 7 : i32
    %shift_right_arithmetic3A_921 = arith.shrsi %squeeze3A_914, %shift_right_arithmetic3A_920 : i32
    %shift_left3A_922 = arith.constant 7 : i32
    %shift_left3A_923 = arith.shli %shift_right_arithmetic3A_921, %shift_left3A_922 : i32
    %multiple_of3A_924 = tpu.assume_multiple %shift_left3A_923, 128 : i32
    %dma_start3A_925 = arith.constant 0 : i32
    %dma_start3A_926 = arith.constant 0 : i32
    %dma_start3A_927 = arith.constant 0 : i32
    %dma_start3A_928 = tpu.memref_slice %arg13[%dma_start3A_925, %dma_start3A_926, %dma_start3A_927] : memref<4x32x128xf32, #tpu.memory_space<vmem>> -> memref<1x32x128xf32, #tpu.memory_space<vmem>>
    %dma_start3A_929 = tpu.memref_squeeze %dma_start3A_928 : memref<1x32x128xf32, #tpu.memory_space<vmem>> -> memref<32x128xf32, #tpu.memory_space<vmem>>
    %dma_start3A_930 = arith.constant 0 : i32
    %dma_start3A_931 = tpu.memref_slice %arg4[%dma_start3A_930, %multiple_of3A_919] : memref<32x1000000xf32, #tpu.memory_space<hbm>> -> memref<32x128xf32, #tpu.memory_space<hbm>>
    %dma_start3A_932 = arith.constant 0 : i32
    %dma_start3A_933 = arith.constant 0 : i32
    %dma_start3A_934 = tpu.memref_slice %arg13[%dma_start3A_925, %dma_start3A_932, %dma_start3A_933] : memref<4x32x128xf32, #tpu.memory_space<vmem>> -> memref<1x32x128xf32, #tpu.memory_space<vmem>>
    %dma_start3A_935 = tpu.memref_squeeze %dma_start3A_934 : memref<1x32x128xf32, #tpu.memory_space<vmem>> -> memref<32x128xf32, #tpu.memory_space<vmem>>
    %dma_start3A_936 = arith.constant 0 : i32
    %dma_start3A_937 = tpu.memref_slice %arg4[%dma_start3A_936, %multiple_of3A_919] : memref<32x1000000xf32, #tpu.memory_space<hbm>> -> memref<32x128xf32, #tpu.memory_space<hbm>>
    tpu.enqueue_dma source(%dma_start3A_937 : memref<32x128xf32, #tpu.memory_space<hbm>>) target(%dma_start3A_935 : memref<32x128xf32, #tpu.memory_space<vmem>>) target_semaphore(%arg22 : memref<!tpu.dma_semaphore, #tpu.memory_space<semaphore_mem>>)
    %dma_start3A_938 = arith.constant 0 : i32
    %dma_start3A_939 = arith.constant 0 : i32
    %dma_start3A_940 = arith.constant 0 : i32
    %dma_start3A_941 = tpu.memref_slice %arg15[%dma_start3A_938, %dma_start3A_939, %dma_start3A_940] : memref<4x32x128xf32, #tpu.memory_space<vmem>> -> memref<1x32x128xf32, #tpu.memory_space<vmem>>
    %dma_start3A_942 = tpu.memref_squeeze %dma_start3A_941 : memref<1x32x128xf32, #tpu.memory_space<vmem>> -> memref<32x128xf32, #tpu.memory_space<vmem>>
    %dma_start3A_943 = arith.constant 0 : i32
    %dma_start3A_944 = tpu.memref_slice %arg6[%dma_start3A_943, %multiple_of3A_924] : memref<32x1000000xf32, #tpu.memory_space<hbm>> -> memref<32x128xf32, #tpu.memory_space<hbm>>
    %dma_start3A_945 = arith.constant 0 : i32
    %dma_start3A_946 = arith.constant 0 : i32
    %dma_start3A_947 = tpu.memref_slice %arg15[%dma_start3A_938, %dma_start3A_945, %dma_start3A_946] : memref<4x32x128xf32, #tpu.memory_space<vmem>> -> memref<1x32x128xf32, #tpu.memory_space<vmem>>
    %dma_start3A_948 = tpu.memref_squeeze %dma_start3A_947 : memref<1x32x128xf32, #tpu.memory_space<vmem>> -> memref<32x128xf32, #tpu.memory_space<vmem>>
    %dma_start3A_949 = arith.constant 0 : i32
    %dma_start3A_950 = tpu.memref_slice %arg6[%dma_start3A_949, %multiple_of3A_924] : memref<32x1000000xf32, #tpu.memory_space<hbm>> -> memref<32x128xf32, #tpu.memory_space<hbm>>
    tpu.enqueue_dma source(%dma_start3A_950 : memref<32x128xf32, #tpu.memory_space<hbm>>) target(%dma_start3A_948 : memref<32x128xf32, #tpu.memory_space<vmem>>) target_semaphore(%arg24 : memref<!tpu.dma_semaphore, #tpu.memory_space<semaphore_mem>>)
    %slice3A_951 = vector.extract_strided_slice %get3A_184 {offsets = [13], sizes = [1], strides = [1]} : vector<16xi32> to vector<1xi32>
    %squeeze3A_952 = vector.extract %slice3A_951[0] : i32 from vector<1xi32>
    %slice3A_953 = vector.extract_strided_slice %get3A_186 {offsets = [13], sizes = [1], strides = [1]} : vector<16xi32> to vector<1xi32>
    %squeeze3A_954 = vector.extract %slice3A_953[0] : i32 from vector<1xi32>
    %shift_right_arithmetic3A_955 = arith.constant 7 : i32
    %shift_right_arithmetic3A_956 = arith.shrsi %squeeze3A_952, %shift_right_arithmetic3A_955 : i32
    %shift_left3A_957 = arith.constant 7 : i32
    %shift_left3A_958 = arith.shli %shift_right_arithmetic3A_956, %shift_left3A_957 : i32
    %multiple_of3A_959 = tpu.assume_multiple %shift_left3A_958, 128 : i32
    %shift_right_arithmetic3A_960 = arith.constant 7 : i32
    %shift_right_arithmetic3A_961 = arith.shrsi %squeeze3A_954, %shift_right_arithmetic3A_960 : i32
    %shift_left3A_962 = arith.constant 7 : i32
    %shift_left3A_963 = arith.shli %shift_right_arithmetic3A_961, %shift_left3A_962 : i32
    %multiple_of3A_964 = tpu.assume_multiple %shift_left3A_963, 128 : i32
    %dma_start3A_965 = arith.constant 1 : i32
    %dma_start3A_966 = arith.constant 0 : i32
    %dma_start3A_967 = arith.constant 0 : i32
    %dma_start3A_968 = tpu.memref_slice %arg13[%dma_start3A_965, %dma_start3A_966, %dma_start3A_967] : memref<4x32x128xf32, #tpu.memory_space<vmem>> -> memref<1x32x128xf32, #tpu.memory_space<vmem>>
    %dma_start3A_969 = tpu.memref_squeeze %dma_start3A_968 : memref<1x32x128xf32, #tpu.memory_space<vmem>> -> memref<32x128xf32, #tpu.memory_space<vmem>>
    %dma_start3A_970 = arith.constant 0 : i32
    %dma_start3A_971 = tpu.memref_slice %arg4[%dma_start3A_970, %multiple_of3A_959] : memref<32x1000000xf32, #tpu.memory_space<hbm>> -> memref<32x128xf32, #tpu.memory_space<hbm>>
    %dma_start3A_972 = arith.constant 0 : i32
    %dma_start3A_973 = arith.constant 0 : i32
    %dma_start3A_974 = tpu.memref_slice %arg13[%dma_start3A_965, %dma_start3A_972, %dma_start3A_973] : memref<4x32x128xf32, #tpu.memory_space<vmem>> -> memref<1x32x128xf32, #tpu.memory_space<vmem>>
    %dma_start3A_975 = tpu.memref_squeeze %dma_start3A_974 : memref<1x32x128xf32, #tpu.memory_space<vmem>> -> memref<32x128xf32, #tpu.memory_space<vmem>>
    %dma_start3A_976 = arith.constant 0 : i32
    %dma_start3A_977 = tpu.memref_slice %arg4[%dma_start3A_976, %multiple_of3A_959] : memref<32x1000000xf32, #tpu.memory_space<hbm>> -> memref<32x128xf32, #tpu.memory_space<hbm>>
    tpu.enqueue_dma source(%dma_start3A_977 : memref<32x128xf32, #tpu.memory_space<hbm>>) target(%dma_start3A_975 : memref<32x128xf32, #tpu.memory_space<vmem>>) target_semaphore(%arg22 : memref<!tpu.dma_semaphore, #tpu.memory_space<semaphore_mem>>)
    %dma_start3A_978 = arith.constant 1 : i32
    %dma_start3A_979 = arith.constant 0 : i32
    %dma_start3A_980 = arith.constant 0 : i32
    %dma_start3A_981 = tpu.memref_slice %arg15[%dma_start3A_978, %dma_start3A_979, %dma_start3A_980] : memref<4x32x128xf32, #tpu.memory_space<vmem>> -> memref<1x32x128xf32, #tpu.memory_space<vmem>>
    %dma_start3A_982 = tpu.memref_squeeze %dma_start3A_981 : memref<1x32x128xf32, #tpu.memory_space<vmem>> -> memref<32x128xf32, #tpu.memory_space<vmem>>
    %dma_start3A_983 = arith.constant 0 : i32
    %dma_start3A_984 = tpu.memref_slice %arg6[%dma_start3A_983, %multiple_of3A_964] : memref<32x1000000xf32, #tpu.memory_space<hbm>> -> memref<32x128xf32, #tpu.memory_space<hbm>>
    %dma_start3A_985 = arith.constant 0 : i32
    %dma_start3A_986 = arith.constant 0 : i32
    %dma_start3A_987 = tpu.memref_slice %arg15[%dma_start3A_978, %dma_start3A_985, %dma_start3A_986] : memref<4x32x128xf32, #tpu.memory_space<vmem>> -> memref<1x32x128xf32, #tpu.memory_space<vmem>>
    %dma_start3A_988 = tpu.memref_squeeze %dma_start3A_987 : memref<1x32x128xf32, #tpu.memory_space<vmem>> -> memref<32x128xf32, #tpu.memory_space<vmem>>
    %dma_start3A_989 = arith.constant 0 : i32
    %dma_start3A_990 = tpu.memref_slice %arg6[%dma_start3A_989, %multiple_of3A_964] : memref<32x1000000xf32, #tpu.memory_space<hbm>> -> memref<32x128xf32, #tpu.memory_space<hbm>>
    tpu.enqueue_dma source(%dma_start3A_990 : memref<32x128xf32, #tpu.memory_space<hbm>>) target(%dma_start3A_988 : memref<32x128xf32, #tpu.memory_space<vmem>>) target_semaphore(%arg24 : memref<!tpu.dma_semaphore, #tpu.memory_space<semaphore_mem>>)
    %slice3A_991 = vector.extract_strided_slice %get3A_184 {offsets = [14], sizes = [1], strides = [1]} : vector<16xi32> to vector<1xi32>
    %squeeze3A_992 = vector.extract %slice3A_991[0] : i32 from vector<1xi32>
    %slice3A_993 = vector.extract_strided_slice %get3A_186 {offsets = [14], sizes = [1], strides = [1]} : vector<16xi32> to vector<1xi32>
    %squeeze3A_994 = vector.extract %slice3A_993[0] : i32 from vector<1xi32>
    %shift_right_arithmetic3A_995 = arith.constant 7 : i32
    %shift_right_arithmetic3A_996 = arith.shrsi %squeeze3A_992, %shift_right_arithmetic3A_995 : i32
    %shift_left3A_997 = arith.constant 7 : i32
    %shift_left3A_998 = arith.shli %shift_right_arithmetic3A_996, %shift_left3A_997 : i32
    %multiple_of3A_999 = tpu.assume_multiple %shift_left3A_998, 128 : i32
    %shift_right_arithmetic3A_1000 = arith.constant 7 : i32
    %shift_right_arithmetic3A_1001 = arith.shrsi %squeeze3A_994, %shift_right_arithmetic3A_1000 : i32
    %shift_left3A_1002 = arith.constant 7 : i32
    %shift_left3A_1003 = arith.shli %shift_right_arithmetic3A_1001, %shift_left3A_1002 : i32
    %multiple_of3A_1004 = tpu.assume_multiple %shift_left3A_1003, 128 : i32
    %dma_start3A_1005 = arith.constant 2 : i32
    %dma_start3A_1006 = arith.constant 0 : i32
    %dma_start3A_1007 = arith.constant 0 : i32
    %dma_start3A_1008 = tpu.memref_slice %arg13[%dma_start3A_1005, %dma_start3A_1006, %dma_start3A_1007] : memref<4x32x128xf32, #tpu.memory_space<vmem>> -> memref<1x32x128xf32, #tpu.memory_space<vmem>>
    %dma_start3A_1009 = tpu.memref_squeeze %dma_start3A_1008 : memref<1x32x128xf32, #tpu.memory_space<vmem>> -> memref<32x128xf32, #tpu.memory_space<vmem>>
    %dma_start3A_1010 = arith.constant 0 : i32
    %dma_start3A_1011 = tpu.memref_slice %arg4[%dma_start3A_1010, %multiple_of3A_999] : memref<32x1000000xf32, #tpu.memory_space<hbm>> -> memref<32x128xf32, #tpu.memory_space<hbm>>
    %dma_start3A_1012 = arith.constant 0 : i32
    %dma_start3A_1013 = arith.constant 0 : i32
    %dma_start3A_1014 = tpu.memref_slice %arg13[%dma_start3A_1005, %dma_start3A_1012, %dma_start3A_1013] : memref<4x32x128xf32, #tpu.memory_space<vmem>> -> memref<1x32x128xf32, #tpu.memory_space<vmem>>
    %dma_start3A_1015 = tpu.memref_squeeze %dma_start3A_1014 : memref<1x32x128xf32, #tpu.memory_space<vmem>> -> memref<32x128xf32, #tpu.memory_space<vmem>>
    %dma_start3A_1016 = arith.constant 0 : i32
    %dma_start3A_1017 = tpu.memref_slice %arg4[%dma_start3A_1016, %multiple_of3A_999] : memref<32x1000000xf32, #tpu.memory_space<hbm>> -> memref<32x128xf32, #tpu.memory_space<hbm>>
    tpu.enqueue_dma source(%dma_start3A_1017 : memref<32x128xf32, #tpu.memory_space<hbm>>) target(%dma_start3A_1015 : memref<32x128xf32, #tpu.memory_space<vmem>>) target_semaphore(%arg22 : memref<!tpu.dma_semaphore, #tpu.memory_space<semaphore_mem>>)
    %dma_start3A_1018 = arith.constant 2 : i32
    %dma_start3A_1019 = arith.constant 0 : i32
    %dma_start3A_1020 = arith.constant 0 : i32
    %dma_start3A_1021 = tpu.memref_slice %arg15[%dma_start3A_1018, %dma_start3A_1019, %dma_start3A_1020] : memref<4x32x128xf32, #tpu.memory_space<vmem>> -> memref<1x32x128xf32, #tpu.memory_space<vmem>>
    %dma_start3A_1022 = tpu.memref_squeeze %dma_start3A_1021 : memref<1x32x128xf32, #tpu.memory_space<vmem>> -> memref<32x128xf32, #tpu.memory_space<vmem>>
    %dma_start3A_1023 = arith.constant 0 : i32
    %dma_start3A_1024 = tpu.memref_slice %arg6[%dma_start3A_1023, %multiple_of3A_1004] : memref<32x1000000xf32, #tpu.memory_space<hbm>> -> memref<32x128xf32, #tpu.memory_space<hbm>>
    %dma_start3A_1025 = arith.constant 0 : i32
    %dma_start3A_1026 = arith.constant 0 : i32
    %dma_start3A_1027 = tpu.memref_slice %arg15[%dma_start3A_1018, %dma_start3A_1025, %dma_start3A_1026] : memref<4x32x128xf32, #tpu.memory_space<vmem>> -> memref<1x32x128xf32, #tpu.memory_space<vmem>>
    %dma_start3A_1028 = tpu.memref_squeeze %dma_start3A_1027 : memref<1x32x128xf32, #tpu.memory_space<vmem>> -> memref<32x128xf32, #tpu.memory_space<vmem>>
    %dma_start3A_1029 = arith.constant 0 : i32
    %dma_start3A_1030 = tpu.memref_slice %arg6[%dma_start3A_1029, %multiple_of3A_1004] : memref<32x1000000xf32, #tpu.memory_space<hbm>> -> memref<32x128xf32, #tpu.memory_space<hbm>>
    tpu.enqueue_dma source(%dma_start3A_1030 : memref<32x128xf32, #tpu.memory_space<hbm>>) target(%dma_start3A_1028 : memref<32x128xf32, #tpu.memory_space<vmem>>) target_semaphore(%arg24 : memref<!tpu.dma_semaphore, #tpu.memory_space<semaphore_mem>>)
    %slice3A_1031 = vector.extract_strided_slice %get3A_184 {offsets = [15], sizes = [1], strides = [1]} : vector<16xi32> to vector<1xi32>
    %squeeze3A_1032 = vector.extract %slice3A_1031[0] : i32 from vector<1xi32>
    %slice3A_1033 = vector.extract_strided_slice %get3A_186 {offsets = [15], sizes = [1], strides = [1]} : vector<16xi32> to vector<1xi32>
    %squeeze3A_1034 = vector.extract %slice3A_1033[0] : i32 from vector<1xi32>
    %shift_right_arithmetic3A_1035 = arith.constant 7 : i32
    %shift_right_arithmetic3A_1036 = arith.shrsi %squeeze3A_1032, %shift_right_arithmetic3A_1035 : i32
    %shift_left3A_1037 = arith.constant 7 : i32
    %shift_left3A_1038 = arith.shli %shift_right_arithmetic3A_1036, %shift_left3A_1037 : i32
    %multiple_of3A_1039 = tpu.assume_multiple %shift_left3A_1038, 128 : i32
    %shift_right_arithmetic3A_1040 = arith.constant 7 : i32
    %shift_right_arithmetic3A_1041 = arith.shrsi %squeeze3A_1034, %shift_right_arithmetic3A_1040 : i32
    %shift_left3A_1042 = arith.constant 7 : i32
    %shift_left3A_1043 = arith.shli %shift_right_arithmetic3A_1041, %shift_left3A_1042 : i32
    %multiple_of3A_1044 = tpu.assume_multiple %shift_left3A_1043, 128 : i32
    %dma_start3A_1045 = arith.constant 3 : i32
    %dma_start3A_1046 = arith.constant 0 : i32
    %dma_start3A_1047 = arith.constant 0 : i32
    %dma_start3A_1048 = tpu.memref_slice %arg13[%dma_start3A_1045, %dma_start3A_1046, %dma_start3A_1047] : memref<4x32x128xf32, #tpu.memory_space<vmem>> -> memref<1x32x128xf32, #tpu.memory_space<vmem>>
    %dma_start3A_1049 = tpu.memref_squeeze %dma_start3A_1048 : memref<1x32x128xf32, #tpu.memory_space<vmem>> -> memref<32x128xf32, #tpu.memory_space<vmem>>
    %dma_start3A_1050 = arith.constant 0 : i32
    %dma_start3A_1051 = tpu.memref_slice %arg4[%dma_start3A_1050, %multiple_of3A_1039] : memref<32x1000000xf32, #tpu.memory_space<hbm>> -> memref<32x128xf32, #tpu.memory_space<hbm>>
    %dma_start3A_1052 = arith.constant 0 : i32
    %dma_start3A_1053 = arith.constant 0 : i32
    %dma_start3A_1054 = tpu.memref_slice %arg13[%dma_start3A_1045, %dma_start3A_1052, %dma_start3A_1053] : memref<4x32x128xf32, #tpu.memory_space<vmem>> -> memref<1x32x128xf32, #tpu.memory_space<vmem>>
    %dma_start3A_1055 = tpu.memref_squeeze %dma_start3A_1054 : memref<1x32x128xf32, #tpu.memory_space<vmem>> -> memref<32x128xf32, #tpu.memory_space<vmem>>
    %dma_start3A_1056 = arith.constant 0 : i32
    %dma_start3A_1057 = tpu.memref_slice %arg4[%dma_start3A_1056, %multiple_of3A_1039] : memref<32x1000000xf32, #tpu.memory_space<hbm>> -> memref<32x128xf32, #tpu.memory_space<hbm>>
    tpu.enqueue_dma source(%dma_start3A_1057 : memref<32x128xf32, #tpu.memory_space<hbm>>) target(%dma_start3A_1055 : memref<32x128xf32, #tpu.memory_space<vmem>>) target_semaphore(%arg22 : memref<!tpu.dma_semaphore, #tpu.memory_space<semaphore_mem>>)
    %dma_start3A_1058 = arith.constant 3 : i32
    %dma_start3A_1059 = arith.constant 0 : i32
    %dma_start3A_1060 = arith.constant 0 : i32
    %dma_start3A_1061 = tpu.memref_slice %arg15[%dma_start3A_1058, %dma_start3A_1059, %dma_start3A_1060] : memref<4x32x128xf32, #tpu.memory_space<vmem>> -> memref<1x32x128xf32, #tpu.memory_space<vmem>>
    %dma_start3A_1062 = tpu.memref_squeeze %dma_start3A_1061 : memref<1x32x128xf32, #tpu.memory_space<vmem>> -> memref<32x128xf32, #tpu.memory_space<vmem>>
    %dma_start3A_1063 = arith.constant 0 : i32
    %dma_start3A_1064 = tpu.memref_slice %arg6[%dma_start3A_1063, %multiple_of3A_1044] : memref<32x1000000xf32, #tpu.memory_space<hbm>> -> memref<32x128xf32, #tpu.memory_space<hbm>>
    %dma_start3A_1065 = arith.constant 0 : i32
    %dma_start3A_1066 = arith.constant 0 : i32
    %dma_start3A_1067 = tpu.memref_slice %arg15[%dma_start3A_1058, %dma_start3A_1065, %dma_start3A_1066] : memref<4x32x128xf32, #tpu.memory_space<vmem>> -> memref<1x32x128xf32, #tpu.memory_space<vmem>>
    %dma_start3A_1068 = tpu.memref_squeeze %dma_start3A_1067 : memref<1x32x128xf32, #tpu.memory_space<vmem>> -> memref<32x128xf32, #tpu.memory_space<vmem>>
    %dma_start3A_1069 = arith.constant 0 : i32
    %dma_start3A_1070 = tpu.memref_slice %arg6[%dma_start3A_1069, %multiple_of3A_1044] : memref<32x1000000xf32, #tpu.memory_space<hbm>> -> memref<32x128xf32, #tpu.memory_space<hbm>>
    tpu.enqueue_dma source(%dma_start3A_1070 : memref<32x128xf32, #tpu.memory_space<hbm>>) target(%dma_start3A_1068 : memref<32x128xf32, #tpu.memory_space<vmem>>) target_semaphore(%arg24 : memref<!tpu.dma_semaphore, #tpu.memory_space<semaphore_mem>>)
    %dma_wait3A_1071 = arith.constant 0 : i32
    %dma_wait3A_1072 = arith.constant 0 : i32
    %dma_wait3A_1073 = arith.constant 0 : i32
    %dma_wait3A_1074 = tpu.memref_slice %arg12[%dma_wait3A_1071, %dma_wait3A_1072, %dma_wait3A_1073] : memref<4x32x128xf32, #tpu.memory_space<vmem>> -> memref<1x32x128xf32, #tpu.memory_space<vmem>>
    %dma_wait3A_1075 = tpu.memref_squeeze %dma_wait3A_1074 : memref<1x32x128xf32, #tpu.memory_space<vmem>> -> memref<32x128xf32, #tpu.memory_space<vmem>>
    %dma_wait3A_1076 = arith.constant 0 : i32
    %dma_wait3A_1077 = arith.constant 0 : i32
    %dma_wait3A_1078 = tpu.memref_slice %arg4[%dma_wait3A_1076, %dma_wait3A_1077] : memref<32x1000000xf32, #tpu.memory_space<hbm>> -> memref<32x128xf32, #tpu.memory_space<hbm>>
    %dma_wait3A_1079 = arith.constant 0 : i32
    %dma_wait3A_1080 = arith.constant 0 : i32
    %dma_wait3A_1081 = tpu.memref_slice %arg12[%dma_wait3A_1071, %dma_wait3A_1079, %dma_wait3A_1080] : memref<4x32x128xf32, #tpu.memory_space<vmem>> -> memref<1x32x128xf32, #tpu.memory_space<vmem>>
    %dma_wait3A_1082 = tpu.memref_squeeze %dma_wait3A_1081 : memref<1x32x128xf32, #tpu.memory_space<vmem>> -> memref<32x128xf32, #tpu.memory_space<vmem>>
    %dma_wait3A_1083 = arith.constant 0 : i32
    %dma_wait3A_1084 = arith.constant 0 : i32
    %dma_wait3A_1085 = tpu.memref_slice %arg4[%dma_wait3A_1083, %dma_wait3A_1084] : memref<32x1000000xf32, #tpu.memory_space<hbm>> -> memref<32x128xf32, #tpu.memory_space<hbm>>
    tpu.wait_dma2 semaphore(%arg21 : memref<!tpu.dma_semaphore, #tpu.memory_space<semaphore_mem>>) src(%dma_wait3A_1085 : memref<32x128xf32, #tpu.memory_space<hbm>>) dst(%dma_wait3A_1082 : memref<32x128xf32, #tpu.memory_space<vmem>>)
    %dma_wait3A_1086 = arith.constant 0 : i32
    %dma_wait3A_1087 = arith.constant 0 : i32
    %dma_wait3A_1088 = arith.constant 0 : i32
    %dma_wait3A_1089 = tpu.memref_slice %arg14[%dma_wait3A_1086, %dma_wait3A_1087, %dma_wait3A_1088] : memref<4x32x128xf32, #tpu.memory_space<vmem>> -> memref<1x32x128xf32, #tpu.memory_space<vmem>>
    %dma_wait3A_1090 = tpu.memref_squeeze %dma_wait3A_1089 : memref<1x32x128xf32, #tpu.memory_space<vmem>> -> memref<32x128xf32, #tpu.memory_space<vmem>>
    %dma_wait3A_1091 = arith.constant 0 : i32
    %dma_wait3A_1092 = arith.constant 0 : i32
    %dma_wait3A_1093 = tpu.memref_slice %arg6[%dma_wait3A_1091, %dma_wait3A_1092] : memref<32x1000000xf32, #tpu.memory_space<hbm>> -> memref<32x128xf32, #tpu.memory_space<hbm>>
    %dma_wait3A_1094 = arith.constant 0 : i32
    %dma_wait3A_1095 = arith.constant 0 : i32
    %dma_wait3A_1096 = tpu.memref_slice %arg14[%dma_wait3A_1086, %dma_wait3A_1094, %dma_wait3A_1095] : memref<4x32x128xf32, #tpu.memory_space<vmem>> -> memref<1x32x128xf32, #tpu.memory_space<vmem>>
    %dma_wait3A_1097 = tpu.memref_squeeze %dma_wait3A_1096 : memref<1x32x128xf32, #tpu.memory_space<vmem>> -> memref<32x128xf32, #tpu.memory_space<vmem>>
    %dma_wait3A_1098 = arith.constant 0 : i32
    %dma_wait3A_1099 = arith.constant 0 : i32
    %dma_wait3A_1100 = tpu.memref_slice %arg6[%dma_wait3A_1098, %dma_wait3A_1099] : memref<32x1000000xf32, #tpu.memory_space<hbm>> -> memref<32x128xf32, #tpu.memory_space<hbm>>
    tpu.wait_dma2 semaphore(%arg23 : memref<!tpu.dma_semaphore, #tpu.memory_space<semaphore_mem>>) src(%dma_wait3A_1100 : memref<32x128xf32, #tpu.memory_space<hbm>>) dst(%dma_wait3A_1097 : memref<32x128xf32, #tpu.memory_space<vmem>>)
    %dma_wait3A_1101 = arith.constant 1 : i32
    %dma_wait3A_1102 = arith.constant 0 : i32
    %dma_wait3A_1103 = arith.constant 0 : i32
    %dma_wait3A_1104 = tpu.memref_slice %arg12[%dma_wait3A_1101, %dma_wait3A_1102, %dma_wait3A_1103] : memref<4x32x128xf32, #tpu.memory_space<vmem>> -> memref<1x32x128xf32, #tpu.memory_space<vmem>>
    %dma_wait3A_1105 = tpu.memref_squeeze %dma_wait3A_1104 : memref<1x32x128xf32, #tpu.memory_space<vmem>> -> memref<32x128xf32, #tpu.memory_space<vmem>>
    %dma_wait3A_1106 = arith.constant 0 : i32
    %dma_wait3A_1107 = arith.constant 0 : i32
    %dma_wait3A_1108 = tpu.memref_slice %arg4[%dma_wait3A_1106, %dma_wait3A_1107] : memref<32x1000000xf32, #tpu.memory_space<hbm>> -> memref<32x128xf32, #tpu.memory_space<hbm>>
    %dma_wait3A_1109 = arith.constant 0 : i32
    %dma_wait3A_1110 = arith.constant 0 : i32
    %dma_wait3A_1111 = tpu.memref_slice %arg12[%dma_wait3A_1101, %dma_wait3A_1109, %dma_wait3A_1110] : memref<4x32x128xf32, #tpu.memory_space<vmem>> -> memref<1x32x128xf32, #tpu.memory_space<vmem>>
    %dma_wait3A_1112 = tpu.memref_squeeze %dma_wait3A_1111 : memref<1x32x128xf32, #tpu.memory_space<vmem>> -> memref<32x128xf32, #tpu.memory_space<vmem>>
    %dma_wait3A_1113 = arith.constant 0 : i32
    %dma_wait3A_1114 = arith.constant 0 : i32
    %dma_wait3A_1115 = tpu.memref_slice %arg4[%dma_wait3A_1113, %dma_wait3A_1114] : memref<32x1000000xf32, #tpu.memory_space<hbm>> -> memref<32x128xf32, #tpu.memory_space<hbm>>
    tpu.wait_dma2 semaphore(%arg21 : memref<!tpu.dma_semaphore, #tpu.memory_space<semaphore_mem>>) src(%dma_wait3A_1115 : memref<32x128xf32, #tpu.memory_space<hbm>>) dst(%dma_wait3A_1112 : memref<32x128xf32, #tpu.memory_space<vmem>>)
    %dma_wait3A_1116 = arith.constant 1 : i32
    %dma_wait3A_1117 = arith.constant 0 : i32
    %dma_wait3A_1118 = arith.constant 0 : i32
    %dma_wait3A_1119 = tpu.memref_slice %arg14[%dma_wait3A_1116, %dma_wait3A_1117, %dma_wait3A_1118] : memref<4x32x128xf32, #tpu.memory_space<vmem>> -> memref<1x32x128xf32, #tpu.memory_space<vmem>>
    %dma_wait3A_1120 = tpu.memref_squeeze %dma_wait3A_1119 : memref<1x32x128xf32, #tpu.memory_space<vmem>> -> memref<32x128xf32, #tpu.memory_space<vmem>>
    %dma_wait3A_1121 = arith.constant 0 : i32
    %dma_wait3A_1122 = arith.constant 0 : i32
    %dma_wait3A_1123 = tpu.memref_slice %arg6[%dma_wait3A_1121, %dma_wait3A_1122] : memref<32x1000000xf32, #tpu.memory_space<hbm>> -> memref<32x128xf32, #tpu.memory_space<hbm>>
    %dma_wait3A_1124 = arith.constant 0 : i32
    %dma_wait3A_1125 = arith.constant 0 : i32
    %dma_wait3A_1126 = tpu.memref_slice %arg14[%dma_wait3A_1116, %dma_wait3A_1124, %dma_wait3A_1125] : memref<4x32x128xf32, #tpu.memory_space<vmem>> -> memref<1x32x128xf32, #tpu.memory_space<vmem>>
    %dma_wait3A_1127 = tpu.memref_squeeze %dma_wait3A_1126 : memref<1x32x128xf32, #tpu.memory_space<vmem>> -> memref<32x128xf32, #tpu.memory_space<vmem>>
    %dma_wait3A_1128 = arith.constant 0 : i32
    %dma_wait3A_1129 = arith.constant 0 : i32
    %dma_wait3A_1130 = tpu.memref_slice %arg6[%dma_wait3A_1128, %dma_wait3A_1129] : memref<32x1000000xf32, #tpu.memory_space<hbm>> -> memref<32x128xf32, #tpu.memory_space<hbm>>
    tpu.wait_dma2 semaphore(%arg23 : memref<!tpu.dma_semaphore, #tpu.memory_space<semaphore_mem>>) src(%dma_wait3A_1130 : memref<32x128xf32, #tpu.memory_space<hbm>>) dst(%dma_wait3A_1127 : memref<32x128xf32, #tpu.memory_space<vmem>>)
    %dma_wait3A_1131 = arith.constant 2 : i32
    %dma_wait3A_1132 = arith.constant 0 : i32
    %dma_wait3A_1133 = arith.constant 0 : i32
    %dma_wait3A_1134 = tpu.memref_slice %arg12[%dma_wait3A_1131, %dma_wait3A_1132, %dma_wait3A_1133] : memref<4x32x128xf32, #tpu.memory_space<vmem>> -> memref<1x32x128xf32, #tpu.memory_space<vmem>>
    %dma_wait3A_1135 = tpu.memref_squeeze %dma_wait3A_1134 : memref<1x32x128xf32, #tpu.memory_space<vmem>> -> memref<32x128xf32, #tpu.memory_space<vmem>>
    %dma_wait3A_1136 = arith.constant 0 : i32
    %dma_wait3A_1137 = arith.constant 0 : i32
    %dma_wait3A_1138 = tpu.memref_slice %arg4[%dma_wait3A_1136, %dma_wait3A_1137] : memref<32x1000000xf32, #tpu.memory_space<hbm>> -> memref<32x128xf32, #tpu.memory_space<hbm>>
    %dma_wait3A_1139 = arith.constant 0 : i32
    %dma_wait3A_1140 = arith.constant 0 : i32
    %dma_wait3A_1141 = tpu.memref_slice %arg12[%dma_wait3A_1131, %dma_wait3A_1139, %dma_wait3A_1140] : memref<4x32x128xf32, #tpu.memory_space<vmem>> -> memref<1x32x128xf32, #tpu.memory_space<vmem>>
    %dma_wait3A_1142 = tpu.memref_squeeze %dma_wait3A_1141 : memref<1x32x128xf32, #tpu.memory_space<vmem>> -> memref<32x128xf32, #tpu.memory_space<vmem>>
    %dma_wait3A_1143 = arith.constant 0 : i32
    %dma_wait3A_1144 = arith.constant 0 : i32
    %dma_wait3A_1145 = tpu.memref_slice %arg4[%dma_wait3A_1143, %dma_wait3A_1144] : memref<32x1000000xf32, #tpu.memory_space<hbm>> -> memref<32x128xf32, #tpu.memory_space<hbm>>
    tpu.wait_dma2 semaphore(%arg21 : memref<!tpu.dma_semaphore, #tpu.memory_space<semaphore_mem>>) src(%dma_wait3A_1145 : memref<32x128xf32, #tpu.memory_space<hbm>>) dst(%dma_wait3A_1142 : memref<32x128xf32, #tpu.memory_space<vmem>>)
    %dma_wait3A_1146 = arith.constant 2 : i32
    %dma_wait3A_1147 = arith.constant 0 : i32
    %dma_wait3A_1148 = arith.constant 0 : i32
    %dma_wait3A_1149 = tpu.memref_slice %arg14[%dma_wait3A_1146, %dma_wait3A_1147, %dma_wait3A_1148] : memref<4x32x128xf32, #tpu.memory_space<vmem>> -> memref<1x32x128xf32, #tpu.memory_space<vmem>>
    %dma_wait3A_1150 = tpu.memref_squeeze %dma_wait3A_1149 : memref<1x32x128xf32, #tpu.memory_space<vmem>> -> memref<32x128xf32, #tpu.memory_space<vmem>>
    %dma_wait3A_1151 = arith.constant 0 : i32
    %dma_wait3A_1152 = arith.constant 0 : i32
    %dma_wait3A_1153 = tpu.memref_slice %arg6[%dma_wait3A_1151, %dma_wait3A_1152] : memref<32x1000000xf32, #tpu.memory_space<hbm>> -> memref<32x128xf32, #tpu.memory_space<hbm>>
    %dma_wait3A_1154 = arith.constant 0 : i32
    %dma_wait3A_1155 = arith.constant 0 : i32
    %dma_wait3A_1156 = tpu.memref_slice %arg14[%dma_wait3A_1146, %dma_wait3A_1154, %dma_wait3A_1155] : memref<4x32x128xf32, #tpu.memory_space<vmem>> -> memref<1x32x128xf32, #tpu.memory_space<vmem>>
    %dma_wait3A_1157 = tpu.memref_squeeze %dma_wait3A_1156 : memref<1x32x128xf32, #tpu.memory_space<vmem>> -> memref<32x128xf32, #tpu.memory_space<vmem>>
    %dma_wait3A_1158 = arith.constant 0 : i32
    %dma_wait3A_1159 = arith.constant 0 : i32
    %dma_wait3A_1160 = tpu.memref_slice %arg6[%dma_wait3A_1158, %dma_wait3A_1159] : memref<32x1000000xf32, #tpu.memory_space<hbm>> -> memref<32x128xf32, #tpu.memory_space<hbm>>
    tpu.wait_dma2 semaphore(%arg23 : memref<!tpu.dma_semaphore, #tpu.memory_space<semaphore_mem>>) src(%dma_wait3A_1160 : memref<32x128xf32, #tpu.memory_space<hbm>>) dst(%dma_wait3A_1157 : memref<32x128xf32, #tpu.memory_space<vmem>>)
    %dma_wait3A_1161 = arith.constant 3 : i32
    %dma_wait3A_1162 = arith.constant 0 : i32
    %dma_wait3A_1163 = arith.constant 0 : i32
    %dma_wait3A_1164 = tpu.memref_slice %arg12[%dma_wait3A_1161, %dma_wait3A_1162, %dma_wait3A_1163] : memref<4x32x128xf32, #tpu.memory_space<vmem>> -> memref<1x32x128xf32, #tpu.memory_space<vmem>>
    %dma_wait3A_1165 = tpu.memref_squeeze %dma_wait3A_1164 : memref<1x32x128xf32, #tpu.memory_space<vmem>> -> memref<32x128xf32, #tpu.memory_space<vmem>>
    %dma_wait3A_1166 = arith.constant 0 : i32
    %dma_wait3A_1167 = arith.constant 0 : i32
    %dma_wait3A_1168 = tpu.memref_slice %arg4[%dma_wait3A_1166, %dma_wait3A_1167] : memref<32x1000000xf32, #tpu.memory_space<hbm>> -> memref<32x128xf32, #tpu.memory_space<hbm>>
    %dma_wait3A_1169 = arith.constant 0 : i32
    %dma_wait3A_1170 = arith.constant 0 : i32
    %dma_wait3A_1171 = tpu.memref_slice %arg12[%dma_wait3A_1161, %dma_wait3A_1169, %dma_wait3A_1170] : memref<4x32x128xf32, #tpu.memory_space<vmem>> -> memref<1x32x128xf32, #tpu.memory_space<vmem>>
    %dma_wait3A_1172 = tpu.memref_squeeze %dma_wait3A_1171 : memref<1x32x128xf32, #tpu.memory_space<vmem>> -> memref<32x128xf32, #tpu.memory_space<vmem>>
    %dma_wait3A_1173 = arith.constant 0 : i32
    %dma_wait3A_1174 = arith.constant 0 : i32
    %dma_wait3A_1175 = tpu.memref_slice %arg4[%dma_wait3A_1173, %dma_wait3A_1174] : memref<32x1000000xf32, #tpu.memory_space<hbm>> -> memref<32x128xf32, #tpu.memory_space<hbm>>
    tpu.wait_dma2 semaphore(%arg21 : memref<!tpu.dma_semaphore, #tpu.memory_space<semaphore_mem>>) src(%dma_wait3A_1175 : memref<32x128xf32, #tpu.memory_space<hbm>>) dst(%dma_wait3A_1172 : memref<32x128xf32, #tpu.memory_space<vmem>>)
    %dma_wait3A_1176 = arith.constant 3 : i32
    %dma_wait3A_1177 = arith.constant 0 : i32
    %dma_wait3A_1178 = arith.constant 0 : i32
    %dma_wait3A_1179 = tpu.memref_slice %arg14[%dma_wait3A_1176, %dma_wait3A_1177, %dma_wait3A_1178] : memref<4x32x128xf32, #tpu.memory_space<vmem>> -> memref<1x32x128xf32, #tpu.memory_space<vmem>>
    %dma_wait3A_1180 = tpu.memref_squeeze %dma_wait3A_1179 : memref<1x32x128xf32, #tpu.memory_space<vmem>> -> memref<32x128xf32, #tpu.memory_space<vmem>>
    %dma_wait3A_1181 = arith.constant 0 : i32
    %dma_wait3A_1182 = arith.constant 0 : i32
    %dma_wait3A_1183 = tpu.memref_slice %arg6[%dma_wait3A_1181, %dma_wait3A_1182] : memref<32x1000000xf32, #tpu.memory_space<hbm>> -> memref<32x128xf32, #tpu.memory_space<hbm>>
    %dma_wait3A_1184 = arith.constant 0 : i32
    %dma_wait3A_1185 = arith.constant 0 : i32
    %dma_wait3A_1186 = tpu.memref_slice %arg14[%dma_wait3A_1176, %dma_wait3A_1184, %dma_wait3A_1185] : memref<4x32x128xf32, #tpu.memory_space<vmem>> -> memref<1x32x128xf32, #tpu.memory_space<vmem>>
    %dma_wait3A_1187 = tpu.memref_squeeze %dma_wait3A_1186 : memref<1x32x128xf32, #tpu.memory_space<vmem>> -> memref<32x128xf32, #tpu.memory_space<vmem>>
    %dma_wait3A_1188 = arith.constant 0 : i32
    %dma_wait3A_1189 = arith.constant 0 : i32
    %dma_wait3A_1190 = tpu.memref_slice %arg6[%dma_wait3A_1188, %dma_wait3A_1189] : memref<32x1000000xf32, #tpu.memory_space<hbm>> -> memref<32x128xf32, #tpu.memory_space<hbm>>
    tpu.wait_dma2 semaphore(%arg23 : memref<!tpu.dma_semaphore, #tpu.memory_space<semaphore_mem>>) src(%dma_wait3A_1190 : memref<32x128xf32, #tpu.memory_space<hbm>>) dst(%dma_wait3A_1187 : memref<32x128xf32, #tpu.memory_space<vmem>>)
    %slice3A_1191 = vector.extract_strided_slice %get3A_184 {offsets = [8], sizes = [1], strides = [1]} : vector<16xi32> to vector<1xi32>
    %squeeze3A_1192 = vector.extract %slice3A_1191[0] : i32 from vector<1xi32>
    %and3A_1193 = arith.constant 127 : i32
    %and3A_1194 = arith.andi %squeeze3A_1192, %and3A_1193 : i32
    %broadcast_in_dim3A_1195 = vector.broadcast %and3A_1194 : i32 to vector<16xi32>
    %slice3A_1196 = vector.extract_strided_slice %get3A_186 {offsets = [8], sizes = [1], strides = [1]} : vector<16xi32> to vector<1xi32>
    %squeeze3A_1197 = vector.extract %slice3A_1196[0] : i32 from vector<1xi32>
    %and3A_1198 = arith.constant 127 : i32
    %and3A_1199 = arith.andi %squeeze3A_1197, %and3A_1198 : i32
    %broadcast_in_dim3A_1200 = vector.broadcast %and3A_1199 : i32 to vector<16xi32>
    %broadcast_in_dim3A_1201 = arith.constant 0 : i32
    %broadcast_in_dim3A_1202 = vector.broadcast %broadcast_in_dim3A_1201 : i32 to vector<16xi32>
    %gather3A_1203 = tpu.vector_load_idx %arg12[%broadcast_in_dim3A_1202, %iota3A, %broadcast_in_dim3A_1195] : memref<4x32x128xf32, #tpu.memory_space<vmem>>[vector<16xi32>, vector<16xi32>, vector<16xi32>], vector<16xf32>,
    %gather3A_1204 = tpu.vector_load_idx %arg12[%broadcast_in_dim3A_1202, %add3A_11, %broadcast_in_dim3A_1195] : memref<4x32x128xf32, #tpu.memory_space<vmem>>[vector<16xi32>, vector<16xi32>, vector<16xi32>], vector<16xf32>,
    %gather3A_1205 = tpu.vector_load_idx %arg14[%broadcast_in_dim3A_1202, %iota3A, %broadcast_in_dim3A_1200] : memref<4x32x128xf32, #tpu.memory_space<vmem>>[vector<16xi32>, vector<16xi32>, vector<16xi32>], vector<16xf32>,
    %gather3A_1206 = tpu.vector_load_idx %arg14[%broadcast_in_dim3A_1202, %add3A_11, %broadcast_in_dim3A_1200] : memref<4x32x128xf32, #tpu.memory_space<vmem>>[vector<16xi32>, vector<16xi32>, vector<16xi32>], vector<16xf32>,
    %mul3A_1207 = arith.mulf %gather3A_1203, %gather3A_1205 : vector<16xf32>
    %mul3A_1208 = arith.mulf %gather3A_1204, %gather3A_1206 : vector<16xf32>
    %add3A_1209 = arith.addf %mul3A_1207, %mul3A_1208 : vector<16xf32>
    %swap3A_1210 = arith.constant 128 : index
    %swap3A_1211 = tpu.vector_load %arg16[%swap3A_1210] {strides = array<i32>} : memref<256xf32, #tpu.memory_space<vmem>>, vector<16xf32>,
    tpu.vector_store %arg16[%swap3A_1210], %add3A_1209 {strides = array<i32>} : memref<256xf32, #tpu.memory_space<vmem>>, vector<16xf32>,
    %slice3A_1212 = vector.extract_strided_slice %get3A_184 {offsets = [9], sizes = [1], strides = [1]} : vector<16xi32> to vector<1xi32>
    %squeeze3A_1213 = vector.extract %slice3A_1212[0] : i32 from vector<1xi32>
    %and3A_1214 = arith.constant 127 : i32
    %and3A_1215 = arith.andi %squeeze3A_1213, %and3A_1214 : i32
    %broadcast_in_dim3A_1216 = vector.broadcast %and3A_1215 : i32 to vector<16xi32>
    %slice3A_1217 = vector.extract_strided_slice %get3A_186 {offsets = [9], sizes = [1], strides = [1]} : vector<16xi32> to vector<1xi32>
    %squeeze3A_1218 = vector.extract %slice3A_1217[0] : i32 from vector<1xi32>
    %and3A_1219 = arith.constant 127 : i32
    %and3A_1220 = arith.andi %squeeze3A_1218, %and3A_1219 : i32
    %broadcast_in_dim3A_1221 = vector.broadcast %and3A_1220 : i32 to vector<16xi32>
    %broadcast_in_dim3A_1222 = arith.constant 1 : i32
    %broadcast_in_dim3A_1223 = vector.broadcast %broadcast_in_dim3A_1222 : i32 to vector<16xi32>
    %gather3A_1224 = tpu.vector_load_idx %arg12[%broadcast_in_dim3A_1223, %iota3A, %broadcast_in_dim3A_1216] : memref<4x32x128xf32, #tpu.memory_space<vmem>>[vector<16xi32>, vector<16xi32>, vector<16xi32>], vector<16xf32>,
    %gather3A_1225 = tpu.vector_load_idx %arg12[%broadcast_in_dim3A_1223, %add3A_11, %broadcast_in_dim3A_1216] : memref<4x32x128xf32, #tpu.memory_space<vmem>>[vector<16xi32>, vector<16xi32>, vector<16xi32>], vector<16xf32>,
    %gather3A_1226 = tpu.vector_load_idx %arg14[%broadcast_in_dim3A_1223, %iota3A, %broadcast_in_dim3A_1221] : memref<4x32x128xf32, #tpu.memory_space<vmem>>[vector<16xi32>, vector<16xi32>, vector<16xi32>], vector<16xf32>,
    %gather3A_1227 = tpu.vector_load_idx %arg14[%broadcast_in_dim3A_1223, %add3A_11, %broadcast_in_dim3A_1221] : memref<4x32x128xf32, #tpu.memory_space<vmem>>[vector<16xi32>, vector<16xi32>, vector<16xi32>], vector<16xf32>,
    %mul3A_1228 = arith.mulf %gather3A_1224, %gather3A_1226 : vector<16xf32>
    %mul3A_1229 = arith.mulf %gather3A_1225, %gather3A_1227 : vector<16xf32>
    %add3A_1230 = arith.addf %mul3A_1228, %mul3A_1229 : vector<16xf32>
    %swap3A_1231 = arith.constant 144 : index
    %swap3A_1232 = tpu.vector_load %arg16[%swap3A_1231] {strides = array<i32>} : memref<256xf32, #tpu.memory_space<vmem>>, vector<16xf32>,
    tpu.vector_store %arg16[%swap3A_1231], %add3A_1230 {strides = array<i32>} : memref<256xf32, #tpu.memory_space<vmem>>, vector<16xf32>,
    %slice3A_1233 = vector.extract_strided_slice %get3A_184 {offsets = [10], sizes = [1], strides = [1]} : vector<16xi32> to vector<1xi32>
    %squeeze3A_1234 = vector.extract %slice3A_1233[0] : i32 from vector<1xi32>
    %and3A_1235 = arith.constant 127 : i32
    %and3A_1236 = arith.andi %squeeze3A_1234, %and3A_1235 : i32
    %broadcast_in_dim3A_1237 = vector.broadcast %and3A_1236 : i32 to vector<16xi32>
    %slice3A_1238 = vector.extract_strided_slice %get3A_186 {offsets = [10], sizes = [1], strides = [1]} : vector<16xi32> to vector<1xi32>
    %squeeze3A_1239 = vector.extract %slice3A_1238[0] : i32 from vector<1xi32>
    %and3A_1240 = arith.constant 127 : i32
    %and3A_1241 = arith.andi %squeeze3A_1239, %and3A_1240 : i32
    %broadcast_in_dim3A_1242 = vector.broadcast %and3A_1241 : i32 to vector<16xi32>
    %broadcast_in_dim3A_1243 = arith.constant 2 : i32
    %broadcast_in_dim3A_1244 = vector.broadcast %broadcast_in_dim3A_1243 : i32 to vector<16xi32>
    %gather3A_1245 = tpu.vector_load_idx %arg12[%broadcast_in_dim3A_1244, %iota3A, %broadcast_in_dim3A_1237] : memref<4x32x128xf32, #tpu.memory_space<vmem>>[vector<16xi32>, vector<16xi32>, vector<16xi32>], vector<16xf32>,
    %gather3A_1246 = tpu.vector_load_idx %arg12[%broadcast_in_dim3A_1244, %add3A_11, %broadcast_in_dim3A_1237] : memref<4x32x128xf32, #tpu.memory_space<vmem>>[vector<16xi32>, vector<16xi32>, vector<16xi32>], vector<16xf32>,
    %gather3A_1247 = tpu.vector_load_idx %arg14[%broadcast_in_dim3A_1244, %iota3A, %broadcast_in_dim3A_1242] : memref<4x32x128xf32, #tpu.memory_space<vmem>>[vector<16xi32>, vector<16xi32>, vector<16xi32>], vector<16xf32>,
    %gather3A_1248 = tpu.vector_load_idx %arg14[%broadcast_in_dim3A_1244, %add3A_11, %broadcast_in_dim3A_1242] : memref<4x32x128xf32, #tpu.memory_space<vmem>>[vector<16xi32>, vector<16xi32>, vector<16xi32>], vector<16xf32>,
    %mul3A_1249 = arith.mulf %gather3A_1245, %gather3A_1247 : vector<16xf32>
    %mul3A_1250 = arith.mulf %gather3A_1246, %gather3A_1248 : vector<16xf32>
    %add3A_1251 = arith.addf %mul3A_1249, %mul3A_1250 : vector<16xf32>
    %swap3A_1252 = arith.constant 160 : index
    %swap3A_1253 = tpu.vector_load %arg16[%swap3A_1252] {strides = array<i32>} : memref<256xf32, #tpu.memory_space<vmem>>, vector<16xf32>,
    tpu.vector_store %arg16[%swap3A_1252], %add3A_1251 {strides = array<i32>} : memref<256xf32, #tpu.memory_space<vmem>>, vector<16xf32>,
    %slice3A_1254 = vector.extract_strided_slice %get3A_184 {offsets = [11], sizes = [1], strides = [1]} : vector<16xi32> to vector<1xi32>
    %squeeze3A_1255 = vector.extract %slice3A_1254[0] : i32 from vector<1xi32>
    %and3A_1256 = arith.constant 127 : i32
    %and3A_1257 = arith.andi %squeeze3A_1255, %and3A_1256 : i32
    %broadcast_in_dim3A_1258 = vector.broadcast %and3A_1257 : i32 to vector<16xi32>
    %slice3A_1259 = vector.extract_strided_slice %get3A_186 {offsets = [11], sizes = [1], strides = [1]} : vector<16xi32> to vector<1xi32>
    %squeeze3A_1260 = vector.extract %slice3A_1259[0] : i32 from vector<1xi32>
    %and3A_1261 = arith.constant 127 : i32
    %and3A_1262 = arith.andi %squeeze3A_1260, %and3A_1261 : i32
    %broadcast_in_dim3A_1263 = vector.broadcast %and3A_1262 : i32 to vector<16xi32>
    %broadcast_in_dim3A_1264 = arith.constant 3 : i32
    %broadcast_in_dim3A_1265 = vector.broadcast %broadcast_in_dim3A_1264 : i32 to vector<16xi32>
    %gather3A_1266 = tpu.vector_load_idx %arg12[%broadcast_in_dim3A_1265, %iota3A, %broadcast_in_dim3A_1258] : memref<4x32x128xf32, #tpu.memory_space<vmem>>[vector<16xi32>, vector<16xi32>, vector<16xi32>], vector<16xf32>,
    %gather3A_1267 = tpu.vector_load_idx %arg12[%broadcast_in_dim3A_1265, %add3A_11, %broadcast_in_dim3A_1258] : memref<4x32x128xf32, #tpu.memory_space<vmem>>[vector<16xi32>, vector<16xi32>, vector<16xi32>], vector<16xf32>,
    %gather3A_1268 = tpu.vector_load_idx %arg14[%broadcast_in_dim3A_1265, %iota3A, %broadcast_in_dim3A_1263] : memref<4x32x128xf32, #tpu.memory_space<vmem>>[vector<16xi32>, vector<16xi32>, vector<16xi32>], vector<16xf32>,
    %gather3A_1269 = tpu.vector_load_idx %arg14[%broadcast_in_dim3A_1265, %add3A_11, %broadcast_in_dim3A_1263] : memref<4x32x128xf32, #tpu.memory_space<vmem>>[vector<16xi32>, vector<16xi32>, vector<16xi32>], vector<16xf32>,
    %mul3A_1270 = arith.mulf %gather3A_1266, %gather3A_1268 : vector<16xf32>
    %mul3A_1271 = arith.mulf %gather3A_1267, %gather3A_1269 : vector<16xf32>
    %add3A_1272 = arith.addf %mul3A_1270, %mul3A_1271 : vector<16xf32>
    %swap3A_1273 = arith.constant 176 : index
    %swap3A_1274 = tpu.vector_load %arg16[%swap3A_1273] {strides = array<i32>} : memref<256xf32, #tpu.memory_space<vmem>>, vector<16xf32>,
    tpu.vector_store %arg16[%swap3A_1273], %add3A_1272 {strides = array<i32>} : memref<256xf32, #tpu.memory_space<vmem>>, vector<16xf32>,
    %dma_wait3A_1275 = arith.constant 0 : i32
    %dma_wait3A_1276 = arith.constant 0 : i32
    %dma_wait3A_1277 = arith.constant 0 : i32
    %dma_wait3A_1278 = tpu.memref_slice %arg13[%dma_wait3A_1275, %dma_wait3A_1276, %dma_wait3A_1277] : memref<4x32x128xf32, #tpu.memory_space<vmem>> -> memref<1x32x128xf32, #tpu.memory_space<vmem>>
    %dma_wait3A_1279 = tpu.memref_squeeze %dma_wait3A_1278 : memref<1x32x128xf32, #tpu.memory_space<vmem>> -> memref<32x128xf32, #tpu.memory_space<vmem>>
    %dma_wait3A_1280 = arith.constant 0 : i32
    %dma_wait3A_1281 = arith.constant 0 : i32
    %dma_wait3A_1282 = tpu.memref_slice %arg4[%dma_wait3A_1280, %dma_wait3A_1281] : memref<32x1000000xf32, #tpu.memory_space<hbm>> -> memref<32x128xf32, #tpu.memory_space<hbm>>
    %dma_wait3A_1283 = arith.constant 0 : i32
    %dma_wait3A_1284 = arith.constant 0 : i32
    %dma_wait3A_1285 = tpu.memref_slice %arg13[%dma_wait3A_1275, %dma_wait3A_1283, %dma_wait3A_1284] : memref<4x32x128xf32, #tpu.memory_space<vmem>> -> memref<1x32x128xf32, #tpu.memory_space<vmem>>
    %dma_wait3A_1286 = tpu.memref_squeeze %dma_wait3A_1285 : memref<1x32x128xf32, #tpu.memory_space<vmem>> -> memref<32x128xf32, #tpu.memory_space<vmem>>
    %dma_wait3A_1287 = arith.constant 0 : i32
    %dma_wait3A_1288 = arith.constant 0 : i32
    %dma_wait3A_1289 = tpu.memref_slice %arg4[%dma_wait3A_1287, %dma_wait3A_1288] : memref<32x1000000xf32, #tpu.memory_space<hbm>> -> memref<32x128xf32, #tpu.memory_space<hbm>>
    tpu.wait_dma2 semaphore(%arg22 : memref<!tpu.dma_semaphore, #tpu.memory_space<semaphore_mem>>) src(%dma_wait3A_1289 : memref<32x128xf32, #tpu.memory_space<hbm>>) dst(%dma_wait3A_1286 : memref<32x128xf32, #tpu.memory_space<vmem>>)
    %dma_wait3A_1290 = arith.constant 0 : i32
    %dma_wait3A_1291 = arith.constant 0 : i32
    %dma_wait3A_1292 = arith.constant 0 : i32
    %dma_wait3A_1293 = tpu.memref_slice %arg15[%dma_wait3A_1290, %dma_wait3A_1291, %dma_wait3A_1292] : memref<4x32x128xf32, #tpu.memory_space<vmem>> -> memref<1x32x128xf32, #tpu.memory_space<vmem>>
    %dma_wait3A_1294 = tpu.memref_squeeze %dma_wait3A_1293 : memref<1x32x128xf32, #tpu.memory_space<vmem>> -> memref<32x128xf32, #tpu.memory_space<vmem>>
    %dma_wait3A_1295 = arith.constant 0 : i32
    %dma_wait3A_1296 = arith.constant 0 : i32
    %dma_wait3A_1297 = tpu.memref_slice %arg6[%dma_wait3A_1295, %dma_wait3A_1296] : memref<32x1000000xf32, #tpu.memory_space<hbm>> -> memref<32x128xf32, #tpu.memory_space<hbm>>
    %dma_wait3A_1298 = arith.constant 0 : i32
    %dma_wait3A_1299 = arith.constant 0 : i32
    %dma_wait3A_1300 = tpu.memref_slice %arg15[%dma_wait3A_1290, %dma_wait3A_1298, %dma_wait3A_1299] : memref<4x32x128xf32, #tpu.memory_space<vmem>> -> memref<1x32x128xf32, #tpu.memory_space<vmem>>
    %dma_wait3A_1301 = tpu.memref_squeeze %dma_wait3A_1300 : memref<1x32x128xf32, #tpu.memory_space<vmem>> -> memref<32x128xf32, #tpu.memory_space<vmem>>
    %dma_wait3A_1302 = arith.constant 0 : i32
    %dma_wait3A_1303 = arith.constant 0 : i32
    %dma_wait3A_1304 = tpu.memref_slice %arg6[%dma_wait3A_1302, %dma_wait3A_1303] : memref<32x1000000xf32, #tpu.memory_space<hbm>> -> memref<32x128xf32, #tpu.memory_space<hbm>>
    tpu.wait_dma2 semaphore(%arg24 : memref<!tpu.dma_semaphore, #tpu.memory_space<semaphore_mem>>) src(%dma_wait3A_1304 : memref<32x128xf32, #tpu.memory_space<hbm>>) dst(%dma_wait3A_1301 : memref<32x128xf32, #tpu.memory_space<vmem>>)
    %dma_wait3A_1305 = arith.constant 1 : i32
    %dma_wait3A_1306 = arith.constant 0 : i32
    %dma_wait3A_1307 = arith.constant 0 : i32
    %dma_wait3A_1308 = tpu.memref_slice %arg13[%dma_wait3A_1305, %dma_wait3A_1306, %dma_wait3A_1307] : memref<4x32x128xf32, #tpu.memory_space<vmem>> -> memref<1x32x128xf32, #tpu.memory_space<vmem>>
    %dma_wait3A_1309 = tpu.memref_squeeze %dma_wait3A_1308 : memref<1x32x128xf32, #tpu.memory_space<vmem>> -> memref<32x128xf32, #tpu.memory_space<vmem>>
    %dma_wait3A_1310 = arith.constant 0 : i32
    %dma_wait3A_1311 = arith.constant 0 : i32
    %dma_wait3A_1312 = tpu.memref_slice %arg4[%dma_wait3A_1310, %dma_wait3A_1311] : memref<32x1000000xf32, #tpu.memory_space<hbm>> -> memref<32x128xf32, #tpu.memory_space<hbm>>
    %dma_wait3A_1313 = arith.constant 0 : i32
    %dma_wait3A_1314 = arith.constant 0 : i32
    %dma_wait3A_1315 = tpu.memref_slice %arg13[%dma_wait3A_1305, %dma_wait3A_1313, %dma_wait3A_1314] : memref<4x32x128xf32, #tpu.memory_space<vmem>> -> memref<1x32x128xf32, #tpu.memory_space<vmem>>
    %dma_wait3A_1316 = tpu.memref_squeeze %dma_wait3A_1315 : memref<1x32x128xf32, #tpu.memory_space<vmem>> -> memref<32x128xf32, #tpu.memory_space<vmem>>
    %dma_wait3A_1317 = arith.constant 0 : i32
    %dma_wait3A_1318 = arith.constant 0 : i32
    %dma_wait3A_1319 = tpu.memref_slice %arg4[%dma_wait3A_1317, %dma_wait3A_1318] : memref<32x1000000xf32, #tpu.memory_space<hbm>> -> memref<32x128xf32, #tpu.memory_space<hbm>>
    tpu.wait_dma2 semaphore(%arg22 : memref<!tpu.dma_semaphore, #tpu.memory_space<semaphore_mem>>) src(%dma_wait3A_1319 : memref<32x128xf32, #tpu.memory_space<hbm>>) dst(%dma_wait3A_1316 : memref<32x128xf32, #tpu.memory_space<vmem>>)
    %dma_wait3A_1320 = arith.constant 1 : i32
    %dma_wait3A_1321 = arith.constant 0 : i32
    %dma_wait3A_1322 = arith.constant 0 : i32
    %dma_wait3A_1323 = tpu.memref_slice %arg15[%dma_wait3A_1320, %dma_wait3A_1321, %dma_wait3A_1322] : memref<4x32x128xf32, #tpu.memory_space<vmem>> -> memref<1x32x128xf32, #tpu.memory_space<vmem>>
    %dma_wait3A_1324 = tpu.memref_squeeze %dma_wait3A_1323 : memref<1x32x128xf32, #tpu.memory_space<vmem>> -> memref<32x128xf32, #tpu.memory_space<vmem>>
    %dma_wait3A_1325 = arith.constant 0 : i32
    %dma_wait3A_1326 = arith.constant 0 : i32
    %dma_wait3A_1327 = tpu.memref_slice %arg6[%dma_wait3A_1325, %dma_wait3A_1326] : memref<32x1000000xf32, #tpu.memory_space<hbm>> -> memref<32x128xf32, #tpu.memory_space<hbm>>
    %dma_wait3A_1328 = arith.constant 0 : i32
    %dma_wait3A_1329 = arith.constant 0 : i32
    %dma_wait3A_1330 = tpu.memref_slice %arg15[%dma_wait3A_1320, %dma_wait3A_1328, %dma_wait3A_1329] : memref<4x32x128xf32, #tpu.memory_space<vmem>> -> memref<1x32x128xf32, #tpu.memory_space<vmem>>
    %dma_wait3A_1331 = tpu.memref_squeeze %dma_wait3A_1330 : memref<1x32x128xf32, #tpu.memory_space<vmem>> -> memref<32x128xf32, #tpu.memory_space<vmem>>
    %dma_wait3A_1332 = arith.constant 0 : i32
    %dma_wait3A_1333 = arith.constant 0 : i32
    %dma_wait3A_1334 = tpu.memref_slice %arg6[%dma_wait3A_1332, %dma_wait3A_1333] : memref<32x1000000xf32, #tpu.memory_space<hbm>> -> memref<32x128xf32, #tpu.memory_space<hbm>>
    tpu.wait_dma2 semaphore(%arg24 : memref<!tpu.dma_semaphore, #tpu.memory_space<semaphore_mem>>) src(%dma_wait3A_1334 : memref<32x128xf32, #tpu.memory_space<hbm>>) dst(%dma_wait3A_1331 : memref<32x128xf32, #tpu.memory_space<vmem>>)
    %dma_wait3A_1335 = arith.constant 2 : i32
    %dma_wait3A_1336 = arith.constant 0 : i32
    %dma_wait3A_1337 = arith.constant 0 : i32
    %dma_wait3A_1338 = tpu.memref_slice %arg13[%dma_wait3A_1335, %dma_wait3A_1336, %dma_wait3A_1337] : memref<4x32x128xf32, #tpu.memory_space<vmem>> -> memref<1x32x128xf32, #tpu.memory_space<vmem>>
    %dma_wait3A_1339 = tpu.memref_squeeze %dma_wait3A_1338 : memref<1x32x128xf32, #tpu.memory_space<vmem>> -> memref<32x128xf32, #tpu.memory_space<vmem>>
    %dma_wait3A_1340 = arith.constant 0 : i32
    %dma_wait3A_1341 = arith.constant 0 : i32
    %dma_wait3A_1342 = tpu.memref_slice %arg4[%dma_wait3A_1340, %dma_wait3A_1341] : memref<32x1000000xf32, #tpu.memory_space<hbm>> -> memref<32x128xf32, #tpu.memory_space<hbm>>
    %dma_wait3A_1343 = arith.constant 0 : i32
    %dma_wait3A_1344 = arith.constant 0 : i32
    %dma_wait3A_1345 = tpu.memref_slice %arg13[%dma_wait3A_1335, %dma_wait3A_1343, %dma_wait3A_1344] : memref<4x32x128xf32, #tpu.memory_space<vmem>> -> memref<1x32x128xf32, #tpu.memory_space<vmem>>
    %dma_wait3A_1346 = tpu.memref_squeeze %dma_wait3A_1345 : memref<1x32x128xf32, #tpu.memory_space<vmem>> -> memref<32x128xf32, #tpu.memory_space<vmem>>
    %dma_wait3A_1347 = arith.constant 0 : i32
    %dma_wait3A_1348 = arith.constant 0 : i32
    %dma_wait3A_1349 = tpu.memref_slice %arg4[%dma_wait3A_1347, %dma_wait3A_1348] : memref<32x1000000xf32, #tpu.memory_space<hbm>> -> memref<32x128xf32, #tpu.memory_space<hbm>>
    tpu.wait_dma2 semaphore(%arg22 : memref<!tpu.dma_semaphore, #tpu.memory_space<semaphore_mem>>) src(%dma_wait3A_1349 : memref<32x128xf32, #tpu.memory_space<hbm>>) dst(%dma_wait3A_1346 : memref<32x128xf32, #tpu.memory_space<vmem>>)
    %dma_wait3A_1350 = arith.constant 2 : i32
    %dma_wait3A_1351 = arith.constant 0 : i32
    %dma_wait3A_1352 = arith.constant 0 : i32
    %dma_wait3A_1353 = tpu.memref_slice %arg15[%dma_wait3A_1350, %dma_wait3A_1351, %dma_wait3A_1352] : memref<4x32x128xf32, #tpu.memory_space<vmem>> -> memref<1x32x128xf32, #tpu.memory_space<vmem>>
    %dma_wait3A_1354 = tpu.memref_squeeze %dma_wait3A_1353 : memref<1x32x128xf32, #tpu.memory_space<vmem>> -> memref<32x128xf32, #tpu.memory_space<vmem>>
    %dma_wait3A_1355 = arith.constant 0 : i32
    %dma_wait3A_1356 = arith.constant 0 : i32
    %dma_wait3A_1357 = tpu.memref_slice %arg6[%dma_wait3A_1355, %dma_wait3A_1356] : memref<32x1000000xf32, #tpu.memory_space<hbm>> -> memref<32x128xf32, #tpu.memory_space<hbm>>
    %dma_wait3A_1358 = arith.constant 0 : i32
    %dma_wait3A_1359 = arith.constant 0 : i32
    %dma_wait3A_1360 = tpu.memref_slice %arg15[%dma_wait3A_1350, %dma_wait3A_1358, %dma_wait3A_1359] : memref<4x32x128xf32, #tpu.memory_space<vmem>> -> memref<1x32x128xf32, #tpu.memory_space<vmem>>
    %dma_wait3A_1361 = tpu.memref_squeeze %dma_wait3A_1360 : memref<1x32x128xf32, #tpu.memory_space<vmem>> -> memref<32x128xf32, #tpu.memory_space<vmem>>
    %dma_wait3A_1362 = arith.constant 0 : i32
    %dma_wait3A_1363 = arith.constant 0 : i32
    %dma_wait3A_1364 = tpu.memref_slice %arg6[%dma_wait3A_1362, %dma_wait3A_1363] : memref<32x1000000xf32, #tpu.memory_space<hbm>> -> memref<32x128xf32, #tpu.memory_space<hbm>>
    tpu.wait_dma2 semaphore(%arg24 : memref<!tpu.dma_semaphore, #tpu.memory_space<semaphore_mem>>) src(%dma_wait3A_1364 : memref<32x128xf32, #tpu.memory_space<hbm>>) dst(%dma_wait3A_1361 : memref<32x128xf32, #tpu.memory_space<vmem>>)
    %dma_wait3A_1365 = arith.constant 3 : i32
    %dma_wait3A_1366 = arith.constant 0 : i32
    %dma_wait3A_1367 = arith.constant 0 : i32
    %dma_wait3A_1368 = tpu.memref_slice %arg13[%dma_wait3A_1365, %dma_wait3A_1366, %dma_wait3A_1367] : memref<4x32x128xf32, #tpu.memory_space<vmem>> -> memref<1x32x128xf32, #tpu.memory_space<vmem>>
    %dma_wait3A_1369 = tpu.memref_squeeze %dma_wait3A_1368 : memref<1x32x128xf32, #tpu.memory_space<vmem>> -> memref<32x128xf32, #tpu.memory_space<vmem>>
    %dma_wait3A_1370 = arith.constant 0 : i32
    %dma_wait3A_1371 = arith.constant 0 : i32
    %dma_wait3A_1372 = tpu.memref_slice %arg4[%dma_wait3A_1370, %dma_wait3A_1371] : memref<32x1000000xf32, #tpu.memory_space<hbm>> -> memref<32x128xf32, #tpu.memory_space<hbm>>
    %dma_wait3A_1373 = arith.constant 0 : i32
    %dma_wait3A_1374 = arith.constant 0 : i32
    %dma_wait3A_1375 = tpu.memref_slice %arg13[%dma_wait3A_1365, %dma_wait3A_1373, %dma_wait3A_1374] : memref<4x32x128xf32, #tpu.memory_space<vmem>> -> memref<1x32x128xf32, #tpu.memory_space<vmem>>
    %dma_wait3A_1376 = tpu.memref_squeeze %dma_wait3A_1375 : memref<1x32x128xf32, #tpu.memory_space<vmem>> -> memref<32x128xf32, #tpu.memory_space<vmem>>
    %dma_wait3A_1377 = arith.constant 0 : i32
    %dma_wait3A_1378 = arith.constant 0 : i32
    %dma_wait3A_1379 = tpu.memref_slice %arg4[%dma_wait3A_1377, %dma_wait3A_1378] : memref<32x1000000xf32, #tpu.memory_space<hbm>> -> memref<32x128xf32, #tpu.memory_space<hbm>>
    tpu.wait_dma2 semaphore(%arg22 : memref<!tpu.dma_semaphore, #tpu.memory_space<semaphore_mem>>) src(%dma_wait3A_1379 : memref<32x128xf32, #tpu.memory_space<hbm>>) dst(%dma_wait3A_1376 : memref<32x128xf32, #tpu.memory_space<vmem>>)
    %dma_wait3A_1380 = arith.constant 3 : i32
    %dma_wait3A_1381 = arith.constant 0 : i32
    %dma_wait3A_1382 = arith.constant 0 : i32
    %dma_wait3A_1383 = tpu.memref_slice %arg15[%dma_wait3A_1380, %dma_wait3A_1381, %dma_wait3A_1382] : memref<4x32x128xf32, #tpu.memory_space<vmem>> -> memref<1x32x128xf32, #tpu.memory_space<vmem>>
    %dma_wait3A_1384 = tpu.memref_squeeze %dma_wait3A_1383 : memref<1x32x128xf32, #tpu.memory_space<vmem>> -> memref<32x128xf32, #tpu.memory_space<vmem>>
    %dma_wait3A_1385 = arith.constant 0 : i32
    %dma_wait3A_1386 = arith.constant 0 : i32
    %dma_wait3A_1387 = tpu.memref_slice %arg6[%dma_wait3A_1385, %dma_wait3A_1386] : memref<32x1000000xf32, #tpu.memory_space<hbm>> -> memref<32x128xf32, #tpu.memory_space<hbm>>
    %dma_wait3A_1388 = arith.constant 0 : i32
    %dma_wait3A_1389 = arith.constant 0 : i32
    %dma_wait3A_1390 = tpu.memref_slice %arg15[%dma_wait3A_1380, %dma_wait3A_1388, %dma_wait3A_1389] : memref<4x32x128xf32, #tpu.memory_space<vmem>> -> memref<1x32x128xf32, #tpu.memory_space<vmem>>
    %dma_wait3A_1391 = tpu.memref_squeeze %dma_wait3A_1390 : memref<1x32x128xf32, #tpu.memory_space<vmem>> -> memref<32x128xf32, #tpu.memory_space<vmem>>
    %dma_wait3A_1392 = arith.constant 0 : i32
    %dma_wait3A_1393 = arith.constant 0 : i32
    %dma_wait3A_1394 = tpu.memref_slice %arg6[%dma_wait3A_1392, %dma_wait3A_1393] : memref<32x1000000xf32, #tpu.memory_space<hbm>> -> memref<32x128xf32, #tpu.memory_space<hbm>>
    tpu.wait_dma2 semaphore(%arg24 : memref<!tpu.dma_semaphore, #tpu.memory_space<semaphore_mem>>) src(%dma_wait3A_1394 : memref<32x128xf32, #tpu.memory_space<hbm>>) dst(%dma_wait3A_1391 : memref<32x128xf32, #tpu.memory_space<vmem>>)
    %slice3A_1395 = vector.extract_strided_slice %get3A_184 {offsets = [12], sizes = [1], strides = [1]} : vector<16xi32> to vector<1xi32>
    %squeeze3A_1396 = vector.extract %slice3A_1395[0] : i32 from vector<1xi32>
    %and3A_1397 = arith.constant 127 : i32
    %and3A_1398 = arith.andi %squeeze3A_1396, %and3A_1397 : i32
    %broadcast_in_dim3A_1399 = vector.broadcast %and3A_1398 : i32 to vector<16xi32>
    %slice3A_1400 = vector.extract_strided_slice %get3A_186 {offsets = [12], sizes = [1], strides = [1]} : vector<16xi32> to vector<1xi32>
    %squeeze3A_1401 = vector.extract %slice3A_1400[0] : i32 from vector<1xi32>
    %and3A_1402 = arith.constant 127 : i32
    %and3A_1403 = arith.andi %squeeze3A_1401, %and3A_1402 : i32
    %broadcast_in_dim3A_1404 = vector.broadcast %and3A_1403 : i32 to vector<16xi32>
    %broadcast_in_dim3A_1405 = arith.constant 0 : i32
    %broadcast_in_dim3A_1406 = vector.broadcast %broadcast_in_dim3A_1405 : i32 to vector<16xi32>
    %gather3A_1407 = tpu.vector_load_idx %arg13[%broadcast_in_dim3A_1406, %iota3A, %broadcast_in_dim3A_1399] : memref<4x32x128xf32, #tpu.memory_space<vmem>>[vector<16xi32>, vector<16xi32>, vector<16xi32>], vector<16xf32>,
    %gather3A_1408 = tpu.vector_load_idx %arg13[%broadcast_in_dim3A_1406, %add3A_11, %broadcast_in_dim3A_1399] : memref<4x32x128xf32, #tpu.memory_space<vmem>>[vector<16xi32>, vector<16xi32>, vector<16xi32>], vector<16xf32>,
    %gather3A_1409 = tpu.vector_load_idx %arg15[%broadcast_in_dim3A_1406, %iota3A, %broadcast_in_dim3A_1404] : memref<4x32x128xf32, #tpu.memory_space<vmem>>[vector<16xi32>, vector<16xi32>, vector<16xi32>], vector<16xf32>,
    %gather3A_1410 = tpu.vector_load_idx %arg15[%broadcast_in_dim3A_1406, %add3A_11, %broadcast_in_dim3A_1404] : memref<4x32x128xf32, #tpu.memory_space<vmem>>[vector<16xi32>, vector<16xi32>, vector<16xi32>], vector<16xf32>,
    %mul3A_1411 = arith.mulf %gather3A_1407, %gather3A_1409 : vector<16xf32>
    %mul3A_1412 = arith.mulf %gather3A_1408, %gather3A_1410 : vector<16xf32>
    %add3A_1413 = arith.addf %mul3A_1411, %mul3A_1412 : vector<16xf32>
    %swap3A_1414 = arith.constant 192 : index
    %swap3A_1415 = tpu.vector_load %arg16[%swap3A_1414] {strides = array<i32>} : memref<256xf32, #tpu.memory_space<vmem>>, vector<16xf32>,
    tpu.vector_store %arg16[%swap3A_1414], %add3A_1413 {strides = array<i32>} : memref<256xf32, #tpu.memory_space<vmem>>, vector<16xf32>,
    %slice3A_1416 = vector.extract_strided_slice %get3A_184 {offsets = [13], sizes = [1], strides = [1]} : vector<16xi32> to vector<1xi32>
    %squeeze3A_1417 = vector.extract %slice3A_1416[0] : i32 from vector<1xi32>
    %and3A_1418 = arith.constant 127 : i32
    %and3A_1419 = arith.andi %squeeze3A_1417, %and3A_1418 : i32
    %broadcast_in_dim3A_1420 = vector.broadcast %and3A_1419 : i32 to vector<16xi32>
    %slice3A_1421 = vector.extract_strided_slice %get3A_186 {offsets = [13], sizes = [1], strides = [1]} : vector<16xi32> to vector<1xi32>
    %squeeze3A_1422 = vector.extract %slice3A_1421[0] : i32 from vector<1xi32>
    %and3A_1423 = arith.constant 127 : i32
    %and3A_1424 = arith.andi %squeeze3A_1422, %and3A_1423 : i32
    %broadcast_in_dim3A_1425 = vector.broadcast %and3A_1424 : i32 to vector<16xi32>
    %broadcast_in_dim3A_1426 = arith.constant 1 : i32
    %broadcast_in_dim3A_1427 = vector.broadcast %broadcast_in_dim3A_1426 : i32 to vector<16xi32>
    %gather3A_1428 = tpu.vector_load_idx %arg13[%broadcast_in_dim3A_1427, %iota3A, %broadcast_in_dim3A_1420] : memref<4x32x128xf32, #tpu.memory_space<vmem>>[vector<16xi32>, vector<16xi32>, vector<16xi32>], vector<16xf32>,
    %gather3A_1429 = tpu.vector_load_idx %arg13[%broadcast_in_dim3A_1427, %add3A_11, %broadcast_in_dim3A_1420] : memref<4x32x128xf32, #tpu.memory_space<vmem>>[vector<16xi32>, vector<16xi32>, vector<16xi32>], vector<16xf32>,
    %gather3A_1430 = tpu.vector_load_idx %arg15[%broadcast_in_dim3A_1427, %iota3A, %broadcast_in_dim3A_1425] : memref<4x32x128xf32, #tpu.memory_space<vmem>>[vector<16xi32>, vector<16xi32>, vector<16xi32>], vector<16xf32>,
    %gather3A_1431 = tpu.vector_load_idx %arg15[%broadcast_in_dim3A_1427, %add3A_11, %broadcast_in_dim3A_1425] : memref<4x32x128xf32, #tpu.memory_space<vmem>>[vector<16xi32>, vector<16xi32>, vector<16xi32>], vector<16xf32>,
    %mul3A_1432 = arith.mulf %gather3A_1428, %gather3A_1430 : vector<16xf32>
    %mul3A_1433 = arith.mulf %gather3A_1429, %gather3A_1431 : vector<16xf32>
    %add3A_1434 = arith.addf %mul3A_1432, %mul3A_1433 : vector<16xf32>
    %swap3A_1435 = arith.constant 208 : index
    %swap3A_1436 = tpu.vector_load %arg16[%swap3A_1435] {strides = array<i32>} : memref<256xf32, #tpu.memory_space<vmem>>, vector<16xf32>,
    tpu.vector_store %arg16[%swap3A_1435], %add3A_1434 {strides = array<i32>} : memref<256xf32, #tpu.memory_space<vmem>>, vector<16xf32>,
    %slice3A_1437 = vector.extract_strided_slice %get3A_184 {offsets = [14], sizes = [1], strides = [1]} : vector<16xi32> to vector<1xi32>
    %squeeze3A_1438 = vector.extract %slice3A_1437[0] : i32 from vector<1xi32>
    %and3A_1439 = arith.constant 127 : i32
    %and3A_1440 = arith.andi %squeeze3A_1438, %and3A_1439 : i32
    %broadcast_in_dim3A_1441 = vector.broadcast %and3A_1440 : i32 to vector<16xi32>
    %slice3A_1442 = vector.extract_strided_slice %get3A_186 {offsets = [14], sizes = [1], strides = [1]} : vector<16xi32> to vector<1xi32>
    %squeeze3A_1443 = vector.extract %slice3A_1442[0] : i32 from vector<1xi32>
    %and3A_1444 = arith.constant 127 : i32
    %and3A_1445 = arith.andi %squeeze3A_1443, %and3A_1444 : i32
    %broadcast_in_dim3A_1446 = vector.broadcast %and3A_1445 : i32 to vector<16xi32>
    %broadcast_in_dim3A_1447 = arith.constant 2 : i32
    %broadcast_in_dim3A_1448 = vector.broadcast %broadcast_in_dim3A_1447 : i32 to vector<16xi32>
    %gather3A_1449 = tpu.vector_load_idx %arg13[%broadcast_in_dim3A_1448, %iota3A, %broadcast_in_dim3A_1441] : memref<4x32x128xf32, #tpu.memory_space<vmem>>[vector<16xi32>, vector<16xi32>, vector<16xi32>], vector<16xf32>,
    %gather3A_1450 = tpu.vector_load_idx %arg13[%broadcast_in_dim3A_1448, %add3A_11, %broadcast_in_dim3A_1441] : memref<4x32x128xf32, #tpu.memory_space<vmem>>[vector<16xi32>, vector<16xi32>, vector<16xi32>], vector<16xf32>,
    %gather3A_1451 = tpu.vector_load_idx %arg15[%broadcast_in_dim3A_1448, %iota3A, %broadcast_in_dim3A_1446] : memref<4x32x128xf32, #tpu.memory_space<vmem>>[vector<16xi32>, vector<16xi32>, vector<16xi32>], vector<16xf32>,
    %gather3A_1452 = tpu.vector_load_idx %arg15[%broadcast_in_dim3A_1448, %add3A_11, %broadcast_in_dim3A_1446] : memref<4x32x128xf32, #tpu.memory_space<vmem>>[vector<16xi32>, vector<16xi32>, vector<16xi32>], vector<16xf32>,
    %mul3A_1453 = arith.mulf %gather3A_1449, %gather3A_1451 : vector<16xf32>
    %mul3A_1454 = arith.mulf %gather3A_1450, %gather3A_1452 : vector<16xf32>
    %add3A_1455 = arith.addf %mul3A_1453, %mul3A_1454 : vector<16xf32>
    %swap3A_1456 = arith.constant 224 : index
    %swap3A_1457 = tpu.vector_load %arg16[%swap3A_1456] {strides = array<i32>} : memref<256xf32, #tpu.memory_space<vmem>>, vector<16xf32>,
    tpu.vector_store %arg16[%swap3A_1456], %add3A_1455 {strides = array<i32>} : memref<256xf32, #tpu.memory_space<vmem>>, vector<16xf32>,
    %slice3A_1458 = vector.extract_strided_slice %get3A_184 {offsets = [15], sizes = [1], strides = [1]} : vector<16xi32> to vector<1xi32>
    %squeeze3A_1459 = vector.extract %slice3A_1458[0] : i32 from vector<1xi32>
    %and3A_1460 = arith.constant 127 : i32
    %and3A_1461 = arith.andi %squeeze3A_1459, %and3A_1460 : i32
    %broadcast_in_dim3A_1462 = vector.broadcast %and3A_1461 : i32 to vector<16xi32>
    %slice3A_1463 = vector.extract_strided_slice %get3A_186 {offsets = [15], sizes = [1], strides = [1]} : vector<16xi32> to vector<1xi32>
    %squeeze3A_1464 = vector.extract %slice3A_1463[0] : i32 from vector<1xi32>
    %and3A_1465 = arith.constant 127 : i32
    %and3A_1466 = arith.andi %squeeze3A_1464, %and3A_1465 : i32
    %broadcast_in_dim3A_1467 = vector.broadcast %and3A_1466 : i32 to vector<16xi32>
    %broadcast_in_dim3A_1468 = arith.constant 3 : i32
    %broadcast_in_dim3A_1469 = vector.broadcast %broadcast_in_dim3A_1468 : i32 to vector<16xi32>
    %gather3A_1470 = tpu.vector_load_idx %arg13[%broadcast_in_dim3A_1469, %iota3A, %broadcast_in_dim3A_1462] : memref<4x32x128xf32, #tpu.memory_space<vmem>>[vector<16xi32>, vector<16xi32>, vector<16xi32>], vector<16xf32>,
    %gather3A_1471 = tpu.vector_load_idx %arg13[%broadcast_in_dim3A_1469, %add3A_11, %broadcast_in_dim3A_1462] : memref<4x32x128xf32, #tpu.memory_space<vmem>>[vector<16xi32>, vector<16xi32>, vector<16xi32>], vector<16xf32>,
    %gather3A_1472 = tpu.vector_load_idx %arg15[%broadcast_in_dim3A_1469, %iota3A, %broadcast_in_dim3A_1467] : memref<4x32x128xf32, #tpu.memory_space<vmem>>[vector<16xi32>, vector<16xi32>, vector<16xi32>], vector<16xf32>,
    %gather3A_1473 = tpu.vector_load_idx %arg15[%broadcast_in_dim3A_1469, %add3A_11, %broadcast_in_dim3A_1467] : memref<4x32x128xf32, #tpu.memory_space<vmem>>[vector<16xi32>, vector<16xi32>, vector<16xi32>], vector<16xf32>,
    %mul3A_1474 = arith.mulf %gather3A_1470, %gather3A_1472 : vector<16xf32>
    %mul3A_1475 = arith.mulf %gather3A_1471, %gather3A_1473 : vector<16xf32>
    %add3A_1476 = arith.addf %mul3A_1474, %mul3A_1475 : vector<16xf32>
    %swap3A_1477 = arith.constant 240 : index
    %swap3A_1478 = tpu.vector_load %arg16[%swap3A_1477] {strides = array<i32>} : memref<256xf32, #tpu.memory_space<vmem>>, vector<16xf32>,
    tpu.vector_store %arg16[%swap3A_1477], %add3A_1476 {strides = array<i32>} : memref<256xf32, #tpu.memory_space<vmem>>, vector<16xf32>,
    %get3A_1479 = arith.index_cast %multiple_of3A_182 : i32 to index
    %get3A_1480 = tpu.vector_load %arg17[%get3A_1479] {strides = array<i32>} : memref<512xf32, #tpu.memory_space<vmem>>, vector<16xf32>,
    %get3A_1481 = arith.index_cast %multiple_of3A_182 : i32 to index
    %get3A_1482 = tpu.vector_load %arg18[%get3A_1481] {strides = array<i32>} : memref<512xf32, #tpu.memory_space<vmem>>, vector<16xf32>,
    %add3A_1483 = arith.addf %get3A_1480, %get3A_1482 : vector<16xf32>
    %add3A_1484 = arith.addf %add3A_1483, %get3A_174 : vector<16xf32>
    %add3A_1485 = arith.constant 0 : i32
    %add3A_1486 = vector.broadcast %add3A_1485 : i32 to vector<16xi32>
    %add3A_1487 = arith.addi %mul3A_8, %add3A_1486 : vector<16xi32>
    %gather3A_1488 = tpu.vector_load_idx %arg16[%add3A_1487] : memref<256xf32, #tpu.memory_space<vmem>>[vector<16xi32>], vector<16xf32>,
    %add3A_1489 = arith.addf %add3A_1484, %gather3A_1488 : vector<16xf32>
    %add3A_1490 = arith.constant 1 : i32
    %add3A_1491 = vector.broadcast %add3A_1490 : i32 to vector<16xi32>
    %add3A_1492 = arith.addi %mul3A_8, %add3A_1491 : vector<16xi32>
    %gather3A_1493 = tpu.vector_load_idx %arg16[%add3A_1492] : memref<256xf32, #tpu.memory_space<vmem>>[vector<16xi32>], vector<16xf32>,
    %add3A_1494 = arith.addf %add3A_1489, %gather3A_1493 : vector<16xf32>
    %add3A_1495 = arith.constant 2 : i32
    %add3A_1496 = vector.broadcast %add3A_1495 : i32 to vector<16xi32>
    %add3A_1497 = arith.addi %mul3A_8, %add3A_1496 : vector<16xi32>
    %gather3A_1498 = tpu.vector_load_idx %arg16[%add3A_1497] : memref<256xf32, #tpu.memory_space<vmem>>[vector<16xi32>], vector<16xf32>,
    %add3A_1499 = arith.addf %add3A_1494, %gather3A_1498 : vector<16xf32>
    %add3A_1500 = arith.constant 3 : i32
    %add3A_1501 = vector.broadcast %add3A_1500 : i32 to vector<16xi32>
    %add3A_1502 = arith.addi %mul3A_8, %add3A_1501 : vector<16xi32>
    %gather3A_1503 = tpu.vector_load_idx %arg16[%add3A_1502] : memref<256xf32, #tpu.memory_space<vmem>>[vector<16xi32>], vector<16xf32>,
    %add3A_1504 = arith.addf %add3A_1499, %gather3A_1503 : vector<16xf32>
    %add3A_1505 = arith.constant 4 : i32
    %add3A_1506 = vector.broadcast %add3A_1505 : i32 to vector<16xi32>
    %add3A_1507 = arith.addi %mul3A_8, %add3A_1506 : vector<16xi32>
    %gather3A_1508 = tpu.vector_load_idx %arg16[%add3A_1507] : memref<256xf32, #tpu.memory_space<vmem>>[vector<16xi32>], vector<16xf32>,
    %add3A_1509 = arith.addf %add3A_1504, %gather3A_1508 : vector<16xf32>
    %add3A_1510 = arith.constant 5 : i32
    %add3A_1511 = vector.broadcast %add3A_1510 : i32 to vector<16xi32>
    %add3A_1512 = arith.addi %mul3A_8, %add3A_1511 : vector<16xi32>
    %gather3A_1513 = tpu.vector_load_idx %arg16[%add3A_1512] : memref<256xf32, #tpu.memory_space<vmem>>[vector<16xi32>], vector<16xf32>,
    %add3A_1514 = arith.addf %add3A_1509, %gather3A_1513 : vector<16xf32>
    %add3A_1515 = arith.constant 6 : i32
    %add3A_1516 = vector.broadcast %add3A_1515 : i32 to vector<16xi32>
    %add3A_1517 = arith.addi %mul3A_8, %add3A_1516 : vector<16xi32>
    %gather3A_1518 = tpu.vector_load_idx %arg16[%add3A_1517] : memref<256xf32, #tpu.memory_space<vmem>>[vector<16xi32>], vector<16xf32>,
    %add3A_1519 = arith.addf %add3A_1514, %gather3A_1518 : vector<16xf32>
    %add3A_1520 = arith.constant 7 : i32
    %add3A_1521 = vector.broadcast %add3A_1520 : i32 to vector<16xi32>
    %add3A_1522 = arith.addi %mul3A_8, %add3A_1521 : vector<16xi32>
    %gather3A_1523 = tpu.vector_load_idx %arg16[%add3A_1522] : memref<256xf32, #tpu.memory_space<vmem>>[vector<16xi32>], vector<16xf32>,
    %add3A_1524 = arith.addf %add3A_1519, %gather3A_1523 : vector<16xf32>
    %add3A_1525 = arith.constant 8 : i32
    %add3A_1526 = vector.broadcast %add3A_1525 : i32 to vector<16xi32>
    %add3A_1527 = arith.addi %mul3A_8, %add3A_1526 : vector<16xi32>
    %gather3A_1528 = tpu.vector_load_idx %arg16[%add3A_1527] : memref<256xf32, #tpu.memory_space<vmem>>[vector<16xi32>], vector<16xf32>,
    %add3A_1529 = arith.addf %add3A_1524, %gather3A_1528 : vector<16xf32>
    %add3A_1530 = arith.constant 9 : i32
    %add3A_1531 = vector.broadcast %add3A_1530 : i32 to vector<16xi32>
    %add3A_1532 = arith.addi %mul3A_8, %add3A_1531 : vector<16xi32>
    %gather3A_1533 = tpu.vector_load_idx %arg16[%add3A_1532] : memref<256xf32, #tpu.memory_space<vmem>>[vector<16xi32>], vector<16xf32>,
    %add3A_1534 = arith.addf %add3A_1529, %gather3A_1533 : vector<16xf32>
    %add3A_1535 = arith.constant 10 : i32
    %add3A_1536 = vector.broadcast %add3A_1535 : i32 to vector<16xi32>
    %add3A_1537 = arith.addi %mul3A_8, %add3A_1536 : vector<16xi32>
    %gather3A_1538 = tpu.vector_load_idx %arg16[%add3A_1537] : memref<256xf32, #tpu.memory_space<vmem>>[vector<16xi32>], vector<16xf32>,
    %add3A_1539 = arith.addf %add3A_1534, %gather3A_1538 : vector<16xf32>
    %add3A_1540 = arith.constant 11 : i32
    %add3A_1541 = vector.broadcast %add3A_1540 : i32 to vector<16xi32>
    %add3A_1542 = arith.addi %mul3A_8, %add3A_1541 : vector<16xi32>
    %gather3A_1543 = tpu.vector_load_idx %arg16[%add3A_1542] : memref<256xf32, #tpu.memory_space<vmem>>[vector<16xi32>], vector<16xf32>,
    %add3A_1544 = arith.addf %add3A_1539, %gather3A_1543 : vector<16xf32>
    %add3A_1545 = arith.constant 12 : i32
    %add3A_1546 = vector.broadcast %add3A_1545 : i32 to vector<16xi32>
    %add3A_1547 = arith.addi %mul3A_8, %add3A_1546 : vector<16xi32>
    %gather3A_1548 = tpu.vector_load_idx %arg16[%add3A_1547] : memref<256xf32, #tpu.memory_space<vmem>>[vector<16xi32>], vector<16xf32>,
    %add3A_1549 = arith.addf %add3A_1544, %gather3A_1548 : vector<16xf32>
    %add3A_1550 = arith.constant 13 : i32
    %add3A_1551 = vector.broadcast %add3A_1550 : i32 to vector<16xi32>
    %add3A_1552 = arith.addi %mul3A_8, %add3A_1551 : vector<16xi32>
    %gather3A_1553 = tpu.vector_load_idx %arg16[%add3A_1552] : memref<256xf32, #tpu.memory_space<vmem>>[vector<16xi32>], vector<16xf32>,
    %add3A_1554 = arith.addf %add3A_1549, %gather3A_1553 : vector<16xf32>
    %add3A_1555 = arith.constant 14 : i32
    %add3A_1556 = vector.broadcast %add3A_1555 : i32 to vector<16xi32>
    %add3A_1557 = arith.addi %mul3A_8, %add3A_1556 : vector<16xi32>
    %gather3A_1558 = tpu.vector_load_idx %arg16[%add3A_1557] : memref<256xf32, #tpu.memory_space<vmem>>[vector<16xi32>], vector<16xf32>,
    %add3A_1559 = arith.addf %add3A_1554, %gather3A_1558 : vector<16xf32>
    %add3A_1560 = arith.constant 15 : i32
    %add3A_1561 = vector.broadcast %add3A_1560 : i32 to vector<16xi32>
    %add3A_1562 = arith.addi %mul3A_8, %add3A_1561 : vector<16xi32>
    %gather3A_1563 = tpu.vector_load_idx %arg16[%add3A_1562] : memref<256xf32, #tpu.memory_space<vmem>>[vector<16xi32>], vector<16xf32>,
    %add3A_1564 = arith.addf %add3A_1559, %gather3A_1563 : vector<16xf32>
    %swap3A_1565 = arith.index_cast %multiple_of3A_182 : i32 to index
    %swap3A_1566 = tpu.vector_load %arg20[%swap3A_1565] {strides = array<i32>} : memref<512xf32, #tpu.memory_space<vmem>>, vector<16xf32>,
    tpu.vector_store %arg20[%swap3A_1565], %add3A_1564 {strides = array<i32>} : memref<512xf32, #tpu.memory_space<vmem>>, vector<16xf32>,
    "tpu.region"() ({
      %run_scoped3A = tpu.sem_alloc : memref<!tpu.dma_semaphore, #tpu.memory_space<semaphore_mem>>
      %dma_start3A_1567 = tpu.memref_slice %arg9[%mul3A_2] : memref<16384xf32, #tpu.memory_space<hbm>> -> memref<512xf32, #tpu.memory_space<hbm>>
      %dma_start3A_1568 = tpu.memref_slice %arg9[%mul3A_2] : memref<16384xf32, #tpu.memory_space<hbm>> -> memref<512xf32, #tpu.memory_space<hbm>>
      tpu.enqueue_dma source(%arg20 : memref<512xf32, #tpu.memory_space<vmem>>) target(%dma_start3A_1568 : memref<512xf32, #tpu.memory_space<hbm>>) target_semaphore(%run_scoped3A : memref<!tpu.dma_semaphore, #tpu.memory_space<semaphore_mem>>)
      %dma_wait3A_1569 = tpu.memref_slice %arg9[%mul3A_2] : memref<16384xf32, #tpu.memory_space<hbm>> -> memref<512xf32, #tpu.memory_space<hbm>>
      %dma_wait3A_1570 = tpu.memref_slice %arg9[%mul3A_2] : memref<16384xf32, #tpu.memory_space<hbm>> -> memref<512xf32, #tpu.memory_space<hbm>>
      tpu.wait_dma2 semaphore(%run_scoped3A : memref<!tpu.dma_semaphore, #tpu.memory_space<semaphore_mem>>) src(%arg20 : memref<512xf32, #tpu.memory_space<vmem>>) dst(%dma_wait3A_1570 : memref<512xf32, #tpu.memory_space<hbm>>)
      tpu.yield
    }) : () -> ()
    return
  }
}

</mosaic_0001>

<sc_bundles>
// kernel: _mf_call.3.cloned.1.call-start
scs
__scs_entry_jumppad:
0x0: {  	(pc) =	sbr.rel $0x88, $3  }
0x1: {  	(tag) =	ssettag $0x0;
	lr =	simm.s32 $0x1  }
0x2: {  	[smem:$0x3F9A] =	sst lr;
	_ =	strace $0xD0000000  }
0x3: {  	_ = 	snop  }
0x4: {  	_ = 	snop  }
0x5: {  	_ = 	snop  }
0x6: {  	_ = 	snop  }
0x7: {  	_ = 	snop  }
__scs_overlays_trampoline_lowered:
0x8: {  	[smem:$0x3FA9] =	sst s0  }
0x9: {  	[smem:$0x3FAA] =	sst s1  }
0xa: {  	[smem:$0x3FAB] =	sst s2  }
0xb: {  	[smem:$0x3FAC] =	sst s3  }
0xc: {  	[smem:$0x3FAD] =	sst s4  }
0xd: {  	[smem:$0x3FAE] =	sst s5  }
0xe: {  	[smem:$0x3FAF] =	sst s6  }
0xf: {  	[smem:$0x3FB0] =	sst s7  }
0x10: {  	[smem:$0x3FB1] =	sst s8  }
0x11: {  	[smem:$0x3FB2] =	sst s9;
	s0 =	simm.s32 @!p0 $0x0  }
0x12: {  	s1 =	sld [smem:$0x3F98];
	s0 =	simm.s32 @p0 $0x1  }
0x13: {  	[smem:$0x3FB3] =	sst s0;
	s0 =	simm.s32 @!p1 $0x0  }
0x14: {  	s2 =	sld [smem:$0x3F97];
	s0 =	simm.s32 @p1 $0x1  }
0x15: {  	[smem:$0x3FB4] =	sst s0;
	s0 =	simm.s32 @!p2 $0x0  }
0x16: {  	s3 =	sld [smem:$0x3FDB];
	s0 =	simm.s32 @p2 $0x1  }
0x17: {  	s4 =	simm.s32 $0x1BF5;
	[smem:$0x3FB6] =	sst s0  }
0x18: {  	s0 =	sld [smem:$0x3F99];
	_ =	swait.ge [sflag:s4], $0x0  }
0x19: {  	s7 =	sld [smem:$0x3F9A]  }
0x1a: {  	s8 =	sadd.s32 $0xFFFFE003, lr  }
0x1b: {  	s9 =	sadd.s32 $0xFFFFFEF7, lr;
	s5 =	simm.s32 $0xFFFFFFFF;
	p2 =	slt.u32 s8, $0xFFFFF086  }
0x1c: {  	p1 =	slt.u32 s9, $0xF7A;
	s5 =	simm.s32 @!p2 $0x0  }
0x1d: {  	s5 =	simm.s32 @p1 $0x1;
	p0 =	seq.s32 s7, s2  }
0x1e: {  	s7 =	smul.u32 @!p0 $0xF7A, s2;
	p2 =	seq.s32 @!p0 s5, $0x0  }
0x1f: {  	s9 =	smul.u32 $0xF7A, s1;
	s8 =	simm.s32 @!p0 $0x1BF5;
	p2 =	por !p2, p0  }
0x20: {  	[sflag:s8] =	ssyncset.s32 @!p0 $0xFFFFF086;
	s6 =	sadd.s32 @!p0 s3, s7;
	s7 =	simm.s32 @!p0 $0x108  }
0x21: {  	s3 =	sadd.s32 s3, s9;
	s6 =	sadd.s32 @!p0 $0x88, s6;
	s7 =	simm.s32 @p2 $0x1082  }
0x22: {  	[simem:s7], [sflag:s8] =	dma.local @!p0 [hbm:s6], $0xF7A  }
0x23: {  	s9 =	sor.u32 $0xD0000000, s2;
	s6 =	simm.s32 $0x108;
	_ =	swait.ge @!p0 [sflag:s8], $0x0  }
0x24: {  	s3 =	sadd.s32 $0x88, s3;
	s6 =	simm.s32 @!p1 $0x1082;
	[sflag:s4] =	ssyncset.s32 $0xFFFFF086  }
0x25: {  	[simem:s6], [sflag:s4] =	dma.local [hbm:s3], $0xF7A  }
0x26: {  	[smem:$0x3F9A] =	sst s1;
	(tag) =	ssettag s2;
	_ =	strace s9  }
0x27: {  	s1 =	sld [smem:$0x3FAA]  }
0x28: {  	s2 =	sld [smem:$0x3FAB]  }
0x29: {  	s4 =	sld [smem:$0x3FAD]  }
0x2a: {  	p0 =	seq.s32 s5, $0x0;
	s5 =	sld [smem:$0x3FAE]  }
0x2b: {  	s6 =	sld [smem:$0x3FAF]  }
0x2c: {  	s7 =	sld [smem:$0x3FB0]  }
0x2d: {  	s3 =	simm.s32 $0x108;
	s8 =	sld [smem:$0x3FB1]  }
0x2e: {  	s3 =	simm.s32 @!p0 $0x1082;
	s9 =	sld [smem:$0x3FB2]  }
0x2f: {  	lr =	sadd.s32 s0, s3;
	s0 =	sld [smem:$0x3FA9]  }
0x30: {  	s3 =	sld [smem:$0x3FAC]  }
0x31: {  	[smem:$0x3FB5] =	sst s10  }
0x32: {  	s10 =	sld [smem:$0x3FB3];
	_ =	sdelay $0x3  }
0x33: {  	p0 =	seq.s32 s10, $0x1;
	s10 =	sld [smem:$0x3FB5];
	_ =	sdelay $0x3  }
0x34: {  	[smem:$0x3FB5] =	sst s10  }
0x35: {  	s10 =	sld [smem:$0x3FB4];
	_ =	sdelay $0x3  }
0x36: {  	p1 =	seq.s32 s10, $0x1;
	s10 =	sld [smem:$0x3FB5];
	_ =	sdelay $0x3  }
0x37: {  	[smem:$0x3FB5] =	sst s10  }
0x38: {  	s10 =	sld [smem:$0x3FB6]  }
0x39: {  	_ = 	snop;
	(pc) =	sbr.ind lr, $3  }
0x3a: {  	_ = 	snop  }
0x3b: {  	_ = 	snop  }
0x3c: {  	p2 =	seq.s32 s10, $0x1;
	s10 =	sld [smem:$0x3FB5]  }
0x3d: {  	_ =	shalt  }
0x3e: {  	_ =	shalt  }
0x3f: {  	_ =	shalt  }
0x40: {  	_ =	shalt  }
0x41: {  	_ =	shalt  }
0x42: {  	_ =	shalt  }
0x43: {  	_ =	shalt  }
0x44: {  	_ =	shalt  }
0x45: {  	_ =	shalt  }
0x46: {  	_ =	shalt  }
0x47: {  	_ =	shalt  }
0x48: {  	_ =	shalt  }
0x49: {  	_ =	shalt  }
0x4a: {  	_ =	shalt  }
0x4b: {  	_ =	shalt  }
0x4c: {  	_ =	shalt  }
0x4d: {  	_ =	shalt  }
0x4e: {  	_ =	shalt  }
0x4f: {  	_ =	shalt  }
0x50: {  	_ =	shalt  }
0x51: {  	_ =	shalt  }
0x52: {  	_ =	shalt  }
0x53: {  	_ =	shalt  }
0x54: {  	_ =	shalt  }
0x55: {  	_ =	shalt  }
0x56: {  	_ =	shalt  }
0x57: {  	_ =	shalt  }
0x58: {  	_ =	shalt  }
0x59: {  	_ =	shalt  }
0x5a: {  	_ =	shalt  }
0x5b: {  	_ =	shalt  }
0x5c: {  	_ =	shalt  }
0x5d: {  	_ =	shalt  }
0x5e: {  	_ =	shalt  }
0x5f: {  	_ =	shalt  }
0x60: {  	_ =	shalt  }
0x61: {  	_ =	shalt  }
0x62: {  	_ =	shalt  }
0x63: {  	_ =	shalt  }
0x64: {  	_ =	shalt  }
0x65: {  	_ =	shalt  }
0x66: {  	_ =	shalt  }
0x67: {  	_ =	shalt  }
0x68: {  	_ =	shalt  }
0x69: {  	_ =	shalt  }
0x6a: {  	_ =	shalt  }
0x6b: {  	_ =	shalt  }
0x6c: {  	_ =	shalt  }
0x6d: {  	_ =	shalt  }
0x6e: {  	_ =	shalt  }
0x6f: {  	_ =	shalt  }
0x70: {  	_ =	shalt  }
0x71: {  	_ =	shalt  }
0x72: {  	_ =	shalt  }
0x73: {  	_ =	shalt  }
0x74: {  	_ =	shalt  }
0x75: {  	_ =	shalt  }
0x76: {  	_ =	shalt  }
0x77: {  	_ =	shalt  }
0x78: {  	_ =	shalt  }
0x79: {  	_ =	shalt  }
0x7a: {  	_ =	shalt  }
0x7b: {  	_ =	shalt  }
0x7c: {  	_ =	shalt  }
0x7d: {  	_ =	shalt  }
0x7e: {  	_ =	shalt  }
0x7f: {  	_ =	shalt  }
0x80: {  	_ =	shalt  }
0x81: {  	_ =	shalt  }
0x82: {  	_ =	shalt  }
0x83: {  	_ =	shalt  }
0x84: {  	_ =	shalt  }
0x85: {  	_ =	shalt  }
0x86: {  	_ =	shalt  }
0x87: {  	_ =	shalt  }
.Lfunc_end0:
.L_simem_size_0:
called_computation_lowered:
.L_overlay_start_0:
0x88: {  	s2 =	sld [smem:$0x3FD9]  }
0x89: {  	s3 =	sld [smem:$0x3FFE];
	_ =	sdelay $0x1  }
0x8a: {  	s1 =	srdreg.scid  }
0x8b: {  	s0 =	sand.u32 $0x1, s1  }
0x8c: {  	s18 =	sshll.u32 s0, $0xA;
	s2 =	sadd.s32 s3, s2  }
0x8d: {  	s2 =	sadd.s32 s2, s18  }
0x8e: {  	[smem:$0x3FC1] =	sst s2  }
0x8f: {  	_ = 	snop  }
0x90: {  	s2 =	sld [smem:$0x3FC9]  }
0x91: {  	s19 =	sld [smem:$0x3FC8]  }
0x92: {  	s4 =	sld [smem:$0x3FC7]  }
0x93: {  	s5 =	sld [smem:$0x3FC6]  }
0x94: {  	s6 =	sld [smem:$0x3FC5]  }
0x95: {  	s7 =	sld [smem:$0x3FC4]  }
0x96: {  	s8 =	sld [smem:$0x3FC3]  }
0x97: {  	s9 =	sld [smem:$0x3FD0];
	(tm) =	ssettm $0x1  }
0x98: {  	s10 =	sld [smem:$0x3FFB];
	_ =	sdelay $0x3  }
0x99: {  	_ =	strace s10  }
0x9a: {  	s10 =	sld [smem:$0x3FFC];
	_ =	sdelay $0x3  }
0x9b: {  	_ =	strace s10  }
0x9c: {  	s10 =	sld [smem:$0x3FFD];
	_ =	sdelay $0x3  }
0x9d: {  	_ =	strace s10  }
0x9e: {  	_ =	strace $0x8FFFFFFF  }
0x9f: {  	s20 =	sld [smem:$0x3FDB];
	_ =	sdelay $0x1  }
0xa0: {  	s11 =	simm.s32 $_scs_section_size  }
0xa1: {  	s12 =	simm.s32 $_size__tile_overlayer_lowered;
	s13 =	simm.s32 $_tile_overlayer_lowered  }
0xa2: {  	s23 =	simm.s32 $0x1BFF;
	s22 =	sshll.u32 s13, $0x1;
	s10 =	sadd.s32 s11, s20  }
0xa3: {  	s14 =	simm.s32 $0x0;
	s21 =	sshll.u32 s12, $0x1;
	s12 =	sadd.s32 s22, s10  }
0xa4: {  	[timem:s14], [sflag:s23] =	dma.local [hbm:s12], s21  }
0xa5: {  	_ =	swait.ge [sflag:s23], s21  }
0xa6: {  	s11 =	ssub.s32 $0x0, s21;
	[sflag:s23] =	ssyncset.done $0x0  }
0xa7: {  	[sflag:s23] =	ssyncadd.s32 s11;
	_ =	sdelay $0x1  }
0xa8: {  	s24 =	simm.s32 $0x1B8B  }
0xa9: {  	_ =	swait.ge [sflag:s24], $0x1  }
0xaa: {  	[sflag:s24] =	ssyncset.done $0x0  }
0xab: {  	s25 =	simm.s32 $0x1B8E;
	[sflag:s24] =	ssyncadd.s32 $0xFFFFFFFF  }
0xac: {  	s26 =	simm.s32 $execute0_lowered;
	[smem:$0x3FD2] =	sst s25  }
0xad: {  	s11 =	sshll.u32 s26, $0x1;
	_ =	strace $0x80000046;
	[dreg:$0x1] =	wrdreg $0xFFFFFFFF  }
0xae: {  	s28 =	simm.s32 $_size_execute0_lowered;
	s10 =	sadd.s32 s10, s11;
	[dreg:$0x0] =	wrdreg $0x0  }
0xaf: {  	s11 =	sshll.u32 s28, $0x1;
	[dreg:$0x2] =	wrdreg s10  }
0xb0: {  	[dreg:$0x3] =	wrdreg s11  }
0xb1: {  	[dreg:$0x4] =	wrdreg $0xC0  }
0xb2: {  	_ =	task [dreg:s14], $0x5FFFF  }
0xb3: {  	[dreg:$0x1] =	wrdreg $0xFFFFFFFF  }
0xb4: {  	[dreg:$0x0] =	wrdreg $0x60  }
0xb5: {  	[dreg:$0x2] =	wrdreg s2  }
0xb6: {  	[dreg:$0x3] =	wrdreg s19  }
0xb7: {  	[dreg:$0x4] =	wrdreg s4  }
0xb8: {  	[dreg:$0x5] =	wrdreg s5  }
0xb9: {  	[dreg:$0x6] =	wrdreg s6  }
0xba: {  	[dreg:$0x7] =	wrdreg s7  }
0xbb: {  	[dreg:$0x8] =	wrdreg s8  }
0xbc: {  	[dreg:$0x9] =	wrdreg s9  }
0xbd: {  	[dreg:$0xa] =	wrdreg $0x9  }
0xbe: {  	_ =	task.clear_ibuf [dreg:s14], $0xBFFFF;
	_ =	strace $0x90000046  }
0xbf: {  	s29 =	simm.s32 $0x9;
	_ =	strace $0x80000048  }
0xc0: {  	_ =	swait.ge [sflag:s29], $0x1  }
0xc1: {  	[sflag:s29] =	ssyncadd.s32 $0xFFFFFFFF  }
0xc2: {  	_ =	strace $0x90000048  }
0xc3: {  	_ =	sfence  }
0xc4: {  	s30 =	sld [smem:$0x0];
	_ =	sdelay $0x2  }
0xc5: {  	s31 =	sshll.u32 s1, $0xD;
	s1 =	sshrl.u32 s1, $0x2  }
0xc6: {  	s3 =	sand.u32 $0x4000, s31;
	s1 =	sadd.s32 s1, s30  }
0xc7: {  	s0 =	sor.u32 s3, s0;
	s1 =	sshll.u32 s1, $0x11  }
0xc8: {  	s0 =	sor.u32 s1, s0  }
0xc9: {  	s0 =	sadd.s32 $0x8F2B, s0  }
0xca: {  	[sflag:s0] =	ssyncadd.remote.s32 $0x1  }
0xcb: {  	_ =	sfence.sel $0xFFFF  }
0xcc: {  	[dreg:$0x0] =	wrdreg $0xFFFFFFFF;
	(pc) =	sbr.abs _section_cstart, $3  }
0xcd: {  	[dreg:$0x1] =	wrdreg $0xFFFFFFFF  }
0xce: {  	_ =	task.clear_ibuf [dreg:s14], $0x2FFFF;
	_ =	strace $0x9FFFFFFF  }
0xcf: {  	(tm) =	ssettm $0x7FFFFFFF  }
tec
execute0_lowered:
.L_overlay_start_1:
0x0: {  	(tag) =	ssettag $0x1  }
0x1: {  	s0 =	rddreg [dreg:$0x0]  }
0x2: {  	s2 =	rddreg [dreg:$0x1]  }
0x3: {  	s4 =	rddreg [dreg:$0x7]  }
0x4: {  	s10 =	simm.s32 $0x0;
	s5 =	srdreg.scid;
	s7 =	stileid.u32  }
0x5: {  	v5 =	vlaneseq.u32;
	s17 =	simm.s32 $0x7A1400;
	s18 =	simm.s32 $0x400;
	s19 =	simm.s32 $0x8400  }
0x6: {  	s21 =	simm.s32 $0x9400;
	s24 =	simm.s32 $0x2400;
	s31 =	simm.s32 $0xB400;
	v0 =	vmul.u32 $0x80, v5  }
0x7: {  	s29 =	simm.s32 $0x4400;
	s30 =	simm.s32 $0xC400;
	s14 =	simm.s32 $0x1  }
0x8: {  	s15 =	simm.s32 $0x3;
	s16 =	simm.s32 $0x2;
	s5 =	sand.u32 $0x1, s5;
	v5 =	vmul.u32 $0x10, v5;
	v1 =	vor.u32 $0x800, v0  }
0x9: {  	s7 =	sshll.u32 s7, $0x7;
	s6 =	ssub.s32 $0x2, s5;
	s5 =	sshll.u32 s5, $0x6;
	v2 =	vor.u32 $0x1000, v0;
	v3 =	vor.u32 $0x1800, v0;
	v4 =	vor.u32 $0x2000, v0  }
0xa: {  	s1 =	simm.s32 $0x0;
	[smem:$0x7FF] =	sst s10;
	s5 =	sor.u32 s5, s7;
	v6 =	vor.u32 $0x2800, v0;
	v7 =	vor.u32 $0x3000, v0;
	v8 =	vor.u32 $0x3800, v0  }
0xb: {  	_ =	strace $0x80000047;
	s8 =	sshrl.u32 s6, $0x1;
	v9 =	vor.u32 $0x1, v5;
	v10 =	vor.u32 $0x2, v5;
	v11 =	vor.u32 $0x3, v5;
	s0 =	sadd.s32 s0, s5  }
0xc: {  	v12 =	vor.u32 $0x4, v5;
	v13 =	vor.u32 $0x5, v5;
	v14 =	vor.u32 $0x6, v5;
	s6 =	ssub.s32 s6, s8;
	s25 =	sadd.s32 s2, s5;
	[dreg:$0x9] =	wrdreg s0  }
0xd: {  	v15 =	vor.u32 $0x7, v5;
	v16 =	vor.u32 $0x8, v5;
	v17 =	vor.u32 $0x9, v5;
	s26 =	sadd.s32 s4, s5;
	s2 =	simm.s32 $0x7;
	[dreg:$0xa] =	wrdreg s25  }
0xe: {  	v18 =	vor.u32 $0xA, v5;
	v19 =	vor.u32 $0xB, v5;
	v20 =	vor.u32 $0xC, v5;
	s8 =	simm.s32 $0x4;
	[dreg:$0xb] =	wrdreg s26;
	s28 =	smax.u32 s6, $0x1  }
0xf: {  	v21 =	vor.u32 $0xD, v5;
	v22 =	vor.u32 $0xE, v5;
	v23 =	vor.u32 $0xF, v5;
	s25 =	simm.s32 $0xA400;
	s6 =	simm.s32 $0x3400;
	[dreg:$0xc] =	wrdreg s28  }
.LBB2_1:
0x10: {  	[dreg:$0xd] =	wrdreg s1  }
0x11: {  	s0 =	rddreg [dreg:$0x9]  }
0x12: {  	[tilespmem:s10], [sflag:$0x7] =	stream.linear.gather [hbm4b:s0+s10], $0x200, $0x38;
	[tilespmem:$0x10B80] =	vst v63  }
0x13: {  	_ =	swait.ge [sflag:s2], $0x200  }
0x14: {  	[sflag:s2] =	ssyncset.done $0x0  }
0x15: {  	s4 =	simm.s32 $0x200;
	s26 =	rddreg [dreg:$0xa];
	[sflag:s2] =	ssyncadd.s32 $0xFFFFFE00  }
0x16: {  	[tilespmem:s4], [sflag:$0x7] =	stream.linear.gather [hbm4b:s26+s10], $0x200, $0x38;
	[tilespmem:$0x10B80] =	vst v63  }
0x17: {  	_ =	swait.ge [sflag:s2], $0x200  }
0x18: {  	[sflag:s2] =	ssyncset.done $0x0  }
0x19: {  	[sflag:s2] =	ssyncadd.s32 $0xFFFFFE00  }
0x1a: {  	s5 =	simm.s32 $0x10500;
	s28 =	rddreg [dreg:$0x3]  }
0x1b: {  	[tilespmem:s5], [sflag:$0x5] =	stream.indirect.gather [hbm4b:s28+s4], $0x1, s10, s4, $0xb8;
	[tilespmem:$0x10B80] =	vst v63  }
0x1c: {  	s3 =	simm.s32 $0x10700;
	s1 =	rddreg [dreg:$0x5]  }
0x1d: {  	[tilespmem:s3], [sflag:$0x6] =	stream.indirect.gather [hbm4b:s1+s4], $0x1, s4, s4, $0xb8;
	[tilespmem:$0x10B80] =	vst v63  }
0x1e: {  	s9 =	simm.s32 $0x10900;
	s7 =	rddreg [dreg:$0x6]  }
0x1f: {  	[tilespmem:s9], [sflag:$0x7] =	stream.linear.gather [hbm4b:s7+s10], $0x80, $0x38;
	[tilespmem:$0x10B80] =	vst v63  }
0x20: {  	_ =	swait.ge [sflag:s2], $0x80  }
0x21: {  	[sflag:s2] =	ssyncset.done $0x0  }
0x22: {  	[sflag:s2] =	ssyncadd.s32 $0xFFFFFF80  }
0x23: {  	v24 =	vld [tilespmem:$0x0];
	_ =	sdelay $0x3  }
0x24: {  	v25 =	vld [tilespmem:$0x200]  }
0x25: {  	(v2sf) =	vpush v24, $0x0;
	_ =	sdelay $0x3  }
0x26: {  	(v2sf) =	vpush v25, $0x0;
	_ =	sdelay $0x2  }
0x27: {  	(v2sf) =	vpush v24, $0x1;
	_ =	sdelay $0x2  }
0x28: {  	(v2sf) =	vpush v25, $0x1;
	_ =	sdelay $0x4  }
0x29: {  	s10 =	spop (v2sf);
	(v2sf) =	vpush v24, $0x2;
	_ =	sdelay $0x2  }
0x2a: {  	s11 =	rddreg [dreg:$0x2];
	s0 =	sand.u32 $0xFFFFF80, s10  }
0x2b: {  	s12 =	spop (v2sf);
	(v2sf) =	vpush v25, $0x2;
	s0 =	sadd.s32 s11, s0  }
0x2c: {  	[tilespmem:s18], [sflag:$0x1] =	stream.strided.gather [hbm4b:s0+s18], $0x1000, s17, s18, $0x38;
	[tilespmem:$0x10B80] =	vst v63  }
0x2d: {  	s3 =	rddreg [dreg:$0x4];
	s0 =	sand.u32 $0xFFFFF80, s12  }
0x2e: {  	s13 =	spop (v2sf);
	s0 =	sadd.s32 s3, s0  }
0x2f: {  	(v2sf) =	vpush v24, $0x3;
	[tilespmem:s19], [sflag:$0x3] =	stream.strided.gather [hbm4b:s0+s18], $0x1000, s17, s18, $0x38;
	[tilespmem:$0x10B80] =	vst v63  }
0x30: {  	s0 =	sand.u32 $0xFFFFF80, s13  }
0x31: {  	s20 =	simm.s32 $0x1400;
	s22 =	spop (v2sf);
	(v2sf) =	vpush v25, $0x3;
	s0 =	sadd.s32 s11, s0  }
0x32: {  	[tilespmem:s20], [sflag:$0x1] =	stream.strided.gather [hbm4b:s0+s18], $0x1000, s17, s18, $0x38;
	[tilespmem:$0x10B80] =	vst v63  }
0x33: {  	s0 =	sand.u32 $0xFFFFF80, s22  }
0x34: {  	s0 =	sadd.s32 s3, s0  }
0x35: {  	[tilespmem:s21], [sflag:$0x3] =	stream.strided.gather [hbm4b:s0+s18], $0x1000, s17, s18, $0x38;
	[tilespmem:$0x10B80] =	vst v63  }
0x36: {  	s23 =	spop (v2sf)  }
0x37: {  	s0 =	sand.u32 $0xFFFFF80, s23  }
0x38: {  	s0 =	sadd.s32 s11, s0  }
0x39: {  	[tilespmem:s24], [sflag:$0x1] =	stream.strided.gather [hbm4b:s0+s18], $0x1000, s17, s18, $0x38;
	[tilespmem:$0x10B80] =	vst v63  }
0x3a: {  	s24 =	spop (v2sf)  }
0x3b: {  	s0 =	sand.u32 $0xFFFFF80, s24  }
0x3c: {  	s0 =	sadd.s32 s3, s0  }
0x3d: {  	[tilespmem:s25], [sflag:$0x3] =	stream.strided.gather [hbm4b:s0+s18], $0x1000, s17, s18, $0x38;
	[tilespmem:$0x10B80] =	vst v63  }
0x3e: {  	s25 =	spop (v2sf)  }
0x3f: {  	s0 =	sand.u32 $0xFFFFF80, s25  }
0x40: {  	s26 =	spop (v2sf);
	s0 =	sadd.s32 s11, s0  }
0x41: {  	[tilespmem:s6], [sflag:$0x1] =	stream.strided.gather [hbm4b:s0+s18], $0x1000, s17, s18, $0x38;
	[tilespmem:$0x10B80] =	vst v63  }
0x42: {  	s0 =	sand.u32 $0xFFFFF80, s26  }
0x43: {  	s28 =	simm.s32 $0x5;
	s0 =	sadd.s32 s3, s0  }
0x44: {  	[tilespmem:s31], [sflag:$0x3] =	stream.strided.gather [hbm4b:s0+s18], $0x1000, s17, s18, $0x38;
	[tilespmem:$0x10B80] =	vst v63  }
0x45: {  	_ =	swait.ge [sflag:s28], $0x200  }
0x46: {  	[sflag:s28] =	ssyncset.done $0x0  }
0x47: {  	s31 =	simm.s32 $0x6;
	[sflag:s28] =	ssyncadd.s32 $0xFFFFFE00  }
0x48: {  	_ =	swait.ge [sflag:s31], $0x200  }
0x49: {  	[sflag:s31] =	ssyncset.done $0x0  }
0x4a: {  	[sflag:s31] =	ssyncadd.s32 $0xFFFFFE00  }
0x4b: {  	s5 =	simm.s32 $0xF400;
	s11 =	simm.s32 $0x0;
	v24 =	vld [tilespmem:$0x10900]  }
.LBB2_2:
0x4c: {  	s13 =	sshra.s32 s11, $0x2  }
0x4d: {  	v26 =	vld [tilespmem:s13+$0x0];
	_ =	sdelay $0x2  }
0x4e: {  	v25 =	vld [tilespmem:s13+$0x200];
	_ =	sdelay $0x1  }
0x4f: {  	(v2sf) =	vpush v26, $0x4;
	_ =	sdelay $0x2  }
0x50: {  	(v2sf) =	vpush v25, $0x4  }
0x51: {  	(v2sf) =	vpush v26, $0x5;
	_ =	sdelay $0x1  }
0x52: {  	(v2sf) =	vpush v25, $0x5;
	_ =	sdelay $0x3  }
0x53: {  	(v2sf) =	vpush v26, $0x6;
	_ =	sdelay $0x4  }
0x54: {  	s23 =	spop (v2sf);
	(v2sf) =	vpush v25, $0x6;
	_ =	sdelay $0x1  }
0x55: {  	s3 =	rddreg [dreg:$0x2]  }
0x56: {  	s9 =	rddreg [dreg:$0x4];
	s0 =	sand.u32 $0xFFFFF80, s23;
	s22 =	spop (v2sf)  }
0x57: {  	(v2sf) =	vpush v26, $0x7;
	s0 =	sadd.s32 s3, s0;
	s6 =	sand.u32 $0xFFFFF80, s22;
	s20 =	spop (v2sf)  }
0x58: {  	(v2sf) =	vpush v25, $0x7;
	[tilespmem:s29], [sflag:$0x2] =	stream.strided.gather [hbm4b:s0+s18], $0x1000, s17, s18, $0x38;
	[tilespmem:$0x10B80] =	vst v63  }
0x59: {  	s0 =	sadd.s32 s9, s6;
	s7 =	sand.u32 $0xFFFFF80, s20;
	s10 =	spop (v2sf)  }
0x5a: {  	[tilespmem:s30], [sflag:$0x4] =	stream.strided.gather [hbm4b:s0+s18], $0x1000, s17, s18, $0x38;
	[tilespmem:$0x10B80] =	vst v63  }
0x5b: {  	s1 =	simm.s32 $0x5400;
	s12 =	sand.u32 $0xFFFFF80, s10;
	s0 =	sadd.s32 s3, s7  }
0x5c: {  	[tilespmem:s1], [sflag:$0x2] =	stream.strided.gather [hbm4b:s0+s18], $0x1000, s17, s18, $0x38;
	[tilespmem:$0x10B80] =	vst v63  }
0x5d: {  	s0 =	sadd.s32 s9, s12;
	s12 =	spop (v2sf)  }
0x5e: {  	s21 =	simm.s32 $0xD400;
	s24 =	sand.u32 $0xFFFFF80, s12  }
0x5f: {  	[tilespmem:s21], [sflag:$0x4] =	stream.strided.gather [hbm4b:s0+s18], $0x1000, s17, s18, $0x38;
	[tilespmem:$0x10B80] =	vst v63  }
0x60: {  	s25 =	simm.s32 $0x6400;
	s0 =	sadd.s32 s3, s24  }
0x61: {  	[tilespmem:s25], [sflag:$0x2] =	stream.strided.gather [hbm4b:s0+s18], $0x1000, s17, s18, $0x38;
	[tilespmem:$0x10B80] =	vst v63  }
0x62: {  	s7 =	spop (v2sf)  }
0x63: {  	s26 =	sand.u32 $0xFFFFF80, s7  }
0x64: {  	s28 =	simm.s32 $0xE400;
	s0 =	sadd.s32 s9, s26  }
0x65: {  	[tilespmem:s28], [sflag:$0x4] =	stream.strided.gather [hbm4b:s0+s18], $0x1000, s17, s18, $0x38;
	[tilespmem:$0x10B80] =	vst v63  }
0x66: {  	s28 =	spop (v2sf)  }
0x67: {  	s1 =	sand.u32 $0xFFFFF80, s28;
	s26 =	spop (v2sf)  }
0x68: {  	s2 =	simm.s32 $0x7400;
	s0 =	sadd.s32 s3, s1;
	s4 =	sand.u32 $0xFFFFF80, s26  }
0x69: {  	[tilespmem:s2], [sflag:$0x2] =	stream.strided.gather [hbm4b:s0+s18], $0x1000, s17, s18, $0x38;
	[tilespmem:$0x10B80] =	vst v63  }
0x6a: {  	s0 =	sadd.s32 s9, s4  }
0x6b: {  	[tilespmem:s5], [sflag:$0x4] =	stream.strided.gather [hbm4b:s0+s18], $0x1000, s17, s18, $0x38;
	[tilespmem:$0x10B80] =	vst v63  }
0x6c: {  	_ =	swait.ge [sflag:s14], $0x1000  }
0x6d: {  	[sflag:s14] =	ssyncset.done $0x0  }
0x6e: {  	[sflag:s14] =	ssyncadd.s32 $0xFFFFF000  }
0x6f: {  	_ =	swait.ge [sflag:s15], $0x1000  }
0x70: {  	[sflag:s15] =	ssyncset.done $0x0  }
0x71: {  	[sflag:s15] =	ssyncadd.s32 $0xFFFFF000  }
0x72: {  	_ =	swait.ge [sflag:s14], $0x1000  }
0x73: {  	[sflag:s14] =	ssyncset.done $0x0  }
0x74: {  	[sflag:s14] =	ssyncadd.s32 $0xFFFFF000  }
0x75: {  	_ =	swait.ge [sflag:s15], $0x1000  }
0x76: {  	[sflag:s15] =	ssyncset.done $0x0  }
0x77: {  	[sflag:s15] =	ssyncadd.s32 $0xFFFFF000  }
0x78: {  	_ =	swait.ge [sflag:s14], $0x1000  }
0x79: {  	[sflag:s14] =	ssyncset.done $0x0  }
0x7a: {  	[sflag:s14] =	ssyncadd.s32 $0xFFFFF000  }
0x7b: {  	_ =	swait.ge [sflag:s15], $0x1000  }
0x7c: {  	[sflag:s15] =	ssyncset.done $0x0  }
0x7d: {  	[sflag:s15] =	ssyncadd.s32 $0xFFFFF000  }
0x7e: {  	_ =	swait.ge [sflag:s14], $0x1000  }
0x7f: {  	[sflag:s14] =	ssyncset.done $0x0  }
0x80: {  	[sflag:s14] =	ssyncadd.s32 $0xFFFFF000  }
0x81: {  	_ =	swait.ge [sflag:s15], $0x1000  }
0x82: {  	(v2sf) =	vpush v26, $0x0;
	_ =	sdelay $0x1  }
0x83: {  	(v2sf) =	vpush v25, $0x0;
	_ =	sdelay $0xa  }
0x84: {  	(v2sf) =	vpush v26, $0x1;
	_ =	sdelay $0x1  }
0x85: {  	s6 =	spop (v2sf);
	(v2sf) =	vpush v25, $0x1  }
0x86: {  	s0 =	sand.u32 $0x7F, s6  }
0x87: {  	s2 =	spop (v2sf);
	v27 =	vor.u32 s0, v0  }
0x88: {  	s2 =	sand.u32 $0x7F, s2;
	v28 =	vor.u32 s0, v1  }
0x89: {  	v29 =	vor.u32 s2, v0  }
0x8a: {  	[sflag:s15] =	ssyncset.done $0x0;
	v30 =	vor.u32 s2, v1  }
0x8b: {  	[sflag:s15] =	ssyncadd.s32 $0xFFFFF000  }
0x8c: {  	v27 =	vld.idx.msk [tilespmem:v27+s18+$0x0], $0xffff  }
0x8d: {  	v28 =	vld.idx.msk [tilespmem:v28+s18+$0x0], $0xffff  }
0x8e: {  	v29 =	vld.idx.msk [tilespmem:v29+s19+$0x0], $0xffff  }
0x8f: {  	v30 =	vld.idx.msk [tilespmem:v30+s19+$0x0], $0xffff  }
0x90: {  	(v2sf) =	vpush v26, $0x2;
	_ =	sdelay $0x1  }
0x91: {  	s21 =	spop (v2sf);
	(v2sf) =	vpush v25, $0x2  }
0x92: {  	s0 =	sand.u32 $0x7F, s21  }
0x93: {  	v57 =	vor.u32 s0, v2;
	v27 =	vmul.f32 v29, v27;
	v28 =	vmul.f32 v30, v28;
	s24 =	spop (v2sf)  }
0x94: {  	v58 =	vor.u32 s0, v3;
	s2 =	sand.u32 $0x7F, s24  }
0x95: {  	v27 =	vadd.f32 v28, v27;
	v59 =	vor.u32 s2, v2  }
0x96: {  	v31 =	vor.u32 s2, v3  }
0x97: {  	[tilespmem:$0x10400] =	vst v27  }
0x98: {  	v27 =	vld.idx.msk [tilespmem:v57+s18+$0x0], $0xffff  }
0x99: {  	v60 =	vld.idx.msk [tilespmem:v58+s18+$0x0], $0xffff  }
0x9a: {  	v28 =	vld.idx.msk [tilespmem:v59+s19+$0x0], $0xffff  }
0x9b: {  	v61 =	vld.idx.msk [tilespmem:v31+s19+$0x0], $0xffff  }
0x9c: {  	(v2sf) =	vpush v26, $0x3;
	_ =	sdelay $0x1  }
0x9d: {  	s25 =	spop (v2sf);
	(v2sf) =	vpush v25, $0x3  }
0x9e: {  	s0 =	sand.u32 $0x7F, s25  }
0x9f: {  	s1 =	spop (v2sf);
	v63 =	vor.u32 s0, v4;
	v27 =	vmul.f32 v28, v27;
	v62 =	vmul.f32 v61, v60  }
0xa0: {  	s2 =	sand.u32 $0x7F, s1;
	v33 =	vor.u32 s0, v6  }
0xa1: {  	v34 =	vor.u32 s2, v4;
	v27 =	vadd.f32 v62, v27  }
0xa2: {  	v35 =	vor.u32 s2, v6  }
0xa3: {  	[tilespmem:$0x10410] =	vst v27  }
0xa4: {  	v27 =	vld.idx.msk [tilespmem:v63+s18+$0x0], $0xffff  }
0xa5: {  	v36 =	vld.idx.msk [tilespmem:v33+s18+$0x0], $0xffff  }
0xa6: {  	(v2sf) =	vpush v26, $0x8;
	v28 =	vld.idx.msk [tilespmem:v34+s19+$0x0], $0xffff  }
0xa7: {  	v37 =	vld.idx.msk [tilespmem:v35+s19+$0x0], $0xffff;
	_ =	sdelay $0x2  }
0xa8: {  	s4 =	spop (v2sf)  }
0xa9: {  	(v2sf) =	vpush v25, $0x8;
	s0 =	sand.u32 $0x7F, s4  }
0xaa: {  	s5 =	spop (v2sf);
	v39 =	vor.u32 s0, v7;
	v27 =	vmul.f32 v28, v27;
	v38 =	vmul.f32 v37, v36  }
0xab: {  	s2 =	sand.u32 $0x7F, s5;
	v40 =	vor.u32 s0, v8  }
0xac: {  	(v2sf) =	vpush v26, $0x9;
	v41 =	vor.u32 s2, v7;
	v27 =	vadd.f32 v38, v27  }
0xad: {  	v42 =	vor.u32 s2, v8  }
0xae: {  	[tilespmem:$0x10420] =	vst v27  }
0xaf: {  	v27 =	vld.idx.msk [tilespmem:v39+s18+$0x0], $0xffff  }
0xb0: {  	(v2sf) =	vpush v25, $0x9;
	v43 =	vld.idx.msk [tilespmem:v40+s18+$0x0], $0xffff  }
0xb1: {  	(v2sf) =	vpush v26, $0xA;
	v28 =	vld.idx.msk [tilespmem:v41+s19+$0x0], $0xffff  }
0xb2: {  	v44 =	vld.idx.msk [tilespmem:v42+s19+$0x0], $0xffff  }
0xb3: {  	s4 =	spop (v2sf);
	(v2sf) =	vpush v25, $0xA;
	_ =	sdelay $0x3  }
0xb4: {  	v27 =	vmul.f32 v28, v27;
	v45 =	vmul.f32 v44, v43;
	_ =	sdelay $0x1  }
0xb5: {  	s2 =	spop (v2sf);
	(v2sf) =	vpush v26, $0xB;
	v27 =	vadd.f32 v45, v27  }
0xb6: {  	s6 =	sand.u32 $0xFFFFF80, s4  }
0xb7: {  	s0 =	sadd.s32 s3, s6;
	s21 =	sand.u32 $0xFFFFF80, s2;
	s6 =	spop (v2sf);
	(v2sf) =	vpush v25, $0xB;
	[tilespmem:$0x10430] =	vst v27  }
0xb8: {  	[tilespmem:s18], [sflag:$0x1] =	stream.strided.gather [hbm4b:s0+s18], $0x1000, s17, s18, $0x38;
	[tilespmem:$0x10B80] =	vst v63  }
0xb9: {  	s24 =	simm.s32 $0x1400;
	s0 =	sadd.s32 s9, s21  }
0xba: {  	[tilespmem:s19], [sflag:$0x3] =	stream.strided.gather [hbm4b:s0+s18], $0x1000, s17, s18, $0x38;
	[tilespmem:$0x10B80] =	vst v63  }
0xbb: {  	s1 =	simm.s32 $0x9400;
	s21 =	sand.u32 $0xFFFFF80, s6;
	s0 =	spop (v2sf)  }
0xbc: {  	s21 =	sadd.s32 s3, s21;
	s25 =	sand.u32 $0xFFFFF80, s0;
	s31 =	spop (v2sf)  }
0xbd: {  	[tilespmem:s24], [sflag:$0x1] =	stream.strided.gather [hbm4b:s21+s18], $0x1000, s17, s18, $0x38;
	[tilespmem:$0x10B80] =	vst v63  }
0xbe: {  	s21 =	sadd.s32 s9, s25;
	s5 =	sand.u32 $0xFFFFF80, s31;
	s25 =	spop (v2sf)  }
0xbf: {  	[tilespmem:s1], [sflag:$0x3] =	stream.strided.gather [hbm4b:s21+s18], $0x1000, s17, s18, $0x38;
	[tilespmem:$0x10B80] =	vst v63  }
0xc0: {  	s24 =	simm.s32 $0x2400;
	s21 =	sadd.s32 s3, s5;
	s5 =	sand.u32 $0xFFFFF80, s25  }
0xc1: {  	[tilespmem:s24], [sflag:$0x1] =	stream.strided.gather [hbm4b:s21+s18], $0x1000, s17, s18, $0x38;
	[tilespmem:$0x10B80] =	vst v63  }
0xc2: {  	s21 =	sadd.s32 s9, s5;
	s24 =	simm.s32 $0xA400  }
0xc3: {  	[tilespmem:s24], [sflag:$0x3] =	stream.strided.gather [hbm4b:s21+s18], $0x1000, s17, s18, $0x38;
	[tilespmem:$0x10B80] =	vst v63  }
0xc4: {  	s24 =	spop (v2sf)  }
0xc5: {  	s1 =	sand.u32 $0xFFFFF80, s24  }
0xc6: {  	s21 =	spop (v2sf);
	s5 =	sadd.s32 s3, s1;
	s1 =	simm.s32 $0x3400  }
0xc7: {  	[tilespmem:s1], [sflag:$0x1] =	stream.strided.gather [hbm4b:s5+s18], $0x1000, s17, s18, $0x38;
	[tilespmem:$0x10B80] =	vst v63  }
0xc8: {  	s1 =	sand.u32 $0xFFFFF80, s21  }
0xc9: {  	s5 =	sadd.s32 s9, s1;
	s1 =	simm.s32 $0xB400  }
0xca: {  	[tilespmem:s1], [sflag:$0x3] =	stream.strided.gather [hbm4b:s5+s18], $0x1000, s17, s18, $0x38;
	[tilespmem:$0x10B80] =	vst v63  }
0xcb: {  	_ =	swait.ge [sflag:s16], $0x1000  }
0xcc: {  	[sflag:s16] =	ssyncset.done $0x0  }
0xcd: {  	[sflag:s16] =	ssyncadd.s32 $0xFFFFF000  }
0xce: {  	_ =	swait.ge [sflag:s8], $0x1000  }
0xcf: {  	[sflag:s8] =	ssyncset.done $0x0  }
0xd0: {  	[sflag:s8] =	ssyncadd.s32 $0xFFFFF000  }
0xd1: {  	_ =	swait.ge [sflag:s16], $0x1000  }
0xd2: {  	[sflag:s16] =	ssyncset.done $0x0  }
0xd3: {  	[sflag:s16] =	ssyncadd.s32 $0xFFFFF000  }
0xd4: {  	_ =	swait.ge [sflag:s8], $0x1000  }
0xd5: {  	[sflag:s8] =	ssyncset.done $0x0  }
0xd6: {  	[sflag:s8] =	ssyncadd.s32 $0xFFFFF000  }
0xd7: {  	_ =	swait.ge [sflag:s16], $0x1000  }
0xd8: {  	[sflag:s16] =	ssyncset.done $0x0  }
0xd9: {  	[sflag:s16] =	ssyncadd.s32 $0xFFFFF000  }
0xda: {  	_ =	swait.ge [sflag:s8], $0x1000  }
0xdb: {  	[sflag:s8] =	ssyncset.done $0x0  }
0xdc: {  	[sflag:s8] =	ssyncadd.s32 $0xFFFFF000  }
0xdd: {  	s1 =	sand.u32 $0x7F, s23;
	_ =	swait.ge [sflag:s16], $0x1000  }
0xde: {  	v27 =	vor.u32 s1, v0;
	[sflag:s16] =	ssyncset.done $0x0  }
0xdf: {  	s22 =	sand.u32 $0x7F, s22;
	v46 =	vor.u32 s1, v1;
	[sflag:s16] =	ssyncadd.s32 $0xFFFFF000  }
0xe0: {  	v47 =	vor.u32 s22, v0;
	_ =	swait.ge [sflag:s8], $0x1000  }
0xe1: {  	v48 =	vor.u32 s22, v1;
	[sflag:s8] =	ssyncset.done $0x0  }
0xe2: {  	[sflag:s8] =	ssyncadd.s32 $0xFFFFF000  }
0xe3: {  	v27 =	vld.idx.msk [tilespmem:v27+s29+$0x0], $0xffff  }
0xe4: {  	v28 =	vld.idx.msk [tilespmem:v46+s29+$0x0], $0xffff  }
0xe5: {  	v29 =	vld.idx.msk [tilespmem:v47+s30+$0x0], $0xffff  }
0xe6: {  	v30 =	vld.idx.msk [tilespmem:v48+s30+$0x0], $0xffff;
	_ =	sdelay $0x3  }
0xe7: {  	s20 =	sand.u32 $0x7F, s20  }
0xe8: {  	v49 =	vor.u32 s20, v2;
	v27 =	vmul.f32 v29, v27;
	v28 =	vmul.f32 v30, v28  }
0xe9: {  	s10 =	sand.u32 $0x7F, s10;
	v50 =	vor.u32 s20, v3  }
0xea: {  	v51 =	vor.u32 s10, v2;
	v27 =	vadd.f32 v28, v27  }
0xeb: {  	v52 =	vor.u32 s10, v3  }
0xec: {  	[tilespmem:$0x10440] =	vst v27  }
0xed: {  	v27 =	vld.idx.msk [tilespmem:v49+s29+$0x0], $0xffff  }
0xee: {  	v53 =	vld.idx.msk [tilespmem:v50+s29+$0x0], $0xffff  }
0xef: {  	v28 =	vld.idx.msk [tilespmem:v51+s30+$0x0], $0xffff  }
0xf0: {  	v54 =	vld.idx.msk [tilespmem:v52+s30+$0x0], $0xffff;
	_ =	sdelay $0x3  }
0xf1: {  	s22 =	sand.u32 $0x7F, s12  }
0xf2: {  	v56 =	vor.u32 s22, v4;
	v27 =	vmul.f32 v28, v27;
	v55 =	vmul.f32 v54, v53  }
0xf3: {  	s7 =	sand.u32 $0x7F, s7;
	v57 =	vor.u32 s22, v6  }
0xf4: {  	v58 =	vor.u32 s7, v4;
	v27 =	vadd.f32 v55, v27  }
0xf5: {  	v59 =	vor.u32 s7, v6  }
0xf6: {  	[tilespmem:$0x10450] =	vst v27  }
0xf7: {  	v27 =	vld.idx.msk [tilespmem:v56+s29+$0x0], $0xffff  }
0xf8: {  	v60 =	vld.idx.msk [tilespmem:v57+s29+$0x0], $0xffff  }
0xf9: {  	(v2sf) =	vpush v26, $0xC;
	v28 =	vld.idx.msk [tilespmem:v58+s30+$0x0], $0xffff  }
0xfa: {  	v61 =	vld.idx.msk [tilespmem:v59+s30+$0x0], $0xffff;
	_ =	sdelay $0x2  }
0xfb: {  	s23 =	sand.u32 $0x7F, s28  }
0xfc: {  	v63 =	vor.u32 s23, v7  }
0xfd: {  	(v2sf) =	vpush v25, $0xC;
	v27 =	vmul.f32 v28, v27;
	v62 =	vmul.f32 v61, v60  }
0xfe: {  	s28 =	sand.u32 $0x7F, s26;
	v33 =	vor.u32 s23, v8  }
0xff: {  	v34 =	vor.u32 s28, v7;
	(v2sf) =	vpush v26, $0xD;
	v27 =	vadd.f32 v62, v27  }
0x100: {  	v35 =	vor.u32 s28, v8  }
0x101: {  	(v2sf) =	vpush v25, $0xD;
	[tilespmem:$0x10460] =	vst v27  }
0x102: {  	v27 =	vld.idx.msk [tilespmem:v63+s29+$0x0], $0xffff  }
0x103: {  	v36 =	vld.idx.msk [tilespmem:v33+s29+$0x0], $0xffff  }
0x104: {  	v28 =	vld.idx.msk [tilespmem:v34+s30+$0x0], $0xffff  }
0x105: {  	(v2sf) =	vpush v26, $0xE;
	v37 =	vld.idx.msk [tilespmem:v35+s30+$0x0], $0xffff  }
0x106: {  	s28 =	spop (v2sf);
	(v2sf) =	vpush v25, $0xE;
	_ =	sdelay $0x3  }
0x107: {  	v27 =	vmul.f32 v28, v27;
	v38 =	vmul.f32 v37, v36;
	_ =	sdelay $0x1  }
0x108: {  	s26 =	spop (v2sf);
	(v2sf) =	vpush v26, $0xF;
	v27 =	vadd.f32 v38, v27  }
0x109: {  	s1 =	sand.u32 $0xFFFFF80, s28  }
0x10a: {  	s5 =	sadd.s32 s3, s1;
	s7 =	sand.u32 $0xFFFFF80, s26;
	s23 =	spop (v2sf);
	(v2sf) =	vpush v25, $0xF;
	[tilespmem:$0x10470] =	vst v27  }
0x10b: {  	[tilespmem:s29], [sflag:$0x2] =	stream.strided.gather [hbm4b:s5+s18], $0x1000, s17, s18, $0x38;
	[tilespmem:$0x10B80] =	vst v63  }
0x10c: {  	s10 =	sand.u32 $0xFFFFF80, s23;
	s22 =	spop (v2sf);
	s5 =	sadd.s32 s9, s7  }
0x10d: {  	[tilespmem:s30], [sflag:$0x4] =	stream.strided.gather [hbm4b:s5+s18], $0x1000, s17, s18, $0x38;
	[tilespmem:$0x10B80] =	vst v63  }
0x10e: {  	s12 =	simm.s32 $0x5400;
	s20 =	sand.u32 $0xFFFFF80, s22;
	s5 =	sadd.s32 s3, s10  }
0x10f: {  	[tilespmem:s12], [sflag:$0x2] =	stream.strided.gather [hbm4b:s5+s18], $0x1000, s17, s18, $0x38;
	[tilespmem:$0x10B80] =	vst v63  }
0x110: {  	s5 =	sadd.s32 s9, s20;
	s20 =	spop (v2sf)  }
0x111: {  	s1 =	simm.s32 $0xD400;
	s10 =	sand.u32 $0xFFFFF80, s20;
	s12 =	spop (v2sf)  }
0x112: {  	[tilespmem:s1], [sflag:$0x4] =	stream.strided.gather [hbm4b:s5+s18], $0x1000, s17, s18, $0x38;
	[tilespmem:$0x10B80] =	vst v63  }
0x113: {  	s5 =	sadd.s32 s3, s10;
	s1 =	simm.s32 $0x6400;
	s7 =	sand.u32 $0xFFFFF80, s12  }
0x114: {  	[tilespmem:s1], [sflag:$0x2] =	stream.strided.gather [hbm4b:s5+s18], $0x1000, s17, s18, $0x38;
	[tilespmem:$0x10B80] =	vst v63  }
0x115: {  	s10 =	simm.s32 $0xE400;
	s5 =	sadd.s32 s9, s7  }
0x116: {  	[tilespmem:s10], [sflag:$0x4] =	stream.strided.gather [hbm4b:s5+s18], $0x1000, s17, s18, $0x38;
	[tilespmem:$0x10B80] =	vst v63  }
0x117: {  	s10 =	spop (v2sf)  }
0x118: {  	s1 =	sand.u32 $0xFFFFF80, s10  }
0x119: {  	s7 =	spop (v2sf);
	s5 =	sadd.s32 s3, s1;
	s1 =	simm.s32 $0x7400  }
0x11a: {  	[tilespmem:s1], [sflag:$0x2] =	stream.strided.gather [hbm4b:s5+s18], $0x1000, s17, s18, $0x38;
	[tilespmem:$0x10B80] =	vst v63  }
0x11b: {  	s1 =	sand.u32 $0xFFFFF80, s7  }
0x11c: {  	s5 =	sadd.s32 s9, s1;
	s1 =	simm.s32 $0xF400  }
0x11d: {  	[tilespmem:s1], [sflag:$0x4] =	stream.strided.gather [hbm4b:s5+s18], $0x1000, s17, s18, $0x38;
	[tilespmem:$0x10B80] =	vst v63  }
0x11e: {  	_ =	swait.ge [sflag:s14], $0x1000  }
0x11f: {  	[sflag:s14] =	ssyncset.done $0x0  }
0x120: {  	[sflag:s14] =	ssyncadd.s32 $0xFFFFF000  }
0x121: {  	_ =	swait.ge [sflag:s15], $0x1000  }
0x122: {  	[sflag:s15] =	ssyncset.done $0x0  }
0x123: {  	[sflag:s15] =	ssyncadd.s32 $0xFFFFF000  }
0x124: {  	_ =	swait.ge [sflag:s14], $0x1000  }
0x125: {  	[sflag:s14] =	ssyncset.done $0x0  }
0x126: {  	[sflag:s14] =	ssyncadd.s32 $0xFFFFF000  }
0x127: {  	_ =	swait.ge [sflag:s15], $0x1000  }
0x128: {  	[sflag:s15] =	ssyncset.done $0x0  }
0x129: {  	[sflag:s15] =	ssyncadd.s32 $0xFFFFF000  }
0x12a: {  	_ =	swait.ge [sflag:s14], $0x1000  }
0x12b: {  	[sflag:s14] =	ssyncset.done $0x0  }
0x12c: {  	[sflag:s14] =	ssyncadd.s32 $0xFFFFF000  }
0x12d: {  	_ =	swait.ge [sflag:s15], $0x1000  }
0x12e: {  	[sflag:s15] =	ssyncset.done $0x0  }
0x12f: {  	[sflag:s15] =	ssyncadd.s32 $0xFFFFF000  }
0x130: {  	s4 =	sand.u32 $0x7F, s4;
	_ =	swait.ge [sflag:s14], $0x1000  }
0x131: {  	v25 =	vor.u32 s4, v0;
	[sflag:s14] =	ssyncset.done $0x0  }
0x132: {  	s2 =	sand.u32 $0x7F, s2;
	v26 =	vor.u32 s4, v1;
	[sflag:s14] =	ssyncadd.s32 $0xFFFFF000  }
0x133: {  	v27 =	vor.u32 s2, v0;
	_ =	swait.ge [sflag:s15], $0x1000  }
0x134: {  	v39 =	vor.u32 s2, v1;
	[sflag:s15] =	ssyncset.done $0x0  }
0x135: {  	[sflag:s15] =	ssyncadd.s32 $0xFFFFF000  }
0x136: {  	v25 =	vld.idx.msk [tilespmem:v25+s18+$0x0], $0xffff  }
0x137: {  	v26 =	vld.idx.msk [tilespmem:v26+s18+$0x0], $0xffff  }
0x138: {  	v27 =	vld.idx.msk [tilespmem:v27+s19+$0x0], $0xffff  }
0x139: {  	v28 =	vld.idx.msk [tilespmem:v39+s19+$0x0], $0xffff;
	_ =	sdelay $0x3  }
0x13a: {  	s1 =	sand.u32 $0x7F, s6  }
0x13b: {  	v25 =	vmul.f32 v27, v25;
	v26 =	vmul.f32 v28, v26;
	v27 =	vor.u32 s1, v2  }
0x13c: {  	s0 =	sand.u32 $0x7F, s0;
	v40 =	vor.u32 s1, v3  }
0x13d: {  	v41 =	vor.u32 s0, v3;
	v25 =	vadd.f32 v26, v25  }
0x13e: {  	v26 =	vor.u32 s0, v2  }
0x13f: {  	[tilespmem:$0x10480] =	vst v25  }
0x140: {  	v25 =	vld.idx.msk [tilespmem:v27+s18+$0x0], $0xffff  }
0x141: {  	v27 =	vld.idx.msk [tilespmem:v40+s18+$0x0], $0xffff  }
0x142: {  	v42 =	vld.idx.msk [tilespmem:v41+s19+$0x0], $0xffff  }
0x143: {  	v26 =	vld.idx.msk [tilespmem:v26+s19+$0x0], $0xffff;
	_ =	sdelay $0x3  }
0x144: {  	s4 =	sand.u32 $0x7F, s31  }
0x145: {  	v25 =	vmul.f32 v26, v25;
	v26 =	vmul.f32 v42, v27;
	v27 =	vor.u32 s4, v4  }
0x146: {  	v43 =	vor.u32 s4, v6;
	s6 =	sand.u32 $0x7F, s25  }
0x147: {  	v44 =	vor.u32 s6, v6;
	v25 =	vadd.f32 v26, v25  }
0x148: {  	v26 =	vor.u32 s6, v4  }
0x149: {  	[tilespmem:$0x10490] =	vst v25  }
0x14a: {  	v25 =	vld.idx.msk [tilespmem:v27+s18+$0x0], $0xffff  }
0x14b: {  	v27 =	vld.idx.msk [tilespmem:v43+s18+$0x0], $0xffff  }
0x14c: {  	v45 =	vld.idx.msk [tilespmem:v44+s19+$0x0], $0xffff  }
0x14d: {  	v26 =	vld.idx.msk [tilespmem:v26+s19+$0x0], $0xffff;
	_ =	sdelay $0x3  }
0x14e: {  	s25 =	sand.u32 $0x7F, s24  }
0x14f: {  	v25 =	vmul.f32 v26, v25;
	v26 =	vmul.f32 v45, v27;
	v27 =	vor.u32 s25, v7  }
0x150: {  	v46 =	vor.u32 s25, v8;
	s1 =	sand.u32 $0x7F, s21  }
0x151: {  	v47 =	vor.u32 s1, v8;
	v25 =	vadd.f32 v26, v25  }
0x152: {  	v26 =	vor.u32 s1, v7  }
0x153: {  	[tilespmem:$0x104A0] =	vst v25  }
0x154: {  	v25 =	vld.idx.msk [tilespmem:v27+s18+$0x0], $0xffff  }
0x155: {  	v27 =	vld.idx.msk [tilespmem:v46+s18+$0x0], $0xffff  }
0x156: {  	v48 =	vld.idx.msk [tilespmem:v47+s19+$0x0], $0xffff  }
0x157: {  	v26 =	vld.idx.msk [tilespmem:v26+s19+$0x0], $0xffff;
	_ =	sdelay $0x4  }
0x158: {  	v25 =	vmul.f32 v26, v25;
	v26 =	vmul.f32 v48, v27;
	_ =	sdelay $0x1  }
0x159: {  	v25 =	vadd.f32 v26, v25;
	_ =	sdelay $0x1  }
0x15a: {  	[tilespmem:$0x104B0] =	vst v25  }
0x15b: {  	v25 =	vld [tilespmem:s13+$0x10];
	_ =	sdelay $0x1  }
0x15c: {  	v26 =	vld [tilespmem:s13+$0x210];
	_ =	sdelay $0x2  }
0x15d: {  	(v2sf) =	vpush v25, $0x0;
	_ =	sdelay $0x1  }
0x15e: {  	(v2sf) =	vpush v26, $0x0;
	_ =	sdelay $0x1  }
0x15f: {  	(v2sf) =	vpush v25, $0x1;
	_ =	sdelay $0x2  }
0x160: {  	(v2sf) =	vpush v26, $0x1;
	_ =	sdelay $0x7  }
0x161: {  	s2 =	spop (v2sf);
	(v2sf) =	vpush v25, $0x2;
	_ =	sdelay $0x1  }
0x162: {  	s4 =	spop (v2sf);
	(v2sf) =	vpush v26, $0x2  }
0x163: {  	s0 =	sand.u32 $0xFFFFF80, s2  }
0x164: {  	s0 =	sadd.s32 s3, s0;
	s6 =	spop (v2sf)  }
0x165: {  	(v2sf) =	vpush v25, $0x3;
	[tilespmem:s18], [sflag:$0x1] =	stream.strided.gather [hbm4b:s0+s18], $0x1000, s17, s18, $0x38;
	[tilespmem:$0x10B80] =	vst v63  }
0x166: {  	s0 =	sand.u32 $0xFFFFF80, s4  }
0x167: {  	s24 =	spop (v2sf);
	s0 =	sadd.s32 s9, s0  }
0x168: {  	(v2sf) =	vpush v26, $0x3;
	[tilespmem:s19], [sflag:$0x3] =	stream.strided.gather [hbm4b:s0+s18], $0x1000, s17, s18, $0x38;
	[tilespmem:$0x10B80] =	vst v63  }
0x169: {  	s0 =	sand.u32 $0xFFFFF80, s6  }
0x16a: {  	s21 =	simm.s32 $0x1400;
	s0 =	sadd.s32 s3, s0  }
0x16b: {  	[tilespmem:s21], [sflag:$0x1] =	stream.strided.gather [hbm4b:s0+s18], $0x1000, s17, s18, $0x38;
	[tilespmem:$0x10B80] =	vst v63  }
0x16c: {  	s0 =	sand.u32 $0xFFFFF80, s24  }
0x16d: {  	s25 =	simm.s32 $0x9400;
	s0 =	sadd.s32 s9, s0  }
0x16e: {  	[tilespmem:s25], [sflag:$0x3] =	stream.strided.gather [hbm4b:s0+s18], $0x1000, s17, s18, $0x38;
	[tilespmem:$0x10B80] =	vst v63  }
0x16f: {  	s1 =	spop (v2sf)  }
0x170: {  	s0 =	sand.u32 $0xFFFFF80, s1  }
0x171: {  	s2 =	simm.s32 $0x2400;
	s4 =	spop (v2sf);
	s0 =	sadd.s32 s3, s0  }
0x172: {  	[tilespmem:s2], [sflag:$0x1] =	stream.strided.gather [hbm4b:s0+s18], $0x1000, s17, s18, $0x38;
	[tilespmem:$0x10B80] =	vst v63  }
0x173: {  	s0 =	sand.u32 $0xFFFFF80, s4  }
0x174: {  	s6 =	simm.s32 $0xA400;
	s1 =	spop (v2sf);
	s0 =	sadd.s32 s9, s0  }
0x175: {  	[tilespmem:s6], [sflag:$0x3] =	stream.strided.gather [hbm4b:s0+s18], $0x1000, s17, s18, $0x38;
	[tilespmem:$0x10B80] =	vst v63  }
0x176: {  	s0 =	sand.u32 $0xFFFFF80, s1  }
0x177: {  	s2 =	simm.s32 $0x3400;
	s0 =	sadd.s32 s3, s0;
	s3 =	spop (v2sf)  }
0x178: {  	[tilespmem:s2], [sflag:$0x1] =	stream.strided.gather [hbm4b:s0+s18], $0x1000, s17, s18, $0x38;
	[tilespmem:$0x10B80] =	vst v63  }
0x179: {  	s0 =	sand.u32 $0xFFFFF80, s3  }
0x17a: {  	s4 =	simm.s32 $0xB400;
	s0 =	sadd.s32 s9, s0  }
0x17b: {  	[tilespmem:s4], [sflag:$0x3] =	stream.strided.gather [hbm4b:s0+s18], $0x1000, s17, s18, $0x38;
	[tilespmem:$0x10B80] =	vst v63  }
0x17c: {  	_ =	swait.ge [sflag:s16], $0x1000  }
0x17d: {  	[sflag:s16] =	ssyncset.done $0x0  }
0x17e: {  	[sflag:s16] =	ssyncadd.s32 $0xFFFFF000  }
0x17f: {  	_ =	swait.ge [sflag:s8], $0x1000  }
0x180: {  	[sflag:s8] =	ssyncset.done $0x0  }
0x181: {  	[sflag:s8] =	ssyncadd.s32 $0xFFFFF000  }
0x182: {  	_ =	swait.ge [sflag:s16], $0x1000  }
0x183: {  	[sflag:s16] =	ssyncset.done $0x0  }
0x184: {  	[sflag:s16] =	ssyncadd.s32 $0xFFFFF000  }
0x185: {  	_ =	swait.ge [sflag:s8], $0x1000  }
0x186: {  	[sflag:s8] =	ssyncset.done $0x0  }
0x187: {  	[sflag:s8] =	ssyncadd.s32 $0xFFFFF000  }
0x188: {  	_ =	swait.ge [sflag:s16], $0x1000  }
0x189: {  	[sflag:s16] =	ssyncset.done $0x0  }
0x18a: {  	[sflag:s16] =	ssyncadd.s32 $0xFFFFF000  }
0x18b: {  	_ =	swait.ge [sflag:s8], $0x1000  }
0x18c: {  	[sflag:s8] =	ssyncset.done $0x0  }
0x18d: {  	[sflag:s8] =	ssyncadd.s32 $0xFFFFF000  }
0x18e: {  	s1 =	sand.u32 $0x7F, s28;
	_ =	swait.ge [sflag:s16], $0x1000  }
0x18f: {  	v25 =	vor.u32 s1, v0;
	[sflag:s16] =	ssyncset.done $0x0  }
0x190: {  	v26 =	vor.u32 s1, v1;
	s2 =	sand.u32 $0x7F, s26;
	[sflag:s16] =	ssyncadd.s32 $0xFFFFF000  }
0x191: {  	v27 =	vor.u32 s2, v0;
	_ =	swait.ge [sflag:s8], $0x1000  }
0x192: {  	v49 =	vor.u32 s2, v1;
	[sflag:s8] =	ssyncset.done $0x0  }
0x193: {  	[sflag:s8] =	ssyncadd.s32 $0xFFFFF000  }
0x194: {  	v25 =	vld.idx.msk [tilespmem:v25+s29+$0x0], $0xffff  }
0x195: {  	v26 =	vld.idx.msk [tilespmem:v26+s29+$0x0], $0xffff  }
0x196: {  	v27 =	vld.idx.msk [tilespmem:v27+s30+$0x0], $0xffff  }
0x197: {  	v28 =	vld.idx.msk [tilespmem:v49+s30+$0x0], $0xffff;
	_ =	sdelay $0x3  }
0x198: {  	s3 =	sand.u32 $0x7F, s23  }
0x199: {  	v25 =	vmul.f32 v27, v25;
	v26 =	vmul.f32 v28, v26;
	v27 =	vor.u32 s3, v2  }
0x19a: {  	v50 =	vor.u32 s3, v3;
	s4 =	sand.u32 $0x7F, s22  }
0x19b: {  	v51 =	vor.u32 s4, v3;
	v25 =	vadd.f32 v26, v25  }
0x19c: {  	v26 =	vor.u32 s4, v2  }
0x19d: {  	[tilespmem:$0x104C0] =	vst v25  }
0x19e: {  	v25 =	vld.idx.msk [tilespmem:v27+s29+$0x0], $0xffff  }
0x19f: {  	v27 =	vld.idx.msk [tilespmem:v50+s29+$0x0], $0xffff  }
0x1a0: {  	v52 =	vld.idx.msk [tilespmem:v51+s30+$0x0], $0xffff  }
0x1a1: {  	v26 =	vld.idx.msk [tilespmem:v26+s30+$0x0], $0xffff;
	_ =	sdelay $0x3  }
0x1a2: {  	s22 =	sand.u32 $0x7F, s20  }
0x1a3: {  	v25 =	vmul.f32 v26, v25;
	v26 =	vmul.f32 v52, v27;
	v27 =	vor.u32 s22, v4  }
0x1a4: {  	s23 =	sand.u32 $0x7F, s12;
	v53 =	vor.u32 s22, v6  }
0x1a5: {  	v54 =	vor.u32 s23, v6;
	v25 =	vadd.f32 v26, v25  }
0x1a6: {  	v26 =	vor.u32 s23, v4  }
0x1a7: {  	[tilespmem:$0x104D0] =	vst v25  }
0x1a8: {  	v25 =	vld.idx.msk [tilespmem:v27+s29+$0x0], $0xffff  }
0x1a9: {  	v27 =	vld.idx.msk [tilespmem:v53+s29+$0x0], $0xffff  }
0x1aa: {  	v55 =	vld.idx.msk [tilespmem:v54+s30+$0x0], $0xffff  }
0x1ab: {  	v26 =	vld.idx.msk [tilespmem:v26+s30+$0x0], $0xffff;
	_ =	sdelay $0x3  }
0x1ac: {  	s26 =	sand.u32 $0x7F, s10  }
0x1ad: {  	v25 =	vmul.f32 v26, v25;
	v26 =	vmul.f32 v55, v27;
	v27 =	vor.u32 s26, v7  }
0x1ae: {  	s28 =	sand.u32 $0x7F, s7;
	v56 =	vor.u32 s26, v8  }
0x1af: {  	v57 =	vor.u32 s28, v8;
	v25 =	vadd.f32 v26, v25  }
0x1b0: {  	v26 =	vor.u32 s28, v7  }
0x1b1: {  	[tilespmem:$0x104E0] =	vst v25  }
0x1b2: {  	v25 =	vld.idx.msk [tilespmem:v27+s29+$0x0], $0xffff  }
0x1b3: {  	v27 =	vld.idx.msk [tilespmem:v56+s29+$0x0], $0xffff  }
0x1b4: {  	v58 =	vld.idx.msk [tilespmem:v57+s30+$0x0], $0xffff  }
0x1b5: {  	v26 =	vld.idx.msk [tilespmem:v26+s30+$0x0], $0xffff;
	_ =	sdelay $0x4  }
0x1b6: {  	v25 =	vmul.f32 v26, v25;
	v26 =	vmul.f32 v58, v27;
	_ =	sdelay $0x1  }
0x1b7: {  	v25 =	vadd.f32 v26, v25;
	_ =	sdelay $0x1  }
0x1b8: {  	[tilespmem:$0x104F0] =	vst v25  }
0x1b9: {  	v25 =	vld [tilespmem:s13+$0x10500]  }
0x1ba: {  	v26 =	vld [tilespmem:s13+$0x10700];
	_ =	sdelay $0x2  }
0x1bb: {  	s9 =	simm.s32 $0x10400  }
0x1bc: {  	v27 =	vld.idx.msk [tilespmem:v5+s9+$0x0], $0xffff  }
0x1bd: {  	v25 =	vadd.f32 v26, v25  }
0x1be: {  	v26 =	vld.idx.msk [tilespmem:v9+s9+$0x0], $0xffff  }
0x1bf: {  	v25 =	vadd.f32 v25, v24  }
0x1c0: {  	v59 =	vld.idx.msk [tilespmem:v10+s9+$0x0], $0xffff  }
0x1c1: {  	v25 =	vadd.f32 v25, v27  }
0x1c2: {  	v27 =	vld.idx.msk [tilespmem:v11+s9+$0x0], $0xffff  }
0x1c3: {  	v25 =	vadd.f32 v25, v26  }
0x1c4: {  	v26 =	vld.idx.msk [tilespmem:v12+s9+$0x0], $0xffff  }
0x1c5: {  	v25 =	vadd.f32 v25, v59  }
0x1c6: {  	v60 =	vld.idx.msk [tilespmem:v13+s9+$0x0], $0xffff  }
0x1c7: {  	v25 =	vadd.f32 v25, v27  }
0x1c8: {  	v27 =	vld.idx.msk [tilespmem:v14+s9+$0x0], $0xffff  }
0x1c9: {  	v25 =	vadd.f32 v25, v26  }
0x1ca: {  	v26 =	vld.idx.msk [tilespmem:v15+s9+$0x0], $0xffff  }
0x1cb: {  	v25 =	vadd.f32 v25, v60  }
0x1cc: {  	v61 =	vld.idx.msk [tilespmem:v16+s9+$0x0], $0xffff  }
0x1cd: {  	v25 =	vadd.f32 v25, v27  }
0x1ce: {  	v27 =	vld.idx.msk [tilespmem:v17+s9+$0x0], $0xffff  }
0x1cf: {  	v25 =	vadd.f32 v25, v26  }
0x1d0: {  	v26 =	vld.idx.msk [tilespmem:v18+s9+$0x0], $0xffff  }
0x1d1: {  	v25 =	vadd.f32 v25, v61  }
0x1d2: {  	v62 =	vld.idx.msk [tilespmem:v19+s9+$0x0], $0xffff  }
0x1d3: {  	v25 =	vadd.f32 v25, v27  }
0x1d4: {  	v27 =	vld.idx.msk [tilespmem:v20+s9+$0x0], $0xffff  }
0x1d5: {  	v25 =	vadd.f32 v25, v26  }
0x1d6: {  	v26 =	vld.idx.msk [tilespmem:v21+s9+$0x0], $0xffff  }
0x1d7: {  	v25 =	vadd.f32 v25, v62  }
0x1d8: {  	v63 =	vld.idx.msk [tilespmem:v22+s9+$0x0], $0xffff  }
0x1d9: {  	v25 =	vadd.f32 v25, v27  }
0x1da: {  	v27 =	vld.idx.msk [tilespmem:v23+s9+$0x0], $0xffff  }
0x1db: {  	v25 =	vadd.f32 v25, v26  }
0x1dc: {  	p0 =	sne.s32 s11, $0x780  }
.Ltmp0:
0x1dd: {  	v25 =	vadd.f32 v25, v63;
	(pc) =	sbr.rel @p0 .LBB2_2-.Ltmp0, $4  }
0x1de: {  	_ = 	snop  }
0x1df: {  	s11 =	sadd.s32 $0x40, s11;
	v25 =	vadd.f32 v25, v27  }
0x1e0: {  	s31 =	simm.s32 $0xB400;
	s5 =	simm.s32 $0xF400;
	s21 =	simm.s32 $0x9400  }
0x1e1: {  	s24 =	simm.s32 $0x2400;
	s25 =	simm.s32 $0xA400;
	s6 =	simm.s32 $0x3400;
	[tilespmem:s13+$0x10980] =	vst v25  }
0x1e2: {  	v26 =	vld [tilespmem:$0x1F0];
	_ =	sdelay $0x3  }
0x1e3: {  	v25 =	vld [tilespmem:$0x3F0]  }
0x1e4: {  	(v2sf) =	vpush v26, $0x4;
	_ =	sdelay $0x3  }
0x1e5: {  	(v2sf) =	vpush v25, $0x4  }
0x1e6: {  	(v2sf) =	vpush v26, $0x5;
	_ =	sdelay $0x1  }
0x1e7: {  	(v2sf) =	vpush v25, $0x5;
	_ =	sdelay $0x1  }
0x1e8: {  	(v2sf) =	vpush v26, $0x6;
	_ =	sdelay $0x5  }
0x1e9: {  	s23 =	spop (v2sf);
	(v2sf) =	vpush v25, $0x6;
	_ =	sdelay $0x1  }
0x1ea: {  	s1 =	rddreg [dreg:$0x2]  }
0x1eb: {  	s3 =	rddreg [dreg:$0x4]  }
0x1ec: {  	s2 =	simm.s32 $0x5400;
	s0 =	sand.u32 $0xFFFFF80, s23;
	s22 =	spop (v2sf);
	(v2sf) =	vpush v26, $0x7  }
0x1ed: {  	s0 =	sadd.s32 s1, s0;
	s12 =	sand.u32 $0xFFFFF80, s22;
	s20 =	spop (v2sf);
	(v2sf) =	vpush v25, $0x7  }
0x1ee: {  	[tilespmem:s29], [sflag:$0x2] =	stream.strided.gather [hbm4b:s0+s18], $0x1000, s17, s18, $0x38;
	[tilespmem:$0x10B80] =	vst v63  }
0x1ef: {  	s0 =	sadd.s32 s3, s12;
	s13 =	sand.u32 $0xFFFFF80, s20;
	s10 =	spop (v2sf)  }
0x1f0: {  	[tilespmem:s30], [sflag:$0x4] =	stream.strided.gather [hbm4b:s0+s18], $0x1000, s17, s18, $0x38;
	[tilespmem:$0x10B80] =	vst v63  }
0x1f1: {  	s26 =	sand.u32 $0xFFFFF80, s10;
	s12 =	spop (v2sf);
	s0 =	sadd.s32 s1, s13  }
0x1f2: {  	[tilespmem:s2], [sflag:$0x2] =	stream.strided.gather [hbm4b:s0+s18], $0x1000, s17, s18, $0x38;
	[tilespmem:$0x10B80] =	vst v63  }
0x1f3: {  	s28 =	simm.s32 $0xD400;
	s0 =	sadd.s32 s3, s26;
	s2 =	sand.u32 $0xFFFFF80, s12  }
0x1f4: {  	[tilespmem:s28], [sflag:$0x4] =	stream.strided.gather [hbm4b:s0+s18], $0x1000, s17, s18, $0x38;
	[tilespmem:$0x10B80] =	vst v63  }
0x1f5: {  	s4 =	simm.s32 $0x6400;
	s0 =	sadd.s32 s1, s2  }
0x1f6: {  	[tilespmem:s4], [sflag:$0x2] =	stream.strided.gather [hbm4b:s0+s18], $0x1000, s17, s18, $0x38;
	[tilespmem:$0x10B80] =	vst v63  }
0x1f7: {  	s7 =	spop (v2sf)  }
0x1f8: {  	s11 =	sand.u32 $0xFFFFF80, s7  }
0x1f9: {  	s13 =	simm.s32 $0xE400;
	s0 =	sadd.s32 s3, s11  }
0x1fa: {  	[tilespmem:s13], [sflag:$0x4] =	stream.strided.gather [hbm4b:s0+s18], $0x1000, s17, s18, $0x38;
	[tilespmem:$0x10B80] =	vst v63  }
0x1fb: {  	s13 =	spop (v2sf)  }
0x1fc: {  	s26 =	sand.u32 $0xFFFFF80, s13;
	s11 =	spop (v2sf)  }
0x1fd: {  	s28 =	simm.s32 $0x7400;
	s0 =	sadd.s32 s1, s26;
	s4 =	sand.u32 $0xFFFFF80, s11  }
0x1fe: {  	[tilespmem:s28], [sflag:$0x2] =	stream.strided.gather [hbm4b:s0+s18], $0x1000, s17, s18, $0x38;
	[tilespmem:$0x10B80] =	vst v63  }
0x1ff: {  	s0 =	sadd.s32 s3, s4  }
0x200: {  	[tilespmem:s5], [sflag:$0x4] =	stream.strided.gather [hbm4b:s0+s18], $0x1000, s17, s18, $0x38;
	[tilespmem:$0x10B80] =	vst v63  }
0x201: {  	_ =	swait.ge [sflag:s14], $0x1000  }
0x202: {  	[sflag:s14] =	ssyncset.done $0x0  }
0x203: {  	[sflag:s14] =	ssyncadd.s32 $0xFFFFF000  }
0x204: {  	_ =	swait.ge [sflag:s15], $0x1000  }
0x205: {  	[sflag:s15] =	ssyncset.done $0x0  }
0x206: {  	[sflag:s15] =	ssyncadd.s32 $0xFFFFF000  }
0x207: {  	_ =	swait.ge [sflag:s14], $0x1000  }
0x208: {  	[sflag:s14] =	ssyncset.done $0x0  }
0x209: {  	[sflag:s14] =	ssyncadd.s32 $0xFFFFF000  }
0x20a: {  	_ =	swait.ge [sflag:s15], $0x1000  }
0x20b: {  	[sflag:s15] =	ssyncset.done $0x0  }
0x20c: {  	[sflag:s15] =	ssyncadd.s32 $0xFFFFF000  }
0x20d: {  	_ =	swait.ge [sflag:s14], $0x1000  }
0x20e: {  	[sflag:s14] =	ssyncset.done $0x0  }
0x20f: {  	[sflag:s14] =	ssyncadd.s32 $0xFFFFF000  }
0x210: {  	_ =	swait.ge [sflag:s15], $0x1000  }
0x211: {  	[sflag:s15] =	ssyncset.done $0x0  }
0x212: {  	[sflag:s15] =	ssyncadd.s32 $0xFFFFF000  }
0x213: {  	_ =	swait.ge [sflag:s14], $0x1000  }
0x214: {  	[sflag:s14] =	ssyncset.done $0x0  }
0x215: {  	[sflag:s14] =	ssyncadd.s32 $0xFFFFF000  }
0x216: {  	_ =	swait.ge [sflag:s15], $0x1000  }
0x217: {  	(v2sf) =	vpush v26, $0x0;
	_ =	sdelay $0x1  }
0x218: {  	(v2sf) =	vpush v25, $0x0;
	_ =	sdelay $0xa  }
0x219: {  	(v2sf) =	vpush v26, $0x1;
	_ =	sdelay $0x1  }
0x21a: {  	(v2sf) =	vpush v25, $0x1;
	s26 =	spop (v2sf)  }
0x21b: {  	s0 =	sand.u32 $0x7F, s26  }
0x21c: {  	s28 =	spop (v2sf);
	v27 =	vor.u32 s0, v0  }
0x21d: {  	s2 =	sand.u32 $0x7F, s28;
	v28 =	vor.u32 s0, v1  }
0x21e: {  	v29 =	vor.u32 s2, v0  }
0x21f: {  	[sflag:s15] =	ssyncset.done $0x0;
	v30 =	vor.u32 s2, v1  }
0x220: {  	[sflag:s15] =	ssyncadd.s32 $0xFFFFF000  }
0x221: {  	v27 =	vld.idx.msk [tilespmem:v27+s18+$0x0], $0xffff  }
0x222: {  	v28 =	vld.idx.msk [tilespmem:v28+s18+$0x0], $0xffff  }
0x223: {  	v29 =	vld.idx.msk [tilespmem:v29+s19+$0x0], $0xffff  }
0x224: {  	v30 =	vld.idx.msk [tilespmem:v30+s19+$0x0], $0xffff  }
0x225: {  	(v2sf) =	vpush v26, $0x2;
	_ =	sdelay $0x1  }
0x226: {  	s4 =	spop (v2sf);
	(v2sf) =	vpush v25, $0x2  }
0x227: {  	s0 =	sand.u32 $0x7F, s4  }
0x228: {  	s5 =	spop (v2sf);
	v46 =	vor.u32 s0, v2;
	v27 =	vmul.f32 v29, v27;
	v28 =	vmul.f32 v30, v28  }
0x229: {  	s2 =	sand.u32 $0x7F, s5;
	v47 =	vor.u32 s0, v3  }
0x22a: {  	v48 =	vor.u32 s2, v2;
	v27 =	vadd.f32 v28, v27  }
0x22b: {  	v31 =	vor.u32 s2, v3  }
0x22c: {  	[tilespmem:$0x10400] =	vst v27  }
0x22d: {  	v27 =	vld.idx.msk [tilespmem:v46+s18+$0x0], $0xffff  }
0x22e: {  	v49 =	vld.idx.msk [tilespmem:v47+s18+$0x0], $0xffff  }
0x22f: {  	v28 =	vld.idx.msk [tilespmem:v48+s19+$0x0], $0xffff  }
0x230: {  	v50 =	vld.idx.msk [tilespmem:v31+s19+$0x0], $0xffff  }
0x231: {  	(v2sf) =	vpush v26, $0x3;
	_ =	sdelay $0x1  }
0x232: {  	s26 =	spop (v2sf);
	(v2sf) =	vpush v25, $0x3  }
0x233: {  	s0 =	sand.u32 $0x7F, s26  }
0x234: {  	v52 =	vor.u32 s0, v4;
	s28 =	spop (v2sf);
	v27 =	vmul.f32 v28, v27;
	v51 =	vmul.f32 v50, v49  }
0x235: {  	v53 =	vor.u32 s0, v6;
	s2 =	sand.u32 $0x7F, s28  }
0x236: {  	v54 =	vor.u32 s2, v4;
	v27 =	vadd.f32 v51, v27  }
0x237: {  	v55 =	vor.u32 s2, v6  }
0x238: {  	[tilespmem:$0x10410] =	vst v27  }
0x239: {  	v27 =	vld.idx.msk [tilespmem:v52+s18+$0x0], $0xffff  }
0x23a: {  	v56 =	vld.idx.msk [tilespmem:v53+s18+$0x0], $0xffff  }
0x23b: {  	v28 =	vld.idx.msk [tilespmem:v54+s19+$0x0], $0xffff  }
0x23c: {  	v57 =	vld.idx.msk [tilespmem:v55+s19+$0x0], $0xffff;
	_ =	sdelay $0x2  }
0x23d: {  	s2 =	spop (v2sf)  }
0x23e: {  	(v2sf) =	vpush v26, $0x8;
	s0 =	sand.u32 $0x7F, s2  }
0x23f: {  	s4 =	spop (v2sf);
	v59 =	vor.u32 s0, v7;
	v27 =	vmul.f32 v28, v27;
	v58 =	vmul.f32 v57, v56  }
0x240: {  	(v2sf) =	vpush v25, $0x8;
	s2 =	sand.u32 $0x7F, s4;
	v60 =	vor.u32 s0, v8  }
0x241: {  	v61 =	vor.u32 s2, v7;
	v27 =	vadd.f32 v58, v27  }
0x242: {  	v62 =	vor.u32 s2, v8  }
0x243: {  	[tilespmem:$0x10420] =	vst v27  }
0x244: {  	v27 =	vld.idx.msk [tilespmem:v59+s18+$0x0], $0xffff  }
0x245: {  	(v2sf) =	vpush v26, $0x9;
	v63 =	vld.idx.msk [tilespmem:v60+s18+$0x0], $0xffff  }
0x246: {  	v28 =	vld.idx.msk [tilespmem:v61+s19+$0x0], $0xffff  }
0x247: {  	(v2sf) =	vpush v25, $0x9;
	v33 =	vld.idx.msk [tilespmem:v62+s19+$0x0], $0xffff;
	_ =	sdelay $0x2  }
0x248: {  	(v2sf) =	vpush v26, $0xA;
	_ =	sdelay $0x1  }
0x249: {  	(v2sf) =	vpush v25, $0xA;
	v27 =	vmul.f32 v28, v27;
	v34 =	vmul.f32 v33, v63;
	_ =	sdelay $0x1  }
0x24a: {  	s4 =	spop (v2sf);
	v27 =	vadd.f32 v34, v27  }
0x24b: {  	s5 =	sand.u32 $0xFFFFF80, s4;
	s2 =	spop (v2sf);
	(v2sf) =	vpush v26, $0xB  }
0x24c: {  	s0 =	sadd.s32 s1, s5;
	s26 =	sand.u32 $0xFFFFF80, s2;
	[tilespmem:$0x10430] =	vst v27  }
0x24d: {  	[tilespmem:s18], [sflag:$0x1] =	stream.strided.gather [hbm4b:s0+s18], $0x1000, s17, s18, $0x38;
	[tilespmem:$0x10B80] =	vst v63  }
0x24e: {  	s0 =	sadd.s32 s3, s26  }
0x24f: {  	[tilespmem:s19], [sflag:$0x3] =	stream.strided.gather [hbm4b:s0+s18], $0x1000, s17, s18, $0x38;
	[tilespmem:$0x10B80] =	vst v63  }
0x250: {  	s0 =	spop (v2sf);
	(v2sf) =	vpush v25, $0xB  }
0x251: {  	s28 =	sand.u32 $0xFFFFF80, s0  }
0x252: {  	s26 =	spop (v2sf);
	s5 =	sadd.s32 s1, s28;
	s28 =	simm.s32 $0x1400  }
0x253: {  	[tilespmem:s28], [sflag:$0x1] =	stream.strided.gather [hbm4b:s5+s18], $0x1000, s17, s18, $0x38;
	[tilespmem:$0x10B80] =	vst v63  }
0x254: {  	s28 =	sand.u32 $0xFFFFF80, s26  }
0x255: {  	s5 =	sadd.s32 s3, s28;
	s28 =	spop (v2sf)  }
0x256: {  	[tilespmem:s21], [sflag:$0x3] =	stream.strided.gather [hbm4b:s5+s18], $0x1000, s17, s18, $0x38;
	[tilespmem:$0x10B80] =	vst v63  }
0x257: {  	[dreg:$0x11] =	wrdreg s28;
	s5 =	sand.u32 $0xFFFFF80, s28;
	s28 =	spop (v2sf)  }
0x258: {  	[dreg:$0x10] =	wrdreg s28;
	s5 =	sadd.s32 s1, s5;
	s28 =	sand.u32 $0xFFFFF80, s28  }
0x259: {  	[tilespmem:s24], [sflag:$0x1] =	stream.strided.gather [hbm4b:s5+s18], $0x1000, s17, s18, $0x38;
	[tilespmem:$0x10B80] =	vst v63  }
0x25a: {  	s5 =	sadd.s32 s3, s28;
	s28 =	spop (v2sf)  }
0x25b: {  	[tilespmem:s25], [sflag:$0x3] =	stream.strided.gather [hbm4b:s5+s18], $0x1000, s17, s18, $0x38;
	[tilespmem:$0x10B80] =	vst v63  }
0x25c: {  	s5 =	sand.u32 $0xFFFFF80, s28  }
0x25d: {  	s5 =	sadd.s32 s1, s5  }
0x25e: {  	[tilespmem:s6], [sflag:$0x1] =	stream.strided.gather [hbm4b:s5+s18], $0x1000, s17, s18, $0x38;
	[tilespmem:$0x10B80] =	vst v63  }
0x25f: {  	[dreg:$0xf] =	wrdreg s28;
	s28 =	spop (v2sf)  }
0x260: {  	[dreg:$0xe] =	wrdreg s28;
	s28 =	sand.u32 $0xFFFFF80, s28  }
0x261: {  	s5 =	sadd.s32 s3, s28  }
0x262: {  	[tilespmem:s31], [sflag:$0x3] =	stream.strided.gather [hbm4b:s5+s18], $0x1000, s17, s18, $0x38;
	[tilespmem:$0x10B80] =	vst v63  }
0x263: {  	_ =	swait.ge [sflag:s16], $0x1000  }
0x264: {  	[sflag:s16] =	ssyncset.done $0x0  }
0x265: {  	[sflag:s16] =	ssyncadd.s32 $0xFFFFF000  }
0x266: {  	_ =	swait.ge [sflag:s8], $0x1000  }
0x267: {  	[sflag:s8] =	ssyncset.done $0x0  }
0x268: {  	[sflag:s8] =	ssyncadd.s32 $0xFFFFF000  }
0x269: {  	_ =	swait.ge [sflag:s16], $0x1000  }
0x26a: {  	[sflag:s16] =	ssyncset.done $0x0  }
0x26b: {  	[sflag:s16] =	ssyncadd.s32 $0xFFFFF000  }
0x26c: {  	_ =	swait.ge [sflag:s8], $0x1000  }
0x26d: {  	[sflag:s8] =	ssyncset.done $0x0  }
0x26e: {  	[sflag:s8] =	ssyncadd.s32 $0xFFFFF000  }
0x26f: {  	_ =	swait.ge [sflag:s16], $0x1000  }
0x270: {  	[sflag:s16] =	ssyncset.done $0x0  }
0x271: {  	[sflag:s16] =	ssyncadd.s32 $0xFFFFF000  }
0x272: {  	_ =	swait.ge [sflag:s8], $0x1000  }
0x273: {  	[sflag:s8] =	ssyncset.done $0x0  }
0x274: {  	[sflag:s8] =	ssyncadd.s32 $0xFFFFF000  }
0x275: {  	s23 =	sand.u32 $0x7F, s23;
	_ =	swait.ge [sflag:s16], $0x1000  }
0x276: {  	v35 =	vor.u32 s23, v0;
	[sflag:s16] =	ssyncset.done $0x0  }
0x277: {  	s22 =	sand.u32 $0x7F, s22;
	v36 =	vor.u32 s23, v1;
	[sflag:s16] =	ssyncadd.s32 $0xFFFFF000  }
0x278: {  	v37 =	vor.u32 s22, v0;
	_ =	swait.ge [sflag:s8], $0x1000  }
0x279: {  	v38 =	vor.u32 s22, v1;
	[sflag:s8] =	ssyncset.done $0x0  }
0x27a: {  	[sflag:s8] =	ssyncadd.s32 $0xFFFFF000  }
0x27b: {  	v27 =	vld.idx.msk [tilespmem:v35+s29+$0x0], $0xffff  }
0x27c: {  	v28 =	vld.idx.msk [tilespmem:v36+s29+$0x0], $0xffff  }
0x27d: {  	v29 =	vld.idx.msk [tilespmem:v37+s30+$0x0], $0xffff  }
0x27e: {  	v30 =	vld.idx.msk [tilespmem:v38+s30+$0x0], $0xffff;
	_ =	sdelay $0x3  }
0x27f: {  	s28 =	sand.u32 $0x7F, s20  }
0x280: {  	v39 =	vor.u32 s28, v2;
	v27 =	vmul.f32 v29, v27;
	v28 =	vmul.f32 v30, v28  }
0x281: {  	s10 =	sand.u32 $0x7F, s10;
	v40 =	vor.u32 s28, v3  }
0x282: {  	v41 =	vor.u32 s10, v2;
	v27 =	vadd.f32 v28, v27  }
0x283: {  	v42 =	vor.u32 s10, v3  }
0x284: {  	[tilespmem:$0x10440] =	vst v27  }
0x285: {  	v27 =	vld.idx.msk [tilespmem:v39+s29+$0x0], $0xffff  }
0x286: {  	v43 =	vld.idx.msk [tilespmem:v40+s29+$0x0], $0xffff  }
0x287: {  	v28 =	vld.idx.msk [tilespmem:v41+s30+$0x0], $0xffff  }
0x288: {  	v44 =	vld.idx.msk [tilespmem:v42+s30+$0x0], $0xffff;
	_ =	sdelay $0x3  }
0x289: {  	s10 =	sand.u32 $0x7F, s12  }
0x28a: {  	v46 =	vor.u32 s10, v4;
	v27 =	vmul.f32 v28, v27;
	v45 =	vmul.f32 v44, v43  }
0x28b: {  	s7 =	sand.u32 $0x7F, s7;
	v47 =	vor.u32 s10, v6  }
0x28c: {  	v48 =	vor.u32 s7, v4;
	v27 =	vadd.f32 v45, v27  }
0x28d: {  	v49 =	vor.u32 s7, v6  }
0x28e: {  	[tilespmem:$0x10450] =	vst v27  }
0x28f: {  	v27 =	vld.idx.msk [tilespmem:v46+s29+$0x0], $0xffff  }
0x290: {  	v50 =	vld.idx.msk [tilespmem:v47+s29+$0x0], $0xffff  }
0x291: {  	v28 =	vld.idx.msk [tilespmem:v48+s30+$0x0], $0xffff  }
0x292: {  	v51 =	vld.idx.msk [tilespmem:v49+s30+$0x0], $0xffff;
	_ =	sdelay $0x1  }
0x293: {  	(v2sf) =	vpush v26, $0xC;
	_ =	sdelay $0x1  }
0x294: {  	s12 =	sand.u32 $0x7F, s13;
	(v2sf) =	vpush v25, $0xC  }
0x295: {  	v53 =	vor.u32 s12, v7;
	v27 =	vmul.f32 v28, v27;
	v52 =	vmul.f32 v51, v50  }
0x296: {  	s13 =	sand.u32 $0x7F, s11;
	v54 =	vor.u32 s12, v8;
	(v2sf) =	vpush v26, $0xD  }
0x297: {  	v55 =	vor.u32 s13, v7;
	(v2sf) =	vpush v25, $0xD;
	v27 =	vadd.f32 v52, v27  }
0x298: {  	v56 =	vor.u32 s13, v8  }
0x299: {  	[tilespmem:$0x10460] =	vst v27  }
0x29a: {  	v27 =	vld.idx.msk [tilespmem:v53+s29+$0x0], $0xffff  }
0x29b: {  	(v2sf) =	vpush v26, $0xE;
	v57 =	vld.idx.msk [tilespmem:v54+s29+$0x0], $0xffff  }
0x29c: {  	v28 =	vld.idx.msk [tilespmem:v55+s30+$0x0], $0xffff  }
0x29d: {  	(v2sf) =	vpush v25, $0xE;
	v58 =	vld.idx.msk [tilespmem:v56+s30+$0x0], $0xffff;
	_ =	sdelay $0x3  }
0x29e: {  	s23 =	spop (v2sf);
	(v2sf) =	vpush v26, $0xF  }
0x29f: {  	v27 =	vmul.f32 v28, v27;
	v59 =	vmul.f32 v58, v57  }
0x2a0: {  	s22 =	spop (v2sf);
	(v2sf) =	vpush v25, $0xF  }
0x2a1: {  	s20 =	sand.u32 $0xFFFFF80, s23;
	v27 =	vadd.f32 v59, v27  }
0x2a2: {  	s5 =	sadd.s32 s1, s20;
	s20 =	spop (v2sf)  }
0x2a3: {  	s10 =	simm.s32 $0x5400;
	s28 =	sand.u32 $0xFFFFF80, s22;
	s13 =	spop (v2sf);
	[tilespmem:$0x10470] =	vst v27  }
0x2a4: {  	[tilespmem:s29], [sflag:$0x2] =	stream.strided.gather [hbm4b:s5+s18], $0x1000, s17, s18, $0x38;
	[tilespmem:$0x10B80] =	vst v63  }
0x2a5: {  	s7 =	sand.u32 $0xFFFFF80, s20;
	s11 =	sand.u32 $0xFFFFF80, s13;
	s5 =	sadd.s32 s3, s28  }
0x2a6: {  	[tilespmem:s30], [sflag:$0x4] =	stream.strided.gather [hbm4b:s5+s18], $0x1000, s17, s18, $0x38;
	[tilespmem:$0x10B80] =	vst v63  }
0x2a7: {  	s12 =	spop (v2sf);
	s28 =	simm.s32 $0xD400;
	s5 =	sadd.s32 s1, s7  }
0x2a8: {  	[tilespmem:s10], [sflag:$0x2] =	stream.strided.gather [hbm4b:s5+s18], $0x1000, s17, s18, $0x38;
	[tilespmem:$0x10B80] =	vst v63  }
0x2a9: {  	s5 =	sadd.s32 s3, s11;
	s10 =	sand.u32 $0xFFFFF80, s12;
	s11 =	spop (v2sf)  }
0x2aa: {  	[tilespmem:s28], [sflag:$0x4] =	stream.strided.gather [hbm4b:s5+s18], $0x1000, s17, s18, $0x38;
	[tilespmem:$0x10B80] =	vst v63  }
0x2ab: {  	s7 =	sand.u32 $0xFFFFF80, s11;
	s5 =	sadd.s32 s1, s10;
	s28 =	simm.s32 $0x6400  }
0x2ac: {  	[tilespmem:s28], [sflag:$0x2] =	stream.strided.gather [hbm4b:s5+s18], $0x1000, s17, s18, $0x38;
	[tilespmem:$0x10B80] =	vst v63  }
0x2ad: {  	s10 =	spop (v2sf);
	s5 =	sadd.s32 s3, s7;
	s28 =	simm.s32 $0xE400  }
0x2ae: {  	[tilespmem:s28], [sflag:$0x4] =	stream.strided.gather [hbm4b:s5+s18], $0x1000, s17, s18, $0x38;
	[tilespmem:$0x10B80] =	vst v63  }
0x2af: {  	s7 =	spop (v2sf);
	s28 =	sand.u32 $0xFFFFF80, s10  }
0x2b0: {  	s5 =	sadd.s32 s1, s28;
	s28 =	simm.s32 $0x7400;
	s1 =	sand.u32 $0xFFFFF80, s7  }
0x2b1: {  	[tilespmem:s28], [sflag:$0x2] =	stream.strided.gather [hbm4b:s5+s18], $0x1000, s17, s18, $0x38;
	[tilespmem:$0x10B80] =	vst v63  }
0x2b2: {  	s5 =	sadd.s32 s3, s1;
	s3 =	simm.s32 $0xF400  }
0x2b3: {  	[tilespmem:s3], [sflag:$0x4] =	stream.strided.gather [hbm4b:s5+s18], $0x1000, s17, s18, $0x38;
	[tilespmem:$0x10B80] =	vst v63  }
0x2b4: {  	_ =	swait.ge [sflag:s14], $0x1000  }
0x2b5: {  	[sflag:s14] =	ssyncset.done $0x0  }
0x2b6: {  	[sflag:s14] =	ssyncadd.s32 $0xFFFFF000  }
0x2b7: {  	_ =	swait.ge [sflag:s15], $0x1000  }
0x2b8: {  	[sflag:s15] =	ssyncset.done $0x0  }
0x2b9: {  	[sflag:s15] =	ssyncadd.s32 $0xFFFFF000  }
0x2ba: {  	_ =	swait.ge [sflag:s14], $0x1000  }
0x2bb: {  	[sflag:s14] =	ssyncset.done $0x0  }
0x2bc: {  	[sflag:s14] =	ssyncadd.s32 $0xFFFFF000  }
0x2bd: {  	_ =	swait.ge [sflag:s15], $0x1000  }
0x2be: {  	[sflag:s15] =	ssyncset.done $0x0  }
0x2bf: {  	[sflag:s15] =	ssyncadd.s32 $0xFFFFF000  }
0x2c0: {  	_ =	swait.ge [sflag:s14], $0x1000  }
0x2c1: {  	[sflag:s14] =	ssyncset.done $0x0  }
0x2c2: {  	[sflag:s14] =	ssyncadd.s32 $0xFFFFF000  }
0x2c3: {  	_ =	swait.ge [sflag:s15], $0x1000  }
0x2c4: {  	[sflag:s15] =	ssyncset.done $0x0  }
0x2c5: {  	[sflag:s15] =	ssyncadd.s32 $0xFFFFF000  }
0x2c6: {  	s4 =	sand.u32 $0x7F, s4;
	_ =	swait.ge [sflag:s14], $0x1000  }
0x2c7: {  	v60 =	vor.u32 s4, v0;
	[sflag:s14] =	ssyncset.done $0x0  }
0x2c8: {  	s2 =	sand.u32 $0x7F, s2;
	v61 =	vor.u32 s4, v1;
	[sflag:s14] =	ssyncadd.s32 $0xFFFFF000  }
0x2c9: {  	v62 =	vor.u32 s2, v0;
	_ =	swait.ge [sflag:s15], $0x1000  }
0x2ca: {  	v63 =	vor.u32 s2, v1;
	[sflag:s15] =	ssyncset.done $0x0  }
0x2cb: {  	[sflag:s15] =	ssyncadd.s32 $0xFFFFF000  }
0x2cc: {  	v25 =	vld.idx.msk [tilespmem:v60+s18+$0x0], $0xffff  }
0x2cd: {  	v26 =	vld.idx.msk [tilespmem:v61+s18+$0x0], $0xffff  }
0x2ce: {  	v27 =	vld.idx.msk [tilespmem:v62+s19+$0x0], $0xffff  }
0x2cf: {  	v28 =	vld.idx.msk [tilespmem:v63+s19+$0x0], $0xffff;
	_ =	sdelay $0x3  }
0x2d0: {  	s1 =	sand.u32 $0x7F, s0  }
0x2d1: {  	v32 =	vor.u32 s1, v2;
	v25 =	vmul.f32 v27, v25;
	v26 =	vmul.f32 v28, v26  }
0x2d2: {  	v33 =	vor.u32 s1, v3;
	s3 =	sand.u32 $0x7F, s26  }
0x2d3: {  	v34 =	vor.u32 s3, v2;
	v25 =	vadd.f32 v26, v25  }
0x2d4: {  	v35 =	vor.u32 s3, v3  }
0x2d5: {  	[tilespmem:$0x10480] =	vst v25  }
0x2d6: {  	v25 =	vld.idx.msk [tilespmem:v32+s18+$0x0], $0xffff  }
0x2d7: {  	v36 =	vld.idx.msk [tilespmem:v33+s18+$0x0], $0xffff  }
0x2d8: {  	v26 =	vld.idx.msk [tilespmem:v34+s19+$0x0], $0xffff  }
0x2d9: {  	v37 =	vld.idx.msk [tilespmem:v35+s19+$0x0], $0xffff;
	_ =	sdelay $0x2  }
0x2da: {  	s4 =	rddreg [dreg:$0x11]  }
0x2db: {  	s0 =	sand.u32 $0x7F, s4  }
0x2dc: {  	s5 =	rddreg [dreg:$0x10];
	v39 =	vor.u32 s0, v4;
	v25 =	vmul.f32 v26, v25;
	v38 =	vmul.f32 v37, v36  }
0x2dd: {  	v40 =	vor.u32 s0, v6;
	s0 =	sand.u32 $0x7F, s5  }
0x2de: {  	v41 =	vor.u32 s0, v4;
	v25 =	vadd.f32 v38, v25  }
0x2df: {  	v42 =	vor.u32 s0, v6  }
0x2e0: {  	[tilespmem:$0x10490] =	vst v25  }
0x2e1: {  	v25 =	vld.idx.msk [tilespmem:v39+s18+$0x0], $0xffff  }
0x2e2: {  	v43 =	vld.idx.msk [tilespmem:v40+s18+$0x0], $0xffff  }
0x2e3: {  	v26 =	vld.idx.msk [tilespmem:v41+s19+$0x0], $0xffff  }
0x2e4: {  	v44 =	vld.idx.msk [tilespmem:v42+s19+$0x0], $0xffff;
	_ =	sdelay $0x2  }
0x2e5: {  	s26 =	rddreg [dreg:$0xf]  }
0x2e6: {  	s0 =	sand.u32 $0x7F, s26  }
0x2e7: {  	s28 =	rddreg [dreg:$0xe];
	v46 =	vor.u32 s0, v7;
	v25 =	vmul.f32 v26, v25;
	v45 =	vmul.f32 v44, v43  }
0x2e8: {  	v47 =	vor.u32 s0, v8;
	s0 =	sand.u32 $0x7F, s28  }
0x2e9: {  	v48 =	vor.u32 s0, v7;
	v25 =	vadd.f32 v45, v25  }
0x2ea: {  	v49 =	vor.u32 s0, v8  }
0x2eb: {  	[tilespmem:$0x104A0] =	vst v25  }
0x2ec: {  	v25 =	vld.idx.msk [tilespmem:v46+s18+$0x0], $0xffff  }
0x2ed: {  	v50 =	vld.idx.msk [tilespmem:v47+s18+$0x0], $0xffff  }
0x2ee: {  	v26 =	vld.idx.msk [tilespmem:v48+s19+$0x0], $0xffff  }
0x2ef: {  	v51 =	vld.idx.msk [tilespmem:v49+s19+$0x0], $0xffff;
	_ =	sdelay $0x4  }
0x2f0: {  	v25 =	vmul.f32 v26, v25;
	v52 =	vmul.f32 v51, v50;
	_ =	sdelay $0x1  }
0x2f1: {  	v25 =	vadd.f32 v52, v25;
	_ =	sdelay $0x1  }
0x2f2: {  	[tilespmem:$0x104B0] =	vst v25  }
0x2f3: {  	_ =	swait.ge [sflag:s16], $0x1000  }
0x2f4: {  	[sflag:s16] =	ssyncset.done $0x0  }
0x2f5: {  	[sflag:s16] =	ssyncadd.s32 $0xFFFFF000  }
0x2f6: {  	_ =	swait.ge [sflag:s8], $0x1000  }
0x2f7: {  	[sflag:s8] =	ssyncset.done $0x0  }
0x2f8: {  	[sflag:s8] =	ssyncadd.s32 $0xFFFFF000  }
0x2f9: {  	_ =	swait.ge [sflag:s16], $0x1000  }
0x2fa: {  	[sflag:s16] =	ssyncset.done $0x0  }
0x2fb: {  	[sflag:s16] =	ssyncadd.s32 $0xFFFFF000  }
0x2fc: {  	_ =	swait.ge [sflag:s8], $0x1000  }
0x2fd: {  	[sflag:s8] =	ssyncset.done $0x0  }
0x2fe: {  	[sflag:s8] =	ssyncadd.s32 $0xFFFFF000  }
0x2ff: {  	_ =	swait.ge [sflag:s16], $0x1000  }
0x300: {  	[sflag:s16] =	ssyncset.done $0x0  }
0x301: {  	[sflag:s16] =	ssyncadd.s32 $0xFFFFF000  }
0x302: {  	_ =	swait.ge [sflag:s8], $0x1000  }
0x303: {  	[sflag:s8] =	ssyncset.done $0x0  }
0x304: {  	[sflag:s8] =	ssyncadd.s32 $0xFFFFF000  }
0x305: {  	s1 =	sand.u32 $0x7F, s23;
	_ =	swait.ge [sflag:s16], $0x1000  }
0x306: {  	v53 =	vor.u32 s1, v0;
	[sflag:s16] =	ssyncset.done $0x0  }
0x307: {  	s2 =	sand.u32 $0x7F, s22;
	v54 =	vor.u32 s1, v1;
	[sflag:s16] =	ssyncadd.s32 $0xFFFFF000  }
0x308: {  	v55 =	vor.u32 s2, v0;
	_ =	swait.ge [sflag:s8], $0x1000  }
0x309: {  	v56 =	vor.u32 s2, v1;
	[sflag:s8] =	ssyncset.done $0x0  }
0x30a: {  	[sflag:s8] =	ssyncadd.s32 $0xFFFFF000  }
0x30b: {  	v25 =	vld.idx.msk [tilespmem:v53+s29+$0x0], $0xffff  }
0x30c: {  	v26 =	vld.idx.msk [tilespmem:v54+s29+$0x0], $0xffff  }
0x30d: {  	v27 =	vld.idx.msk [tilespmem:v55+s30+$0x0], $0xffff  }
0x30e: {  	v28 =	vld.idx.msk [tilespmem:v56+s30+$0x0], $0xffff;
	_ =	sdelay $0x3  }
0x30f: {  	s3 =	sand.u32 $0x7F, s20  }
0x310: {  	v57 =	vor.u32 s3, v2;
	v25 =	vmul.f32 v27, v25;
	v26 =	vmul.f32 v28, v26  }
0x311: {  	v58 =	vor.u32 s3, v3;
	s4 =	sand.u32 $0x7F, s13  }
0x312: {  	v59 =	vor.u32 s4, v2;
	v25 =	vadd.f32 v26, v25  }
0x313: {  	v60 =	vor.u32 s4, v3  }
0x314: {  	[tilespmem:$0x104C0] =	vst v25  }
0x315: {  	v25 =	vld.idx.msk [tilespmem:v57+s29+$0x0], $0xffff  }
0x316: {  	v61 =	vld.idx.msk [tilespmem:v58+s29+$0x0], $0xffff  }
0x317: {  	v26 =	vld.idx.msk [tilespmem:v59+s30+$0x0], $0xffff  }
0x318: {  	v62 =	vld.idx.msk [tilespmem:v60+s30+$0x0], $0xffff;
	_ =	sdelay $0x3  }
0x319: {  	s5 =	sand.u32 $0x7F, s12  }
0x31a: {  	v32 =	vor.u32 s5, v4;
	v25 =	vmul.f32 v26, v25;
	v63 =	vmul.f32 v62, v61  }
0x31b: {  	s12 =	sand.u32 $0x7F, s11;
	v33 =	vor.u32 s5, v6  }
0x31c: {  	v34 =	vor.u32 s12, v4;
	v25 =	vadd.f32 v63, v25  }
0x31d: {  	v35 =	vor.u32 s12, v6  }
0x31e: {  	[tilespmem:$0x104D0] =	vst v25  }
0x31f: {  	v25 =	vld.idx.msk [tilespmem:v32+s29+$0x0], $0xffff  }
0x320: {  	v36 =	vld.idx.msk [tilespmem:v33+s29+$0x0], $0xffff  }
0x321: {  	v26 =	vld.idx.msk [tilespmem:v34+s30+$0x0], $0xffff  }
0x322: {  	v37 =	vld.idx.msk [tilespmem:v35+s30+$0x0], $0xffff;
	_ =	sdelay $0x3  }
0x323: {  	s13 =	sand.u32 $0x7F, s10  }
0x324: {  	v39 =	vor.u32 s13, v7;
	v25 =	vmul.f32 v26, v25;
	v38 =	vmul.f32 v37, v36  }
0x325: {  	s20 =	sand.u32 $0x7F, s7;
	v40 =	vor.u32 s13, v8  }
0x326: {  	v41 =	vor.u32 s20, v7;
	v25 =	vadd.f32 v38, v25  }
0x327: {  	v42 =	vor.u32 s20, v8  }
0x328: {  	[tilespmem:$0x104E0] =	vst v25  }
0x329: {  	v25 =	vld.idx.msk [tilespmem:v39+s29+$0x0], $0xffff  }
0x32a: {  	v43 =	vld.idx.msk [tilespmem:v40+s29+$0x0], $0xffff  }
0x32b: {  	v26 =	vld.idx.msk [tilespmem:v41+s30+$0x0], $0xffff  }
0x32c: {  	v44 =	vld.idx.msk [tilespmem:v42+s30+$0x0], $0xffff;
	_ =	sdelay $0x4  }
0x32d: {  	v46 =	vld [tilespmem:$0x106F0];
	v25 =	vmul.f32 v26, v25;
	v45 =	vmul.f32 v44, v43  }
0x32e: {  	v47 =	vld [tilespmem:$0x108F0]  }
0x32f: {  	v25 =	vadd.f32 v45, v25;
	_ =	sdelay $0x1  }
0x330: {  	[tilespmem:$0x104F0] =	vst v25  }
0x331: {  	v25 =	vld.idx.msk [tilespmem:v5+s9+$0x0], $0xffff  }
0x332: {  	v48 =	vadd.f32 v47, v46  }
0x333: {  	v49 =	vld.idx.msk [tilespmem:v9+s9+$0x0], $0xffff  }
0x334: {  	v24 =	vadd.f32 v48, v24  }
0x335: {  	v50 =	vld.idx.msk [tilespmem:v10+s9+$0x0], $0xffff  }
0x336: {  	v24 =	vadd.f32 v24, v25  }
0x337: {  	v51 =	vld.idx.msk [tilespmem:v11+s9+$0x0], $0xffff  }
0x338: {  	v24 =	vadd.f32 v24, v49  }
0x339: {  	v52 =	vld.idx.msk [tilespmem:v12+s9+$0x0], $0xffff  }
0x33a: {  	v24 =	vadd.f32 v24, v50  }
0x33b: {  	v53 =	vld.idx.msk [tilespmem:v13+s9+$0x0], $0xffff  }
0x33c: {  	v24 =	vadd.f32 v24, v51  }
0x33d: {  	v54 =	vld.idx.msk [tilespmem:v14+s9+$0x0], $0xffff  }
0x33e: {  	v24 =	vadd.f32 v24, v52  }
0x33f: {  	v55 =	vld.idx.msk [tilespmem:v15+s9+$0x0], $0xffff  }
0x340: {  	v24 =	vadd.f32 v24, v53  }
0x341: {  	v56 =	vld.idx.msk [tilespmem:v16+s9+$0x0], $0xffff  }
0x342: {  	v24 =	vadd.f32 v24, v54  }
0x343: {  	v57 =	vld.idx.msk [tilespmem:v17+s9+$0x0], $0xffff  }
0x344: {  	v24 =	vadd.f32 v24, v55  }
0x345: {  	v58 =	vld.idx.msk [tilespmem:v18+s9+$0x0], $0xffff  }
0x346: {  	v24 =	vadd.f32 v24, v56  }
0x347: {  	v59 =	vld.idx.msk [tilespmem:v19+s9+$0x0], $0xffff  }
0x348: {  	v24 =	vadd.f32 v24, v57  }
0x349: {  	v60 =	vld.idx.msk [tilespmem:v20+s9+$0x0], $0xffff  }
0x34a: {  	v24 =	vadd.f32 v24, v58  }
0x34b: {  	v61 =	vld.idx.msk [tilespmem:v21+s9+$0x0], $0xffff  }
0x34c: {  	v24 =	vadd.f32 v24, v59  }
0x34d: {  	v62 =	vld.idx.msk [tilespmem:v22+s9+$0x0], $0xffff  }
0x34e: {  	v24 =	vadd.f32 v24, v60  }
0x34f: {  	v63 =	vld.idx.msk [tilespmem:v23+s9+$0x0], $0xffff  }
0x350: {  	v24 =	vadd.f32 v24, v61;
	_ =	sdelay $0x1  }
0x351: {  	v24 =	vadd.f32 v24, v62;
	_ =	sdelay $0x1  }
0x352: {  	v24 =	vadd.f32 v24, v63  }
0x353: {  	s2 =	simm.s32 $0x7  }
0x354: {  	s23 =	simm.s32 $0x10980;
	s10 =	simm.s32 $0x0;
	s22 =	rddreg [dreg:$0xb];
	[tilespmem:$0x10B70] =	vst v24  }
0x355: {  	[hbm4b:s22+s10] =	stream.linear.scatter [tilespmem:s23], [sflag:$0x7], $0x200, $0x38;
	[tilespmem:$0x10B80] =	vst v63  }
0x356: {  	_ =	swait.ge [sflag:s2], $0x200  }
0x357: {  	s26 =	rddreg [dreg:$0xd]  }
0x358: {  	s28 =	rddreg [dreg:$0xc];
	s1 =	sadd.s32 $0x1, s26  }
0x359: {  	p0 =	sne.s32 s1, s28  }
.Ltmp1:
0x35a: {  	_ = 	snop;
	(pc) =	sbr.rel @p0 .LBB2_1-.Ltmp1, $3  }
0x35b: {  	_ =	sdelay $0x1  }
0x35c: {  	[sflag:s2] =	ssyncset.done $0x0  }
0x35d: {  	[sflag:s2] =	ssyncadd.s32 $0xFFFFFE00  }
0x35e: {  	_ =	sfence.sel $0x180000  }
0x35f: {  	[bflag:$0x0] =	sbarrier.arrive $0xFFFF  }
0x360: {  	_ =	strace $0x90000047  }
0x361: {  	s0 =	stileid.u32;
	[bflag:$0x2] =	sbarrier.arrive $0xFFFF  }
0x362: {  	p0 =	sne.s32 s0, $0x0;
	s0 =	rddreg [dreg:$0x8]  }
0x363: {  	s0 =	sadd.s32 @!p0 $0x100000, s0  }
0x364: {  	[sflag:s0] =	ssyncadd.tile.s32 @!p0 $0x1;
	_ =	shalt  }
.Lfunc_end2:
_tile_overlayer_lowered:
.L_overlay_start_2:
0x365: {  	(tag) =	ssettag $0x2  }
0x366: {  	s0 =	rddreg [dreg:$0x0];
	s2 =	stileid.u32  }
0x367: {  	s1 =	rddreg [dreg:$0x1];
	p0 =	sne.s32 s2, $0x0  }
0x368: {  	s3 =	rddreg [dreg:$0x2];
	[bflag:$0x3] =	sbarrier.arrive $0xFFFF;
	s2 =	simm.s32 @!p0 $0x1C07  }
0x369: {  	[timem:s3], [sflag:s2] =	dma.local @!p0 [hbm:s0], s1  }
0x36a: {  	s0 =	simm.s32 @!p0 $0x7  }
0x36b: {  	_ =	swait.ge @!p0 [sflag:s0], s1  }
0x36c: {  	s1 =	ssub.s32 @!p0 $0x0, s1;
	[sflag:s0] =	ssyncset.done @!p0 $0x0  }
0x36d: {  	[sflag:s0] =	ssyncadd.s32 @!p0 s1  }
0x36e: {  	[bflag:$0x3] =	sbarrier.arrive $0xFFFF  }
0x36f: {  	_ =	shalt  }

</sc_bundles>
